<compile_context>
chip_gen: v7x
topology: tpu7x:2x2x1
jax: 0.10.2.dev20260603
libtpu: 0.0.44.dev20260713+nightly
codegen_flags: <defaults>
</compile_context>

<pallas_src>
import functools
import math

import jax
import jax.numpy as jnp
import numpy as np
from jax import lax
from jax.experimental import pallas as pl
from jax.experimental.pallas import tpu as pltpu
from jax.experimental.pallas import tpu_sc as plsc

_N = 10000
_E = 320000
_F = 128
_H = 64

_NC = 2
_NS = 16
_NW = _NC * _NS
_EPW = _E // _NW
_C = 80
_NCHUNK = _EPW // _C
_ROW = 128
_NPT = _N // _NS
_ZR = 25

_BN = 1000
_BE = 2000


def _tables_body(feat, pos, vec, we1s, we1r, ts, tr):
    f = feat[...]
    a = jnp.dot(f, we1s[...], preferred_element_type=jnp.float32)
    b = jnp.dot(f, we1r[...], preferred_element_type=jnp.float32)
    z = jnp.zeros((f.shape[0], 2), jnp.float32)
    zp = jnp.zeros((f.shape[0], _ROW - _H - 16), jnp.float32)
    geo = jnp.concatenate([pos[...], z, vec[...], z, zp], axis=1)
    ts[...] = jnp.concatenate([a, geo], axis=1)
    tr[...] = jnp.concatenate([b, geo], axis=1)


def _edge_body(ec, sel, wsq, be1, we2, be2, wy1, by1, wy2, by2, wyo, byo,
               winf, binf, out):
    eb = ec[...]
    gb = eb[:, 0:_H]
    cdb = eb[:, _H:_H + 16]
    d2 = cdb * cdb
    sq = jnp.dot(d2, sel[...], preferred_element_type=jnp.float32)
    pre1 = gb + jnp.dot(sq, wsq[...], preferred_element_type=jnp.float32) + be1[...]
    h1 = jax.nn.silu(pre1)
    m = jax.nn.silu(jnp.dot(h1, we2[...], preferred_element_type=jnp.float32) + be2[...])
    t1 = jax.nn.silu(jnp.dot(m, wy1[...], preferred_element_type=jnp.float32) + by1[...])
    t2 = jax.nn.silu(jnp.dot(t1, wy2[...], preferred_element_type=jnp.float32) + by2[...])
    phi = jnp.dot(t2, wyo[...], preferred_element_type=jnp.float32) + byo[...]
    e = jax.nn.sigmoid(jnp.dot(m, winf[...], preferred_element_type=jnp.float32) + binf[...])
    mg = m * e
    sy0 = sq[:, 2:3]
    sy1 = sq[:, 3:4]
    s0 = phi[:, 0:1] / (1.0 + jnp.sqrt(sy0))
    s1 = phi[:, 1:2] / (1.0 + jnp.sqrt(sy1))
    sh0 = cdb[:, 8:11] * s0
    sh1 = cdb[:, 11:14] * s1
    pad = jnp.zeros((gb.shape[0], _ROW - _H - 6), jnp.float32)
    out[...] = jnp.concatenate([mg, sh0, sh1, pad], axis=1)


def _node_body(p, feat, vec, wh1m, wh1f, bh1, wh2, bh2, wh3, bh3,
               fo, vo, rv):
    inv_avg = 1.0 / float(int(math.sqrt(_E)))
    acc = (p[0] + p[1]) * inv_avg
    m_i = acc[:, 0:_H]
    sh = acc[:, _H:_H + 6]
    f = feat[...]
    h = jax.nn.silu(jnp.dot(m_i, wh1m[...], preferred_element_type=jnp.float32)
                    + jnp.dot(f, wh1f[...], preferred_element_type=jnp.float32)
                    + bh1[...])
    h2 = jax.nn.silu(jnp.dot(h, wh2[...], preferred_element_type=jnp.float32) + bh2[...])
    rf = jnp.dot(h2, wh3[...], preferred_element_type=jnp.float32) + bh3[...]
    fo[...] = f + rf
    vo[...] = vec[...] + sh
    rv[...] = sh


@functools.cache
def _make_sc_kernels():
    mesh = plsc.VectorSubcoreMesh(core_axis_name="c", subcore_axis_name="s",
                                  num_cores=_NC, num_subcores=_NS)

    @functools.partial(
        pl.kernel,
        out_type=jax.ShapeDtypeStruct((_E, _ROW), jnp.float32),
        mesh=mesh,
        scratch_types=[
            pltpu.VMEM((_EPW,), jnp.int32),
            pltpu.VMEM((_EPW,), jnp.int32),
            pltpu.VMEM((2, _C, _ROW), jnp.float32),
            pltpu.VMEM((2, _C, _ROW), jnp.float32),
            pltpu.VMEM((2, _C, _ROW), jnp.float32),
            pltpu.SemaphoreType.DMA,
            pltpu.SemaphoreType.DMA,
            pltpu.SemaphoreType.DMA,
            pltpu.SemaphoreType.DMA,
            pltpu.SemaphoreType.DMA,
            pltpu.SemaphoreType.DMA,
        ],
        compiler_params=pltpu.CompilerParams(use_tc_tiling_on_sc=False),
    )
    def _sc_gather(ts_hbm, tr_hbm, s_hbm, r_hbm, ec_hbm,
                   sidx, ridx, buf_s, buf_r, obuf,
                   sem_s0, sem_s1, sem_r0, sem_r1, sem_w0, sem_w1):
        wid = lax.axis_index("s") * _NC + lax.axis_index("c")
        sem_s = (sem_s0, sem_s1)
        sem_r = (sem_r0, sem_r1)
        sem_w = (sem_w0, sem_w1)

        base0 = wid * _EPW
        pltpu.sync_copy(s_hbm.at[pl.ds(base0, _EPW)], sidx)
        pltpu.sync_copy(r_hbm.at[pl.ds(base0, _EPW)], ridx)

        def fire(i, b):
            sl = pl.ds(i * _C, _C)
            pltpu.make_async_copy(ts_hbm.at[sidx.at[sl]], buf_s.at[b],
                                  sem_s[b]).start()
            pltpu.make_async_copy(tr_hbm.at[ridx.at[sl]], buf_r.at[b],
                                  sem_r[b]).start()

        def wait_g(b):
            sl = pl.ds(0, _C)
            pltpu.make_async_copy(ts_hbm.at[sidx.at[sl]], buf_s.at[b],
                                  sem_s[b]).wait()
            pltpu.make_async_copy(tr_hbm.at[ridx.at[sl]], buf_r.at[b],
                                  sem_r[b]).wait()

        def compute(b):
            def row(r, rc):
                for k in range(_H // 16):
                    sl = pl.ds(k * 16, 16)
                    obuf[b, r, sl] = buf_s[b, r, sl] + buf_r[b, r, sl]
                sl = pl.ds(_H, 16)
                obuf[b, r, sl] = buf_r[b, r, sl] - buf_s[b, r, sl]
                return rc
            lax.fori_loop(0, _C, row, 0)

        def start_write(i, b):
            base = wid * _EPW + i * _C
            pltpu.make_async_copy(obuf.at[b],
                                  ec_hbm.at[pl.ds(base, _C), :],
                                  sem_w[b]).start()

        def wait_w(b):
            pltpu.make_async_copy(obuf.at[b],
                                  ec_hbm.at[pl.ds(0, _C), :],
                                  sem_w[b]).wait()

        fire(0, 0)

        def pair(j, carry):
            i0 = 2 * j

            @pl.when(j > 0)
            def _():
                wait_w(1)
            fire(i0 + 1, 1)
            wait_g(0)

            @pl.when(j > 0)
            def _():
                wait_w(0)
            compute(0)
            start_write(i0, 0)
            fire(i0 + 2, 0)
            wait_g(1)
            compute(1)
            start_write(i0 + 1, 1)
            return carry

        lax.fori_loop(0, (_NCHUNK - 1) // 2, pair, 0)

        wait_g(0)
        wait_w(0)
        compute(0)
        start_write(_NCHUNK - 1, 0)
        wait_w(1)
        wait_w(0)

    @functools.partial(
        pl.kernel,
        out_type=jax.ShapeDtypeStruct((_NC, _N, _ROW), jnp.float32),
        mesh=mesh,
        scratch_types=[
            pltpu.VMEM((2, _C), jnp.int32),
            pltpu.VMEM((2, _C, _ROW), jnp.float32),
            pltpu.VMEM((_ZR, _ROW), jnp.float32),
            pltpu.VMEM_SHARED((_N, _ROW), jnp.float32),
            pltpu.SemaphoreType.DMA,
            pltpu.SemaphoreType.DMA,
            pltpu.SemaphoreType.DMA,
            pltpu.SemaphoreType.DMA,
        ],
        compiler_params=pltpu.CompilerParams(use_tc_tiling_on_sc=False),
    )
    def _sc_scatter(mgsh_hbm, r_hbm, out_hbm, ridx, buf, zbuf, accum,
                    sem_l0, sem_l1, sem_i0, sem_i1):
        cid = lax.axis_index("c")
        sid = lax.axis_index("s")
        wid = sid * _NC + cid
        sem_l = (sem_l0, sem_l1)

        zero16 = jnp.zeros((16,), jnp.float32)
        for r in range(_ZR):
            for k in range(_ROW // 16):
                zbuf[r, pl.ds(k * 16, 16)] = zero16

        def zc(j, carry):
            pltpu.sync_copy(zbuf, accum.at[pl.ds(sid * _NPT + j * _ZR, _ZR), :])
            return carry

        lax.fori_loop(0, _NPT // _ZR, zc, 0)
        plsc.subcore_barrier()

        sem_i = (sem_i0, sem_i1)

        def fire(i, b):
            base = wid * _EPW + i * _C
            pltpu.make_async_copy(mgsh_hbm.at[pl.ds(base, _C), :],
                                  buf.at[b], sem_l[b]).start()
            pltpu.make_async_copy(r_hbm.at[pl.ds(base, _C)],
                                  ridx.at[b], sem_i[b]).start()

        def wait_l(b):
            pltpu.make_async_copy(mgsh_hbm.at[pl.ds(0, _C), :],
                                  buf.at[b], sem_l[b]).wait()
            pltpu.make_async_copy(r_hbm.at[pl.ds(0, _C)],
                                  ridx.at[b], sem_i[b]).wait()

        fire(0, 0)

        def pair(j, carry):
            i0 = 2 * j
            fire(i0 + 1, 1)
            wait_l(0)
            pltpu.sync_copy(buf.at[0], accum.at[ridx.at[0]], add=True)
            fire(i0 + 2, 0)
            wait_l(1)
            pltpu.sync_copy(buf.at[1], accum.at[ridx.at[1]], add=True)
            return carry

        lax.fori_loop(0, (_NCHUNK - 1) // 2, pair, 0)
        wait_l(0)
        pltpu.sync_copy(buf.at[0], accum.at[ridx.at[0]], add=True)

        plsc.subcore_barrier()
        pltpu.sync_copy(accum.at[pl.ds(sid * _NPT, _NPT), :],
                        out_hbm.at[cid, pl.ds(sid * _NPT, _NPT), :])

    return _sc_gather, _sc_scatter


def _full(shape):
    return pl.BlockSpec(shape, lambda *_: tuple(0 for _ in shape))


def kernel(node_positions, node_vectors, node_features, senders, receivers,
           We1, be1, We2, be2, Wy1, by1, Wy2, by2, Wyo, byo, Winf, binf,
           Wh1, bh1, Wh2, bh2, Wh3, bh3):
    n, v, _ = node_positions.shape
    pos2 = node_positions.reshape(n, v * 3)
    vec2 = node_vectors.reshape(n, v * 3)

    we1s = We1[:_F]
    we1r = We1[_F:2 * _F]
    wsq = We1[2 * _F:]

    sel = np.zeros((16, 4), np.float32)
    sel[0:3, 0] = 1.0
    sel[3:6, 1] = 1.0
    sel[8:11, 2] = 1.0
    sel[11:14, 3] = 1.0
    sel = jnp.asarray(sel)

    ts, tr = pl.pallas_call(
        _tables_body,
        grid=(_N // _BN,),
        in_specs=[
            pl.BlockSpec((_BN, _F), lambda i: (i, 0)),
            pl.BlockSpec((_BN, 6), lambda i: (i, 0)),
            pl.BlockSpec((_BN, 6), lambda i: (i, 0)),
            _full((_F, _H)),
            _full((_F, _H)),
        ],
        out_specs=[
            pl.BlockSpec((_BN, _ROW), lambda i: (i, 0)),
            pl.BlockSpec((_BN, _ROW), lambda i: (i, 0)),
        ],
        out_shape=[
            jax.ShapeDtypeStruct((_N, _ROW), jnp.float32),
            jax.ShapeDtypeStruct((_N, _ROW), jnp.float32),
        ],
    )(node_features, pos2, vec2, we1s, we1r)

    sc_gather, sc_scatter = _make_sc_kernels()
    ec = sc_gather(ts, tr, senders, receivers)

    mgsh = pl.pallas_call(
        _edge_body,
        grid=(_E // _BE,),
        in_specs=[
            pl.BlockSpec((_BE, _ROW), lambda i: (i, 0)),
            _full((16, 4)),
            _full((4, _H)),
            _full((1, _H)),
            _full((_H, _H)),
            _full((1, _H)),
            _full((_H, _H)),
            _full((1, _H)),
            _full((_H, _H)),
            _full((1, _H)),
            _full((_H, 2)),
            _full((1, 2)),
            _full((_H, 1)),
            _full((1, 1)),
        ],
        out_specs=pl.BlockSpec((_BE, _ROW), lambda i: (i, 0)),
        out_shape=jax.ShapeDtypeStruct((_E, _ROW), jnp.float32),
    )(ec, sel, wsq, be1.reshape(1, _H), We2, be2.reshape(1, _H),
      Wy1, by1.reshape(1, _H), Wy2, by2.reshape(1, _H), Wyo,
      byo.reshape(1, 2), Winf, binf.reshape(1, 1))

    partials = sc_scatter(mgsh, receivers)

    fo, vo, rv = pl.pallas_call(
        _node_body,
        grid=(_N // _BN,),
        in_specs=[
            pl.BlockSpec((_NC, _BN, _ROW), lambda i: (0, i, 0)),
            pl.BlockSpec((_BN, _F), lambda i: (i, 0)),
            pl.BlockSpec((_BN, 6), lambda i: (i, 0)),
            _full((_H, _H)),
            _full((_F, _H)),
            _full((1, _H)),
            _full((_H, _H)),
            _full((1, _H)),
            _full((_H, _F)),
            _full((1, _F)),
        ],
        out_specs=[
            pl.BlockSpec((_BN, _F), lambda i: (i, 0)),
            pl.BlockSpec((_BN, 6), lambda i: (i, 0)),
            pl.BlockSpec((_BN, 6), lambda i: (i, 0)),
        ],
        out_shape=[
            jax.ShapeDtypeStruct((_N, _F), jnp.float32),
            jax.ShapeDtypeStruct((_N, 6), jnp.float32),
            jax.ShapeDtypeStruct((_N, 6), jnp.float32),
        ],
    )(partials, node_features, vec2, Wh1[:_H], Wh1[_H:],
      bh1.reshape(1, _H), Wh2, bh2.reshape(1, _H), Wh3, bh3.reshape(1, _F))

    return (node_positions,
            vo.reshape(n, v, 3),
            fo,
            rv.reshape(n, v, 3))

# --- scband reference (transcript-rebuilt; emitter-appended) ---
"""Pipeline reference for scband-egcl-352187318864 (READ-ONLY COPY).

The authoritative reference and input builder live on the scoring server;
editing this copy changes nothing except your own understanding.
"""

import jax, jax.numpy as jnp
import numpy as np

N = 10000
E = 320000
F = 128
V = 2
H = 64

def safe_norm(x, axis=None, keepdims=False):
    x2 = jnp.sum(x ** 2, axis=axis, keepdims=keepdims)
    return jnp.where(x2 == 0.0, 0.0, jnp.where(x2 == 0, 1.0, x2) ** 0.5)

def setup_inputs(seed: int = 0):
    key = jax.random.key(seed)
    ks = jax.random.split(key, 16)
    def lin(k, i, o, scale=None):
        s = (1.0 / np.sqrt(i)) if scale is None else scale
        return jax.random.normal(k, (i, o), jnp.float32) * s
    d_in = 2 * F + 2 * V
    inp = {}
    inp['node_positions'] = jax.random.normal(ks[0], (N, V, 3), jnp.float32)
    inp['node_vectors'] = jax.random.normal(ks[1], (N, V, 3), jnp.float32)
    inp['node_features'] = jax.random.normal(ks[2], (N, F), jnp.float32)
    inp['senders'] = jax.random.randint(ks[3], (E,), 0, N, dtype=jnp.int32)
    inp['receivers'] = jax.random.randint(ks[4], (E,), 0, N, dtype=jnp.int32)
    inp['We1'] = lin(ks[5], d_in, H); inp['be1'] = jnp.zeros((H,), jnp.float32)
    inp['We2'] = lin(ks[6], H, H); inp['be2'] = jnp.zeros((H,), jnp.float32)
    inp['Wy1'] = lin(ks[7], H, H); inp['by1'] = jnp.zeros((H,), jnp.float32)
    inp['Wy2'] = lin(ks[8], H, H); inp['by2'] = jnp.zeros((H,), jnp.float32)
    inp['Wyo'] = lin(ks[9], H, V, 0.01); inp['byo'] = jnp.zeros((V,), jnp.float32)
    inp['Winf'] = lin(ks[10], H, 1); inp['binf'] = jnp.zeros((1,), jnp.float32)
    inp['Wh1'] = lin(ks[11], H + F, H); inp['bh1'] = jnp.zeros((H,), jnp.float32)
    inp['Wh2'] = lin(ks[12], H, H); inp['bh2'] = jnp.zeros((H,), jnp.float32)
    inp['Wh3'] = lin(ks[13], H, F); inp['bh3'] = jnp.zeros((F,), jnp.float32)
    return inp

def reference(node_positions, node_vectors, node_features, senders, receivers, We1, be1, We2, be2, Wy1, by1, Wy2, by2, Wyo, byo, Winf, binf, Wh1, bh1, Wh2, bh2, Wh3, bh3):
    act = jax.nn.silu
    n_nodes, n_vectors, _ = node_positions.shape
    avg = int(np.sqrt(receivers.shape[0]))
    coord_diff_x = node_positions[receivers] - node_positions[senders]
    lengths_x = safe_norm(coord_diff_x, axis=-1)
    sq_lengths_x = lengths_x ** 2
    coord_diff_y = node_vectors[receivers] - node_vectors[senders]
    lengths_y = safe_norm(coord_diff_y, axis=-1)
    sq_lengths_y = lengths_y ** 2
    edge_feat_in = jnp.concatenate([node_features[senders], node_features[receivers], sq_lengths_x, sq_lengths_y], axis=-1)
    m_ij = act(act(edge_feat_in @ We1 + be1) @ We2 + be2)
    t = act(act(m_ij @ Wy1 + by1) @ Wy2 + by2)
    phi_y_out = t @ Wyo + byo
    norm = 1.0 + jax.lax.stop_gradient(lengths_y)[:, :, None]
    coord_diff_y = coord_diff_y / norm
    shifts_ij = coord_diff_y * phi_y_out[:, :, None]
    shifts_i = jax.ops.segment_sum(shifts_ij, receivers, num_segments=n_nodes)
    residual_vectors = shifts_i / avg
    e_ij = jax.nn.sigmoid(m_ij @ Winf + binf)
    m_ij = m_ij * e_ij
    m_i = jax.ops.segment_sum(m_ij, receivers, num_segments=n_nodes) / avg
    phi_h_in = jnp.concatenate([m_i, node_features], axis=-1)
    residual_features = act(act(phi_h_in @ Wh1 + bh1) @ Wh2 + bh2) @ Wh3 + bh3
    features_out = node_features + residual_features
    vectors_out = node_vectors + residual_vectors
    positions_out = node_positions
    return (positions_out, vectors_out, features_out, residual_vectors)

if __name__ == "__main__":
    import jax
    _d = setup_inputs()
    print(jax.jit(kernel)(*tuple(_d.values())))

</pallas_src>

<mosaic_0001>
#map = affine_map<(d0, d1) -> (0, 0)>
#map1 = affine_map<(d0, d1) -> (0)>
module attributes {stable_mosaic.version = 14 : i64} {
  func.func @_sc_gather(%arg0: i32, %arg1: i32, %arg2: memref<10000x128xf32, #tpu.memory_space<hbm>>, %arg3: memref<10000x128xf32, #tpu.memory_space<hbm>>, %arg4: memref<320000xi32, #tpu.memory_space<hbm>>, %arg5: memref<320000xi32, #tpu.memory_space<hbm>>, %arg6: memref<320000x128xf32, #tpu.memory_space<hbm>>, %arg7: memref<10000xi32, #tpu.memory_space<vmem>>, %arg8: memref<10000xi32, #tpu.memory_space<vmem>>, %arg9: memref<2x80x128xf32, #tpu.memory_space<vmem>>, %arg10: memref<2x80x128xf32, #tpu.memory_space<vmem>>, %arg11: memref<2x80x128xf32, #tpu.memory_space<vmem>>, %arg12: memref<!tpu.dma_semaphore, #tpu.memory_space<semaphore_mem>>, %arg13: memref<!tpu.dma_semaphore, #tpu.memory_space<semaphore_mem>>, %arg14: memref<!tpu.dma_semaphore, #tpu.memory_space<semaphore_mem>>, %arg15: memref<!tpu.dma_semaphore, #tpu.memory_space<semaphore_mem>>, %arg16: memref<!tpu.dma_semaphore, #tpu.memory_space<semaphore_mem>>, %arg17: memref<!tpu.dma_semaphore, #tpu.memory_space<semaphore_mem>>) attributes {dimension_semantics = [#tpu.dimension_semantics<core_parallel>, #tpu.dimension_semantics<subcore_parallel>], iteration_bounds = array<i64: 2, 16>, scalar_prefetch = 0 : i64, scratch_operands = 11 : i64, tpu.core_type = #tpu.core_type<sc_vector_subcore>, window_params = [{transform_indices = #map}, {transform_indices = #map}, {transform_indices = #map1}, {transform_indices = #map1}, {transform_indices = #map}]} {
    %mul3A = arith.constant 2 : i32
    %mul3A_0 = arith.muli %arg1, %mul3A : i32
    %add3A = arith.addi %mul3A_0, %arg0 : i32
    %mul3A_1 = arith.constant 10000 : i32
    %mul3A_2 = arith.muli %add3A, %mul3A_1 : i32
    "tpu.region"() ({
      %run_scoped3A = tpu.sem_alloc : memref<!tpu.dma_semaphore, #tpu.memory_space<semaphore_mem>>
      %dma_start3A_114 = tpu.memref_slice %arg4[%mul3A_2] : memref<320000xi32, #tpu.memory_space<hbm>> -> memref<10000xi32, #tpu.memory_space<hbm>>
      %dma_start3A_115 = tpu.memref_slice %arg4[%mul3A_2] : memref<320000xi32, #tpu.memory_space<hbm>> -> memref<10000xi32, #tpu.memory_space<hbm>>
      tpu.enqueue_dma source(%dma_start3A_115 : memref<10000xi32, #tpu.memory_space<hbm>>) target(%arg7 : memref<10000xi32, #tpu.memory_space<vmem>>) target_semaphore(%run_scoped3A : memref<!tpu.dma_semaphore, #tpu.memory_space<semaphore_mem>>)
      %dma_wait3A_116 = tpu.memref_slice %arg4[%mul3A_2] : memref<320000xi32, #tpu.memory_space<hbm>> -> memref<10000xi32, #tpu.memory_space<hbm>>
      %dma_wait3A_117 = tpu.memref_slice %arg4[%mul3A_2] : memref<320000xi32, #tpu.memory_space<hbm>> -> memref<10000xi32, #tpu.memory_space<hbm>>
      tpu.wait_dma2 semaphore(%run_scoped3A : memref<!tpu.dma_semaphore, #tpu.memory_space<semaphore_mem>>) src(%dma_wait3A_117 : memref<10000xi32, #tpu.memory_space<hbm>>) dst(%arg7 : memref<10000xi32, #tpu.memory_space<vmem>>)
      tpu.yield
    }) : () -> ()
    "tpu.region"() ({
      %run_scoped3A = tpu.sem_alloc : memref<!tpu.dma_semaphore, #tpu.memory_space<semaphore_mem>>
      %dma_start3A_114 = tpu.memref_slice %arg5[%mul3A_2] : memref<320000xi32, #tpu.memory_space<hbm>> -> memref<10000xi32, #tpu.memory_space<hbm>>
      %dma_start3A_115 = tpu.memref_slice %arg5[%mul3A_2] : memref<320000xi32, #tpu.memory_space<hbm>> -> memref<10000xi32, #tpu.memory_space<hbm>>
      tpu.enqueue_dma source(%dma_start3A_115 : memref<10000xi32, #tpu.memory_space<hbm>>) target(%arg8 : memref<10000xi32, #tpu.memory_space<vmem>>) target_semaphore(%run_scoped3A : memref<!tpu.dma_semaphore, #tpu.memory_space<semaphore_mem>>)
      %dma_wait3A_116 = tpu.memref_slice %arg5[%mul3A_2] : memref<320000xi32, #tpu.memory_space<hbm>> -> memref<10000xi32, #tpu.memory_space<hbm>>
      %dma_wait3A_117 = tpu.memref_slice %arg5[%mul3A_2] : memref<320000xi32, #tpu.memory_space<hbm>> -> memref<10000xi32, #tpu.memory_space<hbm>>
      tpu.wait_dma2 semaphore(%run_scoped3A : memref<!tpu.dma_semaphore, #tpu.memory_space<semaphore_mem>>) src(%dma_wait3A_117 : memref<10000xi32, #tpu.memory_space<hbm>>) dst(%arg8 : memref<10000xi32, #tpu.memory_space<vmem>>)
      tpu.yield
    }) : () -> ()
    %dma_start3A = arith.constant 0 : i32
    %dma_start3A_3 = arith.constant 0 : i32
    %dma_start3A_4 = arith.constant 0 : i32
    %dma_start3A_5 = tpu.memref_slice %arg9[%dma_start3A, %dma_start3A_3, %dma_start3A_4] : memref<2x80x128xf32, #tpu.memory_space<vmem>> -> memref<1x80x128xf32, #tpu.memory_space<vmem>>
    %dma_start3A_6 = tpu.memref_squeeze %dma_start3A_5 : memref<1x80x128xf32, #tpu.memory_space<vmem>> -> memref<80x128xf32, #tpu.memory_space<vmem>>
    %dma_start3A_7 = arith.constant 0 : i32
    %dma_start3A_8 = tpu.memref_slice %arg7[%dma_start3A_7] : memref<10000xi32, #tpu.memory_space<vmem>> -> memref<80xi32, #tpu.memory_space<vmem>>
    %dma_start3A_9 = arith.constant 0 : i32
    %dma_start3A_10 = arith.constant 0 : i32
    %dma_start3A_11 = tpu.memref_slice %arg2[%dma_start3A_9, %dma_start3A_10] : memref<10000x128xf32, #tpu.memory_space<hbm>> -> memref<10000x128xf32, #tpu.memory_space<hbm>>
    tpu.enqueue_indirect_dma source(%dma_start3A_11 : memref<10000x128xf32, #tpu.memory_space<hbm>>) target(%dma_start3A_6 : memref<80x128xf32, #tpu.memory_space<vmem>>) offsets(%dma_start3A_8 : memref<80xi32, #tpu.memory_space<vmem>>) semaphore(%arg12 : memref<!tpu.dma_semaphore, #tpu.memory_space<semaphore_mem>>)
    %dma_start3A_12 = arith.constant 0 : i32
    %dma_start3A_13 = arith.constant 0 : i32
    %dma_start3A_14 = arith.constant 0 : i32
    %dma_start3A_15 = tpu.memref_slice %arg10[%dma_start3A_12, %dma_start3A_13, %dma_start3A_14] : memref<2x80x128xf32, #tpu.memory_space<vmem>> -> memref<1x80x128xf32, #tpu.memory_space<vmem>>
    %dma_start3A_16 = tpu.memref_squeeze %dma_start3A_15 : memref<1x80x128xf32, #tpu.memory_space<vmem>> -> memref<80x128xf32, #tpu.memory_space<vmem>>
    %dma_start3A_17 = arith.constant 0 : i32
    %dma_start3A_18 = tpu.memref_slice %arg8[%dma_start3A_17] : memref<10000xi32, #tpu.memory_space<vmem>> -> memref<80xi32, #tpu.memory_space<vmem>>
    %dma_start3A_19 = arith.constant 0 : i32
    %dma_start3A_20 = arith.constant 0 : i32
    %dma_start3A_21 = tpu.memref_slice %arg3[%dma_start3A_19, %dma_start3A_20] : memref<10000x128xf32, #tpu.memory_space<hbm>> -> memref<10000x128xf32, #tpu.memory_space<hbm>>
    tpu.enqueue_indirect_dma source(%dma_start3A_21 : memref<10000x128xf32, #tpu.memory_space<hbm>>) target(%dma_start3A_16 : memref<80x128xf32, #tpu.memory_space<vmem>>) offsets(%dma_start3A_18 : memref<80xi32, #tpu.memory_space<vmem>>) semaphore(%arg14 : memref<!tpu.dma_semaphore, #tpu.memory_space<semaphore_mem>>)
    %scan3A = arith.constant 0 : i32
    %scan3A_22 = arith.constant 0 : i32
    %scan3A_23 = arith.constant 62 : i32
    %scan3A_24 = arith.addi %scan3A_22, %scan3A_23 : i32
    %scan3A_25 = arith.constant 1 : i32
    scf.for %scan3A_114 = %scan3A_22 to %scan3A_24 step %scan3A_25  : i32 {
      %mul3A_115 = arith.constant 2 : i32
      %mul3A_116 = arith.muli %mul3A_115, %scan3A_114 : i32
      %gt3A = arith.constant 0 : i32
      %gt3A_117 = arith.cmpi sgt, %scan3A_114, %gt3A : i32
      %convert_element_type3A = arith.extui %gt3A_117 : i1 to i32
      %cond3A = arith.constant 0 : i32
      %cond3A_118 = arith.cmpi ne, %convert_element_type3A, %cond3A : i32
      scf.if %cond3A_118 {
        %dma_wait3A_258 = arith.constant 1 : i32
        %dma_wait3A_259 = arith.constant 0 : i32
        %dma_wait3A_260 = arith.constant 0 : i32
        %dma_wait3A_261 = tpu.memref_slice %arg11[%dma_wait3A_258, %dma_wait3A_259, %dma_wait3A_260] : memref<2x80x128xf32, #tpu.memory_space<vmem>> -> memref<1x80x128xf32, #tpu.memory_space<vmem>>
        %dma_wait3A_262 = tpu.memref_squeeze %dma_wait3A_261 : memref<1x80x128xf32, #tpu.memory_space<vmem>> -> memref<80x128xf32, #tpu.memory_space<vmem>>
        %dma_wait3A_263 = arith.constant 0 : i32
        %dma_wait3A_264 = arith.constant 0 : i32
        %dma_wait3A_265 = tpu.memref_slice %arg6[%dma_wait3A_263, %dma_wait3A_264] : memref<320000x128xf32, #tpu.memory_space<hbm>> -> memref<80x128xf32, #tpu.memory_space<hbm>>
        %dma_wait3A_266 = arith.constant 0 : i32
        %dma_wait3A_267 = arith.constant 0 : i32
        %dma_wait3A_268 = tpu.memref_slice %arg6[%dma_wait3A_266, %dma_wait3A_267] : memref<320000x128xf32, #tpu.memory_space<hbm>> -> memref<80x128xf32, #tpu.memory_space<hbm>>
        %dma_wait3A_269 = arith.constant 0 : i32
        %dma_wait3A_270 = arith.constant 0 : i32
        %dma_wait3A_271 = tpu.memref_slice %arg11[%dma_wait3A_258, %dma_wait3A_269, %dma_wait3A_270] : memref<2x80x128xf32, #tpu.memory_space<vmem>> -> memref<1x80x128xf32, #tpu.memory_space<vmem>>
        %dma_wait3A_272 = tpu.memref_squeeze %dma_wait3A_271 : memref<1x80x128xf32, #tpu.memory_space<vmem>> -> memref<80x128xf32, #tpu.memory_space<vmem>>
        tpu.wait_dma2 semaphore(%arg17 : memref<!tpu.dma_semaphore, #tpu.memory_space<semaphore_mem>>) src(%dma_wait3A_272 : memref<80x128xf32, #tpu.memory_space<vmem>>) dst(%dma_wait3A_268 : memref<80x128xf32, #tpu.memory_space<hbm>>)
      } else {
      }
      %add3A_119 = arith.constant 1 : i32
      %add3A_120 = arith.addi %mul3A_116, %add3A_119 : i32
      %mul3A_121 = arith.constant 80 : i32
      %mul3A_122 = arith.muli %add3A_120, %mul3A_121 : i32
      %dma_start3A_123 = arith.constant 1 : i32
      %dma_start3A_124 = arith.constant 0 : i32
      %dma_start3A_125 = arith.constant 0 : i32
      %dma_start3A_126 = tpu.memref_slice %arg9[%dma_start3A_123, %dma_start3A_124, %dma_start3A_125] : memref<2x80x128xf32, #tpu.memory_space<vmem>> -> memref<1x80x128xf32, #tpu.memory_space<vmem>>
      %dma_start3A_127 = tpu.memref_squeeze %dma_start3A_126 : memref<1x80x128xf32, #tpu.memory_space<vmem>> -> memref<80x128xf32, #tpu.memory_space<vmem>>
      %dma_start3A_128 = tpu.memref_slice %arg7[%mul3A_122] : memref<10000xi32, #tpu.memory_space<vmem>> -> memref<80xi32, #tpu.memory_space<vmem>>
      %dma_start3A_129 = arith.constant 0 : i32
      %dma_start3A_130 = arith.constant 0 : i32
      %dma_start3A_131 = tpu.memref_slice %arg2[%dma_start3A_129, %dma_start3A_130] : memref<10000x128xf32, #tpu.memory_space<hbm>> -> memref<10000x128xf32, #tpu.memory_space<hbm>>
      tpu.enqueue_indirect_dma source(%dma_start3A_131 : memref<10000x128xf32, #tpu.memory_space<hbm>>) target(%dma_start3A_127 : memref<80x128xf32, #tpu.memory_space<vmem>>) offsets(%dma_start3A_128 : memref<80xi32, #tpu.memory_space<vmem>>) semaphore(%arg13 : memref<!tpu.dma_semaphore, #tpu.memory_space<semaphore_mem>>)
      %dma_start3A_132 = arith.constant 1 : i32
      %dma_start3A_133 = arith.constant 0 : i32
      %dma_start3A_134 = arith.constant 0 : i32
      %dma_start3A_135 = tpu.memref_slice %arg10[%dma_start3A_132, %dma_start3A_133, %dma_start3A_134] : memref<2x80x128xf32, #tpu.memory_space<vmem>> -> memref<1x80x128xf32, #tpu.memory_space<vmem>>
      %dma_start3A_136 = tpu.memref_squeeze %dma_start3A_135 : memref<1x80x128xf32, #tpu.memory_space<vmem>> -> memref<80x128xf32, #tpu.memory_space<vmem>>
      %dma_start3A_137 = tpu.memref_slice %arg8[%mul3A_122] : memref<10000xi32, #tpu.memory_space<vmem>> -> memref<80xi32, #tpu.memory_space<vmem>>
      %dma_start3A_138 = arith.constant 0 : i32
      %dma_start3A_139 = arith.constant 0 : i32
      %dma_start3A_140 = tpu.memref_slice %arg3[%dma_start3A_138, %dma_start3A_139] : memref<10000x128xf32, #tpu.memory_space<hbm>> -> memref<10000x128xf32, #tpu.memory_space<hbm>>
      tpu.enqueue_indirect_dma source(%dma_start3A_140 : memref<10000x128xf32, #tpu.memory_space<hbm>>) target(%dma_start3A_136 : memref<80x128xf32, #tpu.memory_space<vmem>>) offsets(%dma_start3A_137 : memref<80xi32, #tpu.memory_space<vmem>>) semaphore(%arg15 : memref<!tpu.dma_semaphore, #tpu.memory_space<semaphore_mem>>)
      %dma_wait3A_141 = arith.constant 0 : i32
      %dma_wait3A_142 = arith.constant 0 : i32
      %dma_wait3A_143 = arith.constant 0 : i32
      %dma_wait3A_144 = tpu.memref_slice %arg9[%dma_wait3A_141, %dma_wait3A_142, %dma_wait3A_143] : memref<2x80x128xf32, #tpu.memory_space<vmem>> -> memref<1x80x128xf32, #tpu.memory_space<vmem>>
      %dma_wait3A_145 = tpu.memref_squeeze %dma_wait3A_144 : memref<1x80x128xf32, #tpu.memory_space<vmem>> -> memref<80x128xf32, #tpu.memory_space<vmem>>
      %dma_wait3A_146 = arith.constant 0 : i32
      %dma_wait3A_147 = tpu.memref_slice %arg7[%dma_wait3A_146] : memref<10000xi32, #tpu.memory_space<vmem>> -> memref<80xi32, #tpu.memory_space<vmem>>
      %dma_wait3A_148 = arith.constant 0 : i32
      %dma_wait3A_149 = arith.constant 0 : i32
      %dma_wait3A_150 = tpu.memref_slice %arg2[%dma_wait3A_148, %dma_wait3A_149] : memref<10000x128xf32, #tpu.memory_space<hbm>> -> memref<10000x128xf32, #tpu.memory_space<hbm>>
      tpu.wait_indirect_dma semaphore(%arg12 : memref<!tpu.dma_semaphore, #tpu.memory_space<semaphore_mem>>) src(%dma_wait3A_150 : memref<10000x128xf32, #tpu.memory_space<hbm>>) dst(%dma_wait3A_145 : memref<80x128xf32, #tpu.memory_space<vmem>>)
      %dma_wait3A_151 = arith.constant 0 : i32
      %dma_wait3A_152 = arith.constant 0 : i32
      %dma_wait3A_153 = arith.constant 0 : i32
      %dma_wait3A_154 = tpu.memref_slice %arg10[%dma_wait3A_151, %dma_wait3A_152, %dma_wait3A_153] : memref<2x80x128xf32, #tpu.memory_space<vmem>> -> memref<1x80x128xf32, #tpu.memory_space<vmem>>
      %dma_wait3A_155 = tpu.memref_squeeze %dma_wait3A_154 : memref<1x80x128xf32, #tpu.memory_space<vmem>> -> memref<80x128xf32, #tpu.memory_space<vmem>>
      %dma_wait3A_156 = arith.constant 0 : i32
      %dma_wait3A_157 = tpu.memref_slice %arg8[%dma_wait3A_156] : memref<10000xi32, #tpu.memory_space<vmem>> -> memref<80xi32, #tpu.memory_space<vmem>>
      %dma_wait3A_158 = arith.constant 0 : i32
      %dma_wait3A_159 = arith.constant 0 : i32
      %dma_wait3A_160 = tpu.memref_slice %arg3[%dma_wait3A_158, %dma_wait3A_159] : memref<10000x128xf32, #tpu.memory_space<hbm>> -> memref<10000x128xf32, #tpu.memory_space<hbm>>
      tpu.wait_indirect_dma semaphore(%arg14 : memref<!tpu.dma_semaphore, #tpu.memory_space<semaphore_mem>>) src(%dma_wait3A_160 : memref<10000x128xf32, #tpu.memory_space<hbm>>) dst(%dma_wait3A_155 : memref<80x128xf32, #tpu.memory_space<vmem>>)
      %gt3A_161 = arith.constant 0 : i32
      %gt3A_162 = arith.cmpi sgt, %scan3A_114, %gt3A_161 : i32
      %convert_element_type3A_163 = arith.extui %gt3A_162 : i1 to i32
      %cond3A_164 = arith.constant 0 : i32
      %cond3A_165 = arith.cmpi ne, %convert_element_type3A_163, %cond3A_164 : i32
      scf.if %cond3A_165 {
        %dma_wait3A_258 = arith.constant 0 : i32
        %dma_wait3A_259 = arith.constant 0 : i32
        %dma_wait3A_260 = arith.constant 0 : i32
        %dma_wait3A_261 = tpu.memref_slice %arg11[%dma_wait3A_258, %dma_wait3A_259, %dma_wait3A_260] : memref<2x80x128xf32, #tpu.memory_space<vmem>> -> memref<1x80x128xf32, #tpu.memory_space<vmem>>
        %dma_wait3A_262 = tpu.memref_squeeze %dma_wait3A_261 : memref<1x80x128xf32, #tpu.memory_space<vmem>> -> memref<80x128xf32, #tpu.memory_space<vmem>>
        %dma_wait3A_263 = arith.constant 0 : i32
        %dma_wait3A_264 = arith.constant 0 : i32
        %dma_wait3A_265 = tpu.memref_slice %arg6[%dma_wait3A_263, %dma_wait3A_264] : memref<320000x128xf32, #tpu.memory_space<hbm>> -> memref<80x128xf32, #tpu.memory_space<hbm>>
        %dma_wait3A_266 = arith.constant 0 : i32
        %dma_wait3A_267 = arith.constant 0 : i32
        %dma_wait3A_268 = tpu.memref_slice %arg6[%dma_wait3A_266, %dma_wait3A_267] : memref<320000x128xf32, #tpu.memory_space<hbm>> -> memref<80x128xf32, #tpu.memory_space<hbm>>
        %dma_wait3A_269 = arith.constant 0 : i32
        %dma_wait3A_270 = arith.constant 0 : i32
        %dma_wait3A_271 = tpu.memref_slice %arg11[%dma_wait3A_258, %dma_wait3A_269, %dma_wait3A_270] : memref<2x80x128xf32, #tpu.memory_space<vmem>> -> memref<1x80x128xf32, #tpu.memory_space<vmem>>
        %dma_wait3A_272 = tpu.memref_squeeze %dma_wait3A_271 : memref<1x80x128xf32, #tpu.memory_space<vmem>> -> memref<80x128xf32, #tpu.memory_space<vmem>>
        tpu.wait_dma2 semaphore(%arg16 : memref<!tpu.dma_semaphore, #tpu.memory_space<semaphore_mem>>) src(%dma_wait3A_272 : memref<80x128xf32, #tpu.memory_space<vmem>>) dst(%dma_wait3A_268 : memref<80x128xf32, #tpu.memory_space<hbm>>)
      } else {
      }
      %scan3A_166 = arith.constant 0 : i32
      %scan3A_167 = arith.constant 0 : i32
      %scan3A_168 = arith.constant 80 : i32
      %scan3A_169 = arith.addi %scan3A_167, %scan3A_168 : i32
      %scan3A_170 = arith.constant 1 : i32
      scf.for %scan3A_258 = %scan3A_167 to %scan3A_169 step %scan3A_170  : i32 {
        %get3A = arith.constant 0 : i32
        %get3A_259 = arith.index_cast %get3A : i32 to index
        %get3A_260 = arith.index_cast %scan3A_258 : i32 to index
        %get3A_261 = arith.constant 0 : index
        %get3A_262 = tpu.vector_load %arg9[%get3A_259, %get3A_260, %get3A_261] {strides = array<i32>} : memref<2x80x128xf32, #tpu.memory_space<vmem>>, vector<1x1x16xf32>,
        %get3A_263 = vector.shape_cast %get3A_262 : vector<1x1x16xf32> to vector<16xf32>
        %get3A_264 = arith.constant 0 : i32
        %get3A_265 = arith.index_cast %get3A_264 : i32 to index
        %get3A_266 = arith.index_cast %scan3A_258 : i32 to index
        %get3A_267 = arith.constant 0 : index
        %get3A_268 = tpu.vector_load %arg10[%get3A_265, %get3A_266, %get3A_267] {strides = array<i32>} : memref<2x80x128xf32, #tpu.memory_space<vmem>>, vector<1x1x16xf32>,
        %get3A_269 = vector.shape_cast %get3A_268 : vector<1x1x16xf32> to vector<16xf32>
        %add3A_270 = arith.addf %get3A_263, %get3A_269 : vector<16xf32>
        %swap3A = arith.constant 0 : i32
        %swap3A_271 = arith.index_cast %swap3A : i32 to index
        %swap3A_272 = arith.index_cast %scan3A_258 : i32 to index
        %swap3A_273 = arith.constant 0 : index
        %swap3A_274 = tpu.vector_load %arg11[%swap3A_271, %swap3A_272, %swap3A_273] {strides = array<i32>} : memref<2x80x128xf32, #tpu.memory_space<vmem>>, vector<1x1x16xf32>,
        %swap3A_275 = vector.shape_cast %swap3A_274 : vector<1x1x16xf32> to vector<16xf32>
        %swap3A_276 = vector.shape_cast %add3A_270 : vector<16xf32> to vector<1x1x16xf32>
        tpu.vector_store %arg11[%swap3A_271, %swap3A_272, %swap3A_273], %swap3A_276 {strides = array<i32>} : memref<2x80x128xf32, #tpu.memory_space<vmem>>, vector<1x1x16xf32>,
        %get3A_277 = arith.constant 0 : i32
        %get3A_278 = arith.index_cast %get3A_277 : i32 to index
        %get3A_279 = arith.index_cast %scan3A_258 : i32 to index
        %get3A_280 = arith.constant 16 : index
        %get3A_281 = tpu.vector_load %arg9[%get3A_278, %get3A_279, %get3A_280] {strides = array<i32>} : memref<2x80x128xf32, #tpu.memory_space<vmem>>, vector<1x1x16xf32>,
        %get3A_282 = vector.shape_cast %get3A_281 : vector<1x1x16xf32> to vector<16xf32>
        %get3A_283 = arith.constant 0 : i32
        %get3A_284 = arith.index_cast %get3A_283 : i32 to index
        %get3A_285 = arith.index_cast %scan3A_258 : i32 to index
        %get3A_286 = arith.constant 16 : index
        %get3A_287 = tpu.vector_load %arg10[%get3A_284, %get3A_285, %get3A_286] {strides = array<i32>} : memref<2x80x128xf32, #tpu.memory_space<vmem>>, vector<1x1x16xf32>,
        %get3A_288 = vector.shape_cast %get3A_287 : vector<1x1x16xf32> to vector<16xf32>
        %add3A_289 = arith.addf %get3A_282, %get3A_288 : vector<16xf32>
        %swap3A_290 = arith.constant 0 : i32
        %swap3A_291 = arith.index_cast %swap3A_290 : i32 to index
        %swap3A_292 = arith.index_cast %scan3A_258 : i32 to index
        %swap3A_293 = arith.constant 16 : index
        %swap3A_294 = tpu.vector_load %arg11[%swap3A_291, %swap3A_292, %swap3A_293] {strides = array<i32>} : memref<2x80x128xf32, #tpu.memory_space<vmem>>, vector<1x1x16xf32>,
        %swap3A_295 = vector.shape_cast %swap3A_294 : vector<1x1x16xf32> to vector<16xf32>
        %swap3A_296 = vector.shape_cast %add3A_289 : vector<16xf32> to vector<1x1x16xf32>
        tpu.vector_store %arg11[%swap3A_291, %swap3A_292, %swap3A_293], %swap3A_296 {strides = array<i32>} : memref<2x80x128xf32, #tpu.memory_space<vmem>>, vector<1x1x16xf32>,
        %get3A_297 = arith.constant 0 : i32
        %get3A_298 = arith.index_cast %get3A_297 : i32 to index
        %get3A_299 = arith.index_cast %scan3A_258 : i32 to index
        %get3A_300 = arith.constant 32 : index
        %get3A_301 = tpu.vector_load %arg9[%get3A_298, %get3A_299, %get3A_300] {strides = array<i32>} : memref<2x80x128xf32, #tpu.memory_space<vmem>>, vector<1x1x16xf32>,
        %get3A_302 = vector.shape_cast %get3A_301 : vector<1x1x16xf32> to vector<16xf32>
        %get3A_303 = arith.constant 0 : i32
        %get3A_304 = arith.index_cast %get3A_303 : i32 to index
        %get3A_305 = arith.index_cast %scan3A_258 : i32 to index
        %get3A_306 = arith.constant 32 : index
        %get3A_307 = tpu.vector_load %arg10[%get3A_304, %get3A_305, %get3A_306] {strides = array<i32>} : memref<2x80x128xf32, #tpu.memory_space<vmem>>, vector<1x1x16xf32>,
        %get3A_308 = vector.shape_cast %get3A_307 : vector<1x1x16xf32> to vector<16xf32>
        %add3A_309 = arith.addf %get3A_302, %get3A_308 : vector<16xf32>
        %swap3A_310 = arith.constant 0 : i32
        %swap3A_311 = arith.index_cast %swap3A_310 : i32 to index
        %swap3A_312 = arith.index_cast %scan3A_258 : i32 to index
        %swap3A_313 = arith.constant 32 : index
        %swap3A_314 = tpu.vector_load %arg11[%swap3A_311, %swap3A_312, %swap3A_313] {strides = array<i32>} : memref<2x80x128xf32, #tpu.memory_space<vmem>>, vector<1x1x16xf32>,
        %swap3A_315 = vector.shape_cast %swap3A_314 : vector<1x1x16xf32> to vector<16xf32>
        %swap3A_316 = vector.shape_cast %add3A_309 : vector<16xf32> to vector<1x1x16xf32>
        tpu.vector_store %arg11[%swap3A_311, %swap3A_312, %swap3A_313], %swap3A_316 {strides = array<i32>} : memref<2x80x128xf32, #tpu.memory_space<vmem>>, vector<1x1x16xf32>,
        %get3A_317 = arith.constant 0 : i32
        %get3A_318 = arith.index_cast %get3A_317 : i32 to index
        %get3A_319 = arith.index_cast %scan3A_258 : i32 to index
        %get3A_320 = arith.constant 48 : index
        %get3A_321 = tpu.vector_load %arg9[%get3A_318, %get3A_319, %get3A_320] {strides = array<i32>} : memref<2x80x128xf32, #tpu.memory_space<vmem>>, vector<1x1x16xf32>,
        %get3A_322 = vector.shape_cast %get3A_321 : vector<1x1x16xf32> to vector<16xf32>
        %get3A_323 = arith.constant 0 : i32
        %get3A_324 = arith.index_cast %get3A_323 : i32 to index
        %get3A_325 = arith.index_cast %scan3A_258 : i32 to index
        %get3A_326 = arith.constant 48 : index
        %get3A_327 = tpu.vector_load %arg10[%get3A_324, %get3A_325, %get3A_326] {strides = array<i32>} : memref<2x80x128xf32, #tpu.memory_space<vmem>>, vector<1x1x16xf32>,
        %get3A_328 = vector.shape_cast %get3A_327 : vector<1x1x16xf32> to vector<16xf32>
        %add3A_329 = arith.addf %get3A_322, %get3A_328 : vector<16xf32>
        %swap3A_330 = arith.constant 0 : i32
        %swap3A_331 = arith.index_cast %swap3A_330 : i32 to index
        %swap3A_332 = arith.index_cast %scan3A_258 : i32 to index
        %swap3A_333 = arith.constant 48 : index
        %swap3A_334 = tpu.vector_load %arg11[%swap3A_331, %swap3A_332, %swap3A_333] {strides = array<i32>} : memref<2x80x128xf32, #tpu.memory_space<vmem>>, vector<1x1x16xf32>,
        %swap3A_335 = vector.shape_cast %swap3A_334 : vector<1x1x16xf32> to vector<16xf32>
        %swap3A_336 = vector.shape_cast %add3A_329 : vector<16xf32> to vector<1x1x16xf32>
        tpu.vector_store %arg11[%swap3A_331, %swap3A_332, %swap3A_333], %swap3A_336 {strides = array<i32>} : memref<2x80x128xf32, #tpu.memory_space<vmem>>, vector<1x1x16xf32>,
        %get3A_337 = arith.constant 0 : i32
        %get3A_338 = arith.index_cast %get3A_337 : i32 to index
        %get3A_339 = arith.index_cast %scan3A_258 : i32 to index
        %get3A_340 = arith.constant 64 : index
        %get3A_341 = tpu.vector_load %arg10[%get3A_338, %get3A_339, %get3A_340] {strides = array<i32>} : memref<2x80x128xf32, #tpu.memory_space<vmem>>, vector<1x1x16xf32>,
        %get3A_342 = vector.shape_cast %get3A_341 : vector<1x1x16xf32> to vector<16xf32>
        %get3A_343 = arith.constant 0 : i32
        %get3A_344 = arith.index_cast %get3A_343 : i32 to index
        %get3A_345 = arith.index_cast %scan3A_258 : i32 to index
        %get3A_346 = arith.constant 64 : index
        %get3A_347 = tpu.vector_load %arg9[%get3A_344, %get3A_345, %get3A_346] {strides = array<i32>} : memref<2x80x128xf32, #tpu.memory_space<vmem>>, vector<1x1x16xf32>,
        %get3A_348 = vector.shape_cast %get3A_347 : vector<1x1x16xf32> to vector<16xf32>
        %sub3A = arith.subf %get3A_342, %get3A_348 : vector<16xf32>
        %swap3A_349 = arith.constant 0 : i32
        %swap3A_350 = arith.index_cast %swap3A_349 : i32 to index
        %swap3A_351 = arith.index_cast %scan3A_258 : i32 to index
        %swap3A_352 = arith.constant 64 : index
        %swap3A_353 = tpu.vector_load %arg11[%swap3A_350, %swap3A_351, %swap3A_352] {strides = array<i32>} : memref<2x80x128xf32, #tpu.memory_space<vmem>>, vector<1x1x16xf32>,
        %swap3A_354 = vector.shape_cast %swap3A_353 : vector<1x1x16xf32> to vector<16xf32>
        %swap3A_355 = vector.shape_cast %sub3A : vector<16xf32> to vector<1x1x16xf32>
        tpu.vector_store %arg11[%swap3A_350, %swap3A_351, %swap3A_352], %swap3A_355 {strides = array<i32>} : memref<2x80x128xf32, #tpu.memory_space<vmem>>, vector<1x1x16xf32>,
      }
      %scan3A_171 = arith.constant 80 : i32
      %mul3A_172 = arith.constant 10000 : i32
      %mul3A_173 = arith.muli %add3A, %mul3A_172 : i32
      %mul3A_174 = arith.constant 80 : i32
      %mul3A_175 = arith.muli %mul3A_116, %mul3A_174 : i32
      %add3A_176 = arith.addi %mul3A_173, %mul3A_175 : i32
      %dma_start3A_177 = arith.constant 0 : i32
      %dma_start3A_178 = arith.constant 0 : i32
      %dma_start3A_179 = arith.constant 0 : i32
      %dma_start3A_180 = tpu.memref_slice %arg11[%dma_start3A_177, %dma_start3A_178, %dma_start3A_179] : memref<2x80x128xf32, #tpu.memory_space<vmem>> -> memref<1x80x128xf32, #tpu.memory_space<vmem>>
      %dma_start3A_181 = tpu.memref_squeeze %dma_start3A_180 : memref<1x80x128xf32, #tpu.memory_space<vmem>> -> memref<80x128xf32, #tpu.memory_space<vmem>>
      %dma_start3A_182 = arith.constant 0 : i32
      %dma_start3A_183 = tpu.memref_slice %arg6[%add3A_176, %dma_start3A_182] : memref<320000x128xf32, #tpu.memory_space<hbm>> -> memref<80x128xf32, #tpu.memory_space<hbm>>
      %dma_start3A_184 = arith.constant 0 : i32
      %dma_start3A_185 = tpu.memref_slice %arg6[%add3A_176, %dma_start3A_184] : memref<320000x128xf32, #tpu.memory_space<hbm>> -> memref<80x128xf32, #tpu.memory_space<hbm>>
      %dma_start3A_186 = arith.constant 0 : i32
      %dma_start3A_187 = arith.constant 0 : i32
      %dma_start3A_188 = tpu.memref_slice %arg11[%dma_start3A_177, %dma_start3A_186, %dma_start3A_187] : memref<2x80x128xf32, #tpu.memory_space<vmem>> -> memref<1x80x128xf32, #tpu.memory_space<vmem>>
      %dma_start3A_189 = tpu.memref_squeeze %dma_start3A_188 : memref<1x80x128xf32, #tpu.memory_space<vmem>> -> memref<80x128xf32, #tpu.memory_space<vmem>>
      tpu.enqueue_dma source(%dma_start3A_189 : memref<80x128xf32, #tpu.memory_space<vmem>>) target(%dma_start3A_185 : memref<80x128xf32, #tpu.memory_space<hbm>>) target_semaphore(%arg16 : memref<!tpu.dma_semaphore, #tpu.memory_space<semaphore_mem>>)
      %add3A_190 = arith.constant 2 : i32
      %add3A_191 = arith.addi %mul3A_116, %add3A_190 : i32
      %mul3A_192 = arith.constant 80 : i32
      %mul3A_193 = arith.muli %add3A_191, %mul3A_192 : i32
      %dma_start3A_194 = arith.constant 0 : i32
      %dma_start3A_195 = arith.constant 0 : i32
      %dma_start3A_196 = arith.constant 0 : i32
      %dma_start3A_197 = tpu.memref_slice %arg9[%dma_start3A_194, %dma_start3A_195, %dma_start3A_196] : memref<2x80x128xf32, #tpu.memory_space<vmem>> -> memref<1x80x128xf32, #tpu.memory_space<vmem>>
      %dma_start3A_198 = tpu.memref_squeeze %dma_start3A_197 : memref<1x80x128xf32, #tpu.memory_space<vmem>> -> memref<80x128xf32, #tpu.memory_space<vmem>>
      %dma_start3A_199 = tpu.memref_slice %arg7[%mul3A_193] : memref<10000xi32, #tpu.memory_space<vmem>> -> memref<80xi32, #tpu.memory_space<vmem>>
      %dma_start3A_200 = arith.constant 0 : i32
      %dma_start3A_201 = arith.constant 0 : i32
      %dma_start3A_202 = tpu.memref_slice %arg2[%dma_start3A_200, %dma_start3A_201] : memref<10000x128xf32, #tpu.memory_space<hbm>> -> memref<10000x128xf32, #tpu.memory_space<hbm>>
      tpu.enqueue_indirect_dma source(%dma_start3A_202 : memref<10000x128xf32, #tpu.memory_space<hbm>>) target(%dma_start3A_198 : memref<80x128xf32, #tpu.memory_space<vmem>>) offsets(%dma_start3A_199 : memref<80xi32, #tpu.memory_space<vmem>>) semaphore(%arg12 : memref<!tpu.dma_semaphore, #tpu.memory_space<semaphore_mem>>)
      %dma_start3A_203 = arith.constant 0 : i32
      %dma_start3A_204 = arith.constant 0 : i32
      %dma_start3A_205 = arith.constant 0 : i32
      %dma_start3A_206 = tpu.memref_slice %arg10[%dma_start3A_203, %dma_start3A_204, %dma_start3A_205] : memref<2x80x128xf32, #tpu.memory_space<vmem>> -> memref<1x80x128xf32, #tpu.memory_space<vmem>>
      %dma_start3A_207 = tpu.memref_squeeze %dma_start3A_206 : memref<1x80x128xf32, #tpu.memory_space<vmem>> -> memref<80x128xf32, #tpu.memory_space<vmem>>
      %dma_start3A_208 = tpu.memref_slice %arg8[%mul3A_193] : memref<10000xi32, #tpu.memory_space<vmem>> -> memref<80xi32, #tpu.memory_space<vmem>>
      %dma_start3A_209 = arith.constant 0 : i32
      %dma_start3A_210 = arith.constant 0 : i32
      %dma_start3A_211 = tpu.memref_slice %arg3[%dma_start3A_209, %dma_start3A_210] : memref<10000x128xf32, #tpu.memory_space<hbm>> -> memref<10000x128xf32, #tpu.memory_space<hbm>>
      tpu.enqueue_indirect_dma source(%dma_start3A_211 : memref<10000x128xf32, #tpu.memory_space<hbm>>) target(%dma_start3A_207 : memref<80x128xf32, #tpu.memory_space<vmem>>) offsets(%dma_start3A_208 : memref<80xi32, #tpu.memory_space<vmem>>) semaphore(%arg14 : memref<!tpu.dma_semaphore, #tpu.memory_space<semaphore_mem>>)
      %dma_wait3A_212 = arith.constant 1 : i32
      %dma_wait3A_213 = arith.constant 0 : i32
      %dma_wait3A_214 = arith.constant 0 : i32
      %dma_wait3A_215 = tpu.memref_slice %arg9[%dma_wait3A_212, %dma_wait3A_213, %dma_wait3A_214] : memref<2x80x128xf32, #tpu.memory_space<vmem>> -> memref<1x80x128xf32, #tpu.memory_space<vmem>>
      %dma_wait3A_216 = tpu.memref_squeeze %dma_wait3A_215 : memref<1x80x128xf32, #tpu.memory_space<vmem>> -> memref<80x128xf32, #tpu.memory_space<vmem>>
      %dma_wait3A_217 = arith.constant 0 : i32
      %dma_wait3A_218 = tpu.memref_slice %arg7[%dma_wait3A_217] : memref<10000xi32, #tpu.memory_space<vmem>> -> memref<80xi32, #tpu.memory_space<vmem>>
      %dma_wait3A_219 = arith.constant 0 : i32
      %dma_wait3A_220 = arith.constant 0 : i32
      %dma_wait3A_221 = tpu.memref_slice %arg2[%dma_wait3A_219, %dma_wait3A_220] : memref<10000x128xf32, #tpu.memory_space<hbm>> -> memref<10000x128xf32, #tpu.memory_space<hbm>>
      tpu.wait_indirect_dma semaphore(%arg13 : memref<!tpu.dma_semaphore, #tpu.memory_space<semaphore_mem>>) src(%dma_wait3A_221 : memref<10000x128xf32, #tpu.memory_space<hbm>>) dst(%dma_wait3A_216 : memref<80x128xf32, #tpu.memory_space<vmem>>)
      %dma_wait3A_222 = arith.constant 1 : i32
      %dma_wait3A_223 = arith.constant 0 : i32
      %dma_wait3A_224 = arith.constant 0 : i32
      %dma_wait3A_225 = tpu.memref_slice %arg10[%dma_wait3A_222, %dma_wait3A_223, %dma_wait3A_224] : memref<2x80x128xf32, #tpu.memory_space<vmem>> -> memref<1x80x128xf32, #tpu.memory_space<vmem>>
      %dma_wait3A_226 = tpu.memref_squeeze %dma_wait3A_225 : memref<1x80x128xf32, #tpu.memory_space<vmem>> -> memref<80x128xf32, #tpu.memory_space<vmem>>
      %dma_wait3A_227 = arith.constant 0 : i32
      %dma_wait3A_228 = tpu.memref_slice %arg8[%dma_wait3A_227] : memref<10000xi32, #tpu.memory_space<vmem>> -> memref<80xi32, #tpu.memory_space<vmem>>
      %dma_wait3A_229 = arith.constant 0 : i32
      %dma_wait3A_230 = arith.constant 0 : i32
      %dma_wait3A_231 = tpu.memref_slice %arg3[%dma_wait3A_229, %dma_wait3A_230] : memref<10000x128xf32, #tpu.memory_space<hbm>> -> memref<10000x128xf32, #tpu.memory_space<hbm>>
      tpu.wait_indirect_dma semaphore(%arg15 : memref<!tpu.dma_semaphore, #tpu.memory_space<semaphore_mem>>) src(%dma_wait3A_231 : memref<10000x128xf32, #tpu.memory_space<hbm>>) dst(%dma_wait3A_226 : memref<80x128xf32, #tpu.memory_space<vmem>>)
      %scan3A_232 = arith.constant 0 : i32
      %scan3A_233 = arith.constant 0 : i32
      %scan3A_234 = arith.constant 80 : i32
      %scan3A_235 = arith.addi %scan3A_233, %scan3A_234 : i32
      %scan3A_236 = arith.constant 1 : i32
      scf.for %scan3A_258 = %scan3A_233 to %scan3A_235 step %scan3A_236  : i32 {
        %get3A = arith.constant 1 : i32
        %get3A_259 = arith.index_cast %get3A : i32 to index
        %get3A_260 = arith.index_cast %scan3A_258 : i32 to index
        %get3A_261 = arith.constant 0 : index
        %get3A_262 = tpu.vector_load %arg9[%get3A_259, %get3A_260, %get3A_261] {strides = array<i32>} : memref<2x80x128xf32, #tpu.memory_space<vmem>>, vector<1x1x16xf32>,
        %get3A_263 = vector.shape_cast %get3A_262 : vector<1x1x16xf32> to vector<16xf32>
        %get3A_264 = arith.constant 1 : i32
        %get3A_265 = arith.index_cast %get3A_264 : i32 to index
        %get3A_266 = arith.index_cast %scan3A_258 : i32 to index
        %get3A_267 = arith.constant 0 : index
        %get3A_268 = tpu.vector_load %arg10[%get3A_265, %get3A_266, %get3A_267] {strides = array<i32>} : memref<2x80x128xf32, #tpu.memory_space<vmem>>, vector<1x1x16xf32>,
        %get3A_269 = vector.shape_cast %get3A_268 : vector<1x1x16xf32> to vector<16xf32>
        %add3A_270 = arith.addf %get3A_263, %get3A_269 : vector<16xf32>
        %swap3A = arith.constant 1 : i32
        %swap3A_271 = arith.index_cast %swap3A : i32 to index
        %swap3A_272 = arith.index_cast %scan3A_258 : i32 to index
        %swap3A_273 = arith.constant 0 : index
        %swap3A_274 = tpu.vector_load %arg11[%swap3A_271, %swap3A_272, %swap3A_273] {strides = array<i32>} : memref<2x80x128xf32, #tpu.memory_space<vmem>>, vector<1x1x16xf32>,
        %swap3A_275 = vector.shape_cast %swap3A_274 : vector<1x1x16xf32> to vector<16xf32>
        %swap3A_276 = vector.shape_cast %add3A_270 : vector<16xf32> to vector<1x1x16xf32>
        tpu.vector_store %arg11[%swap3A_271, %swap3A_272, %swap3A_273], %swap3A_276 {strides = array<i32>} : memref<2x80x128xf32, #tpu.memory_space<vmem>>, vector<1x1x16xf32>,
        %get3A_277 = arith.constant 1 : i32
        %get3A_278 = arith.index_cast %get3A_277 : i32 to index
        %get3A_279 = arith.index_cast %scan3A_258 : i32 to index
        %get3A_280 = arith.constant 16 : index
        %get3A_281 = tpu.vector_load %arg9[%get3A_278, %get3A_279, %get3A_280] {strides = array<i32>} : memref<2x80x128xf32, #tpu.memory_space<vmem>>, vector<1x1x16xf32>,
        %get3A_282 = vector.shape_cast %get3A_281 : vector<1x1x16xf32> to vector<16xf32>
        %get3A_283 = arith.constant 1 : i32
        %get3A_284 = arith.index_cast %get3A_283 : i32 to index
        %get3A_285 = arith.index_cast %scan3A_258 : i32 to index
        %get3A_286 = arith.constant 16 : index
        %get3A_287 = tpu.vector_load %arg10[%get3A_284, %get3A_285, %get3A_286] {strides = array<i32>} : memref<2x80x128xf32, #tpu.memory_space<vmem>>, vector<1x1x16xf32>,
        %get3A_288 = vector.shape_cast %get3A_287 : vector<1x1x16xf32> to vector<16xf32>
        %add3A_289 = arith.addf %get3A_282, %get3A_288 : vector<16xf32>
        %swap3A_290 = arith.constant 1 : i32
        %swap3A_291 = arith.index_cast %swap3A_290 : i32 to index
        %swap3A_292 = arith.index_cast %scan3A_258 : i32 to index
        %swap3A_293 = arith.constant 16 : index
        %swap3A_294 = tpu.vector_load %arg11[%swap3A_291, %swap3A_292, %swap3A_293] {strides = array<i32>} : memref<2x80x128xf32, #tpu.memory_space<vmem>>, vector<1x1x16xf32>,
        %swap3A_295 = vector.shape_cast %swap3A_294 : vector<1x1x16xf32> to vector<16xf32>
        %swap3A_296 = vector.shape_cast %add3A_289 : vector<16xf32> to vector<1x1x16xf32>
        tpu.vector_store %arg11[%swap3A_291, %swap3A_292, %swap3A_293], %swap3A_296 {strides = array<i32>} : memref<2x80x128xf32, #tpu.memory_space<vmem>>, vector<1x1x16xf32>,
        %get3A_297 = arith.constant 1 : i32
        %get3A_298 = arith.index_cast %get3A_297 : i32 to index
        %get3A_299 = arith.index_cast %scan3A_258 : i32 to index
        %get3A_300 = arith.constant 32 : index
        %get3A_301 = tpu.vector_load %arg9[%get3A_298, %get3A_299, %get3A_300] {strides = array<i32>} : memref<2x80x128xf32, #tpu.memory_space<vmem>>, vector<1x1x16xf32>,
        %get3A_302 = vector.shape_cast %get3A_301 : vector<1x1x16xf32> to vector<16xf32>
        %get3A_303 = arith.constant 1 : i32
        %get3A_304 = arith.index_cast %get3A_303 : i32 to index
        %get3A_305 = arith.index_cast %scan3A_258 : i32 to index
        %get3A_306 = arith.constant 32 : index
        %get3A_307 = tpu.vector_load %arg10[%get3A_304, %get3A_305, %get3A_306] {strides = array<i32>} : memref<2x80x128xf32, #tpu.memory_space<vmem>>, vector<1x1x16xf32>,
        %get3A_308 = vector.shape_cast %get3A_307 : vector<1x1x16xf32> to vector<16xf32>
        %add3A_309 = arith.addf %get3A_302, %get3A_308 : vector<16xf32>
        %swap3A_310 = arith.constant 1 : i32
        %swap3A_311 = arith.index_cast %swap3A_310 : i32 to index
        %swap3A_312 = arith.index_cast %scan3A_258 : i32 to index
        %swap3A_313 = arith.constant 32 : index
        %swap3A_314 = tpu.vector_load %arg11[%swap3A_311, %swap3A_312, %swap3A_313] {strides = array<i32>} : memref<2x80x128xf32, #tpu.memory_space<vmem>>, vector<1x1x16xf32>,
        %swap3A_315 = vector.shape_cast %swap3A_314 : vector<1x1x16xf32> to vector<16xf32>
        %swap3A_316 = vector.shape_cast %add3A_309 : vector<16xf32> to vector<1x1x16xf32>
        tpu.vector_store %arg11[%swap3A_311, %swap3A_312, %swap3A_313], %swap3A_316 {strides = array<i32>} : memref<2x80x128xf32, #tpu.memory_space<vmem>>, vector<1x1x16xf32>,
        %get3A_317 = arith.constant 1 : i32
        %get3A_318 = arith.index_cast %get3A_317 : i32 to index
        %get3A_319 = arith.index_cast %scan3A_258 : i32 to index
        %get3A_320 = arith.constant 48 : index
        %get3A_321 = tpu.vector_load %arg9[%get3A_318, %get3A_319, %get3A_320] {strides = array<i32>} : memref<2x80x128xf32, #tpu.memory_space<vmem>>, vector<1x1x16xf32>,
        %get3A_322 = vector.shape_cast %get3A_321 : vector<1x1x16xf32> to vector<16xf32>
        %get3A_323 = arith.constant 1 : i32
        %get3A_324 = arith.index_cast %get3A_323 : i32 to index
        %get3A_325 = arith.index_cast %scan3A_258 : i32 to index
        %get3A_326 = arith.constant 48 : index
        %get3A_327 = tpu.vector_load %arg10[%get3A_324, %get3A_325, %get3A_326] {strides = array<i32>} : memref<2x80x128xf32, #tpu.memory_space<vmem>>, vector<1x1x16xf32>,
        %get3A_328 = vector.shape_cast %get3A_327 : vector<1x1x16xf32> to vector<16xf32>
        %add3A_329 = arith.addf %get3A_322, %get3A_328 : vector<16xf32>
        %swap3A_330 = arith.constant 1 : i32
        %swap3A_331 = arith.index_cast %swap3A_330 : i32 to index
        %swap3A_332 = arith.index_cast %scan3A_258 : i32 to index
        %swap3A_333 = arith.constant 48 : index
        %swap3A_334 = tpu.vector_load %arg11[%swap3A_331, %swap3A_332, %swap3A_333] {strides = array<i32>} : memref<2x80x128xf32, #tpu.memory_space<vmem>>, vector<1x1x16xf32>,
        %swap3A_335 = vector.shape_cast %swap3A_334 : vector<1x1x16xf32> to vector<16xf32>
        %swap3A_336 = vector.shape_cast %add3A_329 : vector<16xf32> to vector<1x1x16xf32>
        tpu.vector_store %arg11[%swap3A_331, %swap3A_332, %swap3A_333], %swap3A_336 {strides = array<i32>} : memref<2x80x128xf32, #tpu.memory_space<vmem>>, vector<1x1x16xf32>,
        %get3A_337 = arith.constant 1 : i32
        %get3A_338 = arith.index_cast %get3A_337 : i32 to index
        %get3A_339 = arith.index_cast %scan3A_258 : i32 to index
        %get3A_340 = arith.constant 64 : index
        %get3A_341 = tpu.vector_load %arg10[%get3A_338, %get3A_339, %get3A_340] {strides = array<i32>} : memref<2x80x128xf32, #tpu.memory_space<vmem>>, vector<1x1x16xf32>,
        %get3A_342 = vector.shape_cast %get3A_341 : vector<1x1x16xf32> to vector<16xf32>
        %get3A_343 = arith.constant 1 : i32
        %get3A_344 = arith.index_cast %get3A_343 : i32 to index
        %get3A_345 = arith.index_cast %scan3A_258 : i32 to index
        %get3A_346 = arith.constant 64 : index
        %get3A_347 = tpu.vector_load %arg9[%get3A_344, %get3A_345, %get3A_346] {strides = array<i32>} : memref<2x80x128xf32, #tpu.memory_space<vmem>>, vector<1x1x16xf32>,
        %get3A_348 = vector.shape_cast %get3A_347 : vector<1x1x16xf32> to vector<16xf32>
        %sub3A = arith.subf %get3A_342, %get3A_348 : vector<16xf32>
        %swap3A_349 = arith.constant 1 : i32
        %swap3A_350 = arith.index_cast %swap3A_349 : i32 to index
        %swap3A_351 = arith.index_cast %scan3A_258 : i32 to index
        %swap3A_352 = arith.constant 64 : index
        %swap3A_353 = tpu.vector_load %arg11[%swap3A_350, %swap3A_351, %swap3A_352] {strides = array<i32>} : memref<2x80x128xf32, #tpu.memory_space<vmem>>, vector<1x1x16xf32>,
        %swap3A_354 = vector.shape_cast %swap3A_353 : vector<1x1x16xf32> to vector<16xf32>
        %swap3A_355 = vector.shape_cast %sub3A : vector<16xf32> to vector<1x1x16xf32>
        tpu.vector_store %arg11[%swap3A_350, %swap3A_351, %swap3A_352], %swap3A_355 {strides = array<i32>} : memref<2x80x128xf32, #tpu.memory_space<vmem>>, vector<1x1x16xf32>,
      }
      %scan3A_237 = arith.constant 80 : i32
      %add3A_238 = arith.constant 1 : i32
      %add3A_239 = arith.addi %mul3A_116, %add3A_238 : i32
      %mul3A_240 = arith.constant 10000 : i32
      %mul3A_241 = arith.muli %add3A, %mul3A_240 : i32
      %mul3A_242 = arith.constant 80 : i32
      %mul3A_243 = arith.muli %add3A_239, %mul3A_242 : i32
      %add3A_244 = arith.addi %mul3A_241, %mul3A_243 : i32
      %dma_start3A_245 = arith.constant 1 : i32
      %dma_start3A_246 = arith.constant 0 : i32
      %dma_start3A_247 = arith.constant 0 : i32
      %dma_start3A_248 = tpu.memref_slice %arg11[%dma_start3A_245, %dma_start3A_246, %dma_start3A_247] : memref<2x80x128xf32, #tpu.memory_space<vmem>> -> memref<1x80x128xf32, #tpu.memory_space<vmem>>
      %dma_start3A_249 = tpu.memref_squeeze %dma_start3A_248 : memref<1x80x128xf32, #tpu.memory_space<vmem>> -> memref<80x128xf32, #tpu.memory_space<vmem>>
      %dma_start3A_250 = arith.constant 0 : i32
      %dma_start3A_251 = tpu.memref_slice %arg6[%add3A_244, %dma_start3A_250] : memref<320000x128xf32, #tpu.memory_space<hbm>> -> memref<80x128xf32, #tpu.memory_space<hbm>>
      %dma_start3A_252 = arith.constant 0 : i32
      %dma_start3A_253 = tpu.memref_slice %arg6[%add3A_244, %dma_start3A_252] : memref<320000x128xf32, #tpu.memory_space<hbm>> -> memref<80x128xf32, #tpu.memory_space<hbm>>
      %dma_start3A_254 = arith.constant 0 : i32
      %dma_start3A_255 = arith.constant 0 : i32
      %dma_start3A_256 = tpu.memref_slice %arg11[%dma_start3A_245, %dma_start3A_254, %dma_start3A_255] : memref<2x80x128xf32, #tpu.memory_space<vmem>> -> memref<1x80x128xf32, #tpu.memory_space<vmem>>
      %dma_start3A_257 = tpu.memref_squeeze %dma_start3A_256 : memref<1x80x128xf32, #tpu.memory_space<vmem>> -> memref<80x128xf32, #tpu.memory_space<vmem>>
      tpu.enqueue_dma source(%dma_start3A_257 : memref<80x128xf32, #tpu.memory_space<vmem>>) target(%dma_start3A_253 : memref<80x128xf32, #tpu.memory_space<hbm>>) target_semaphore(%arg17 : memref<!tpu.dma_semaphore, #tpu.memory_space<semaphore_mem>>)
    }
    %scan3A_26 = arith.constant 62 : i32
    %dma_wait3A = arith.constant 0 : i32
    %dma_wait3A_27 = arith.constant 0 : i32
    %dma_wait3A_28 = arith.constant 0 : i32
    %dma_wait3A_29 = tpu.memref_slice %arg9[%dma_wait3A, %dma_wait3A_27, %dma_wait3A_28] : memref<2x80x128xf32, #tpu.memory_space<vmem>> -> memref<1x80x128xf32, #tpu.memory_space<vmem>>
    %dma_wait3A_30 = tpu.memref_squeeze %dma_wait3A_29 : memref<1x80x128xf32, #tpu.memory_space<vmem>> -> memref<80x128xf32, #tpu.memory_space<vmem>>
    %dma_wait3A_31 = arith.constant 0 : i32
    %dma_wait3A_32 = tpu.memref_slice %arg7[%dma_wait3A_31] : memref<10000xi32, #tpu.memory_space<vmem>> -> memref<80xi32, #tpu.memory_space<vmem>>
    %dma_wait3A_33 = arith.constant 0 : i32
    %dma_wait3A_34 = arith.constant 0 : i32
    %dma_wait3A_35 = tpu.memref_slice %arg2[%dma_wait3A_33, %dma_wait3A_34] : memref<10000x128xf32, #tpu.memory_space<hbm>> -> memref<10000x128xf32, #tpu.memory_space<hbm>>
    tpu.wait_indirect_dma semaphore(%arg12 : memref<!tpu.dma_semaphore, #tpu.memory_space<semaphore_mem>>) src(%dma_wait3A_35 : memref<10000x128xf32, #tpu.memory_space<hbm>>) dst(%dma_wait3A_30 : memref<80x128xf32, #tpu.memory_space<vmem>>)
    %dma_wait3A_36 = arith.constant 0 : i32
    %dma_wait3A_37 = arith.constant 0 : i32
    %dma_wait3A_38 = arith.constant 0 : i32
    %dma_wait3A_39 = tpu.memref_slice %arg10[%dma_wait3A_36, %dma_wait3A_37, %dma_wait3A_38] : memref<2x80x128xf32, #tpu.memory_space<vmem>> -> memref<1x80x128xf32, #tpu.memory_space<vmem>>
    %dma_wait3A_40 = tpu.memref_squeeze %dma_wait3A_39 : memref<1x80x128xf32, #tpu.memory_space<vmem>> -> memref<80x128xf32, #tpu.memory_space<vmem>>
    %dma_wait3A_41 = arith.constant 0 : i32
    %dma_wait3A_42 = tpu.memref_slice %arg8[%dma_wait3A_41] : memref<10000xi32, #tpu.memory_space<vmem>> -> memref<80xi32, #tpu.memory_space<vmem>>
    %dma_wait3A_43 = arith.constant 0 : i32
    %dma_wait3A_44 = arith.constant 0 : i32
    %dma_wait3A_45 = tpu.memref_slice %arg3[%dma_wait3A_43, %dma_wait3A_44] : memref<10000x128xf32, #tpu.memory_space<hbm>> -> memref<10000x128xf32, #tpu.memory_space<hbm>>
    tpu.wait_indirect_dma semaphore(%arg14 : memref<!tpu.dma_semaphore, #tpu.memory_space<semaphore_mem>>) src(%dma_wait3A_45 : memref<10000x128xf32, #tpu.memory_space<hbm>>) dst(%dma_wait3A_40 : memref<80x128xf32, #tpu.memory_space<vmem>>)
    %dma_wait3A_46 = arith.constant 0 : i32
    %dma_wait3A_47 = arith.constant 0 : i32
    %dma_wait3A_48 = arith.constant 0 : i32
    %dma_wait3A_49 = tpu.memref_slice %arg11[%dma_wait3A_46, %dma_wait3A_47, %dma_wait3A_48] : memref<2x80x128xf32, #tpu.memory_space<vmem>> -> memref<1x80x128xf32, #tpu.memory_space<vmem>>
    %dma_wait3A_50 = tpu.memref_squeeze %dma_wait3A_49 : memref<1x80x128xf32, #tpu.memory_space<vmem>> -> memref<80x128xf32, #tpu.memory_space<vmem>>
    %dma_wait3A_51 = arith.constant 0 : i32
    %dma_wait3A_52 = arith.constant 0 : i32
    %dma_wait3A_53 = tpu.memref_slice %arg6[%dma_wait3A_51, %dma_wait3A_52] : memref<320000x128xf32, #tpu.memory_space<hbm>> -> memref<80x128xf32, #tpu.memory_space<hbm>>
    %dma_wait3A_54 = arith.constant 0 : i32
    %dma_wait3A_55 = arith.constant 0 : i32
    %dma_wait3A_56 = tpu.memref_slice %arg6[%dma_wait3A_54, %dma_wait3A_55] : memref<320000x128xf32, #tpu.memory_space<hbm>> -> memref<80x128xf32, #tpu.memory_space<hbm>>
    %dma_wait3A_57 = arith.constant 0 : i32
    %dma_wait3A_58 = arith.constant 0 : i32
    %dma_wait3A_59 = tpu.memref_slice %arg11[%dma_wait3A_46, %dma_wait3A_57, %dma_wait3A_58] : memref<2x80x128xf32, #tpu.memory_space<vmem>> -> memref<1x80x128xf32, #tpu.memory_space<vmem>>
    %dma_wait3A_60 = tpu.memref_squeeze %dma_wait3A_59 : memref<1x80x128xf32, #tpu.memory_space<vmem>> -> memref<80x128xf32, #tpu.memory_space<vmem>>
    tpu.wait_dma2 semaphore(%arg16 : memref<!tpu.dma_semaphore, #tpu.memory_space<semaphore_mem>>) src(%dma_wait3A_60 : memref<80x128xf32, #tpu.memory_space<vmem>>) dst(%dma_wait3A_56 : memref<80x128xf32, #tpu.memory_space<hbm>>)
    %scan3A_61 = arith.constant 0 : i32
    %scan3A_62 = arith.constant 0 : i32
    %scan3A_63 = arith.constant 80 : i32
    %scan3A_64 = arith.addi %scan3A_62, %scan3A_63 : i32
    %scan3A_65 = arith.constant 1 : i32
    scf.for %scan3A_114 = %scan3A_62 to %scan3A_64 step %scan3A_65  : i32 {
      %get3A = arith.constant 0 : i32
      %get3A_115 = arith.index_cast %get3A : i32 to index
      %get3A_116 = arith.index_cast %scan3A_114 : i32 to index
      %get3A_117 = arith.constant 0 : index
      %get3A_118 = tpu.vector_load %arg9[%get3A_115, %get3A_116, %get3A_117] {strides = array<i32>} : memref<2x80x128xf32, #tpu.memory_space<vmem>>, vector<1x1x16xf32>,
      %get3A_119 = vector.shape_cast %get3A_118 : vector<1x1x16xf32> to vector<16xf32>
      %get3A_120 = arith.constant 0 : i32
      %get3A_121 = arith.index_cast %get3A_120 : i32 to index
      %get3A_122 = arith.index_cast %scan3A_114 : i32 to index
      %get3A_123 = arith.constant 0 : index
      %get3A_124 = tpu.vector_load %arg10[%get3A_121, %get3A_122, %get3A_123] {strides = array<i32>} : memref<2x80x128xf32, #tpu.memory_space<vmem>>, vector<1x1x16xf32>,
      %get3A_125 = vector.shape_cast %get3A_124 : vector<1x1x16xf32> to vector<16xf32>
      %add3A_126 = arith.addf %get3A_119, %get3A_125 : vector<16xf32>
      %swap3A = arith.constant 0 : i32
      %swap3A_127 = arith.index_cast %swap3A : i32 to index
      %swap3A_128 = arith.index_cast %scan3A_114 : i32 to index
      %swap3A_129 = arith.constant 0 : index
      %swap3A_130 = tpu.vector_load %arg11[%swap3A_127, %swap3A_128, %swap3A_129] {strides = array<i32>} : memref<2x80x128xf32, #tpu.memory_space<vmem>>, vector<1x1x16xf32>,
      %swap3A_131 = vector.shape_cast %swap3A_130 : vector<1x1x16xf32> to vector<16xf32>
      %swap3A_132 = vector.shape_cast %add3A_126 : vector<16xf32> to vector<1x1x16xf32>
      tpu.vector_store %arg11[%swap3A_127, %swap3A_128, %swap3A_129], %swap3A_132 {strides = array<i32>} : memref<2x80x128xf32, #tpu.memory_space<vmem>>, vector<1x1x16xf32>,
      %get3A_133 = arith.constant 0 : i32
      %get3A_134 = arith.index_cast %get3A_133 : i32 to index
      %get3A_135 = arith.index_cast %scan3A_114 : i32 to index
      %get3A_136 = arith.constant 16 : index
      %get3A_137 = tpu.vector_load %arg9[%get3A_134, %get3A_135, %get3A_136] {strides = array<i32>} : memref<2x80x128xf32, #tpu.memory_space<vmem>>, vector<1x1x16xf32>,
      %get3A_138 = vector.shape_cast %get3A_137 : vector<1x1x16xf32> to vector<16xf32>
      %get3A_139 = arith.constant 0 : i32
      %get3A_140 = arith.index_cast %get3A_139 : i32 to index
      %get3A_141 = arith.index_cast %scan3A_114 : i32 to index
      %get3A_142 = arith.constant 16 : index
      %get3A_143 = tpu.vector_load %arg10[%get3A_140, %get3A_141, %get3A_142] {strides = array<i32>} : memref<2x80x128xf32, #tpu.memory_space<vmem>>, vector<1x1x16xf32>,
      %get3A_144 = vector.shape_cast %get3A_143 : vector<1x1x16xf32> to vector<16xf32>
      %add3A_145 = arith.addf %get3A_138, %get3A_144 : vector<16xf32>
      %swap3A_146 = arith.constant 0 : i32
      %swap3A_147 = arith.index_cast %swap3A_146 : i32 to index
      %swap3A_148 = arith.index_cast %scan3A_114 : i32 to index
      %swap3A_149 = arith.constant 16 : index
      %swap3A_150 = tpu.vector_load %arg11[%swap3A_147, %swap3A_148, %swap3A_149] {strides = array<i32>} : memref<2x80x128xf32, #tpu.memory_space<vmem>>, vector<1x1x16xf32>,
      %swap3A_151 = vector.shape_cast %swap3A_150 : vector<1x1x16xf32> to vector<16xf32>
      %swap3A_152 = vector.shape_cast %add3A_145 : vector<16xf32> to vector<1x1x16xf32>
      tpu.vector_store %arg11[%swap3A_147, %swap3A_148, %swap3A_149], %swap3A_152 {strides = array<i32>} : memref<2x80x128xf32, #tpu.memory_space<vmem>>, vector<1x1x16xf32>,
      %get3A_153 = arith.constant 0 : i32
      %get3A_154 = arith.index_cast %get3A_153 : i32 to index
      %get3A_155 = arith.index_cast %scan3A_114 : i32 to index
      %get3A_156 = arith.constant 32 : index
      %get3A_157 = tpu.vector_load %arg9[%get3A_154, %get3A_155, %get3A_156] {strides = array<i32>} : memref<2x80x128xf32, #tpu.memory_space<vmem>>, vector<1x1x16xf32>,
      %get3A_158 = vector.shape_cast %get3A_157 : vector<1x1x16xf32> to vector<16xf32>
      %get3A_159 = arith.constant 0 : i32
      %get3A_160 = arith.index_cast %get3A_159 : i32 to index
      %get3A_161 = arith.index_cast %scan3A_114 : i32 to index
      %get3A_162 = arith.constant 32 : index
      %get3A_163 = tpu.vector_load %arg10[%get3A_160, %get3A_161, %get3A_162] {strides = array<i32>} : memref<2x80x128xf32, #tpu.memory_space<vmem>>, vector<1x1x16xf32>,
      %get3A_164 = vector.shape_cast %get3A_163 : vector<1x1x16xf32> to vector<16xf32>
      %add3A_165 = arith.addf %get3A_158, %get3A_164 : vector<16xf32>
      %swap3A_166 = arith.constant 0 : i32
      %swap3A_167 = arith.index_cast %swap3A_166 : i32 to index
      %swap3A_168 = arith.index_cast %scan3A_114 : i32 to index
      %swap3A_169 = arith.constant 32 : index
      %swap3A_170 = tpu.vector_load %arg11[%swap3A_167, %swap3A_168, %swap3A_169] {strides = array<i32>} : memref<2x80x128xf32, #tpu.memory_space<vmem>>, vector<1x1x16xf32>,
      %swap3A_171 = vector.shape_cast %swap3A_170 : vector<1x1x16xf32> to vector<16xf32>
      %swap3A_172 = vector.shape_cast %add3A_165 : vector<16xf32> to vector<1x1x16xf32>
      tpu.vector_store %arg11[%swap3A_167, %swap3A_168, %swap3A_169], %swap3A_172 {strides = array<i32>} : memref<2x80x128xf32, #tpu.memory_space<vmem>>, vector<1x1x16xf32>,
      %get3A_173 = arith.constant 0 : i32
      %get3A_174 = arith.index_cast %get3A_173 : i32 to index
      %get3A_175 = arith.index_cast %scan3A_114 : i32 to index
      %get3A_176 = arith.constant 48 : index
      %get3A_177 = tpu.vector_load %arg9[%get3A_174, %get3A_175, %get3A_176] {strides = array<i32>} : memref<2x80x128xf32, #tpu.memory_space<vmem>>, vector<1x1x16xf32>,
      %get3A_178 = vector.shape_cast %get3A_177 : vector<1x1x16xf32> to vector<16xf32>
      %get3A_179 = arith.constant 0 : i32
      %get3A_180 = arith.index_cast %get3A_179 : i32 to index
      %get3A_181 = arith.index_cast %scan3A_114 : i32 to index
      %get3A_182 = arith.constant 48 : index
      %get3A_183 = tpu.vector_load %arg10[%get3A_180, %get3A_181, %get3A_182] {strides = array<i32>} : memref<2x80x128xf32, #tpu.memory_space<vmem>>, vector<1x1x16xf32>,
      %get3A_184 = vector.shape_cast %get3A_183 : vector<1x1x16xf32> to vector<16xf32>
      %add3A_185 = arith.addf %get3A_178, %get3A_184 : vector<16xf32>
      %swap3A_186 = arith.constant 0 : i32
      %swap3A_187 = arith.index_cast %swap3A_186 : i32 to index
      %swap3A_188 = arith.index_cast %scan3A_114 : i32 to index
      %swap3A_189 = arith.constant 48 : index
      %swap3A_190 = tpu.vector_load %arg11[%swap3A_187, %swap3A_188, %swap3A_189] {strides = array<i32>} : memref<2x80x128xf32, #tpu.memory_space<vmem>>, vector<1x1x16xf32>,
      %swap3A_191 = vector.shape_cast %swap3A_190 : vector<1x1x16xf32> to vector<16xf32>
      %swap3A_192 = vector.shape_cast %add3A_185 : vector<16xf32> to vector<1x1x16xf32>
      tpu.vector_store %arg11[%swap3A_187, %swap3A_188, %swap3A_189], %swap3A_192 {strides = array<i32>} : memref<2x80x128xf32, #tpu.memory_space<vmem>>, vector<1x1x16xf32>,
      %get3A_193 = arith.constant 0 : i32
      %get3A_194 = arith.index_cast %get3A_193 : i32 to index
      %get3A_195 = arith.index_cast %scan3A_114 : i32 to index
      %get3A_196 = arith.constant 64 : index
      %get3A_197 = tpu.vector_load %arg10[%get3A_194, %get3A_195, %get3A_196] {strides = array<i32>} : memref<2x80x128xf32, #tpu.memory_space<vmem>>, vector<1x1x16xf32>,
      %get3A_198 = vector.shape_cast %get3A_197 : vector<1x1x16xf32> to vector<16xf32>
      %get3A_199 = arith.constant 0 : i32
      %get3A_200 = arith.index_cast %get3A_199 : i32 to index
      %get3A_201 = arith.index_cast %scan3A_114 : i32 to index
      %get3A_202 = arith.constant 64 : index
      %get3A_203 = tpu.vector_load %arg9[%get3A_200, %get3A_201, %get3A_202] {strides = array<i32>} : memref<2x80x128xf32, #tpu.memory_space<vmem>>, vector<1x1x16xf32>,
      %get3A_204 = vector.shape_cast %get3A_203 : vector<1x1x16xf32> to vector<16xf32>
      %sub3A = arith.subf %get3A_198, %get3A_204 : vector<16xf32>
      %swap3A_205 = arith.constant 0 : i32
      %swap3A_206 = arith.index_cast %swap3A_205 : i32 to index
      %swap3A_207 = arith.index_cast %scan3A_114 : i32 to index
      %swap3A_208 = arith.constant 64 : index
      %swap3A_209 = tpu.vector_load %arg11[%swap3A_206, %swap3A_207, %swap3A_208] {strides = array<i32>} : memref<2x80x128xf32, #tpu.memory_space<vmem>>, vector<1x1x16xf32>,
      %swap3A_210 = vector.shape_cast %swap3A_209 : vector<1x1x16xf32> to vector<16xf32>
      %swap3A_211 = vector.shape_cast %sub3A : vector<16xf32> to vector<1x1x16xf32>
      tpu.vector_store %arg11[%swap3A_206, %swap3A_207, %swap3A_208], %swap3A_211 {strides = array<i32>} : memref<2x80x128xf32, #tpu.memory_space<vmem>>, vector<1x1x16xf32>,
    }
    %scan3A_66 = arith.constant 80 : i32
    %mul3A_67 = arith.constant 10000 : i32
    %mul3A_68 = arith.muli %add3A, %mul3A_67 : i32
    %add3A_69 = arith.constant 9920 : i32
    %add3A_70 = arith.addi %mul3A_68, %add3A_69 : i32
    %dma_start3A_71 = arith.constant 0 : i32
    %dma_start3A_72 = arith.constant 0 : i32
    %dma_start3A_73 = arith.constant 0 : i32
    %dma_start3A_74 = tpu.memref_slice %arg11[%dma_start3A_71, %dma_start3A_72, %dma_start3A_73] : memref<2x80x128xf32, #tpu.memory_space<vmem>> -> memref<1x80x128xf32, #tpu.memory_space<vmem>>
    %dma_start3A_75 = tpu.memref_squeeze %dma_start3A_74 : memref<1x80x128xf32, #tpu.memory_space<vmem>> -> memref<80x128xf32, #tpu.memory_space<vmem>>
    %dma_start3A_76 = arith.constant 0 : i32
    %dma_start3A_77 = tpu.memref_slice %arg6[%add3A_70, %dma_start3A_76] : memref<320000x128xf32, #tpu.memory_space<hbm>> -> memref<80x128xf32, #tpu.memory_space<hbm>>
    %dma_start3A_78 = arith.constant 0 : i32
    %dma_start3A_79 = tpu.memref_slice %arg6[%add3A_70, %dma_start3A_78] : memref<320000x128xf32, #tpu.memory_space<hbm>> -> memref<80x128xf32, #tpu.memory_space<hbm>>
    %dma_start3A_80 = arith.constant 0 : i32
    %dma_start3A_81 = arith.constant 0 : i32
    %dma_start3A_82 = tpu.memref_slice %arg11[%dma_start3A_71, %dma_start3A_80, %dma_start3A_81] : memref<2x80x128xf32, #tpu.memory_space<vmem>> -> memref<1x80x128xf32, #tpu.memory_space<vmem>>
    %dma_start3A_83 = tpu.memref_squeeze %dma_start3A_82 : memref<1x80x128xf32, #tpu.memory_space<vmem>> -> memref<80x128xf32, #tpu.memory_space<vmem>>
    tpu.enqueue_dma source(%dma_start3A_83 : memref<80x128xf32, #tpu.memory_space<vmem>>) target(%dma_start3A_79 : memref<80x128xf32, #tpu.memory_space<hbm>>) target_semaphore(%arg16 : memref<!tpu.dma_semaphore, #tpu.memory_space<semaphore_mem>>)
    %dma_wait3A_84 = arith.constant 1 : i32
    %dma_wait3A_85 = arith.constant 0 : i32
    %dma_wait3A_86 = arith.constant 0 : i32
    %dma_wait3A_87 = tpu.memref_slice %arg11[%dma_wait3A_84, %dma_wait3A_85, %dma_wait3A_86] : memref<2x80x128xf32, #tpu.memory_space<vmem>> -> memref<1x80x128xf32, #tpu.memory_space<vmem>>
    %dma_wait3A_88 = tpu.memref_squeeze %dma_wait3A_87 : memref<1x80x128xf32, #tpu.memory_space<vmem>> -> memref<80x128xf32, #tpu.memory_space<vmem>>
    %dma_wait3A_89 = arith.constant 0 : i32
    %dma_wait3A_90 = arith.constant 0 : i32
    %dma_wait3A_91 = tpu.memref_slice %arg6[%dma_wait3A_89, %dma_wait3A_90] : memref<320000x128xf32, #tpu.memory_space<hbm>> -> memref<80x128xf32, #tpu.memory_space<hbm>>
    %dma_wait3A_92 = arith.constant 0 : i32
    %dma_wait3A_93 = arith.constant 0 : i32
    %dma_wait3A_94 = tpu.memref_slice %arg6[%dma_wait3A_92, %dma_wait3A_93] : memref<320000x128xf32, #tpu.memory_space<hbm>> -> memref<80x128xf32, #tpu.memory_space<hbm>>
    %dma_wait3A_95 = arith.constant 0 : i32
    %dma_wait3A_96 = arith.constant 0 : i32
    %dma_wait3A_97 = tpu.memref_slice %arg11[%dma_wait3A_84, %dma_wait3A_95, %dma_wait3A_96] : memref<2x80x128xf32, #tpu.memory_space<vmem>> -> memref<1x80x128xf32, #tpu.memory_space<vmem>>
    %dma_wait3A_98 = tpu.memref_squeeze %dma_wait3A_97 : memref<1x80x128xf32, #tpu.memory_space<vmem>> -> memref<80x128xf32, #tpu.memory_space<vmem>>
    tpu.wait_dma2 semaphore(%arg17 : memref<!tpu.dma_semaphore, #tpu.memory_space<semaphore_mem>>) src(%dma_wait3A_98 : memref<80x128xf32, #tpu.memory_space<vmem>>) dst(%dma_wait3A_94 : memref<80x128xf32, #tpu.memory_space<hbm>>)
    %dma_wait3A_99 = arith.constant 0 : i32
    %dma_wait3A_100 = arith.constant 0 : i32
    %dma_wait3A_101 = arith.constant 0 : i32
    %dma_wait3A_102 = tpu.memref_slice %arg11[%dma_wait3A_99, %dma_wait3A_100, %dma_wait3A_101] : memref<2x80x128xf32, #tpu.memory_space<vmem>> -> memref<1x80x128xf32, #tpu.memory_space<vmem>>
    %dma_wait3A_103 = tpu.memref_squeeze %dma_wait3A_102 : memref<1x80x128xf32, #tpu.memory_space<vmem>> -> memref<80x128xf32, #tpu.memory_space<vmem>>
    %dma_wait3A_104 = arith.constant 0 : i32
    %dma_wait3A_105 = arith.constant 0 : i32
    %dma_wait3A_106 = tpu.memref_slice %arg6[%dma_wait3A_104, %dma_wait3A_105] : memref<320000x128xf32, #tpu.memory_space<hbm>> -> memref<80x128xf32, #tpu.memory_space<hbm>>
    %dma_wait3A_107 = arith.constant 0 : i32
    %dma_wait3A_108 = arith.constant 0 : i32
    %dma_wait3A_109 = tpu.memref_slice %arg6[%dma_wait3A_107, %dma_wait3A_108] : memref<320000x128xf32, #tpu.memory_space<hbm>> -> memref<80x128xf32, #tpu.memory_space<hbm>>
    %dma_wait3A_110 = arith.constant 0 : i32
    %dma_wait3A_111 = arith.constant 0 : i32
    %dma_wait3A_112 = tpu.memref_slice %arg11[%dma_wait3A_99, %dma_wait3A_110, %dma_wait3A_111] : memref<2x80x128xf32, #tpu.memory_space<vmem>> -> memref<1x80x128xf32, #tpu.memory_space<vmem>>
    %dma_wait3A_113 = tpu.memref_squeeze %dma_wait3A_112 : memref<1x80x128xf32, #tpu.memory_space<vmem>> -> memref<80x128xf32, #tpu.memory_space<vmem>>
    tpu.wait_dma2 semaphore(%arg16 : memref<!tpu.dma_semaphore, #tpu.memory_space<semaphore_mem>>) src(%dma_wait3A_113 : memref<80x128xf32, #tpu.memory_space<vmem>>) dst(%dma_wait3A_109 : memref<80x128xf32, #tpu.memory_space<hbm>>)
    return
  }
}

#map = affine_map<(d0, d1) -> (0, 0)>
#map1 = affine_map<(d0, d1) -> (0)>
#map2 = affine_map<(d0, d1) -> (0, 0, 0)>
module attributes {stable_mosaic.version = 14 : i64} {
  func.func @_sc_scatter(%arg0: i32, %arg1: i32, %arg2: memref<320000x128xf32, #tpu.memory_space<hbm>>, %arg3: memref<320000xi32, #tpu.memory_space<hbm>>, %arg4: memref<2x10000x128xf32, #tpu.memory_space<hbm>>, %arg5: memref<2x80xi32, #tpu.memory_space<vmem>>, %arg6: memref<2x80x128xf32, #tpu.memory_space<vmem>>, %arg7: memref<25x128xf32, #tpu.memory_space<vmem>>, %arg8: memref<10000x128xf32, #tpu.memory_space<vmem_shared>>, %arg9: memref<!tpu.dma_semaphore, #tpu.memory_space<semaphore_mem>>, %arg10: memref<!tpu.dma_semaphore, #tpu.memory_space<semaphore_mem>>, %arg11: memref<!tpu.dma_semaphore, #tpu.memory_space<semaphore_mem>>, %arg12: memref<!tpu.dma_semaphore, #tpu.memory_space<semaphore_mem>>) attributes {dimension_semantics = [#tpu.dimension_semantics<core_parallel>, #tpu.dimension_semantics<subcore_parallel>], iteration_bounds = array<i64: 2, 16>, scalar_prefetch = 0 : i64, scratch_operands = 8 : i64, tpu.core_type = #tpu.core_type<sc_vector_subcore>, window_params = [{transform_indices = #map}, {transform_indices = #map1}, {transform_indices = #map2}]} {
    %mul3A = arith.constant 2 : i32
    %mul3A_0 = arith.muli %arg1, %mul3A : i32
    %add3A = arith.addi %mul3A_0, %arg0 : i32
    %broadcast_in_dim3A = arith.constant 0.000000e+00 : f32
    %broadcast_in_dim3A_1 = vector.broadcast %broadcast_in_dim3A : f32 to vector<16xf32>
    %swap3A = arith.constant 0 : i32
    %swap3A_2 = arith.index_cast %swap3A : i32 to index
    %swap3A_3 = arith.constant 0 : index
    %swap3A_4 = tpu.vector_load %arg7[%swap3A_2, %swap3A_3] {strides = array<i32>} : memref<25x128xf32, #tpu.memory_space<vmem>>, vector<1x16xf32>,
    %swap3A_5 = vector.shape_cast %swap3A_4 : vector<1x16xf32> to vector<16xf32>
    %swap3A_6 = vector.shape_cast %broadcast_in_dim3A_1 : vector<16xf32> to vector<1x16xf32>
    tpu.vector_store %arg7[%swap3A_2, %swap3A_3], %swap3A_6 {strides = array<i32>} : memref<25x128xf32, #tpu.memory_space<vmem>>, vector<1x16xf32>,
    %swap3A_7 = arith.constant 0 : i32
    %swap3A_8 = arith.index_cast %swap3A_7 : i32 to index
    %swap3A_9 = arith.constant 16 : index
    %swap3A_10 = tpu.vector_load %arg7[%swap3A_8, %swap3A_9] {strides = array<i32>} : memref<25x128xf32, #tpu.memory_space<vmem>>, vector<1x16xf32>,
    %swap3A_11 = vector.shape_cast %swap3A_10 : vector<1x16xf32> to vector<16xf32>
    %swap3A_12 = vector.shape_cast %broadcast_in_dim3A_1 : vector<16xf32> to vector<1x16xf32>
    tpu.vector_store %arg7[%swap3A_8, %swap3A_9], %swap3A_12 {strides = array<i32>} : memref<25x128xf32, #tpu.memory_space<vmem>>, vector<1x16xf32>,
    %swap3A_13 = arith.constant 0 : i32
    %swap3A_14 = arith.index_cast %swap3A_13 : i32 to index
    %swap3A_15 = arith.constant 32 : index
    %swap3A_16 = tpu.vector_load %arg7[%swap3A_14, %swap3A_15] {strides = array<i32>} : memref<25x128xf32, #tpu.memory_space<vmem>>, vector<1x16xf32>,
    %swap3A_17 = vector.shape_cast %swap3A_16 : vector<1x16xf32> to vector<16xf32>
    %swap3A_18 = vector.shape_cast %broadcast_in_dim3A_1 : vector<16xf32> to vector<1x16xf32>
    tpu.vector_store %arg7[%swap3A_14, %swap3A_15], %swap3A_18 {strides = array<i32>} : memref<25x128xf32, #tpu.memory_space<vmem>>, vector<1x16xf32>,
    %swap3A_19 = arith.constant 0 : i32
    %swap3A_20 = arith.index_cast %swap3A_19 : i32 to index
    %swap3A_21 = arith.constant 48 : index
    %swap3A_22 = tpu.vector_load %arg7[%swap3A_20, %swap3A_21] {strides = array<i32>} : memref<25x128xf32, #tpu.memory_space<vmem>>, vector<1x16xf32>,
    %swap3A_23 = vector.shape_cast %swap3A_22 : vector<1x16xf32> to vector<16xf32>
    %swap3A_24 = vector.shape_cast %broadcast_in_dim3A_1 : vector<16xf32> to vector<1x16xf32>
    tpu.vector_store %arg7[%swap3A_20, %swap3A_21], %swap3A_24 {strides = array<i32>} : memref<25x128xf32, #tpu.memory_space<vmem>>, vector<1x16xf32>,
    %swap3A_25 = arith.constant 0 : i32
    %swap3A_26 = arith.index_cast %swap3A_25 : i32 to index
    %swap3A_27 = arith.constant 64 : index
    %swap3A_28 = tpu.vector_load %arg7[%swap3A_26, %swap3A_27] {strides = array<i32>} : memref<25x128xf32, #tpu.memory_space<vmem>>, vector<1x16xf32>,
    %swap3A_29 = vector.shape_cast %swap3A_28 : vector<1x16xf32> to vector<16xf32>
    %swap3A_30 = vector.shape_cast %broadcast_in_dim3A_1 : vector<16xf32> to vector<1x16xf32>
    tpu.vector_store %arg7[%swap3A_26, %swap3A_27], %swap3A_30 {strides = array<i32>} : memref<25x128xf32, #tpu.memory_space<vmem>>, vector<1x16xf32>,
    %swap3A_31 = arith.constant 0 : i32
    %swap3A_32 = arith.index_cast %swap3A_31 : i32 to index
    %swap3A_33 = arith.constant 80 : index
    %swap3A_34 = tpu.vector_load %arg7[%swap3A_32, %swap3A_33] {strides = array<i32>} : memref<25x128xf32, #tpu.memory_space<vmem>>, vector<1x16xf32>,
    %swap3A_35 = vector.shape_cast %swap3A_34 : vector<1x16xf32> to vector<16xf32>
    %swap3A_36 = vector.shape_cast %broadcast_in_dim3A_1 : vector<16xf32> to vector<1x16xf32>
    tpu.vector_store %arg7[%swap3A_32, %swap3A_33], %swap3A_36 {strides = array<i32>} : memref<25x128xf32, #tpu.memory_space<vmem>>, vector<1x16xf32>,
    %swap3A_37 = arith.constant 0 : i32
    %swap3A_38 = arith.index_cast %swap3A_37 : i32 to index
    %swap3A_39 = arith.constant 96 : index
    %swap3A_40 = tpu.vector_load %arg7[%swap3A_38, %swap3A_39] {strides = array<i32>} : memref<25x128xf32, #tpu.memory_space<vmem>>, vector<1x16xf32>,
    %swap3A_41 = vector.shape_cast %swap3A_40 : vector<1x16xf32> to vector<16xf32>
    %swap3A_42 = vector.shape_cast %broadcast_in_dim3A_1 : vector<16xf32> to vector<1x16xf32>
    tpu.vector_store %arg7[%swap3A_38, %swap3A_39], %swap3A_42 {strides = array<i32>} : memref<25x128xf32, #tpu.memory_space<vmem>>, vector<1x16xf32>,
    %swap3A_43 = arith.constant 0 : i32
    %swap3A_44 = arith.index_cast %swap3A_43 : i32 to index
    %swap3A_45 = arith.constant 112 : index
    %swap3A_46 = tpu.vector_load %arg7[%swap3A_44, %swap3A_45] {strides = array<i32>} : memref<25x128xf32, #tpu.memory_space<vmem>>, vector<1x16xf32>,
    %swap3A_47 = vector.shape_cast %swap3A_46 : vector<1x16xf32> to vector<16xf32>
    %swap3A_48 = vector.shape_cast %broadcast_in_dim3A_1 : vector<16xf32> to vector<1x16xf32>
    tpu.vector_store %arg7[%swap3A_44, %swap3A_45], %swap3A_48 {strides = array<i32>} : memref<25x128xf32, #tpu.memory_space<vmem>>, vector<1x16xf32>,
    %swap3A_49 = arith.constant 1 : i32
    %swap3A_50 = arith.index_cast %swap3A_49 : i32 to index
    %swap3A_51 = arith.constant 0 : index
    %swap3A_52 = tpu.vector_load %arg7[%swap3A_50, %swap3A_51] {strides = array<i32>} : memref<25x128xf32, #tpu.memory_space<vmem>>, vector<1x16xf32>,
    %swap3A_53 = vector.shape_cast %swap3A_52 : vector<1x16xf32> to vector<16xf32>
    %swap3A_54 = vector.shape_cast %broadcast_in_dim3A_1 : vector<16xf32> to vector<1x16xf32>
    tpu.vector_store %arg7[%swap3A_50, %swap3A_51], %swap3A_54 {strides = array<i32>} : memref<25x128xf32, #tpu.memory_space<vmem>>, vector<1x16xf32>,
    %swap3A_55 = arith.constant 1 : i32
    %swap3A_56 = arith.index_cast %swap3A_55 : i32 to index
    %swap3A_57 = arith.constant 16 : index
    %swap3A_58 = tpu.vector_load %arg7[%swap3A_56, %swap3A_57] {strides = array<i32>} : memref<25x128xf32, #tpu.memory_space<vmem>>, vector<1x16xf32>,
    %swap3A_59 = vector.shape_cast %swap3A_58 : vector<1x16xf32> to vector<16xf32>
    %swap3A_60 = vector.shape_cast %broadcast_in_dim3A_1 : vector<16xf32> to vector<1x16xf32>
    tpu.vector_store %arg7[%swap3A_56, %swap3A_57], %swap3A_60 {strides = array<i32>} : memref<25x128xf32, #tpu.memory_space<vmem>>, vector<1x16xf32>,
    %swap3A_61 = arith.constant 1 : i32
    %swap3A_62 = arith.index_cast %swap3A_61 : i32 to index
    %swap3A_63 = arith.constant 32 : index
    %swap3A_64 = tpu.vector_load %arg7[%swap3A_62, %swap3A_63] {strides = array<i32>} : memref<25x128xf32, #tpu.memory_space<vmem>>, vector<1x16xf32>,
    %swap3A_65 = vector.shape_cast %swap3A_64 : vector<1x16xf32> to vector<16xf32>
    %swap3A_66 = vector.shape_cast %broadcast_in_dim3A_1 : vector<16xf32> to vector<1x16xf32>
    tpu.vector_store %arg7[%swap3A_62, %swap3A_63], %swap3A_66 {strides = array<i32>} : memref<25x128xf32, #tpu.memory_space<vmem>>, vector<1x16xf32>,
    %swap3A_67 = arith.constant 1 : i32
    %swap3A_68 = arith.index_cast %swap3A_67 : i32 to index
    %swap3A_69 = arith.constant 48 : index
    %swap3A_70 = tpu.vector_load %arg7[%swap3A_68, %swap3A_69] {strides = array<i32>} : memref<25x128xf32, #tpu.memory_space<vmem>>, vector<1x16xf32>,
    %swap3A_71 = vector.shape_cast %swap3A_70 : vector<1x16xf32> to vector<16xf32>
    %swap3A_72 = vector.shape_cast %broadcast_in_dim3A_1 : vector<16xf32> to vector<1x16xf32>
    tpu.vector_store %arg7[%swap3A_68, %swap3A_69], %swap3A_72 {strides = array<i32>} : memref<25x128xf32, #tpu.memory_space<vmem>>, vector<1x16xf32>,
    %swap3A_73 = arith.constant 1 : i32
    %swap3A_74 = arith.index_cast %swap3A_73 : i32 to index
    %swap3A_75 = arith.constant 64 : index
    %swap3A_76 = tpu.vector_load %arg7[%swap3A_74, %swap3A_75] {strides = array<i32>} : memref<25x128xf32, #tpu.memory_space<vmem>>, vector<1x16xf32>,
    %swap3A_77 = vector.shape_cast %swap3A_76 : vector<1x16xf32> to vector<16xf32>
    %swap3A_78 = vector.shape_cast %broadcast_in_dim3A_1 : vector<16xf32> to vector<1x16xf32>
    tpu.vector_store %arg7[%swap3A_74, %swap3A_75], %swap3A_78 {strides = array<i32>} : memref<25x128xf32, #tpu.memory_space<vmem>>, vector<1x16xf32>,
    %swap3A_79 = arith.constant 1 : i32
    %swap3A_80 = arith.index_cast %swap3A_79 : i32 to index
    %swap3A_81 = arith.constant 80 : index
    %swap3A_82 = tpu.vector_load %arg7[%swap3A_80, %swap3A_81] {strides = array<i32>} : memref<25x128xf32, #tpu.memory_space<vmem>>, vector<1x16xf32>,
    %swap3A_83 = vector.shape_cast %swap3A_82 : vector<1x16xf32> to vector<16xf32>
    %swap3A_84 = vector.shape_cast %broadcast_in_dim3A_1 : vector<16xf32> to vector<1x16xf32>
    tpu.vector_store %arg7[%swap3A_80, %swap3A_81], %swap3A_84 {strides = array<i32>} : memref<25x128xf32, #tpu.memory_space<vmem>>, vector<1x16xf32>,
    %swap3A_85 = arith.constant 1 : i32
    %swap3A_86 = arith.index_cast %swap3A_85 : i32 to index
    %swap3A_87 = arith.constant 96 : index
    %swap3A_88 = tpu.vector_load %arg7[%swap3A_86, %swap3A_87] {strides = array<i32>} : memref<25x128xf32, #tpu.memory_space<vmem>>, vector<1x16xf32>,
    %swap3A_89 = vector.shape_cast %swap3A_88 : vector<1x16xf32> to vector<16xf32>
    %swap3A_90 = vector.shape_cast %broadcast_in_dim3A_1 : vector<16xf32> to vector<1x16xf32>
    tpu.vector_store %arg7[%swap3A_86, %swap3A_87], %swap3A_90 {strides = array<i32>} : memref<25x128xf32, #tpu.memory_space<vmem>>, vector<1x16xf32>,
    %swap3A_91 = arith.constant 1 : i32
    %swap3A_92 = arith.index_cast %swap3A_91 : i32 to index
    %swap3A_93 = arith.constant 112 : index
    %swap3A_94 = tpu.vector_load %arg7[%swap3A_92, %swap3A_93] {strides = array<i32>} : memref<25x128xf32, #tpu.memory_space<vmem>>, vector<1x16xf32>,
    %swap3A_95 = vector.shape_cast %swap3A_94 : vector<1x16xf32> to vector<16xf32>
    %swap3A_96 = vector.shape_cast %broadcast_in_dim3A_1 : vector<16xf32> to vector<1x16xf32>
    tpu.vector_store %arg7[%swap3A_92, %swap3A_93], %swap3A_96 {strides = array<i32>} : memref<25x128xf32, #tpu.memory_space<vmem>>, vector<1x16xf32>,
    %swap3A_97 = arith.constant 2 : i32
    %swap3A_98 = arith.index_cast %swap3A_97 : i32 to index
    %swap3A_99 = arith.constant 0 : index
    %swap3A_100 = tpu.vector_load %arg7[%swap3A_98, %swap3A_99] {strides = array<i32>} : memref<25x128xf32, #tpu.memory_space<vmem>>, vector<1x16xf32>,
    %swap3A_101 = vector.shape_cast %swap3A_100 : vector<1x16xf32> to vector<16xf32>
    %swap3A_102 = vector.shape_cast %broadcast_in_dim3A_1 : vector<16xf32> to vector<1x16xf32>
    tpu.vector_store %arg7[%swap3A_98, %swap3A_99], %swap3A_102 {strides = array<i32>} : memref<25x128xf32, #tpu.memory_space<vmem>>, vector<1x16xf32>,
    %swap3A_103 = arith.constant 2 : i32
    %swap3A_104 = arith.index_cast %swap3A_103 : i32 to index
    %swap3A_105 = arith.constant 16 : index
    %swap3A_106 = tpu.vector_load %arg7[%swap3A_104, %swap3A_105] {strides = array<i32>} : memref<25x128xf32, #tpu.memory_space<vmem>>, vector<1x16xf32>,
    %swap3A_107 = vector.shape_cast %swap3A_106 : vector<1x16xf32> to vector<16xf32>
    %swap3A_108 = vector.shape_cast %broadcast_in_dim3A_1 : vector<16xf32> to vector<1x16xf32>
    tpu.vector_store %arg7[%swap3A_104, %swap3A_105], %swap3A_108 {strides = array<i32>} : memref<25x128xf32, #tpu.memory_space<vmem>>, vector<1x16xf32>,
    %swap3A_109 = arith.constant 2 : i32
    %swap3A_110 = arith.index_cast %swap3A_109 : i32 to index
    %swap3A_111 = arith.constant 32 : index
    %swap3A_112 = tpu.vector_load %arg7[%swap3A_110, %swap3A_111] {strides = array<i32>} : memref<25x128xf32, #tpu.memory_space<vmem>>, vector<1x16xf32>,
    %swap3A_113 = vector.shape_cast %swap3A_112 : vector<1x16xf32> to vector<16xf32>
    %swap3A_114 = vector.shape_cast %broadcast_in_dim3A_1 : vector<16xf32> to vector<1x16xf32>
    tpu.vector_store %arg7[%swap3A_110, %swap3A_111], %swap3A_114 {strides = array<i32>} : memref<25x128xf32, #tpu.memory_space<vmem>>, vector<1x16xf32>,
    %swap3A_115 = arith.constant 2 : i32
    %swap3A_116 = arith.index_cast %swap3A_115 : i32 to index
    %swap3A_117 = arith.constant 48 : index
    %swap3A_118 = tpu.vector_load %arg7[%swap3A_116, %swap3A_117] {strides = array<i32>} : memref<25x128xf32, #tpu.memory_space<vmem>>, vector<1x16xf32>,
    %swap3A_119 = vector.shape_cast %swap3A_118 : vector<1x16xf32> to vector<16xf32>
    %swap3A_120 = vector.shape_cast %broadcast_in_dim3A_1 : vector<16xf32> to vector<1x16xf32>
    tpu.vector_store %arg7[%swap3A_116, %swap3A_117], %swap3A_120 {strides = array<i32>} : memref<25x128xf32, #tpu.memory_space<vmem>>, vector<1x16xf32>,
    %swap3A_121 = arith.constant 2 : i32
    %swap3A_122 = arith.index_cast %swap3A_121 : i32 to index
    %swap3A_123 = arith.constant 64 : index
    %swap3A_124 = tpu.vector_load %arg7[%swap3A_122, %swap3A_123] {strides = array<i32>} : memref<25x128xf32, #tpu.memory_space<vmem>>, vector<1x16xf32>,
    %swap3A_125 = vector.shape_cast %swap3A_124 : vector<1x16xf32> to vector<16xf32>
    %swap3A_126 = vector.shape_cast %broadcast_in_dim3A_1 : vector<16xf32> to vector<1x16xf32>
    tpu.vector_store %arg7[%swap3A_122, %swap3A_123], %swap3A_126 {strides = array<i32>} : memref<25x128xf32, #tpu.memory_space<vmem>>, vector<1x16xf32>,
    %swap3A_127 = arith.constant 2 : i32
    %swap3A_128 = arith.index_cast %swap3A_127 : i32 to index
    %swap3A_129 = arith.constant 80 : index
    %swap3A_130 = tpu.vector_load %arg7[%swap3A_128, %swap3A_129] {strides = array<i32>} : memref<25x128xf32, #tpu.memory_space<vmem>>, vector<1x16xf32>,
    %swap3A_131 = vector.shape_cast %swap3A_130 : vector<1x16xf32> to vector<16xf32>
    %swap3A_132 = vector.shape_cast %broadcast_in_dim3A_1 : vector<16xf32> to vector<1x16xf32>
    tpu.vector_store %arg7[%swap3A_128, %swap3A_129], %swap3A_132 {strides = array<i32>} : memref<25x128xf32, #tpu.memory_space<vmem>>, vector<1x16xf32>,
    %swap3A_133 = arith.constant 2 : i32
    %swap3A_134 = arith.index_cast %swap3A_133 : i32 to index
    %swap3A_135 = arith.constant 96 : index
    %swap3A_136 = tpu.vector_load %arg7[%swap3A_134, %swap3A_135] {strides = array<i32>} : memref<25x128xf32, #tpu.memory_space<vmem>>, vector<1x16xf32>,
    %swap3A_137 = vector.shape_cast %swap3A_136 : vector<1x16xf32> to vector<16xf32>
    %swap3A_138 = vector.shape_cast %broadcast_in_dim3A_1 : vector<16xf32> to vector<1x16xf32>
    tpu.vector_store %arg7[%swap3A_134, %swap3A_135], %swap3A_138 {strides = array<i32>} : memref<25x128xf32, #tpu.memory_space<vmem>>, vector<1x16xf32>,
    %swap3A_139 = arith.constant 2 : i32
    %swap3A_140 = arith.index_cast %swap3A_139 : i32 to index
    %swap3A_141 = arith.constant 112 : index
    %swap3A_142 = tpu.vector_load %arg7[%swap3A_140, %swap3A_141] {strides = array<i32>} : memref<25x128xf32, #tpu.memory_space<vmem>>, vector<1x16xf32>,
    %swap3A_143 = vector.shape_cast %swap3A_142 : vector<1x16xf32> to vector<16xf32>
    %swap3A_144 = vector.shape_cast %broadcast_in_dim3A_1 : vector<16xf32> to vector<1x16xf32>
    tpu.vector_store %arg7[%swap3A_140, %swap3A_141], %swap3A_144 {strides = array<i32>} : memref<25x128xf32, #tpu.memory_space<vmem>>, vector<1x16xf32>,
    %swap3A_145 = arith.constant 3 : i32
    %swap3A_146 = arith.index_cast %swap3A_145 : i32 to index
    %swap3A_147 = arith.constant 0 : index
    %swap3A_148 = tpu.vector_load %arg7[%swap3A_146, %swap3A_147] {strides = array<i32>} : memref<25x128xf32, #tpu.memory_space<vmem>>, vector<1x16xf32>,
    %swap3A_149 = vector.shape_cast %swap3A_148 : vector<1x16xf32> to vector<16xf32>
    %swap3A_150 = vector.shape_cast %broadcast_in_dim3A_1 : vector<16xf32> to vector<1x16xf32>
    tpu.vector_store %arg7[%swap3A_146, %swap3A_147], %swap3A_150 {strides = array<i32>} : memref<25x128xf32, #tpu.memory_space<vmem>>, vector<1x16xf32>,
    %swap3A_151 = arith.constant 3 : i32
    %swap3A_152 = arith.index_cast %swap3A_151 : i32 to index
    %swap3A_153 = arith.constant 16 : index
    %swap3A_154 = tpu.vector_load %arg7[%swap3A_152, %swap3A_153] {strides = array<i32>} : memref<25x128xf32, #tpu.memory_space<vmem>>, vector<1x16xf32>,
    %swap3A_155 = vector.shape_cast %swap3A_154 : vector<1x16xf32> to vector<16xf32>
    %swap3A_156 = vector.shape_cast %broadcast_in_dim3A_1 : vector<16xf32> to vector<1x16xf32>
    tpu.vector_store %arg7[%swap3A_152, %swap3A_153], %swap3A_156 {strides = array<i32>} : memref<25x128xf32, #tpu.memory_space<vmem>>, vector<1x16xf32>,
    %swap3A_157 = arith.constant 3 : i32
    %swap3A_158 = arith.index_cast %swap3A_157 : i32 to index
    %swap3A_159 = arith.constant 32 : index
    %swap3A_160 = tpu.vector_load %arg7[%swap3A_158, %swap3A_159] {strides = array<i32>} : memref<25x128xf32, #tpu.memory_space<vmem>>, vector<1x16xf32>,
    %swap3A_161 = vector.shape_cast %swap3A_160 : vector<1x16xf32> to vector<16xf32>
    %swap3A_162 = vector.shape_cast %broadcast_in_dim3A_1 : vector<16xf32> to vector<1x16xf32>
    tpu.vector_store %arg7[%swap3A_158, %swap3A_159], %swap3A_162 {strides = array<i32>} : memref<25x128xf32, #tpu.memory_space<vmem>>, vector<1x16xf32>,
    %swap3A_163 = arith.constant 3 : i32
    %swap3A_164 = arith.index_cast %swap3A_163 : i32 to index
    %swap3A_165 = arith.constant 48 : index
    %swap3A_166 = tpu.vector_load %arg7[%swap3A_164, %swap3A_165] {strides = array<i32>} : memref<25x128xf32, #tpu.memory_space<vmem>>, vector<1x16xf32>,
    %swap3A_167 = vector.shape_cast %swap3A_166 : vector<1x16xf32> to vector<16xf32>
    %swap3A_168 = vector.shape_cast %broadcast_in_dim3A_1 : vector<16xf32> to vector<1x16xf32>
    tpu.vector_store %arg7[%swap3A_164, %swap3A_165], %swap3A_168 {strides = array<i32>} : memref<25x128xf32, #tpu.memory_space<vmem>>, vector<1x16xf32>,
    %swap3A_169 = arith.constant 3 : i32
    %swap3A_170 = arith.index_cast %swap3A_169 : i32 to index
    %swap3A_171 = arith.constant 64 : index
    %swap3A_172 = tpu.vector_load %arg7[%swap3A_170, %swap3A_171] {strides = array<i32>} : memref<25x128xf32, #tpu.memory_space<vmem>>, vector<1x16xf32>,
    %swap3A_173 = vector.shape_cast %swap3A_172 : vector<1x16xf32> to vector<16xf32>
    %swap3A_174 = vector.shape_cast %broadcast_in_dim3A_1 : vector<16xf32> to vector<1x16xf32>
    tpu.vector_store %arg7[%swap3A_170, %swap3A_171], %swap3A_174 {strides = array<i32>} : memref<25x128xf32, #tpu.memory_space<vmem>>, vector<1x16xf32>,
    %swap3A_175 = arith.constant 3 : i32
    %swap3A_176 = arith.index_cast %swap3A_175 : i32 to index
    %swap3A_177 = arith.constant 80 : index
    %swap3A_178 = tpu.vector_load %arg7[%swap3A_176, %swap3A_177] {strides = array<i32>} : memref<25x128xf32, #tpu.memory_space<vmem>>, vector<1x16xf32>,
    %swap3A_179 = vector.shape_cast %swap3A_178 : vector<1x16xf32> to vector<16xf32>
    %swap3A_180 = vector.shape_cast %broadcast_in_dim3A_1 : vector<16xf32> to vector<1x16xf32>
    tpu.vector_store %arg7[%swap3A_176, %swap3A_177], %swap3A_180 {strides = array<i32>} : memref<25x128xf32, #tpu.memory_space<vmem>>, vector<1x16xf32>,
    %swap3A_181 = arith.constant 3 : i32
    %swap3A_182 = arith.index_cast %swap3A_181 : i32 to index
    %swap3A_183 = arith.constant 96 : index
    %swap3A_184 = tpu.vector_load %arg7[%swap3A_182, %swap3A_183] {strides = array<i32>} : memref<25x128xf32, #tpu.memory_space<vmem>>, vector<1x16xf32>,
    %swap3A_185 = vector.shape_cast %swap3A_184 : vector<1x16xf32> to vector<16xf32>
    %swap3A_186 = vector.shape_cast %broadcast_in_dim3A_1 : vector<16xf32> to vector<1x16xf32>
    tpu.vector_store %arg7[%swap3A_182, %swap3A_183], %swap3A_186 {strides = array<i32>} : memref<25x128xf32, #tpu.memory_space<vmem>>, vector<1x16xf32>,
    %swap3A_187 = arith.constant 3 : i32
    %swap3A_188 = arith.index_cast %swap3A_187 : i32 to index
    %swap3A_189 = arith.constant 112 : index
    %swap3A_190 = tpu.vector_load %arg7[%swap3A_188, %swap3A_189] {strides = array<i32>} : memref<25x128xf32, #tpu.memory_space<vmem>>, vector<1x16xf32>,
    %swap3A_191 = vector.shape_cast %swap3A_190 : vector<1x16xf32> to vector<16xf32>
    %swap3A_192 = vector.shape_cast %broadcast_in_dim3A_1 : vector<16xf32> to vector<1x16xf32>
    tpu.vector_store %arg7[%swap3A_188, %swap3A_189], %swap3A_192 {strides = array<i32>} : memref<25x128xf32, #tpu.memory_space<vmem>>, vector<1x16xf32>,
    %swap3A_193 = arith.constant 4 : i32
    %swap3A_194 = arith.index_cast %swap3A_193 : i32 to index
    %swap3A_195 = arith.constant 0 : index
    %swap3A_196 = tpu.vector_load %arg7[%swap3A_194, %swap3A_195] {strides = array<i32>} : memref<25x128xf32, #tpu.memory_space<vmem>>, vector<1x16xf32>,
    %swap3A_197 = vector.shape_cast %swap3A_196 : vector<1x16xf32> to vector<16xf32>
    %swap3A_198 = vector.shape_cast %broadcast_in_dim3A_1 : vector<16xf32> to vector<1x16xf32>
    tpu.vector_store %arg7[%swap3A_194, %swap3A_195], %swap3A_198 {strides = array<i32>} : memref<25x128xf32, #tpu.memory_space<vmem>>, vector<1x16xf32>,
    %swap3A_199 = arith.constant 4 : i32
    %swap3A_200 = arith.index_cast %swap3A_199 : i32 to index
    %swap3A_201 = arith.constant 16 : index
    %swap3A_202 = tpu.vector_load %arg7[%swap3A_200, %swap3A_201] {strides = array<i32>} : memref<25x128xf32, #tpu.memory_space<vmem>>, vector<1x16xf32>,
    %swap3A_203 = vector.shape_cast %swap3A_202 : vector<1x16xf32> to vector<16xf32>
    %swap3A_204 = vector.shape_cast %broadcast_in_dim3A_1 : vector<16xf32> to vector<1x16xf32>
    tpu.vector_store %arg7[%swap3A_200, %swap3A_201], %swap3A_204 {strides = array<i32>} : memref<25x128xf32, #tpu.memory_space<vmem>>, vector<1x16xf32>,
    %swap3A_205 = arith.constant 4 : i32
    %swap3A_206 = arith.index_cast %swap3A_205 : i32 to index
    %swap3A_207 = arith.constant 32 : index
    %swap3A_208 = tpu.vector_load %arg7[%swap3A_206, %swap3A_207] {strides = array<i32>} : memref<25x128xf32, #tpu.memory_space<vmem>>, vector<1x16xf32>,
    %swap3A_209 = vector.shape_cast %swap3A_208 : vector<1x16xf32> to vector<16xf32>
    %swap3A_210 = vector.shape_cast %broadcast_in_dim3A_1 : vector<16xf32> to vector<1x16xf32>
    tpu.vector_store %arg7[%swap3A_206, %swap3A_207], %swap3A_210 {strides = array<i32>} : memref<25x128xf32, #tpu.memory_space<vmem>>, vector<1x16xf32>,
    %swap3A_211 = arith.constant 4 : i32
    %swap3A_212 = arith.index_cast %swap3A_211 : i32 to index
    %swap3A_213 = arith.constant 48 : index
    %swap3A_214 = tpu.vector_load %arg7[%swap3A_212, %swap3A_213] {strides = array<i32>} : memref<25x128xf32, #tpu.memory_space<vmem>>, vector<1x16xf32>,
    %swap3A_215 = vector.shape_cast %swap3A_214 : vector<1x16xf32> to vector<16xf32>
    %swap3A_216 = vector.shape_cast %broadcast_in_dim3A_1 : vector<16xf32> to vector<1x16xf32>
    tpu.vector_store %arg7[%swap3A_212, %swap3A_213], %swap3A_216 {strides = array<i32>} : memref<25x128xf32, #tpu.memory_space<vmem>>, vector<1x16xf32>,
    %swap3A_217 = arith.constant 4 : i32
    %swap3A_218 = arith.index_cast %swap3A_217 : i32 to index
    %swap3A_219 = arith.constant 64 : index
    %swap3A_220 = tpu.vector_load %arg7[%swap3A_218, %swap3A_219] {strides = array<i32>} : memref<25x128xf32, #tpu.memory_space<vmem>>, vector<1x16xf32>,
    %swap3A_221 = vector.shape_cast %swap3A_220 : vector<1x16xf32> to vector<16xf32>
    %swap3A_222 = vector.shape_cast %broadcast_in_dim3A_1 : vector<16xf32> to vector<1x16xf32>
    tpu.vector_store %arg7[%swap3A_218, %swap3A_219], %swap3A_222 {strides = array<i32>} : memref<25x128xf32, #tpu.memory_space<vmem>>, vector<1x16xf32>,
    %swap3A_223 = arith.constant 4 : i32
    %swap3A_224 = arith.index_cast %swap3A_223 : i32 to index
    %swap3A_225 = arith.constant 80 : index
    %swap3A_226 = tpu.vector_load %arg7[%swap3A_224, %swap3A_225] {strides = array<i32>} : memref<25x128xf32, #tpu.memory_space<vmem>>, vector<1x16xf32>,
    %swap3A_227 = vector.shape_cast %swap3A_226 : vector<1x16xf32> to vector<16xf32>
    %swap3A_228 = vector.shape_cast %broadcast_in_dim3A_1 : vector<16xf32> to vector<1x16xf32>
    tpu.vector_store %arg7[%swap3A_224, %swap3A_225], %swap3A_228 {strides = array<i32>} : memref<25x128xf32, #tpu.memory_space<vmem>>, vector<1x16xf32>,
    %swap3A_229 = arith.constant 4 : i32
    %swap3A_230 = arith.index_cast %swap3A_229 : i32 to index
    %swap3A_231 = arith.constant 96 : index
    %swap3A_232 = tpu.vector_load %arg7[%swap3A_230, %swap3A_231] {strides = array<i32>} : memref<25x128xf32, #tpu.memory_space<vmem>>, vector<1x16xf32>,
    %swap3A_233 = vector.shape_cast %swap3A_232 : vector<1x16xf32> to vector<16xf32>
    %swap3A_234 = vector.shape_cast %broadcast_in_dim3A_1 : vector<16xf32> to vector<1x16xf32>
    tpu.vector_store %arg7[%swap3A_230, %swap3A_231], %swap3A_234 {strides = array<i32>} : memref<25x128xf32, #tpu.memory_space<vmem>>, vector<1x16xf32>,
    %swap3A_235 = arith.constant 4 : i32
    %swap3A_236 = arith.index_cast %swap3A_235 : i32 to index
    %swap3A_237 = arith.constant 112 : index
    %swap3A_238 = tpu.vector_load %arg7[%swap3A_236, %swap3A_237] {strides = array<i32>} : memref<25x128xf32, #tpu.memory_space<vmem>>, vector<1x16xf32>,
    %swap3A_239 = vector.shape_cast %swap3A_238 : vector<1x16xf32> to vector<16xf32>
    %swap3A_240 = vector.shape_cast %broadcast_in_dim3A_1 : vector<16xf32> to vector<1x16xf32>
    tpu.vector_store %arg7[%swap3A_236, %swap3A_237], %swap3A_240 {strides = array<i32>} : memref<25x128xf32, #tpu.memory_space<vmem>>, vector<1x16xf32>,
    %swap3A_241 = arith.constant 5 : i32
    %swap3A_242 = arith.index_cast %swap3A_241 : i32 to index
    %swap3A_243 = arith.constant 0 : index
    %swap3A_244 = tpu.vector_load %arg7[%swap3A_242, %swap3A_243] {strides = array<i32>} : memref<25x128xf32, #tpu.memory_space<vmem>>, vector<1x16xf32>,
    %swap3A_245 = vector.shape_cast %swap3A_244 : vector<1x16xf32> to vector<16xf32>
    %swap3A_246 = vector.shape_cast %broadcast_in_dim3A_1 : vector<16xf32> to vector<1x16xf32>
    tpu.vector_store %arg7[%swap3A_242, %swap3A_243], %swap3A_246 {strides = array<i32>} : memref<25x128xf32, #tpu.memory_space<vmem>>, vector<1x16xf32>,
    %swap3A_247 = arith.constant 5 : i32
    %swap3A_248 = arith.index_cast %swap3A_247 : i32 to index
    %swap3A_249 = arith.constant 16 : index
    %swap3A_250 = tpu.vector_load %arg7[%swap3A_248, %swap3A_249] {strides = array<i32>} : memref<25x128xf32, #tpu.memory_space<vmem>>, vector<1x16xf32>,
    %swap3A_251 = vector.shape_cast %swap3A_250 : vector<1x16xf32> to vector<16xf32>
    %swap3A_252 = vector.shape_cast %broadcast_in_dim3A_1 : vector<16xf32> to vector<1x16xf32>
    tpu.vector_store %arg7[%swap3A_248, %swap3A_249], %swap3A_252 {strides = array<i32>} : memref<25x128xf32, #tpu.memory_space<vmem>>, vector<1x16xf32>,
    %swap3A_253 = arith.constant 5 : i32
    %swap3A_254 = arith.index_cast %swap3A_253 : i32 to index
    %swap3A_255 = arith.constant 32 : index
    %swap3A_256 = tpu.vector_load %arg7[%swap3A_254, %swap3A_255] {strides = array<i32>} : memref<25x128xf32, #tpu.memory_space<vmem>>, vector<1x16xf32>,
    %swap3A_257 = vector.shape_cast %swap3A_256 : vector<1x16xf32> to vector<16xf32>
    %swap3A_258 = vector.shape_cast %broadcast_in_dim3A_1 : vector<16xf32> to vector<1x16xf32>
    tpu.vector_store %arg7[%swap3A_254, %swap3A_255], %swap3A_258 {strides = array<i32>} : memref<25x128xf32, #tpu.memory_space<vmem>>, vector<1x16xf32>,
    %swap3A_259 = arith.constant 5 : i32
    %swap3A_260 = arith.index_cast %swap3A_259 : i32 to index
    %swap3A_261 = arith.constant 48 : index
    %swap3A_262 = tpu.vector_load %arg7[%swap3A_260, %swap3A_261] {strides = array<i32>} : memref<25x128xf32, #tpu.memory_space<vmem>>, vector<1x16xf32>,
    %swap3A_263 = vector.shape_cast %swap3A_262 : vector<1x16xf32> to vector<16xf32>
    %swap3A_264 = vector.shape_cast %broadcast_in_dim3A_1 : vector<16xf32> to vector<1x16xf32>
    tpu.vector_store %arg7[%swap3A_260, %swap3A_261], %swap3A_264 {strides = array<i32>} : memref<25x128xf32, #tpu.memory_space<vmem>>, vector<1x16xf32>,
    %swap3A_265 = arith.constant 5 : i32
    %swap3A_266 = arith.index_cast %swap3A_265 : i32 to index
    %swap3A_267 = arith.constant 64 : index
    %swap3A_268 = tpu.vector_load %arg7[%swap3A_266, %swap3A_267] {strides = array<i32>} : memref<25x128xf32, #tpu.memory_space<vmem>>, vector<1x16xf32>,
    %swap3A_269 = vector.shape_cast %swap3A_268 : vector<1x16xf32> to vector<16xf32>
    %swap3A_270 = vector.shape_cast %broadcast_in_dim3A_1 : vector<16xf32> to vector<1x16xf32>
    tpu.vector_store %arg7[%swap3A_266, %swap3A_267], %swap3A_270 {strides = array<i32>} : memref<25x128xf32, #tpu.memory_space<vmem>>, vector<1x16xf32>,
    %swap3A_271 = arith.constant 5 : i32
    %swap3A_272 = arith.index_cast %swap3A_271 : i32 to index
    %swap3A_273 = arith.constant 80 : index
    %swap3A_274 = tpu.vector_load %arg7[%swap3A_272, %swap3A_273] {strides = array<i32>} : memref<25x128xf32, #tpu.memory_space<vmem>>, vector<1x16xf32>,
    %swap3A_275 = vector.shape_cast %swap3A_274 : vector<1x16xf32> to vector<16xf32>
    %swap3A_276 = vector.shape_cast %broadcast_in_dim3A_1 : vector<16xf32> to vector<1x16xf32>
    tpu.vector_store %arg7[%swap3A_272, %swap3A_273], %swap3A_276 {strides = array<i32>} : memref<25x128xf32, #tpu.memory_space<vmem>>, vector<1x16xf32>,
    %swap3A_277 = arith.constant 5 : i32
    %swap3A_278 = arith.index_cast %swap3A_277 : i32 to index
    %swap3A_279 = arith.constant 96 : index
    %swap3A_280 = tpu.vector_load %arg7[%swap3A_278, %swap3A_279] {strides = array<i32>} : memref<25x128xf32, #tpu.memory_space<vmem>>, vector<1x16xf32>,
    %swap3A_281 = vector.shape_cast %swap3A_280 : vector<1x16xf32> to vector<16xf32>
    %swap3A_282 = vector.shape_cast %broadcast_in_dim3A_1 : vector<16xf32> to vector<1x16xf32>
    tpu.vector_store %arg7[%swap3A_278, %swap3A_279], %swap3A_282 {strides = array<i32>} : memref<25x128xf32, #tpu.memory_space<vmem>>, vector<1x16xf32>,
    %swap3A_283 = arith.constant 5 : i32
    %swap3A_284 = arith.index_cast %swap3A_283 : i32 to index
    %swap3A_285 = arith.constant 112 : index
    %swap3A_286 = tpu.vector_load %arg7[%swap3A_284, %swap3A_285] {strides = array<i32>} : memref<25x128xf32, #tpu.memory_space<vmem>>, vector<1x16xf32>,
    %swap3A_287 = vector.shape_cast %swap3A_286 : vector<1x16xf32> to vector<16xf32>
    %swap3A_288 = vector.shape_cast %broadcast_in_dim3A_1 : vector<16xf32> to vector<1x16xf32>
    tpu.vector_store %arg7[%swap3A_284, %swap3A_285], %swap3A_288 {strides = array<i32>} : memref<25x128xf32, #tpu.memory_space<vmem>>, vector<1x16xf32>,
    %swap3A_289 = arith.constant 6 : i32
    %swap3A_290 = arith.index_cast %swap3A_289 : i32 to index
    %swap3A_291 = arith.constant 0 : index
    %swap3A_292 = tpu.vector_load %arg7[%swap3A_290, %swap3A_291] {strides = array<i32>} : memref<25x128xf32, #tpu.memory_space<vmem>>, vector<1x16xf32>,
    %swap3A_293 = vector.shape_cast %swap3A_292 : vector<1x16xf32> to vector<16xf32>
    %swap3A_294 = vector.shape_cast %broadcast_in_dim3A_1 : vector<16xf32> to vector<1x16xf32>
    tpu.vector_store %arg7[%swap3A_290, %swap3A_291], %swap3A_294 {strides = array<i32>} : memref<25x128xf32, #tpu.memory_space<vmem>>, vector<1x16xf32>,
    %swap3A_295 = arith.constant 6 : i32
    %swap3A_296 = arith.index_cast %swap3A_295 : i32 to index
    %swap3A_297 = arith.constant 16 : index
    %swap3A_298 = tpu.vector_load %arg7[%swap3A_296, %swap3A_297] {strides = array<i32>} : memref<25x128xf32, #tpu.memory_space<vmem>>, vector<1x16xf32>,
    %swap3A_299 = vector.shape_cast %swap3A_298 : vector<1x16xf32> to vector<16xf32>
    %swap3A_300 = vector.shape_cast %broadcast_in_dim3A_1 : vector<16xf32> to vector<1x16xf32>
    tpu.vector_store %arg7[%swap3A_296, %swap3A_297], %swap3A_300 {strides = array<i32>} : memref<25x128xf32, #tpu.memory_space<vmem>>, vector<1x16xf32>,
    %swap3A_301 = arith.constant 6 : i32
    %swap3A_302 = arith.index_cast %swap3A_301 : i32 to index
    %swap3A_303 = arith.constant 32 : index
    %swap3A_304 = tpu.vector_load %arg7[%swap3A_302, %swap3A_303] {strides = array<i32>} : memref<25x128xf32, #tpu.memory_space<vmem>>, vector<1x16xf32>,
    %swap3A_305 = vector.shape_cast %swap3A_304 : vector<1x16xf32> to vector<16xf32>
    %swap3A_306 = vector.shape_cast %broadcast_in_dim3A_1 : vector<16xf32> to vector<1x16xf32>
    tpu.vector_store %arg7[%swap3A_302, %swap3A_303], %swap3A_306 {strides = array<i32>} : memref<25x128xf32, #tpu.memory_space<vmem>>, vector<1x16xf32>,
    %swap3A_307 = arith.constant 6 : i32
    %swap3A_308 = arith.index_cast %swap3A_307 : i32 to index
    %swap3A_309 = arith.constant 48 : index
    %swap3A_310 = tpu.vector_load %arg7[%swap3A_308, %swap3A_309] {strides = array<i32>} : memref<25x128xf32, #tpu.memory_space<vmem>>, vector<1x16xf32>,
    %swap3A_311 = vector.shape_cast %swap3A_310 : vector<1x16xf32> to vector<16xf32>
    %swap3A_312 = vector.shape_cast %broadcast_in_dim3A_1 : vector<16xf32> to vector<1x16xf32>
    tpu.vector_store %arg7[%swap3A_308, %swap3A_309], %swap3A_312 {strides = array<i32>} : memref<25x128xf32, #tpu.memory_space<vmem>>, vector<1x16xf32>,
    %swap3A_313 = arith.constant 6 : i32
    %swap3A_314 = arith.index_cast %swap3A_313 : i32 to index
    %swap3A_315 = arith.constant 64 : index
    %swap3A_316 = tpu.vector_load %arg7[%swap3A_314, %swap3A_315] {strides = array<i32>} : memref<25x128xf32, #tpu.memory_space<vmem>>, vector<1x16xf32>,
    %swap3A_317 = vector.shape_cast %swap3A_316 : vector<1x16xf32> to vector<16xf32>
    %swap3A_318 = vector.shape_cast %broadcast_in_dim3A_1 : vector<16xf32> to vector<1x16xf32>
    tpu.vector_store %arg7[%swap3A_314, %swap3A_315], %swap3A_318 {strides = array<i32>} : memref<25x128xf32, #tpu.memory_space<vmem>>, vector<1x16xf32>,
    %swap3A_319 = arith.constant 6 : i32
    %swap3A_320 = arith.index_cast %swap3A_319 : i32 to index
    %swap3A_321 = arith.constant 80 : index
    %swap3A_322 = tpu.vector_load %arg7[%swap3A_320, %swap3A_321] {strides = array<i32>} : memref<25x128xf32, #tpu.memory_space<vmem>>, vector<1x16xf32>,
    %swap3A_323 = vector.shape_cast %swap3A_322 : vector<1x16xf32> to vector<16xf32>
    %swap3A_324 = vector.shape_cast %broadcast_in_dim3A_1 : vector<16xf32> to vector<1x16xf32>
    tpu.vector_store %arg7[%swap3A_320, %swap3A_321], %swap3A_324 {strides = array<i32>} : memref<25x128xf32, #tpu.memory_space<vmem>>, vector<1x16xf32>,
    %swap3A_325 = arith.constant 6 : i32
    %swap3A_326 = arith.index_cast %swap3A_325 : i32 to index
    %swap3A_327 = arith.constant 96 : index
    %swap3A_328 = tpu.vector_load %arg7[%swap3A_326, %swap3A_327] {strides = array<i32>} : memref<25x128xf32, #tpu.memory_space<vmem>>, vector<1x16xf32>,
    %swap3A_329 = vector.shape_cast %swap3A_328 : vector<1x16xf32> to vector<16xf32>
    %swap3A_330 = vector.shape_cast %broadcast_in_dim3A_1 : vector<16xf32> to vector<1x16xf32>
    tpu.vector_store %arg7[%swap3A_326, %swap3A_327], %swap3A_330 {strides = array<i32>} : memref<25x128xf32, #tpu.memory_space<vmem>>, vector<1x16xf32>,
    %swap3A_331 = arith.constant 6 : i32
    %swap3A_332 = arith.index_cast %swap3A_331 : i32 to index
    %swap3A_333 = arith.constant 112 : index
    %swap3A_334 = tpu.vector_load %arg7[%swap3A_332, %swap3A_333] {strides = array<i32>} : memref<25x128xf32, #tpu.memory_space<vmem>>, vector<1x16xf32>,
    %swap3A_335 = vector.shape_cast %swap3A_334 : vector<1x16xf32> to vector<16xf32>
    %swap3A_336 = vector.shape_cast %broadcast_in_dim3A_1 : vector<16xf32> to vector<1x16xf32>
    tpu.vector_store %arg7[%swap3A_332, %swap3A_333], %swap3A_336 {strides = array<i32>} : memref<25x128xf32, #tpu.memory_space<vmem>>, vector<1x16xf32>,
    %swap3A_337 = arith.constant 7 : i32
    %swap3A_338 = arith.index_cast %swap3A_337 : i32 to index
    %swap3A_339 = arith.constant 0 : index
    %swap3A_340 = tpu.vector_load %arg7[%swap3A_338, %swap3A_339] {strides = array<i32>} : memref<25x128xf32, #tpu.memory_space<vmem>>, vector<1x16xf32>,
    %swap3A_341 = vector.shape_cast %swap3A_340 : vector<1x16xf32> to vector<16xf32>
    %swap3A_342 = vector.shape_cast %broadcast_in_dim3A_1 : vector<16xf32> to vector<1x16xf32>
    tpu.vector_store %arg7[%swap3A_338, %swap3A_339], %swap3A_342 {strides = array<i32>} : memref<25x128xf32, #tpu.memory_space<vmem>>, vector<1x16xf32>,
    %swap3A_343 = arith.constant 7 : i32
    %swap3A_344 = arith.index_cast %swap3A_343 : i32 to index
    %swap3A_345 = arith.constant 16 : index
    %swap3A_346 = tpu.vector_load %arg7[%swap3A_344, %swap3A_345] {strides = array<i32>} : memref<25x128xf32, #tpu.memory_space<vmem>>, vector<1x16xf32>,
    %swap3A_347 = vector.shape_cast %swap3A_346 : vector<1x16xf32> to vector<16xf32>
    %swap3A_348 = vector.shape_cast %broadcast_in_dim3A_1 : vector<16xf32> to vector<1x16xf32>
    tpu.vector_store %arg7[%swap3A_344, %swap3A_345], %swap3A_348 {strides = array<i32>} : memref<25x128xf32, #tpu.memory_space<vmem>>, vector<1x16xf32>,
    %swap3A_349 = arith.constant 7 : i32
    %swap3A_350 = arith.index_cast %swap3A_349 : i32 to index
    %swap3A_351 = arith.constant 32 : index
    %swap3A_352 = tpu.vector_load %arg7[%swap3A_350, %swap3A_351] {strides = array<i32>} : memref<25x128xf32, #tpu.memory_space<vmem>>, vector<1x16xf32>,
    %swap3A_353 = vector.shape_cast %swap3A_352 : vector<1x16xf32> to vector<16xf32>
    %swap3A_354 = vector.shape_cast %broadcast_in_dim3A_1 : vector<16xf32> to vector<1x16xf32>
    tpu.vector_store %arg7[%swap3A_350, %swap3A_351], %swap3A_354 {strides = array<i32>} : memref<25x128xf32, #tpu.memory_space<vmem>>, vector<1x16xf32>,
    %swap3A_355 = arith.constant 7 : i32
    %swap3A_356 = arith.index_cast %swap3A_355 : i32 to index
    %swap3A_357 = arith.constant 48 : index
    %swap3A_358 = tpu.vector_load %arg7[%swap3A_356, %swap3A_357] {strides = array<i32>} : memref<25x128xf32, #tpu.memory_space<vmem>>, vector<1x16xf32>,
    %swap3A_359 = vector.shape_cast %swap3A_358 : vector<1x16xf32> to vector<16xf32>
    %swap3A_360 = vector.shape_cast %broadcast_in_dim3A_1 : vector<16xf32> to vector<1x16xf32>
    tpu.vector_store %arg7[%swap3A_356, %swap3A_357], %swap3A_360 {strides = array<i32>} : memref<25x128xf32, #tpu.memory_space<vmem>>, vector<1x16xf32>,
    %swap3A_361 = arith.constant 7 : i32
    %swap3A_362 = arith.index_cast %swap3A_361 : i32 to index
    %swap3A_363 = arith.constant 64 : index
    %swap3A_364 = tpu.vector_load %arg7[%swap3A_362, %swap3A_363] {strides = array<i32>} : memref<25x128xf32, #tpu.memory_space<vmem>>, vector<1x16xf32>,
    %swap3A_365 = vector.shape_cast %swap3A_364 : vector<1x16xf32> to vector<16xf32>
    %swap3A_366 = vector.shape_cast %broadcast_in_dim3A_1 : vector<16xf32> to vector<1x16xf32>
    tpu.vector_store %arg7[%swap3A_362, %swap3A_363], %swap3A_366 {strides = array<i32>} : memref<25x128xf32, #tpu.memory_space<vmem>>, vector<1x16xf32>,
    %swap3A_367 = arith.constant 7 : i32
    %swap3A_368 = arith.index_cast %swap3A_367 : i32 to index
    %swap3A_369 = arith.constant 80 : index
    %swap3A_370 = tpu.vector_load %arg7[%swap3A_368, %swap3A_369] {strides = array<i32>} : memref<25x128xf32, #tpu.memory_space<vmem>>, vector<1x16xf32>,
    %swap3A_371 = vector.shape_cast %swap3A_370 : vector<1x16xf32> to vector<16xf32>
    %swap3A_372 = vector.shape_cast %broadcast_in_dim3A_1 : vector<16xf32> to vector<1x16xf32>
    tpu.vector_store %arg7[%swap3A_368, %swap3A_369], %swap3A_372 {strides = array<i32>} : memref<25x128xf32, #tpu.memory_space<vmem>>, vector<1x16xf32>,
    %swap3A_373 = arith.constant 7 : i32
    %swap3A_374 = arith.index_cast %swap3A_373 : i32 to index
    %swap3A_375 = arith.constant 96 : index
    %swap3A_376 = tpu.vector_load %arg7[%swap3A_374, %swap3A_375] {strides = array<i32>} : memref<25x128xf32, #tpu.memory_space<vmem>>, vector<1x16xf32>,
    %swap3A_377 = vector.shape_cast %swap3A_376 : vector<1x16xf32> to vector<16xf32>
    %swap3A_378 = vector.shape_cast %broadcast_in_dim3A_1 : vector<16xf32> to vector<1x16xf32>
    tpu.vector_store %arg7[%swap3A_374, %swap3A_375], %swap3A_378 {strides = array<i32>} : memref<25x128xf32, #tpu.memory_space<vmem>>, vector<1x16xf32>,
    %swap3A_379 = arith.constant 7 : i32
    %swap3A_380 = arith.index_cast %swap3A_379 : i32 to index
    %swap3A_381 = arith.constant 112 : index
    %swap3A_382 = tpu.vector_load %arg7[%swap3A_380, %swap3A_381] {strides = array<i32>} : memref<25x128xf32, #tpu.memory_space<vmem>>, vector<1x16xf32>,
    %swap3A_383 = vector.shape_cast %swap3A_382 : vector<1x16xf32> to vector<16xf32>
    %swap3A_384 = vector.shape_cast %broadcast_in_dim3A_1 : vector<16xf32> to vector<1x16xf32>
    tpu.vector_store %arg7[%swap3A_380, %swap3A_381], %swap3A_384 {strides = array<i32>} : memref<25x128xf32, #tpu.memory_space<vmem>>, vector<1x16xf32>,
    %swap3A_385 = arith.constant 8 : i32
    %swap3A_386 = arith.index_cast %swap3A_385 : i32 to index
    %swap3A_387 = arith.constant 0 : index
    %swap3A_388 = tpu.vector_load %arg7[%swap3A_386, %swap3A_387] {strides = array<i32>} : memref<25x128xf32, #tpu.memory_space<vmem>>, vector<1x16xf32>,
    %swap3A_389 = vector.shape_cast %swap3A_388 : vector<1x16xf32> to vector<16xf32>
    %swap3A_390 = vector.shape_cast %broadcast_in_dim3A_1 : vector<16xf32> to vector<1x16xf32>
    tpu.vector_store %arg7[%swap3A_386, %swap3A_387], %swap3A_390 {strides = array<i32>} : memref<25x128xf32, #tpu.memory_space<vmem>>, vector<1x16xf32>,
    %swap3A_391 = arith.constant 8 : i32
    %swap3A_392 = arith.index_cast %swap3A_391 : i32 to index
    %swap3A_393 = arith.constant 16 : index
    %swap3A_394 = tpu.vector_load %arg7[%swap3A_392, %swap3A_393] {strides = array<i32>} : memref<25x128xf32, #tpu.memory_space<vmem>>, vector<1x16xf32>,
    %swap3A_395 = vector.shape_cast %swap3A_394 : vector<1x16xf32> to vector<16xf32>
    %swap3A_396 = vector.shape_cast %broadcast_in_dim3A_1 : vector<16xf32> to vector<1x16xf32>
    tpu.vector_store %arg7[%swap3A_392, %swap3A_393], %swap3A_396 {strides = array<i32>} : memref<25x128xf32, #tpu.memory_space<vmem>>, vector<1x16xf32>,
    %swap3A_397 = arith.constant 8 : i32
    %swap3A_398 = arith.index_cast %swap3A_397 : i32 to index
    %swap3A_399 = arith.constant 32 : index
    %swap3A_400 = tpu.vector_load %arg7[%swap3A_398, %swap3A_399] {strides = array<i32>} : memref<25x128xf32, #tpu.memory_space<vmem>>, vector<1x16xf32>,
    %swap3A_401 = vector.shape_cast %swap3A_400 : vector<1x16xf32> to vector<16xf32>
    %swap3A_402 = vector.shape_cast %broadcast_in_dim3A_1 : vector<16xf32> to vector<1x16xf32>
    tpu.vector_store %arg7[%swap3A_398, %swap3A_399], %swap3A_402 {strides = array<i32>} : memref<25x128xf32, #tpu.memory_space<vmem>>, vector<1x16xf32>,
    %swap3A_403 = arith.constant 8 : i32
    %swap3A_404 = arith.index_cast %swap3A_403 : i32 to index
    %swap3A_405 = arith.constant 48 : index
    %swap3A_406 = tpu.vector_load %arg7[%swap3A_404, %swap3A_405] {strides = array<i32>} : memref<25x128xf32, #tpu.memory_space<vmem>>, vector<1x16xf32>,
    %swap3A_407 = vector.shape_cast %swap3A_406 : vector<1x16xf32> to vector<16xf32>
    %swap3A_408 = vector.shape_cast %broadcast_in_dim3A_1 : vector<16xf32> to vector<1x16xf32>
    tpu.vector_store %arg7[%swap3A_404, %swap3A_405], %swap3A_408 {strides = array<i32>} : memref<25x128xf32, #tpu.memory_space<vmem>>, vector<1x16xf32>,
    %swap3A_409 = arith.constant 8 : i32
    %swap3A_410 = arith.index_cast %swap3A_409 : i32 to index
    %swap3A_411 = arith.constant 64 : index
    %swap3A_412 = tpu.vector_load %arg7[%swap3A_410, %swap3A_411] {strides = array<i32>} : memref<25x128xf32, #tpu.memory_space<vmem>>, vector<1x16xf32>,
    %swap3A_413 = vector.shape_cast %swap3A_412 : vector<1x16xf32> to vector<16xf32>
    %swap3A_414 = vector.shape_cast %broadcast_in_dim3A_1 : vector<16xf32> to vector<1x16xf32>
    tpu.vector_store %arg7[%swap3A_410, %swap3A_411], %swap3A_414 {strides = array<i32>} : memref<25x128xf32, #tpu.memory_space<vmem>>, vector<1x16xf32>,
    %swap3A_415 = arith.constant 8 : i32
    %swap3A_416 = arith.index_cast %swap3A_415 : i32 to index
    %swap3A_417 = arith.constant 80 : index
    %swap3A_418 = tpu.vector_load %arg7[%swap3A_416, %swap3A_417] {strides = array<i32>} : memref<25x128xf32, #tpu.memory_space<vmem>>, vector<1x16xf32>,
    %swap3A_419 = vector.shape_cast %swap3A_418 : vector<1x16xf32> to vector<16xf32>
    %swap3A_420 = vector.shape_cast %broadcast_in_dim3A_1 : vector<16xf32> to vector<1x16xf32>
    tpu.vector_store %arg7[%swap3A_416, %swap3A_417], %swap3A_420 {strides = array<i32>} : memref<25x128xf32, #tpu.memory_space<vmem>>, vector<1x16xf32>,
    %swap3A_421 = arith.constant 8 : i32
    %swap3A_422 = arith.index_cast %swap3A_421 : i32 to index
    %swap3A_423 = arith.constant 96 : index
    %swap3A_424 = tpu.vector_load %arg7[%swap3A_422, %swap3A_423] {strides = array<i32>} : memref<25x128xf32, #tpu.memory_space<vmem>>, vector<1x16xf32>,
    %swap3A_425 = vector.shape_cast %swap3A_424 : vector<1x16xf32> to vector<16xf32>
    %swap3A_426 = vector.shape_cast %broadcast_in_dim3A_1 : vector<16xf32> to vector<1x16xf32>
    tpu.vector_store %arg7[%swap3A_422, %swap3A_423], %swap3A_426 {strides = array<i32>} : memref<25x128xf32, #tpu.memory_space<vmem>>, vector<1x16xf32>,
    %swap3A_427 = arith.constant 8 : i32
    %swap3A_428 = arith.index_cast %swap3A_427 : i32 to index
    %swap3A_429 = arith.constant 112 : index
    %swap3A_430 = tpu.vector_load %arg7[%swap3A_428, %swap3A_429] {strides = array<i32>} : memref<25x128xf32, #tpu.memory_space<vmem>>, vector<1x16xf32>,
    %swap3A_431 = vector.shape_cast %swap3A_430 : vector<1x16xf32> to vector<16xf32>
    %swap3A_432 = vector.shape_cast %broadcast_in_dim3A_1 : vector<16xf32> to vector<1x16xf32>
    tpu.vector_store %arg7[%swap3A_428, %swap3A_429], %swap3A_432 {strides = array<i32>} : memref<25x128xf32, #tpu.memory_space<vmem>>, vector<1x16xf32>,
    %swap3A_433 = arith.constant 9 : i32
    %swap3A_434 = arith.index_cast %swap3A_433 : i32 to index
    %swap3A_435 = arith.constant 0 : index
    %swap3A_436 = tpu.vector_load %arg7[%swap3A_434, %swap3A_435] {strides = array<i32>} : memref<25x128xf32, #tpu.memory_space<vmem>>, vector<1x16xf32>,
    %swap3A_437 = vector.shape_cast %swap3A_436 : vector<1x16xf32> to vector<16xf32>
    %swap3A_438 = vector.shape_cast %broadcast_in_dim3A_1 : vector<16xf32> to vector<1x16xf32>
    tpu.vector_store %arg7[%swap3A_434, %swap3A_435], %swap3A_438 {strides = array<i32>} : memref<25x128xf32, #tpu.memory_space<vmem>>, vector<1x16xf32>,
    %swap3A_439 = arith.constant 9 : i32
    %swap3A_440 = arith.index_cast %swap3A_439 : i32 to index
    %swap3A_441 = arith.constant 16 : index
    %swap3A_442 = tpu.vector_load %arg7[%swap3A_440, %swap3A_441] {strides = array<i32>} : memref<25x128xf32, #tpu.memory_space<vmem>>, vector<1x16xf32>,
    %swap3A_443 = vector.shape_cast %swap3A_442 : vector<1x16xf32> to vector<16xf32>
    %swap3A_444 = vector.shape_cast %broadcast_in_dim3A_1 : vector<16xf32> to vector<1x16xf32>
    tpu.vector_store %arg7[%swap3A_440, %swap3A_441], %swap3A_444 {strides = array<i32>} : memref<25x128xf32, #tpu.memory_space<vmem>>, vector<1x16xf32>,
    %swap3A_445 = arith.constant 9 : i32
    %swap3A_446 = arith.index_cast %swap3A_445 : i32 to index
    %swap3A_447 = arith.constant 32 : index
    %swap3A_448 = tpu.vector_load %arg7[%swap3A_446, %swap3A_447] {strides = array<i32>} : memref<25x128xf32, #tpu.memory_space<vmem>>, vector<1x16xf32>,
    %swap3A_449 = vector.shape_cast %swap3A_448 : vector<1x16xf32> to vector<16xf32>
    %swap3A_450 = vector.shape_cast %broadcast_in_dim3A_1 : vector<16xf32> to vector<1x16xf32>
    tpu.vector_store %arg7[%swap3A_446, %swap3A_447], %swap3A_450 {strides = array<i32>} : memref<25x128xf32, #tpu.memory_space<vmem>>, vector<1x16xf32>,
    %swap3A_451 = arith.constant 9 : i32
    %swap3A_452 = arith.index_cast %swap3A_451 : i32 to index
    %swap3A_453 = arith.constant 48 : index
    %swap3A_454 = tpu.vector_load %arg7[%swap3A_452, %swap3A_453] {strides = array<i32>} : memref<25x128xf32, #tpu.memory_space<vmem>>, vector<1x16xf32>,
    %swap3A_455 = vector.shape_cast %swap3A_454 : vector<1x16xf32> to vector<16xf32>
    %swap3A_456 = vector.shape_cast %broadcast_in_dim3A_1 : vector<16xf32> to vector<1x16xf32>
    tpu.vector_store %arg7[%swap3A_452, %swap3A_453], %swap3A_456 {strides = array<i32>} : memref<25x128xf32, #tpu.memory_space<vmem>>, vector<1x16xf32>,
    %swap3A_457 = arith.constant 9 : i32
    %swap3A_458 = arith.index_cast %swap3A_457 : i32 to index
    %swap3A_459 = arith.constant 64 : index
    %swap3A_460 = tpu.vector_load %arg7[%swap3A_458, %swap3A_459] {strides = array<i32>} : memref<25x128xf32, #tpu.memory_space<vmem>>, vector<1x16xf32>,
    %swap3A_461 = vector.shape_cast %swap3A_460 : vector<1x16xf32> to vector<16xf32>
    %swap3A_462 = vector.shape_cast %broadcast_in_dim3A_1 : vector<16xf32> to vector<1x16xf32>
    tpu.vector_store %arg7[%swap3A_458, %swap3A_459], %swap3A_462 {strides = array<i32>} : memref<25x128xf32, #tpu.memory_space<vmem>>, vector<1x16xf32>,
    %swap3A_463 = arith.constant 9 : i32
    %swap3A_464 = arith.index_cast %swap3A_463 : i32 to index
    %swap3A_465 = arith.constant 80 : index
    %swap3A_466 = tpu.vector_load %arg7[%swap3A_464, %swap3A_465] {strides = array<i32>} : memref<25x128xf32, #tpu.memory_space<vmem>>, vector<1x16xf32>,
    %swap3A_467 = vector.shape_cast %swap3A_466 : vector<1x16xf32> to vector<16xf32>
    %swap3A_468 = vector.shape_cast %broadcast_in_dim3A_1 : vector<16xf32> to vector<1x16xf32>
    tpu.vector_store %arg7[%swap3A_464, %swap3A_465], %swap3A_468 {strides = array<i32>} : memref<25x128xf32, #tpu.memory_space<vmem>>, vector<1x16xf32>,
    %swap3A_469 = arith.constant 9 : i32
    %swap3A_470 = arith.index_cast %swap3A_469 : i32 to index
    %swap3A_471 = arith.constant 96 : index
    %swap3A_472 = tpu.vector_load %arg7[%swap3A_470, %swap3A_471] {strides = array<i32>} : memref<25x128xf32, #tpu.memory_space<vmem>>, vector<1x16xf32>,
    %swap3A_473 = vector.shape_cast %swap3A_472 : vector<1x16xf32> to vector<16xf32>
    %swap3A_474 = vector.shape_cast %broadcast_in_dim3A_1 : vector<16xf32> to vector<1x16xf32>
    tpu.vector_store %arg7[%swap3A_470, %swap3A_471], %swap3A_474 {strides = array<i32>} : memref<25x128xf32, #tpu.memory_space<vmem>>, vector<1x16xf32>,
    %swap3A_475 = arith.constant 9 : i32
    %swap3A_476 = arith.index_cast %swap3A_475 : i32 to index
    %swap3A_477 = arith.constant 112 : index
    %swap3A_478 = tpu.vector_load %arg7[%swap3A_476, %swap3A_477] {strides = array<i32>} : memref<25x128xf32, #tpu.memory_space<vmem>>, vector<1x16xf32>,
    %swap3A_479 = vector.shape_cast %swap3A_478 : vector<1x16xf32> to vector<16xf32>
    %swap3A_480 = vector.shape_cast %broadcast_in_dim3A_1 : vector<16xf32> to vector<1x16xf32>
    tpu.vector_store %arg7[%swap3A_476, %swap3A_477], %swap3A_480 {strides = array<i32>} : memref<25x128xf32, #tpu.memory_space<vmem>>, vector<1x16xf32>,
    %swap3A_481 = arith.constant 10 : i32
    %swap3A_482 = arith.index_cast %swap3A_481 : i32 to index
    %swap3A_483 = arith.constant 0 : index
    %swap3A_484 = tpu.vector_load %arg7[%swap3A_482, %swap3A_483] {strides = array<i32>} : memref<25x128xf32, #tpu.memory_space<vmem>>, vector<1x16xf32>,
    %swap3A_485 = vector.shape_cast %swap3A_484 : vector<1x16xf32> to vector<16xf32>
    %swap3A_486 = vector.shape_cast %broadcast_in_dim3A_1 : vector<16xf32> to vector<1x16xf32>
    tpu.vector_store %arg7[%swap3A_482, %swap3A_483], %swap3A_486 {strides = array<i32>} : memref<25x128xf32, #tpu.memory_space<vmem>>, vector<1x16xf32>,
    %swap3A_487 = arith.constant 10 : i32
    %swap3A_488 = arith.index_cast %swap3A_487 : i32 to index
    %swap3A_489 = arith.constant 16 : index
    %swap3A_490 = tpu.vector_load %arg7[%swap3A_488, %swap3A_489] {strides = array<i32>} : memref<25x128xf32, #tpu.memory_space<vmem>>, vector<1x16xf32>,
    %swap3A_491 = vector.shape_cast %swap3A_490 : vector<1x16xf32> to vector<16xf32>
    %swap3A_492 = vector.shape_cast %broadcast_in_dim3A_1 : vector<16xf32> to vector<1x16xf32>
    tpu.vector_store %arg7[%swap3A_488, %swap3A_489], %swap3A_492 {strides = array<i32>} : memref<25x128xf32, #tpu.memory_space<vmem>>, vector<1x16xf32>,
    %swap3A_493 = arith.constant 10 : i32
    %swap3A_494 = arith.index_cast %swap3A_493 : i32 to index
    %swap3A_495 = arith.constant 32 : index
    %swap3A_496 = tpu.vector_load %arg7[%swap3A_494, %swap3A_495] {strides = array<i32>} : memref<25x128xf32, #tpu.memory_space<vmem>>, vector<1x16xf32>,
    %swap3A_497 = vector.shape_cast %swap3A_496 : vector<1x16xf32> to vector<16xf32>
    %swap3A_498 = vector.shape_cast %broadcast_in_dim3A_1 : vector<16xf32> to vector<1x16xf32>
    tpu.vector_store %arg7[%swap3A_494, %swap3A_495], %swap3A_498 {strides = array<i32>} : memref<25x128xf32, #tpu.memory_space<vmem>>, vector<1x16xf32>,
    %swap3A_499 = arith.constant 10 : i32
    %swap3A_500 = arith.index_cast %swap3A_499 : i32 to index
    %swap3A_501 = arith.constant 48 : index
    %swap3A_502 = tpu.vector_load %arg7[%swap3A_500, %swap3A_501] {strides = array<i32>} : memref<25x128xf32, #tpu.memory_space<vmem>>, vector<1x16xf32>,
    %swap3A_503 = vector.shape_cast %swap3A_502 : vector<1x16xf32> to vector<16xf32>
    %swap3A_504 = vector.shape_cast %broadcast_in_dim3A_1 : vector<16xf32> to vector<1x16xf32>
    tpu.vector_store %arg7[%swap3A_500, %swap3A_501], %swap3A_504 {strides = array<i32>} : memref<25x128xf32, #tpu.memory_space<vmem>>, vector<1x16xf32>,
    %swap3A_505 = arith.constant 10 : i32
    %swap3A_506 = arith.index_cast %swap3A_505 : i32 to index
    %swap3A_507 = arith.constant 64 : index
    %swap3A_508 = tpu.vector_load %arg7[%swap3A_506, %swap3A_507] {strides = array<i32>} : memref<25x128xf32, #tpu.memory_space<vmem>>, vector<1x16xf32>,
    %swap3A_509 = vector.shape_cast %swap3A_508 : vector<1x16xf32> to vector<16xf32>
    %swap3A_510 = vector.shape_cast %broadcast_in_dim3A_1 : vector<16xf32> to vector<1x16xf32>
    tpu.vector_store %arg7[%swap3A_506, %swap3A_507], %swap3A_510 {strides = array<i32>} : memref<25x128xf32, #tpu.memory_space<vmem>>, vector<1x16xf32>,
    %swap3A_511 = arith.constant 10 : i32
    %swap3A_512 = arith.index_cast %swap3A_511 : i32 to index
    %swap3A_513 = arith.constant 80 : index
    %swap3A_514 = tpu.vector_load %arg7[%swap3A_512, %swap3A_513] {strides = array<i32>} : memref<25x128xf32, #tpu.memory_space<vmem>>, vector<1x16xf32>,
    %swap3A_515 = vector.shape_cast %swap3A_514 : vector<1x16xf32> to vector<16xf32>
    %swap3A_516 = vector.shape_cast %broadcast_in_dim3A_1 : vector<16xf32> to vector<1x16xf32>
    tpu.vector_store %arg7[%swap3A_512, %swap3A_513], %swap3A_516 {strides = array<i32>} : memref<25x128xf32, #tpu.memory_space<vmem>>, vector<1x16xf32>,
    %swap3A_517 = arith.constant 10 : i32
    %swap3A_518 = arith.index_cast %swap3A_517 : i32 to index
    %swap3A_519 = arith.constant 96 : index
    %swap3A_520 = tpu.vector_load %arg7[%swap3A_518, %swap3A_519] {strides = array<i32>} : memref<25x128xf32, #tpu.memory_space<vmem>>, vector<1x16xf32>,
    %swap3A_521 = vector.shape_cast %swap3A_520 : vector<1x16xf32> to vector<16xf32>
    %swap3A_522 = vector.shape_cast %broadcast_in_dim3A_1 : vector<16xf32> to vector<1x16xf32>
    tpu.vector_store %arg7[%swap3A_518, %swap3A_519], %swap3A_522 {strides = array<i32>} : memref<25x128xf32, #tpu.memory_space<vmem>>, vector<1x16xf32>,
    %swap3A_523 = arith.constant 10 : i32
    %swap3A_524 = arith.index_cast %swap3A_523 : i32 to index
    %swap3A_525 = arith.constant 112 : index
    %swap3A_526 = tpu.vector_load %arg7[%swap3A_524, %swap3A_525] {strides = array<i32>} : memref<25x128xf32, #tpu.memory_space<vmem>>, vector<1x16xf32>,
    %swap3A_527 = vector.shape_cast %swap3A_526 : vector<1x16xf32> to vector<16xf32>
    %swap3A_528 = vector.shape_cast %broadcast_in_dim3A_1 : vector<16xf32> to vector<1x16xf32>
    tpu.vector_store %arg7[%swap3A_524, %swap3A_525], %swap3A_528 {strides = array<i32>} : memref<25x128xf32, #tpu.memory_space<vmem>>, vector<1x16xf32>,
    %swap3A_529 = arith.constant 11 : i32
    %swap3A_530 = arith.index_cast %swap3A_529 : i32 to index
    %swap3A_531 = arith.constant 0 : index
    %swap3A_532 = tpu.vector_load %arg7[%swap3A_530, %swap3A_531] {strides = array<i32>} : memref<25x128xf32, #tpu.memory_space<vmem>>, vector<1x16xf32>,
    %swap3A_533 = vector.shape_cast %swap3A_532 : vector<1x16xf32> to vector<16xf32>
    %swap3A_534 = vector.shape_cast %broadcast_in_dim3A_1 : vector<16xf32> to vector<1x16xf32>
    tpu.vector_store %arg7[%swap3A_530, %swap3A_531], %swap3A_534 {strides = array<i32>} : memref<25x128xf32, #tpu.memory_space<vmem>>, vector<1x16xf32>,
    %swap3A_535 = arith.constant 11 : i32
    %swap3A_536 = arith.index_cast %swap3A_535 : i32 to index
    %swap3A_537 = arith.constant 16 : index
    %swap3A_538 = tpu.vector_load %arg7[%swap3A_536, %swap3A_537] {strides = array<i32>} : memref<25x128xf32, #tpu.memory_space<vmem>>, vector<1x16xf32>,
    %swap3A_539 = vector.shape_cast %swap3A_538 : vector<1x16xf32> to vector<16xf32>
    %swap3A_540 = vector.shape_cast %broadcast_in_dim3A_1 : vector<16xf32> to vector<1x16xf32>
    tpu.vector_store %arg7[%swap3A_536, %swap3A_537], %swap3A_540 {strides = array<i32>} : memref<25x128xf32, #tpu.memory_space<vmem>>, vector<1x16xf32>,
    %swap3A_541 = arith.constant 11 : i32
    %swap3A_542 = arith.index_cast %swap3A_541 : i32 to index
    %swap3A_543 = arith.constant 32 : index
    %swap3A_544 = tpu.vector_load %arg7[%swap3A_542, %swap3A_543] {strides = array<i32>} : memref<25x128xf32, #tpu.memory_space<vmem>>, vector<1x16xf32>,
    %swap3A_545 = vector.shape_cast %swap3A_544 : vector<1x16xf32> to vector<16xf32>
    %swap3A_546 = vector.shape_cast %broadcast_in_dim3A_1 : vector<16xf32> to vector<1x16xf32>
    tpu.vector_store %arg7[%swap3A_542, %swap3A_543], %swap3A_546 {strides = array<i32>} : memref<25x128xf32, #tpu.memory_space<vmem>>, vector<1x16xf32>,
    %swap3A_547 = arith.constant 11 : i32
    %swap3A_548 = arith.index_cast %swap3A_547 : i32 to index
    %swap3A_549 = arith.constant 48 : index
    %swap3A_550 = tpu.vector_load %arg7[%swap3A_548, %swap3A_549] {strides = array<i32>} : memref<25x128xf32, #tpu.memory_space<vmem>>, vector<1x16xf32>,
    %swap3A_551 = vector.shape_cast %swap3A_550 : vector<1x16xf32> to vector<16xf32>
    %swap3A_552 = vector.shape_cast %broadcast_in_dim3A_1 : vector<16xf32> to vector<1x16xf32>
    tpu.vector_store %arg7[%swap3A_548, %swap3A_549], %swap3A_552 {strides = array<i32>} : memref<25x128xf32, #tpu.memory_space<vmem>>, vector<1x16xf32>,
    %swap3A_553 = arith.constant 11 : i32
    %swap3A_554 = arith.index_cast %swap3A_553 : i32 to index
    %swap3A_555 = arith.constant 64 : index
    %swap3A_556 = tpu.vector_load %arg7[%swap3A_554, %swap3A_555] {strides = array<i32>} : memref<25x128xf32, #tpu.memory_space<vmem>>, vector<1x16xf32>,
    %swap3A_557 = vector.shape_cast %swap3A_556 : vector<1x16xf32> to vector<16xf32>
    %swap3A_558 = vector.shape_cast %broadcast_in_dim3A_1 : vector<16xf32> to vector<1x16xf32>
    tpu.vector_store %arg7[%swap3A_554, %swap3A_555], %swap3A_558 {strides = array<i32>} : memref<25x128xf32, #tpu.memory_space<vmem>>, vector<1x16xf32>,
    %swap3A_559 = arith.constant 11 : i32
    %swap3A_560 = arith.index_cast %swap3A_559 : i32 to index
    %swap3A_561 = arith.constant 80 : index
    %swap3A_562 = tpu.vector_load %arg7[%swap3A_560, %swap3A_561] {strides = array<i32>} : memref<25x128xf32, #tpu.memory_space<vmem>>, vector<1x16xf32>,
    %swap3A_563 = vector.shape_cast %swap3A_562 : vector<1x16xf32> to vector<16xf32>
    %swap3A_564 = vector.shape_cast %broadcast_in_dim3A_1 : vector<16xf32> to vector<1x16xf32>
    tpu.vector_store %arg7[%swap3A_560, %swap3A_561], %swap3A_564 {strides = array<i32>} : memref<25x128xf32, #tpu.memory_space<vmem>>, vector<1x16xf32>,
    %swap3A_565 = arith.constant 11 : i32
    %swap3A_566 = arith.index_cast %swap3A_565 : i32 to index
    %swap3A_567 = arith.constant 96 : index
    %swap3A_568 = tpu.vector_load %arg7[%swap3A_566, %swap3A_567] {strides = array<i32>} : memref<25x128xf32, #tpu.memory_space<vmem>>, vector<1x16xf32>,
    %swap3A_569 = vector.shape_cast %swap3A_568 : vector<1x16xf32> to vector<16xf32>
    %swap3A_570 = vector.shape_cast %broadcast_in_dim3A_1 : vector<16xf32> to vector<1x16xf32>
    tpu.vector_store %arg7[%swap3A_566, %swap3A_567], %swap3A_570 {strides = array<i32>} : memref<25x128xf32, #tpu.memory_space<vmem>>, vector<1x16xf32>,
    %swap3A_571 = arith.constant 11 : i32
    %swap3A_572 = arith.index_cast %swap3A_571 : i32 to index
    %swap3A_573 = arith.constant 112 : index
    %swap3A_574 = tpu.vector_load %arg7[%swap3A_572, %swap3A_573] {strides = array<i32>} : memref<25x128xf32, #tpu.memory_space<vmem>>, vector<1x16xf32>,
    %swap3A_575 = vector.shape_cast %swap3A_574 : vector<1x16xf32> to vector<16xf32>
    %swap3A_576 = vector.shape_cast %broadcast_in_dim3A_1 : vector<16xf32> to vector<1x16xf32>
    tpu.vector_store %arg7[%swap3A_572, %swap3A_573], %swap3A_576 {strides = array<i32>} : memref<25x128xf32, #tpu.memory_space<vmem>>, vector<1x16xf32>,
    %swap3A_577 = arith.constant 12 : i32
    %swap3A_578 = arith.index_cast %swap3A_577 : i32 to index
    %swap3A_579 = arith.constant 0 : index
    %swap3A_580 = tpu.vector_load %arg7[%swap3A_578, %swap3A_579] {strides = array<i32>} : memref<25x128xf32, #tpu.memory_space<vmem>>, vector<1x16xf32>,
    %swap3A_581 = vector.shape_cast %swap3A_580 : vector<1x16xf32> to vector<16xf32>
    %swap3A_582 = vector.shape_cast %broadcast_in_dim3A_1 : vector<16xf32> to vector<1x16xf32>
    tpu.vector_store %arg7[%swap3A_578, %swap3A_579], %swap3A_582 {strides = array<i32>} : memref<25x128xf32, #tpu.memory_space<vmem>>, vector<1x16xf32>,
    %swap3A_583 = arith.constant 12 : i32
    %swap3A_584 = arith.index_cast %swap3A_583 : i32 to index
    %swap3A_585 = arith.constant 16 : index
    %swap3A_586 = tpu.vector_load %arg7[%swap3A_584, %swap3A_585] {strides = array<i32>} : memref<25x128xf32, #tpu.memory_space<vmem>>, vector<1x16xf32>,
    %swap3A_587 = vector.shape_cast %swap3A_586 : vector<1x16xf32> to vector<16xf32>
    %swap3A_588 = vector.shape_cast %broadcast_in_dim3A_1 : vector<16xf32> to vector<1x16xf32>
    tpu.vector_store %arg7[%swap3A_584, %swap3A_585], %swap3A_588 {strides = array<i32>} : memref<25x128xf32, #tpu.memory_space<vmem>>, vector<1x16xf32>,
    %swap3A_589 = arith.constant 12 : i32
    %swap3A_590 = arith.index_cast %swap3A_589 : i32 to index
    %swap3A_591 = arith.constant 32 : index
    %swap3A_592 = tpu.vector_load %arg7[%swap3A_590, %swap3A_591] {strides = array<i32>} : memref<25x128xf32, #tpu.memory_space<vmem>>, vector<1x16xf32>,
    %swap3A_593 = vector.shape_cast %swap3A_592 : vector<1x16xf32> to vector<16xf32>
    %swap3A_594 = vector.shape_cast %broadcast_in_dim3A_1 : vector<16xf32> to vector<1x16xf32>
    tpu.vector_store %arg7[%swap3A_590, %swap3A_591], %swap3A_594 {strides = array<i32>} : memref<25x128xf32, #tpu.memory_space<vmem>>, vector<1x16xf32>,
    %swap3A_595 = arith.constant 12 : i32
    %swap3A_596 = arith.index_cast %swap3A_595 : i32 to index
    %swap3A_597 = arith.constant 48 : index
    %swap3A_598 = tpu.vector_load %arg7[%swap3A_596, %swap3A_597] {strides = array<i32>} : memref<25x128xf32, #tpu.memory_space<vmem>>, vector<1x16xf32>,
    %swap3A_599 = vector.shape_cast %swap3A_598 : vector<1x16xf32> to vector<16xf32>
    %swap3A_600 = vector.shape_cast %broadcast_in_dim3A_1 : vector<16xf32> to vector<1x16xf32>
    tpu.vector_store %arg7[%swap3A_596, %swap3A_597], %swap3A_600 {strides = array<i32>} : memref<25x128xf32, #tpu.memory_space<vmem>>, vector<1x16xf32>,
    %swap3A_601 = arith.constant 12 : i32
    %swap3A_602 = arith.index_cast %swap3A_601 : i32 to index
    %swap3A_603 = arith.constant 64 : index
    %swap3A_604 = tpu.vector_load %arg7[%swap3A_602, %swap3A_603] {strides = array<i32>} : memref<25x128xf32, #tpu.memory_space<vmem>>, vector<1x16xf32>,
    %swap3A_605 = vector.shape_cast %swap3A_604 : vector<1x16xf32> to vector<16xf32>
    %swap3A_606 = vector.shape_cast %broadcast_in_dim3A_1 : vector<16xf32> to vector<1x16xf32>
    tpu.vector_store %arg7[%swap3A_602, %swap3A_603], %swap3A_606 {strides = array<i32>} : memref<25x128xf32, #tpu.memory_space<vmem>>, vector<1x16xf32>,
    %swap3A_607 = arith.constant 12 : i32
    %swap3A_608 = arith.index_cast %swap3A_607 : i32 to index
    %swap3A_609 = arith.constant 80 : index
    %swap3A_610 = tpu.vector_load %arg7[%swap3A_608, %swap3A_609] {strides = array<i32>} : memref<25x128xf32, #tpu.memory_space<vmem>>, vector<1x16xf32>,
    %swap3A_611 = vector.shape_cast %swap3A_610 : vector<1x16xf32> to vector<16xf32>
    %swap3A_612 = vector.shape_cast %broadcast_in_dim3A_1 : vector<16xf32> to vector<1x16xf32>
    tpu.vector_store %arg7[%swap3A_608, %swap3A_609], %swap3A_612 {strides = array<i32>} : memref<25x128xf32, #tpu.memory_space<vmem>>, vector<1x16xf32>,
    %swap3A_613 = arith.constant 12 : i32
    %swap3A_614 = arith.index_cast %swap3A_613 : i32 to index
    %swap3A_615 = arith.constant 96 : index
    %swap3A_616 = tpu.vector_load %arg7[%swap3A_614, %swap3A_615] {strides = array<i32>} : memref<25x128xf32, #tpu.memory_space<vmem>>, vector<1x16xf32>,
    %swap3A_617 = vector.shape_cast %swap3A_616 : vector<1x16xf32> to vector<16xf32>
    %swap3A_618 = vector.shape_cast %broadcast_in_dim3A_1 : vector<16xf32> to vector<1x16xf32>
    tpu.vector_store %arg7[%swap3A_614, %swap3A_615], %swap3A_618 {strides = array<i32>} : memref<25x128xf32, #tpu.memory_space<vmem>>, vector<1x16xf32>,
    %swap3A_619 = arith.constant 12 : i32
    %swap3A_620 = arith.index_cast %swap3A_619 : i32 to index
    %swap3A_621 = arith.constant 112 : index
    %swap3A_622 = tpu.vector_load %arg7[%swap3A_620, %swap3A_621] {strides = array<i32>} : memref<25x128xf32, #tpu.memory_space<vmem>>, vector<1x16xf32>,
    %swap3A_623 = vector.shape_cast %swap3A_622 : vector<1x16xf32> to vector<16xf32>
    %swap3A_624 = vector.shape_cast %broadcast_in_dim3A_1 : vector<16xf32> to vector<1x16xf32>
    tpu.vector_store %arg7[%swap3A_620, %swap3A_621], %swap3A_624 {strides = array<i32>} : memref<25x128xf32, #tpu.memory_space<vmem>>, vector<1x16xf32>,
    %swap3A_625 = arith.constant 13 : i32
    %swap3A_626 = arith.index_cast %swap3A_625 : i32 to index
    %swap3A_627 = arith.constant 0 : index
    %swap3A_628 = tpu.vector_load %arg7[%swap3A_626, %swap3A_627] {strides = array<i32>} : memref<25x128xf32, #tpu.memory_space<vmem>>, vector<1x16xf32>,
    %swap3A_629 = vector.shape_cast %swap3A_628 : vector<1x16xf32> to vector<16xf32>
    %swap3A_630 = vector.shape_cast %broadcast_in_dim3A_1 : vector<16xf32> to vector<1x16xf32>
    tpu.vector_store %arg7[%swap3A_626, %swap3A_627], %swap3A_630 {strides = array<i32>} : memref<25x128xf32, #tpu.memory_space<vmem>>, vector<1x16xf32>,
    %swap3A_631 = arith.constant 13 : i32
    %swap3A_632 = arith.index_cast %swap3A_631 : i32 to index
    %swap3A_633 = arith.constant 16 : index
    %swap3A_634 = tpu.vector_load %arg7[%swap3A_632, %swap3A_633] {strides = array<i32>} : memref<25x128xf32, #tpu.memory_space<vmem>>, vector<1x16xf32>,
    %swap3A_635 = vector.shape_cast %swap3A_634 : vector<1x16xf32> to vector<16xf32>
    %swap3A_636 = vector.shape_cast %broadcast_in_dim3A_1 : vector<16xf32> to vector<1x16xf32>
    tpu.vector_store %arg7[%swap3A_632, %swap3A_633], %swap3A_636 {strides = array<i32>} : memref<25x128xf32, #tpu.memory_space<vmem>>, vector<1x16xf32>,
    %swap3A_637 = arith.constant 13 : i32
    %swap3A_638 = arith.index_cast %swap3A_637 : i32 to index
    %swap3A_639 = arith.constant 32 : index
    %swap3A_640 = tpu.vector_load %arg7[%swap3A_638, %swap3A_639] {strides = array<i32>} : memref<25x128xf32, #tpu.memory_space<vmem>>, vector<1x16xf32>,
    %swap3A_641 = vector.shape_cast %swap3A_640 : vector<1x16xf32> to vector<16xf32>
    %swap3A_642 = vector.shape_cast %broadcast_in_dim3A_1 : vector<16xf32> to vector<1x16xf32>
    tpu.vector_store %arg7[%swap3A_638, %swap3A_639], %swap3A_642 {strides = array<i32>} : memref<25x128xf32, #tpu.memory_space<vmem>>, vector<1x16xf32>,
    %swap3A_643 = arith.constant 13 : i32
    %swap3A_644 = arith.index_cast %swap3A_643 : i32 to index
    %swap3A_645 = arith.constant 48 : index
    %swap3A_646 = tpu.vector_load %arg7[%swap3A_644, %swap3A_645] {strides = array<i32>} : memref<25x128xf32, #tpu.memory_space<vmem>>, vector<1x16xf32>,
    %swap3A_647 = vector.shape_cast %swap3A_646 : vector<1x16xf32> to vector<16xf32>
    %swap3A_648 = vector.shape_cast %broadcast_in_dim3A_1 : vector<16xf32> to vector<1x16xf32>
    tpu.vector_store %arg7[%swap3A_644, %swap3A_645], %swap3A_648 {strides = array<i32>} : memref<25x128xf32, #tpu.memory_space<vmem>>, vector<1x16xf32>,
    %swap3A_649 = arith.constant 13 : i32
    %swap3A_650 = arith.index_cast %swap3A_649 : i32 to index
    %swap3A_651 = arith.constant 64 : index
    %swap3A_652 = tpu.vector_load %arg7[%swap3A_650, %swap3A_651] {strides = array<i32>} : memref<25x128xf32, #tpu.memory_space<vmem>>, vector<1x16xf32>,
    %swap3A_653 = vector.shape_cast %swap3A_652 : vector<1x16xf32> to vector<16xf32>
    %swap3A_654 = vector.shape_cast %broadcast_in_dim3A_1 : vector<16xf32> to vector<1x16xf32>
    tpu.vector_store %arg7[%swap3A_650, %swap3A_651], %swap3A_654 {strides = array<i32>} : memref<25x128xf32, #tpu.memory_space<vmem>>, vector<1x16xf32>,
    %swap3A_655 = arith.constant 13 : i32
    %swap3A_656 = arith.index_cast %swap3A_655 : i32 to index
    %swap3A_657 = arith.constant 80 : index
    %swap3A_658 = tpu.vector_load %arg7[%swap3A_656, %swap3A_657] {strides = array<i32>} : memref<25x128xf32, #tpu.memory_space<vmem>>, vector<1x16xf32>,
    %swap3A_659 = vector.shape_cast %swap3A_658 : vector<1x16xf32> to vector<16xf32>
    %swap3A_660 = vector.shape_cast %broadcast_in_dim3A_1 : vector<16xf32> to vector<1x16xf32>
    tpu.vector_store %arg7[%swap3A_656, %swap3A_657], %swap3A_660 {strides = array<i32>} : memref<25x128xf32, #tpu.memory_space<vmem>>, vector<1x16xf32>,
    %swap3A_661 = arith.constant 13 : i32
    %swap3A_662 = arith.index_cast %swap3A_661 : i32 to index
    %swap3A_663 = arith.constant 96 : index
    %swap3A_664 = tpu.vector_load %arg7[%swap3A_662, %swap3A_663] {strides = array<i32>} : memref<25x128xf32, #tpu.memory_space<vmem>>, vector<1x16xf32>,
    %swap3A_665 = vector.shape_cast %swap3A_664 : vector<1x16xf32> to vector<16xf32>
    %swap3A_666 = vector.shape_cast %broadcast_in_dim3A_1 : vector<16xf32> to vector<1x16xf32>
    tpu.vector_store %arg7[%swap3A_662, %swap3A_663], %swap3A_666 {strides = array<i32>} : memref<25x128xf32, #tpu.memory_space<vmem>>, vector<1x16xf32>,
    %swap3A_667 = arith.constant 13 : i32
    %swap3A_668 = arith.index_cast %swap3A_667 : i32 to index
    %swap3A_669 = arith.constant 112 : index
    %swap3A_670 = tpu.vector_load %arg7[%swap3A_668, %swap3A_669] {strides = array<i32>} : memref<25x128xf32, #tpu.memory_space<vmem>>, vector<1x16xf32>,
    %swap3A_671 = vector.shape_cast %swap3A_670 : vector<1x16xf32> to vector<16xf32>
    %swap3A_672 = vector.shape_cast %broadcast_in_dim3A_1 : vector<16xf32> to vector<1x16xf32>
    tpu.vector_store %arg7[%swap3A_668, %swap3A_669], %swap3A_672 {strides = array<i32>} : memref<25x128xf32, #tpu.memory_space<vmem>>, vector<1x16xf32>,
    %swap3A_673 = arith.constant 14 : i32
    %swap3A_674 = arith.index_cast %swap3A_673 : i32 to index
    %swap3A_675 = arith.constant 0 : index
    %swap3A_676 = tpu.vector_load %arg7[%swap3A_674, %swap3A_675] {strides = array<i32>} : memref<25x128xf32, #tpu.memory_space<vmem>>, vector<1x16xf32>,
    %swap3A_677 = vector.shape_cast %swap3A_676 : vector<1x16xf32> to vector<16xf32>
    %swap3A_678 = vector.shape_cast %broadcast_in_dim3A_1 : vector<16xf32> to vector<1x16xf32>
    tpu.vector_store %arg7[%swap3A_674, %swap3A_675], %swap3A_678 {strides = array<i32>} : memref<25x128xf32, #tpu.memory_space<vmem>>, vector<1x16xf32>,
    %swap3A_679 = arith.constant 14 : i32
    %swap3A_680 = arith.index_cast %swap3A_679 : i32 to index
    %swap3A_681 = arith.constant 16 : index
    %swap3A_682 = tpu.vector_load %arg7[%swap3A_680, %swap3A_681] {strides = array<i32>} : memref<25x128xf32, #tpu.memory_space<vmem>>, vector<1x16xf32>,
    %swap3A_683 = vector.shape_cast %swap3A_682 : vector<1x16xf32> to vector<16xf32>
    %swap3A_684 = vector.shape_cast %broadcast_in_dim3A_1 : vector<16xf32> to vector<1x16xf32>
    tpu.vector_store %arg7[%swap3A_680, %swap3A_681], %swap3A_684 {strides = array<i32>} : memref<25x128xf32, #tpu.memory_space<vmem>>, vector<1x16xf32>,
    %swap3A_685 = arith.constant 14 : i32
    %swap3A_686 = arith.index_cast %swap3A_685 : i32 to index
    %swap3A_687 = arith.constant 32 : index
    %swap3A_688 = tpu.vector_load %arg7[%swap3A_686, %swap3A_687] {strides = array<i32>} : memref<25x128xf32, #tpu.memory_space<vmem>>, vector<1x16xf32>,
    %swap3A_689 = vector.shape_cast %swap3A_688 : vector<1x16xf32> to vector<16xf32>
    %swap3A_690 = vector.shape_cast %broadcast_in_dim3A_1 : vector<16xf32> to vector<1x16xf32>
    tpu.vector_store %arg7[%swap3A_686, %swap3A_687], %swap3A_690 {strides = array<i32>} : memref<25x128xf32, #tpu.memory_space<vmem>>, vector<1x16xf32>,
    %swap3A_691 = arith.constant 14 : i32
    %swap3A_692 = arith.index_cast %swap3A_691 : i32 to index
    %swap3A_693 = arith.constant 48 : index
    %swap3A_694 = tpu.vector_load %arg7[%swap3A_692, %swap3A_693] {strides = array<i32>} : memref<25x128xf32, #tpu.memory_space<vmem>>, vector<1x16xf32>,
    %swap3A_695 = vector.shape_cast %swap3A_694 : vector<1x16xf32> to vector<16xf32>
    %swap3A_696 = vector.shape_cast %broadcast_in_dim3A_1 : vector<16xf32> to vector<1x16xf32>
    tpu.vector_store %arg7[%swap3A_692, %swap3A_693], %swap3A_696 {strides = array<i32>} : memref<25x128xf32, #tpu.memory_space<vmem>>, vector<1x16xf32>,
    %swap3A_697 = arith.constant 14 : i32
    %swap3A_698 = arith.index_cast %swap3A_697 : i32 to index
    %swap3A_699 = arith.constant 64 : index
    %swap3A_700 = tpu.vector_load %arg7[%swap3A_698, %swap3A_699] {strides = array<i32>} : memref<25x128xf32, #tpu.memory_space<vmem>>, vector<1x16xf32>,
    %swap3A_701 = vector.shape_cast %swap3A_700 : vector<1x16xf32> to vector<16xf32>
    %swap3A_702 = vector.shape_cast %broadcast_in_dim3A_1 : vector<16xf32> to vector<1x16xf32>
    tpu.vector_store %arg7[%swap3A_698, %swap3A_699], %swap3A_702 {strides = array<i32>} : memref<25x128xf32, #tpu.memory_space<vmem>>, vector<1x16xf32>,
    %swap3A_703 = arith.constant 14 : i32
    %swap3A_704 = arith.index_cast %swap3A_703 : i32 to index
    %swap3A_705 = arith.constant 80 : index
    %swap3A_706 = tpu.vector_load %arg7[%swap3A_704, %swap3A_705] {strides = array<i32>} : memref<25x128xf32, #tpu.memory_space<vmem>>, vector<1x16xf32>,
    %swap3A_707 = vector.shape_cast %swap3A_706 : vector<1x16xf32> to vector<16xf32>
    %swap3A_708 = vector.shape_cast %broadcast_in_dim3A_1 : vector<16xf32> to vector<1x16xf32>
    tpu.vector_store %arg7[%swap3A_704, %swap3A_705], %swap3A_708 {strides = array<i32>} : memref<25x128xf32, #tpu.memory_space<vmem>>, vector<1x16xf32>,
    %swap3A_709 = arith.constant 14 : i32
    %swap3A_710 = arith.index_cast %swap3A_709 : i32 to index
    %swap3A_711 = arith.constant 96 : index
    %swap3A_712 = tpu.vector_load %arg7[%swap3A_710, %swap3A_711] {strides = array<i32>} : memref<25x128xf32, #tpu.memory_space<vmem>>, vector<1x16xf32>,
    %swap3A_713 = vector.shape_cast %swap3A_712 : vector<1x16xf32> to vector<16xf32>
    %swap3A_714 = vector.shape_cast %broadcast_in_dim3A_1 : vector<16xf32> to vector<1x16xf32>
    tpu.vector_store %arg7[%swap3A_710, %swap3A_711], %swap3A_714 {strides = array<i32>} : memref<25x128xf32, #tpu.memory_space<vmem>>, vector<1x16xf32>,
    %swap3A_715 = arith.constant 14 : i32
    %swap3A_716 = arith.index_cast %swap3A_715 : i32 to index
    %swap3A_717 = arith.constant 112 : index
    %swap3A_718 = tpu.vector_load %arg7[%swap3A_716, %swap3A_717] {strides = array<i32>} : memref<25x128xf32, #tpu.memory_space<vmem>>, vector<1x16xf32>,
    %swap3A_719 = vector.shape_cast %swap3A_718 : vector<1x16xf32> to vector<16xf32>
    %swap3A_720 = vector.shape_cast %broadcast_in_dim3A_1 : vector<16xf32> to vector<1x16xf32>
    tpu.vector_store %arg7[%swap3A_716, %swap3A_717], %swap3A_720 {strides = array<i32>} : memref<25x128xf32, #tpu.memory_space<vmem>>, vector<1x16xf32>,
    %swap3A_721 = arith.constant 15 : i32
    %swap3A_722 = arith.index_cast %swap3A_721 : i32 to index
    %swap3A_723 = arith.constant 0 : index
    %swap3A_724 = tpu.vector_load %arg7[%swap3A_722, %swap3A_723] {strides = array<i32>} : memref<25x128xf32, #tpu.memory_space<vmem>>, vector<1x16xf32>,
    %swap3A_725 = vector.shape_cast %swap3A_724 : vector<1x16xf32> to vector<16xf32>
    %swap3A_726 = vector.shape_cast %broadcast_in_dim3A_1 : vector<16xf32> to vector<1x16xf32>
    tpu.vector_store %arg7[%swap3A_722, %swap3A_723], %swap3A_726 {strides = array<i32>} : memref<25x128xf32, #tpu.memory_space<vmem>>, vector<1x16xf32>,
    %swap3A_727 = arith.constant 15 : i32
    %swap3A_728 = arith.index_cast %swap3A_727 : i32 to index
    %swap3A_729 = arith.constant 16 : index
    %swap3A_730 = tpu.vector_load %arg7[%swap3A_728, %swap3A_729] {strides = array<i32>} : memref<25x128xf32, #tpu.memory_space<vmem>>, vector<1x16xf32>,
    %swap3A_731 = vector.shape_cast %swap3A_730 : vector<1x16xf32> to vector<16xf32>
    %swap3A_732 = vector.shape_cast %broadcast_in_dim3A_1 : vector<16xf32> to vector<1x16xf32>
    tpu.vector_store %arg7[%swap3A_728, %swap3A_729], %swap3A_732 {strides = array<i32>} : memref<25x128xf32, #tpu.memory_space<vmem>>, vector<1x16xf32>,
    %swap3A_733 = arith.constant 15 : i32
    %swap3A_734 = arith.index_cast %swap3A_733 : i32 to index
    %swap3A_735 = arith.constant 32 : index
    %swap3A_736 = tpu.vector_load %arg7[%swap3A_734, %swap3A_735] {strides = array<i32>} : memref<25x128xf32, #tpu.memory_space<vmem>>, vector<1x16xf32>,
    %swap3A_737 = vector.shape_cast %swap3A_736 : vector<1x16xf32> to vector<16xf32>
    %swap3A_738 = vector.shape_cast %broadcast_in_dim3A_1 : vector<16xf32> to vector<1x16xf32>
    tpu.vector_store %arg7[%swap3A_734, %swap3A_735], %swap3A_738 {strides = array<i32>} : memref<25x128xf32, #tpu.memory_space<vmem>>, vector<1x16xf32>,
    %swap3A_739 = arith.constant 15 : i32
    %swap3A_740 = arith.index_cast %swap3A_739 : i32 to index
    %swap3A_741 = arith.constant 48 : index
    %swap3A_742 = tpu.vector_load %arg7[%swap3A_740, %swap3A_741] {strides = array<i32>} : memref<25x128xf32, #tpu.memory_space<vmem>>, vector<1x16xf32>,
    %swap3A_743 = vector.shape_cast %swap3A_742 : vector<1x16xf32> to vector<16xf32>
    %swap3A_744 = vector.shape_cast %broadcast_in_dim3A_1 : vector<16xf32> to vector<1x16xf32>
    tpu.vector_store %arg7[%swap3A_740, %swap3A_741], %swap3A_744 {strides = array<i32>} : memref<25x128xf32, #tpu.memory_space<vmem>>, vector<1x16xf32>,
    %swap3A_745 = arith.constant 15 : i32
    %swap3A_746 = arith.index_cast %swap3A_745 : i32 to index
    %swap3A_747 = arith.constant 64 : index
    %swap3A_748 = tpu.vector_load %arg7[%swap3A_746, %swap3A_747] {strides = array<i32>} : memref<25x128xf32, #tpu.memory_space<vmem>>, vector<1x16xf32>,
    %swap3A_749 = vector.shape_cast %swap3A_748 : vector<1x16xf32> to vector<16xf32>
    %swap3A_750 = vector.shape_cast %broadcast_in_dim3A_1 : vector<16xf32> to vector<1x16xf32>
    tpu.vector_store %arg7[%swap3A_746, %swap3A_747], %swap3A_750 {strides = array<i32>} : memref<25x128xf32, #tpu.memory_space<vmem>>, vector<1x16xf32>,
    %swap3A_751 = arith.constant 15 : i32
    %swap3A_752 = arith.index_cast %swap3A_751 : i32 to index
    %swap3A_753 = arith.constant 80 : index
    %swap3A_754 = tpu.vector_load %arg7[%swap3A_752, %swap3A_753] {strides = array<i32>} : memref<25x128xf32, #tpu.memory_space<vmem>>, vector<1x16xf32>,
    %swap3A_755 = vector.shape_cast %swap3A_754 : vector<1x16xf32> to vector<16xf32>
    %swap3A_756 = vector.shape_cast %broadcast_in_dim3A_1 : vector<16xf32> to vector<1x16xf32>
    tpu.vector_store %arg7[%swap3A_752, %swap3A_753], %swap3A_756 {strides = array<i32>} : memref<25x128xf32, #tpu.memory_space<vmem>>, vector<1x16xf32>,
    %swap3A_757 = arith.constant 15 : i32
    %swap3A_758 = arith.index_cast %swap3A_757 : i32 to index
    %swap3A_759 = arith.constant 96 : index
    %swap3A_760 = tpu.vector_load %arg7[%swap3A_758, %swap3A_759] {strides = array<i32>} : memref<25x128xf32, #tpu.memory_space<vmem>>, vector<1x16xf32>,
    %swap3A_761 = vector.shape_cast %swap3A_760 : vector<1x16xf32> to vector<16xf32>
    %swap3A_762 = vector.shape_cast %broadcast_in_dim3A_1 : vector<16xf32> to vector<1x16xf32>
    tpu.vector_store %arg7[%swap3A_758, %swap3A_759], %swap3A_762 {strides = array<i32>} : memref<25x128xf32, #tpu.memory_space<vmem>>, vector<1x16xf32>,
    %swap3A_763 = arith.constant 15 : i32
    %swap3A_764 = arith.index_cast %swap3A_763 : i32 to index
    %swap3A_765 = arith.constant 112 : index
    %swap3A_766 = tpu.vector_load %arg7[%swap3A_764, %swap3A_765] {strides = array<i32>} : memref<25x128xf32, #tpu.memory_space<vmem>>, vector<1x16xf32>,
    %swap3A_767 = vector.shape_cast %swap3A_766 : vector<1x16xf32> to vector<16xf32>
    %swap3A_768 = vector.shape_cast %broadcast_in_dim3A_1 : vector<16xf32> to vector<1x16xf32>
    tpu.vector_store %arg7[%swap3A_764, %swap3A_765], %swap3A_768 {strides = array<i32>} : memref<25x128xf32, #tpu.memory_space<vmem>>, vector<1x16xf32>,
    %swap3A_769 = arith.constant 16 : i32
    %swap3A_770 = arith.index_cast %swap3A_769 : i32 to index
    %swap3A_771 = arith.constant 0 : index
    %swap3A_772 = tpu.vector_load %arg7[%swap3A_770, %swap3A_771] {strides = array<i32>} : memref<25x128xf32, #tpu.memory_space<vmem>>, vector<1x16xf32>,
    %swap3A_773 = vector.shape_cast %swap3A_772 : vector<1x16xf32> to vector<16xf32>
    %swap3A_774 = vector.shape_cast %broadcast_in_dim3A_1 : vector<16xf32> to vector<1x16xf32>
    tpu.vector_store %arg7[%swap3A_770, %swap3A_771], %swap3A_774 {strides = array<i32>} : memref<25x128xf32, #tpu.memory_space<vmem>>, vector<1x16xf32>,
    %swap3A_775 = arith.constant 16 : i32
    %swap3A_776 = arith.index_cast %swap3A_775 : i32 to index
    %swap3A_777 = arith.constant 16 : index
    %swap3A_778 = tpu.vector_load %arg7[%swap3A_776, %swap3A_777] {strides = array<i32>} : memref<25x128xf32, #tpu.memory_space<vmem>>, vector<1x16xf32>,
    %swap3A_779 = vector.shape_cast %swap3A_778 : vector<1x16xf32> to vector<16xf32>
    %swap3A_780 = vector.shape_cast %broadcast_in_dim3A_1 : vector<16xf32> to vector<1x16xf32>
    tpu.vector_store %arg7[%swap3A_776, %swap3A_777], %swap3A_780 {strides = array<i32>} : memref<25x128xf32, #tpu.memory_space<vmem>>, vector<1x16xf32>,
    %swap3A_781 = arith.constant 16 : i32
    %swap3A_782 = arith.index_cast %swap3A_781 : i32 to index
    %swap3A_783 = arith.constant 32 : index
    %swap3A_784 = tpu.vector_load %arg7[%swap3A_782, %swap3A_783] {strides = array<i32>} : memref<25x128xf32, #tpu.memory_space<vmem>>, vector<1x16xf32>,
    %swap3A_785 = vector.shape_cast %swap3A_784 : vector<1x16xf32> to vector<16xf32>
    %swap3A_786 = vector.shape_cast %broadcast_in_dim3A_1 : vector<16xf32> to vector<1x16xf32>
    tpu.vector_store %arg7[%swap3A_782, %swap3A_783], %swap3A_786 {strides = array<i32>} : memref<25x128xf32, #tpu.memory_space<vmem>>, vector<1x16xf32>,
    %swap3A_787 = arith.constant 16 : i32
    %swap3A_788 = arith.index_cast %swap3A_787 : i32 to index
    %swap3A_789 = arith.constant 48 : index
    %swap3A_790 = tpu.vector_load %arg7[%swap3A_788, %swap3A_789] {strides = array<i32>} : memref<25x128xf32, #tpu.memory_space<vmem>>, vector<1x16xf32>,
    %swap3A_791 = vector.shape_cast %swap3A_790 : vector<1x16xf32> to vector<16xf32>
    %swap3A_792 = vector.shape_cast %broadcast_in_dim3A_1 : vector<16xf32> to vector<1x16xf32>
    tpu.vector_store %arg7[%swap3A_788, %swap3A_789], %swap3A_792 {strides = array<i32>} : memref<25x128xf32, #tpu.memory_space<vmem>>, vector<1x16xf32>,
    %swap3A_793 = arith.constant 16 : i32
    %swap3A_794 = arith.index_cast %swap3A_793 : i32 to index
    %swap3A_795 = arith.constant 64 : index
    %swap3A_796 = tpu.vector_load %arg7[%swap3A_794, %swap3A_795] {strides = array<i32>} : memref<25x128xf32, #tpu.memory_space<vmem>>, vector<1x16xf32>,
    %swap3A_797 = vector.shape_cast %swap3A_796 : vector<1x16xf32> to vector<16xf32>
    %swap3A_798 = vector.shape_cast %broadcast_in_dim3A_1 : vector<16xf32> to vector<1x16xf32>
    tpu.vector_store %arg7[%swap3A_794, %swap3A_795], %swap3A_798 {strides = array<i32>} : memref<25x128xf32, #tpu.memory_space<vmem>>, vector<1x16xf32>,
    %swap3A_799 = arith.constant 16 : i32
    %swap3A_800 = arith.index_cast %swap3A_799 : i32 to index
    %swap3A_801 = arith.constant 80 : index
    %swap3A_802 = tpu.vector_load %arg7[%swap3A_800, %swap3A_801] {strides = array<i32>} : memref<25x128xf32, #tpu.memory_space<vmem>>, vector<1x16xf32>,
    %swap3A_803 = vector.shape_cast %swap3A_802 : vector<1x16xf32> to vector<16xf32>
    %swap3A_804 = vector.shape_cast %broadcast_in_dim3A_1 : vector<16xf32> to vector<1x16xf32>
    tpu.vector_store %arg7[%swap3A_800, %swap3A_801], %swap3A_804 {strides = array<i32>} : memref<25x128xf32, #tpu.memory_space<vmem>>, vector<1x16xf32>,
    %swap3A_805 = arith.constant 16 : i32
    %swap3A_806 = arith.index_cast %swap3A_805 : i32 to index
    %swap3A_807 = arith.constant 96 : index
    %swap3A_808 = tpu.vector_load %arg7[%swap3A_806, %swap3A_807] {strides = array<i32>} : memref<25x128xf32, #tpu.memory_space<vmem>>, vector<1x16xf32>,
    %swap3A_809 = vector.shape_cast %swap3A_808 : vector<1x16xf32> to vector<16xf32>
    %swap3A_810 = vector.shape_cast %broadcast_in_dim3A_1 : vector<16xf32> to vector<1x16xf32>
    tpu.vector_store %arg7[%swap3A_806, %swap3A_807], %swap3A_810 {strides = array<i32>} : memref<25x128xf32, #tpu.memory_space<vmem>>, vector<1x16xf32>,
    %swap3A_811 = arith.constant 16 : i32
    %swap3A_812 = arith.index_cast %swap3A_811 : i32 to index
    %swap3A_813 = arith.constant 112 : index
    %swap3A_814 = tpu.vector_load %arg7[%swap3A_812, %swap3A_813] {strides = array<i32>} : memref<25x128xf32, #tpu.memory_space<vmem>>, vector<1x16xf32>,
    %swap3A_815 = vector.shape_cast %swap3A_814 : vector<1x16xf32> to vector<16xf32>
    %swap3A_816 = vector.shape_cast %broadcast_in_dim3A_1 : vector<16xf32> to vector<1x16xf32>
    tpu.vector_store %arg7[%swap3A_812, %swap3A_813], %swap3A_816 {strides = array<i32>} : memref<25x128xf32, #tpu.memory_space<vmem>>, vector<1x16xf32>,
    %swap3A_817 = arith.constant 17 : i32
    %swap3A_818 = arith.index_cast %swap3A_817 : i32 to index
    %swap3A_819 = arith.constant 0 : index
    %swap3A_820 = tpu.vector_load %arg7[%swap3A_818, %swap3A_819] {strides = array<i32>} : memref<25x128xf32, #tpu.memory_space<vmem>>, vector<1x16xf32>,
    %swap3A_821 = vector.shape_cast %swap3A_820 : vector<1x16xf32> to vector<16xf32>
    %swap3A_822 = vector.shape_cast %broadcast_in_dim3A_1 : vector<16xf32> to vector<1x16xf32>
    tpu.vector_store %arg7[%swap3A_818, %swap3A_819], %swap3A_822 {strides = array<i32>} : memref<25x128xf32, #tpu.memory_space<vmem>>, vector<1x16xf32>,
    %swap3A_823 = arith.constant 17 : i32
    %swap3A_824 = arith.index_cast %swap3A_823 : i32 to index
    %swap3A_825 = arith.constant 16 : index
    %swap3A_826 = tpu.vector_load %arg7[%swap3A_824, %swap3A_825] {strides = array<i32>} : memref<25x128xf32, #tpu.memory_space<vmem>>, vector<1x16xf32>,
    %swap3A_827 = vector.shape_cast %swap3A_826 : vector<1x16xf32> to vector<16xf32>
    %swap3A_828 = vector.shape_cast %broadcast_in_dim3A_1 : vector<16xf32> to vector<1x16xf32>
    tpu.vector_store %arg7[%swap3A_824, %swap3A_825], %swap3A_828 {strides = array<i32>} : memref<25x128xf32, #tpu.memory_space<vmem>>, vector<1x16xf32>,
    %swap3A_829 = arith.constant 17 : i32
    %swap3A_830 = arith.index_cast %swap3A_829 : i32 to index
    %swap3A_831 = arith.constant 32 : index
    %swap3A_832 = tpu.vector_load %arg7[%swap3A_830, %swap3A_831] {strides = array<i32>} : memref<25x128xf32, #tpu.memory_space<vmem>>, vector<1x16xf32>,
    %swap3A_833 = vector.shape_cast %swap3A_832 : vector<1x16xf32> to vector<16xf32>
    %swap3A_834 = vector.shape_cast %broadcast_in_dim3A_1 : vector<16xf32> to vector<1x16xf32>
    tpu.vector_store %arg7[%swap3A_830, %swap3A_831], %swap3A_834 {strides = array<i32>} : memref<25x128xf32, #tpu.memory_space<vmem>>, vector<1x16xf32>,
    %swap3A_835 = arith.constant 17 : i32
    %swap3A_836 = arith.index_cast %swap3A_835 : i32 to index
    %swap3A_837 = arith.constant 48 : index
    %swap3A_838 = tpu.vector_load %arg7[%swap3A_836, %swap3A_837] {strides = array<i32>} : memref<25x128xf32, #tpu.memory_space<vmem>>, vector<1x16xf32>,
    %swap3A_839 = vector.shape_cast %swap3A_838 : vector<1x16xf32> to vector<16xf32>
    %swap3A_840 = vector.shape_cast %broadcast_in_dim3A_1 : vector<16xf32> to vector<1x16xf32>
    tpu.vector_store %arg7[%swap3A_836, %swap3A_837], %swap3A_840 {strides = array<i32>} : memref<25x128xf32, #tpu.memory_space<vmem>>, vector<1x16xf32>,
    %swap3A_841 = arith.constant 17 : i32
    %swap3A_842 = arith.index_cast %swap3A_841 : i32 to index
    %swap3A_843 = arith.constant 64 : index
    %swap3A_844 = tpu.vector_load %arg7[%swap3A_842, %swap3A_843] {strides = array<i32>} : memref<25x128xf32, #tpu.memory_space<vmem>>, vector<1x16xf32>,
    %swap3A_845 = vector.shape_cast %swap3A_844 : vector<1x16xf32> to vector<16xf32>
    %swap3A_846 = vector.shape_cast %broadcast_in_dim3A_1 : vector<16xf32> to vector<1x16xf32>
    tpu.vector_store %arg7[%swap3A_842, %swap3A_843], %swap3A_846 {strides = array<i32>} : memref<25x128xf32, #tpu.memory_space<vmem>>, vector<1x16xf32>,
    %swap3A_847 = arith.constant 17 : i32
    %swap3A_848 = arith.index_cast %swap3A_847 : i32 to index
    %swap3A_849 = arith.constant 80 : index
    %swap3A_850 = tpu.vector_load %arg7[%swap3A_848, %swap3A_849] {strides = array<i32>} : memref<25x128xf32, #tpu.memory_space<vmem>>, vector<1x16xf32>,
    %swap3A_851 = vector.shape_cast %swap3A_850 : vector<1x16xf32> to vector<16xf32>
    %swap3A_852 = vector.shape_cast %broadcast_in_dim3A_1 : vector<16xf32> to vector<1x16xf32>
    tpu.vector_store %arg7[%swap3A_848, %swap3A_849], %swap3A_852 {strides = array<i32>} : memref<25x128xf32, #tpu.memory_space<vmem>>, vector<1x16xf32>,
    %swap3A_853 = arith.constant 17 : i32
    %swap3A_854 = arith.index_cast %swap3A_853 : i32 to index
    %swap3A_855 = arith.constant 96 : index
    %swap3A_856 = tpu.vector_load %arg7[%swap3A_854, %swap3A_855] {strides = array<i32>} : memref<25x128xf32, #tpu.memory_space<vmem>>, vector<1x16xf32>,
    %swap3A_857 = vector.shape_cast %swap3A_856 : vector<1x16xf32> to vector<16xf32>
    %swap3A_858 = vector.shape_cast %broadcast_in_dim3A_1 : vector<16xf32> to vector<1x16xf32>
    tpu.vector_store %arg7[%swap3A_854, %swap3A_855], %swap3A_858 {strides = array<i32>} : memref<25x128xf32, #tpu.memory_space<vmem>>, vector<1x16xf32>,
    %swap3A_859 = arith.constant 17 : i32
    %swap3A_860 = arith.index_cast %swap3A_859 : i32 to index
    %swap3A_861 = arith.constant 112 : index
    %swap3A_862 = tpu.vector_load %arg7[%swap3A_860, %swap3A_861] {strides = array<i32>} : memref<25x128xf32, #tpu.memory_space<vmem>>, vector<1x16xf32>,
    %swap3A_863 = vector.shape_cast %swap3A_862 : vector<1x16xf32> to vector<16xf32>
    %swap3A_864 = vector.shape_cast %broadcast_in_dim3A_1 : vector<16xf32> to vector<1x16xf32>
    tpu.vector_store %arg7[%swap3A_860, %swap3A_861], %swap3A_864 {strides = array<i32>} : memref<25x128xf32, #tpu.memory_space<vmem>>, vector<1x16xf32>,
    %swap3A_865 = arith.constant 18 : i32
    %swap3A_866 = arith.index_cast %swap3A_865 : i32 to index
    %swap3A_867 = arith.constant 0 : index
    %swap3A_868 = tpu.vector_load %arg7[%swap3A_866, %swap3A_867] {strides = array<i32>} : memref<25x128xf32, #tpu.memory_space<vmem>>, vector<1x16xf32>,
    %swap3A_869 = vector.shape_cast %swap3A_868 : vector<1x16xf32> to vector<16xf32>
    %swap3A_870 = vector.shape_cast %broadcast_in_dim3A_1 : vector<16xf32> to vector<1x16xf32>
    tpu.vector_store %arg7[%swap3A_866, %swap3A_867], %swap3A_870 {strides = array<i32>} : memref<25x128xf32, #tpu.memory_space<vmem>>, vector<1x16xf32>,
    %swap3A_871 = arith.constant 18 : i32
    %swap3A_872 = arith.index_cast %swap3A_871 : i32 to index
    %swap3A_873 = arith.constant 16 : index
    %swap3A_874 = tpu.vector_load %arg7[%swap3A_872, %swap3A_873] {strides = array<i32>} : memref<25x128xf32, #tpu.memory_space<vmem>>, vector<1x16xf32>,
    %swap3A_875 = vector.shape_cast %swap3A_874 : vector<1x16xf32> to vector<16xf32>
    %swap3A_876 = vector.shape_cast %broadcast_in_dim3A_1 : vector<16xf32> to vector<1x16xf32>
    tpu.vector_store %arg7[%swap3A_872, %swap3A_873], %swap3A_876 {strides = array<i32>} : memref<25x128xf32, #tpu.memory_space<vmem>>, vector<1x16xf32>,
    %swap3A_877 = arith.constant 18 : i32
    %swap3A_878 = arith.index_cast %swap3A_877 : i32 to index
    %swap3A_879 = arith.constant 32 : index
    %swap3A_880 = tpu.vector_load %arg7[%swap3A_878, %swap3A_879] {strides = array<i32>} : memref<25x128xf32, #tpu.memory_space<vmem>>, vector<1x16xf32>,
    %swap3A_881 = vector.shape_cast %swap3A_880 : vector<1x16xf32> to vector<16xf32>
    %swap3A_882 = vector.shape_cast %broadcast_in_dim3A_1 : vector<16xf32> to vector<1x16xf32>
    tpu.vector_store %arg7[%swap3A_878, %swap3A_879], %swap3A_882 {strides = array<i32>} : memref<25x128xf32, #tpu.memory_space<vmem>>, vector<1x16xf32>,
    %swap3A_883 = arith.constant 18 : i32
    %swap3A_884 = arith.index_cast %swap3A_883 : i32 to index
    %swap3A_885 = arith.constant 48 : index
    %swap3A_886 = tpu.vector_load %arg7[%swap3A_884, %swap3A_885] {strides = array<i32>} : memref<25x128xf32, #tpu.memory_space<vmem>>, vector<1x16xf32>,
    %swap3A_887 = vector.shape_cast %swap3A_886 : vector<1x16xf32> to vector<16xf32>
    %swap3A_888 = vector.shape_cast %broadcast_in_dim3A_1 : vector<16xf32> to vector<1x16xf32>
    tpu.vector_store %arg7[%swap3A_884, %swap3A_885], %swap3A_888 {strides = array<i32>} : memref<25x128xf32, #tpu.memory_space<vmem>>, vector<1x16xf32>,
    %swap3A_889 = arith.constant 18 : i32
    %swap3A_890 = arith.index_cast %swap3A_889 : i32 to index
    %swap3A_891 = arith.constant 64 : index
    %swap3A_892 = tpu.vector_load %arg7[%swap3A_890, %swap3A_891] {strides = array<i32>} : memref<25x128xf32, #tpu.memory_space<vmem>>, vector<1x16xf32>,
    %swap3A_893 = vector.shape_cast %swap3A_892 : vector<1x16xf32> to vector<16xf32>
    %swap3A_894 = vector.shape_cast %broadcast_in_dim3A_1 : vector<16xf32> to vector<1x16xf32>
    tpu.vector_store %arg7[%swap3A_890, %swap3A_891], %swap3A_894 {strides = array<i32>} : memref<25x128xf32, #tpu.memory_space<vmem>>, vector<1x16xf32>,
    %swap3A_895 = arith.constant 18 : i32
    %swap3A_896 = arith.index_cast %swap3A_895 : i32 to index
    %swap3A_897 = arith.constant 80 : index
    %swap3A_898 = tpu.vector_load %arg7[%swap3A_896, %swap3A_897] {strides = array<i32>} : memref<25x128xf32, #tpu.memory_space<vmem>>, vector<1x16xf32>,
    %swap3A_899 = vector.shape_cast %swap3A_898 : vector<1x16xf32> to vector<16xf32>
    %swap3A_900 = vector.shape_cast %broadcast_in_dim3A_1 : vector<16xf32> to vector<1x16xf32>
    tpu.vector_store %arg7[%swap3A_896, %swap3A_897], %swap3A_900 {strides = array<i32>} : memref<25x128xf32, #tpu.memory_space<vmem>>, vector<1x16xf32>,
    %swap3A_901 = arith.constant 18 : i32
    %swap3A_902 = arith.index_cast %swap3A_901 : i32 to index
    %swap3A_903 = arith.constant 96 : index
    %swap3A_904 = tpu.vector_load %arg7[%swap3A_902, %swap3A_903] {strides = array<i32>} : memref<25x128xf32, #tpu.memory_space<vmem>>, vector<1x16xf32>,
    %swap3A_905 = vector.shape_cast %swap3A_904 : vector<1x16xf32> to vector<16xf32>
    %swap3A_906 = vector.shape_cast %broadcast_in_dim3A_1 : vector<16xf32> to vector<1x16xf32>
    tpu.vector_store %arg7[%swap3A_902, %swap3A_903], %swap3A_906 {strides = array<i32>} : memref<25x128xf32, #tpu.memory_space<vmem>>, vector<1x16xf32>,
    %swap3A_907 = arith.constant 18 : i32
    %swap3A_908 = arith.index_cast %swap3A_907 : i32 to index
    %swap3A_909 = arith.constant 112 : index
    %swap3A_910 = tpu.vector_load %arg7[%swap3A_908, %swap3A_909] {strides = array<i32>} : memref<25x128xf32, #tpu.memory_space<vmem>>, vector<1x16xf32>,
    %swap3A_911 = vector.shape_cast %swap3A_910 : vector<1x16xf32> to vector<16xf32>
    %swap3A_912 = vector.shape_cast %broadcast_in_dim3A_1 : vector<16xf32> to vector<1x16xf32>
    tpu.vector_store %arg7[%swap3A_908, %swap3A_909], %swap3A_912 {strides = array<i32>} : memref<25x128xf32, #tpu.memory_space<vmem>>, vector<1x16xf32>,
    %swap3A_913 = arith.constant 19 : i32
    %swap3A_914 = arith.index_cast %swap3A_913 : i32 to index
    %swap3A_915 = arith.constant 0 : index
    %swap3A_916 = tpu.vector_load %arg7[%swap3A_914, %swap3A_915] {strides = array<i32>} : memref<25x128xf32, #tpu.memory_space<vmem>>, vector<1x16xf32>,
    %swap3A_917 = vector.shape_cast %swap3A_916 : vector<1x16xf32> to vector<16xf32>
    %swap3A_918 = vector.shape_cast %broadcast_in_dim3A_1 : vector<16xf32> to vector<1x16xf32>
    tpu.vector_store %arg7[%swap3A_914, %swap3A_915], %swap3A_918 {strides = array<i32>} : memref<25x128xf32, #tpu.memory_space<vmem>>, vector<1x16xf32>,
    %swap3A_919 = arith.constant 19 : i32
    %swap3A_920 = arith.index_cast %swap3A_919 : i32 to index
    %swap3A_921 = arith.constant 16 : index
    %swap3A_922 = tpu.vector_load %arg7[%swap3A_920, %swap3A_921] {strides = array<i32>} : memref<25x128xf32, #tpu.memory_space<vmem>>, vector<1x16xf32>,
    %swap3A_923 = vector.shape_cast %swap3A_922 : vector<1x16xf32> to vector<16xf32>
    %swap3A_924 = vector.shape_cast %broadcast_in_dim3A_1 : vector<16xf32> to vector<1x16xf32>
    tpu.vector_store %arg7[%swap3A_920, %swap3A_921], %swap3A_924 {strides = array<i32>} : memref<25x128xf32, #tpu.memory_space<vmem>>, vector<1x16xf32>,
    %swap3A_925 = arith.constant 19 : i32
    %swap3A_926 = arith.index_cast %swap3A_925 : i32 to index
    %swap3A_927 = arith.constant 32 : index
    %swap3A_928 = tpu.vector_load %arg7[%swap3A_926, %swap3A_927] {strides = array<i32>} : memref<25x128xf32, #tpu.memory_space<vmem>>, vector<1x16xf32>,
    %swap3A_929 = vector.shape_cast %swap3A_928 : vector<1x16xf32> to vector<16xf32>
    %swap3A_930 = vector.shape_cast %broadcast_in_dim3A_1 : vector<16xf32> to vector<1x16xf32>
    tpu.vector_store %arg7[%swap3A_926, %swap3A_927], %swap3A_930 {strides = array<i32>} : memref<25x128xf32, #tpu.memory_space<vmem>>, vector<1x16xf32>,
    %swap3A_931 = arith.constant 19 : i32
    %swap3A_932 = arith.index_cast %swap3A_931 : i32 to index
    %swap3A_933 = arith.constant 48 : index
    %swap3A_934 = tpu.vector_load %arg7[%swap3A_932, %swap3A_933] {strides = array<i32>} : memref<25x128xf32, #tpu.memory_space<vmem>>, vector<1x16xf32>,
    %swap3A_935 = vector.shape_cast %swap3A_934 : vector<1x16xf32> to vector<16xf32>
    %swap3A_936 = vector.shape_cast %broadcast_in_dim3A_1 : vector<16xf32> to vector<1x16xf32>
    tpu.vector_store %arg7[%swap3A_932, %swap3A_933], %swap3A_936 {strides = array<i32>} : memref<25x128xf32, #tpu.memory_space<vmem>>, vector<1x16xf32>,
    %swap3A_937 = arith.constant 19 : i32
    %swap3A_938 = arith.index_cast %swap3A_937 : i32 to index
    %swap3A_939 = arith.constant 64 : index
    %swap3A_940 = tpu.vector_load %arg7[%swap3A_938, %swap3A_939] {strides = array<i32>} : memref<25x128xf32, #tpu.memory_space<vmem>>, vector<1x16xf32>,
    %swap3A_941 = vector.shape_cast %swap3A_940 : vector<1x16xf32> to vector<16xf32>
    %swap3A_942 = vector.shape_cast %broadcast_in_dim3A_1 : vector<16xf32> to vector<1x16xf32>
    tpu.vector_store %arg7[%swap3A_938, %swap3A_939], %swap3A_942 {strides = array<i32>} : memref<25x128xf32, #tpu.memory_space<vmem>>, vector<1x16xf32>,
    %swap3A_943 = arith.constant 19 : i32
    %swap3A_944 = arith.index_cast %swap3A_943 : i32 to index
    %swap3A_945 = arith.constant 80 : index
    %swap3A_946 = tpu.vector_load %arg7[%swap3A_944, %swap3A_945] {strides = array<i32>} : memref<25x128xf32, #tpu.memory_space<vmem>>, vector<1x16xf32>,
    %swap3A_947 = vector.shape_cast %swap3A_946 : vector<1x16xf32> to vector<16xf32>
    %swap3A_948 = vector.shape_cast %broadcast_in_dim3A_1 : vector<16xf32> to vector<1x16xf32>
    tpu.vector_store %arg7[%swap3A_944, %swap3A_945], %swap3A_948 {strides = array<i32>} : memref<25x128xf32, #tpu.memory_space<vmem>>, vector<1x16xf32>,
    %swap3A_949 = arith.constant 19 : i32
    %swap3A_950 = arith.index_cast %swap3A_949 : i32 to index
    %swap3A_951 = arith.constant 96 : index
    %swap3A_952 = tpu.vector_load %arg7[%swap3A_950, %swap3A_951] {strides = array<i32>} : memref<25x128xf32, #tpu.memory_space<vmem>>, vector<1x16xf32>,
    %swap3A_953 = vector.shape_cast %swap3A_952 : vector<1x16xf32> to vector<16xf32>
    %swap3A_954 = vector.shape_cast %broadcast_in_dim3A_1 : vector<16xf32> to vector<1x16xf32>
    tpu.vector_store %arg7[%swap3A_950, %swap3A_951], %swap3A_954 {strides = array<i32>} : memref<25x128xf32, #tpu.memory_space<vmem>>, vector<1x16xf32>,
    %swap3A_955 = arith.constant 19 : i32
    %swap3A_956 = arith.index_cast %swap3A_955 : i32 to index
    %swap3A_957 = arith.constant 112 : index
    %swap3A_958 = tpu.vector_load %arg7[%swap3A_956, %swap3A_957] {strides = array<i32>} : memref<25x128xf32, #tpu.memory_space<vmem>>, vector<1x16xf32>,
    %swap3A_959 = vector.shape_cast %swap3A_958 : vector<1x16xf32> to vector<16xf32>
    %swap3A_960 = vector.shape_cast %broadcast_in_dim3A_1 : vector<16xf32> to vector<1x16xf32>
    tpu.vector_store %arg7[%swap3A_956, %swap3A_957], %swap3A_960 {strides = array<i32>} : memref<25x128xf32, #tpu.memory_space<vmem>>, vector<1x16xf32>,
    %swap3A_961 = arith.constant 20 : i32
    %swap3A_962 = arith.index_cast %swap3A_961 : i32 to index
    %swap3A_963 = arith.constant 0 : index
    %swap3A_964 = tpu.vector_load %arg7[%swap3A_962, %swap3A_963] {strides = array<i32>} : memref<25x128xf32, #tpu.memory_space<vmem>>, vector<1x16xf32>,
    %swap3A_965 = vector.shape_cast %swap3A_964 : vector<1x16xf32> to vector<16xf32>
    %swap3A_966 = vector.shape_cast %broadcast_in_dim3A_1 : vector<16xf32> to vector<1x16xf32>
    tpu.vector_store %arg7[%swap3A_962, %swap3A_963], %swap3A_966 {strides = array<i32>} : memref<25x128xf32, #tpu.memory_space<vmem>>, vector<1x16xf32>,
    %swap3A_967 = arith.constant 20 : i32
    %swap3A_968 = arith.index_cast %swap3A_967 : i32 to index
    %swap3A_969 = arith.constant 16 : index
    %swap3A_970 = tpu.vector_load %arg7[%swap3A_968, %swap3A_969] {strides = array<i32>} : memref<25x128xf32, #tpu.memory_space<vmem>>, vector<1x16xf32>,
    %swap3A_971 = vector.shape_cast %swap3A_970 : vector<1x16xf32> to vector<16xf32>
    %swap3A_972 = vector.shape_cast %broadcast_in_dim3A_1 : vector<16xf32> to vector<1x16xf32>
    tpu.vector_store %arg7[%swap3A_968, %swap3A_969], %swap3A_972 {strides = array<i32>} : memref<25x128xf32, #tpu.memory_space<vmem>>, vector<1x16xf32>,
    %swap3A_973 = arith.constant 20 : i32
    %swap3A_974 = arith.index_cast %swap3A_973 : i32 to index
    %swap3A_975 = arith.constant 32 : index
    %swap3A_976 = tpu.vector_load %arg7[%swap3A_974, %swap3A_975] {strides = array<i32>} : memref<25x128xf32, #tpu.memory_space<vmem>>, vector<1x16xf32>,
    %swap3A_977 = vector.shape_cast %swap3A_976 : vector<1x16xf32> to vector<16xf32>
    %swap3A_978 = vector.shape_cast %broadcast_in_dim3A_1 : vector<16xf32> to vector<1x16xf32>
    tpu.vector_store %arg7[%swap3A_974, %swap3A_975], %swap3A_978 {strides = array<i32>} : memref<25x128xf32, #tpu.memory_space<vmem>>, vector<1x16xf32>,
    %swap3A_979 = arith.constant 20 : i32
    %swap3A_980 = arith.index_cast %swap3A_979 : i32 to index
    %swap3A_981 = arith.constant 48 : index
    %swap3A_982 = tpu.vector_load %arg7[%swap3A_980, %swap3A_981] {strides = array<i32>} : memref<25x128xf32, #tpu.memory_space<vmem>>, vector<1x16xf32>,
    %swap3A_983 = vector.shape_cast %swap3A_982 : vector<1x16xf32> to vector<16xf32>
    %swap3A_984 = vector.shape_cast %broadcast_in_dim3A_1 : vector<16xf32> to vector<1x16xf32>
    tpu.vector_store %arg7[%swap3A_980, %swap3A_981], %swap3A_984 {strides = array<i32>} : memref<25x128xf32, #tpu.memory_space<vmem>>, vector<1x16xf32>,
    %swap3A_985 = arith.constant 20 : i32
    %swap3A_986 = arith.index_cast %swap3A_985 : i32 to index
    %swap3A_987 = arith.constant 64 : index
    %swap3A_988 = tpu.vector_load %arg7[%swap3A_986, %swap3A_987] {strides = array<i32>} : memref<25x128xf32, #tpu.memory_space<vmem>>, vector<1x16xf32>,
    %swap3A_989 = vector.shape_cast %swap3A_988 : vector<1x16xf32> to vector<16xf32>
    %swap3A_990 = vector.shape_cast %broadcast_in_dim3A_1 : vector<16xf32> to vector<1x16xf32>
    tpu.vector_store %arg7[%swap3A_986, %swap3A_987], %swap3A_990 {strides = array<i32>} : memref<25x128xf32, #tpu.memory_space<vmem>>, vector<1x16xf32>,
    %swap3A_991 = arith.constant 20 : i32
    %swap3A_992 = arith.index_cast %swap3A_991 : i32 to index
    %swap3A_993 = arith.constant 80 : index
    %swap3A_994 = tpu.vector_load %arg7[%swap3A_992, %swap3A_993] {strides = array<i32>} : memref<25x128xf32, #tpu.memory_space<vmem>>, vector<1x16xf32>,
    %swap3A_995 = vector.shape_cast %swap3A_994 : vector<1x16xf32> to vector<16xf32>
    %swap3A_996 = vector.shape_cast %broadcast_in_dim3A_1 : vector<16xf32> to vector<1x16xf32>
    tpu.vector_store %arg7[%swap3A_992, %swap3A_993], %swap3A_996 {strides = array<i32>} : memref<25x128xf32, #tpu.memory_space<vmem>>, vector<1x16xf32>,
    %swap3A_997 = arith.constant 20 : i32
    %swap3A_998 = arith.index_cast %swap3A_997 : i32 to index
    %swap3A_999 = arith.constant 96 : index
    %swap3A_1000 = tpu.vector_load %arg7[%swap3A_998, %swap3A_999] {strides = array<i32>} : memref<25x128xf32, #tpu.memory_space<vmem>>, vector<1x16xf32>,
    %swap3A_1001 = vector.shape_cast %swap3A_1000 : vector<1x16xf32> to vector<16xf32>
    %swap3A_1002 = vector.shape_cast %broadcast_in_dim3A_1 : vector<16xf32> to vector<1x16xf32>
    tpu.vector_store %arg7[%swap3A_998, %swap3A_999], %swap3A_1002 {strides = array<i32>} : memref<25x128xf32, #tpu.memory_space<vmem>>, vector<1x16xf32>,
    %swap3A_1003 = arith.constant 20 : i32
    %swap3A_1004 = arith.index_cast %swap3A_1003 : i32 to index
    %swap3A_1005 = arith.constant 112 : index
    %swap3A_1006 = tpu.vector_load %arg7[%swap3A_1004, %swap3A_1005] {strides = array<i32>} : memref<25x128xf32, #tpu.memory_space<vmem>>, vector<1x16xf32>,
    %swap3A_1007 = vector.shape_cast %swap3A_1006 : vector<1x16xf32> to vector<16xf32>
    %swap3A_1008 = vector.shape_cast %broadcast_in_dim3A_1 : vector<16xf32> to vector<1x16xf32>
    tpu.vector_store %arg7[%swap3A_1004, %swap3A_1005], %swap3A_1008 {strides = array<i32>} : memref<25x128xf32, #tpu.memory_space<vmem>>, vector<1x16xf32>,
    %swap3A_1009 = arith.constant 21 : i32
    %swap3A_1010 = arith.index_cast %swap3A_1009 : i32 to index
    %swap3A_1011 = arith.constant 0 : index
    %swap3A_1012 = tpu.vector_load %arg7[%swap3A_1010, %swap3A_1011] {strides = array<i32>} : memref<25x128xf32, #tpu.memory_space<vmem>>, vector<1x16xf32>,
    %swap3A_1013 = vector.shape_cast %swap3A_1012 : vector<1x16xf32> to vector<16xf32>
    %swap3A_1014 = vector.shape_cast %broadcast_in_dim3A_1 : vector<16xf32> to vector<1x16xf32>
    tpu.vector_store %arg7[%swap3A_1010, %swap3A_1011], %swap3A_1014 {strides = array<i32>} : memref<25x128xf32, #tpu.memory_space<vmem>>, vector<1x16xf32>,
    %swap3A_1015 = arith.constant 21 : i32
    %swap3A_1016 = arith.index_cast %swap3A_1015 : i32 to index
    %swap3A_1017 = arith.constant 16 : index
    %swap3A_1018 = tpu.vector_load %arg7[%swap3A_1016, %swap3A_1017] {strides = array<i32>} : memref<25x128xf32, #tpu.memory_space<vmem>>, vector<1x16xf32>,
    %swap3A_1019 = vector.shape_cast %swap3A_1018 : vector<1x16xf32> to vector<16xf32>
    %swap3A_1020 = vector.shape_cast %broadcast_in_dim3A_1 : vector<16xf32> to vector<1x16xf32>
    tpu.vector_store %arg7[%swap3A_1016, %swap3A_1017], %swap3A_1020 {strides = array<i32>} : memref<25x128xf32, #tpu.memory_space<vmem>>, vector<1x16xf32>,
    %swap3A_1021 = arith.constant 21 : i32
    %swap3A_1022 = arith.index_cast %swap3A_1021 : i32 to index
    %swap3A_1023 = arith.constant 32 : index
    %swap3A_1024 = tpu.vector_load %arg7[%swap3A_1022, %swap3A_1023] {strides = array<i32>} : memref<25x128xf32, #tpu.memory_space<vmem>>, vector<1x16xf32>,
    %swap3A_1025 = vector.shape_cast %swap3A_1024 : vector<1x16xf32> to vector<16xf32>
    %swap3A_1026 = vector.shape_cast %broadcast_in_dim3A_1 : vector<16xf32> to vector<1x16xf32>
    tpu.vector_store %arg7[%swap3A_1022, %swap3A_1023], %swap3A_1026 {strides = array<i32>} : memref<25x128xf32, #tpu.memory_space<vmem>>, vector<1x16xf32>,
    %swap3A_1027 = arith.constant 21 : i32
    %swap3A_1028 = arith.index_cast %swap3A_1027 : i32 to index
    %swap3A_1029 = arith.constant 48 : index
    %swap3A_1030 = tpu.vector_load %arg7[%swap3A_1028, %swap3A_1029] {strides = array<i32>} : memref<25x128xf32, #tpu.memory_space<vmem>>, vector<1x16xf32>,
    %swap3A_1031 = vector.shape_cast %swap3A_1030 : vector<1x16xf32> to vector<16xf32>
    %swap3A_1032 = vector.shape_cast %broadcast_in_dim3A_1 : vector<16xf32> to vector<1x16xf32>
    tpu.vector_store %arg7[%swap3A_1028, %swap3A_1029], %swap3A_1032 {strides = array<i32>} : memref<25x128xf32, #tpu.memory_space<vmem>>, vector<1x16xf32>,
    %swap3A_1033 = arith.constant 21 : i32
    %swap3A_1034 = arith.index_cast %swap3A_1033 : i32 to index
    %swap3A_1035 = arith.constant 64 : index
    %swap3A_1036 = tpu.vector_load %arg7[%swap3A_1034, %swap3A_1035] {strides = array<i32>} : memref<25x128xf32, #tpu.memory_space<vmem>>, vector<1x16xf32>,
    %swap3A_1037 = vector.shape_cast %swap3A_1036 : vector<1x16xf32> to vector<16xf32>
    %swap3A_1038 = vector.shape_cast %broadcast_in_dim3A_1 : vector<16xf32> to vector<1x16xf32>
    tpu.vector_store %arg7[%swap3A_1034, %swap3A_1035], %swap3A_1038 {strides = array<i32>} : memref<25x128xf32, #tpu.memory_space<vmem>>, vector<1x16xf32>,
    %swap3A_1039 = arith.constant 21 : i32
    %swap3A_1040 = arith.index_cast %swap3A_1039 : i32 to index
    %swap3A_1041 = arith.constant 80 : index
    %swap3A_1042 = tpu.vector_load %arg7[%swap3A_1040, %swap3A_1041] {strides = array<i32>} : memref<25x128xf32, #tpu.memory_space<vmem>>, vector<1x16xf32>,
    %swap3A_1043 = vector.shape_cast %swap3A_1042 : vector<1x16xf32> to vector<16xf32>
    %swap3A_1044 = vector.shape_cast %broadcast_in_dim3A_1 : vector<16xf32> to vector<1x16xf32>
    tpu.vector_store %arg7[%swap3A_1040, %swap3A_1041], %swap3A_1044 {strides = array<i32>} : memref<25x128xf32, #tpu.memory_space<vmem>>, vector<1x16xf32>,
    %swap3A_1045 = arith.constant 21 : i32
    %swap3A_1046 = arith.index_cast %swap3A_1045 : i32 to index
    %swap3A_1047 = arith.constant 96 : index
    %swap3A_1048 = tpu.vector_load %arg7[%swap3A_1046, %swap3A_1047] {strides = array<i32>} : memref<25x128xf32, #tpu.memory_space<vmem>>, vector<1x16xf32>,
    %swap3A_1049 = vector.shape_cast %swap3A_1048 : vector<1x16xf32> to vector<16xf32>
    %swap3A_1050 = vector.shape_cast %broadcast_in_dim3A_1 : vector<16xf32> to vector<1x16xf32>
    tpu.vector_store %arg7[%swap3A_1046, %swap3A_1047], %swap3A_1050 {strides = array<i32>} : memref<25x128xf32, #tpu.memory_space<vmem>>, vector<1x16xf32>,
    %swap3A_1051 = arith.constant 21 : i32
    %swap3A_1052 = arith.index_cast %swap3A_1051 : i32 to index
    %swap3A_1053 = arith.constant 112 : index
    %swap3A_1054 = tpu.vector_load %arg7[%swap3A_1052, %swap3A_1053] {strides = array<i32>} : memref<25x128xf32, #tpu.memory_space<vmem>>, vector<1x16xf32>,
    %swap3A_1055 = vector.shape_cast %swap3A_1054 : vector<1x16xf32> to vector<16xf32>
    %swap3A_1056 = vector.shape_cast %broadcast_in_dim3A_1 : vector<16xf32> to vector<1x16xf32>
    tpu.vector_store %arg7[%swap3A_1052, %swap3A_1053], %swap3A_1056 {strides = array<i32>} : memref<25x128xf32, #tpu.memory_space<vmem>>, vector<1x16xf32>,
    %swap3A_1057 = arith.constant 22 : i32
    %swap3A_1058 = arith.index_cast %swap3A_1057 : i32 to index
    %swap3A_1059 = arith.constant 0 : index
    %swap3A_1060 = tpu.vector_load %arg7[%swap3A_1058, %swap3A_1059] {strides = array<i32>} : memref<25x128xf32, #tpu.memory_space<vmem>>, vector<1x16xf32>,
    %swap3A_1061 = vector.shape_cast %swap3A_1060 : vector<1x16xf32> to vector<16xf32>
    %swap3A_1062 = vector.shape_cast %broadcast_in_dim3A_1 : vector<16xf32> to vector<1x16xf32>
    tpu.vector_store %arg7[%swap3A_1058, %swap3A_1059], %swap3A_1062 {strides = array<i32>} : memref<25x128xf32, #tpu.memory_space<vmem>>, vector<1x16xf32>,
    %swap3A_1063 = arith.constant 22 : i32
    %swap3A_1064 = arith.index_cast %swap3A_1063 : i32 to index
    %swap3A_1065 = arith.constant 16 : index
    %swap3A_1066 = tpu.vector_load %arg7[%swap3A_1064, %swap3A_1065] {strides = array<i32>} : memref<25x128xf32, #tpu.memory_space<vmem>>, vector<1x16xf32>,
    %swap3A_1067 = vector.shape_cast %swap3A_1066 : vector<1x16xf32> to vector<16xf32>
    %swap3A_1068 = vector.shape_cast %broadcast_in_dim3A_1 : vector<16xf32> to vector<1x16xf32>
    tpu.vector_store %arg7[%swap3A_1064, %swap3A_1065], %swap3A_1068 {strides = array<i32>} : memref<25x128xf32, #tpu.memory_space<vmem>>, vector<1x16xf32>,
    %swap3A_1069 = arith.constant 22 : i32
    %swap3A_1070 = arith.index_cast %swap3A_1069 : i32 to index
    %swap3A_1071 = arith.constant 32 : index
    %swap3A_1072 = tpu.vector_load %arg7[%swap3A_1070, %swap3A_1071] {strides = array<i32>} : memref<25x128xf32, #tpu.memory_space<vmem>>, vector<1x16xf32>,
    %swap3A_1073 = vector.shape_cast %swap3A_1072 : vector<1x16xf32> to vector<16xf32>
    %swap3A_1074 = vector.shape_cast %broadcast_in_dim3A_1 : vector<16xf32> to vector<1x16xf32>
    tpu.vector_store %arg7[%swap3A_1070, %swap3A_1071], %swap3A_1074 {strides = array<i32>} : memref<25x128xf32, #tpu.memory_space<vmem>>, vector<1x16xf32>,
    %swap3A_1075 = arith.constant 22 : i32
    %swap3A_1076 = arith.index_cast %swap3A_1075 : i32 to index
    %swap3A_1077 = arith.constant 48 : index
    %swap3A_1078 = tpu.vector_load %arg7[%swap3A_1076, %swap3A_1077] {strides = array<i32>} : memref<25x128xf32, #tpu.memory_space<vmem>>, vector<1x16xf32>,
    %swap3A_1079 = vector.shape_cast %swap3A_1078 : vector<1x16xf32> to vector<16xf32>
    %swap3A_1080 = vector.shape_cast %broadcast_in_dim3A_1 : vector<16xf32> to vector<1x16xf32>
    tpu.vector_store %arg7[%swap3A_1076, %swap3A_1077], %swap3A_1080 {strides = array<i32>} : memref<25x128xf32, #tpu.memory_space<vmem>>, vector<1x16xf32>,
    %swap3A_1081 = arith.constant 22 : i32
    %swap3A_1082 = arith.index_cast %swap3A_1081 : i32 to index
    %swap3A_1083 = arith.constant 64 : index
    %swap3A_1084 = tpu.vector_load %arg7[%swap3A_1082, %swap3A_1083] {strides = array<i32>} : memref<25x128xf32, #tpu.memory_space<vmem>>, vector<1x16xf32>,
    %swap3A_1085 = vector.shape_cast %swap3A_1084 : vector<1x16xf32> to vector<16xf32>
    %swap3A_1086 = vector.shape_cast %broadcast_in_dim3A_1 : vector<16xf32> to vector<1x16xf32>
    tpu.vector_store %arg7[%swap3A_1082, %swap3A_1083], %swap3A_1086 {strides = array<i32>} : memref<25x128xf32, #tpu.memory_space<vmem>>, vector<1x16xf32>,
    %swap3A_1087 = arith.constant 22 : i32
    %swap3A_1088 = arith.index_cast %swap3A_1087 : i32 to index
    %swap3A_1089 = arith.constant 80 : index
    %swap3A_1090 = tpu.vector_load %arg7[%swap3A_1088, %swap3A_1089] {strides = array<i32>} : memref<25x128xf32, #tpu.memory_space<vmem>>, vector<1x16xf32>,
    %swap3A_1091 = vector.shape_cast %swap3A_1090 : vector<1x16xf32> to vector<16xf32>
    %swap3A_1092 = vector.shape_cast %broadcast_in_dim3A_1 : vector<16xf32> to vector<1x16xf32>
    tpu.vector_store %arg7[%swap3A_1088, %swap3A_1089], %swap3A_1092 {strides = array<i32>} : memref<25x128xf32, #tpu.memory_space<vmem>>, vector<1x16xf32>,
    %swap3A_1093 = arith.constant 22 : i32
    %swap3A_1094 = arith.index_cast %swap3A_1093 : i32 to index
    %swap3A_1095 = arith.constant 96 : index
    %swap3A_1096 = tpu.vector_load %arg7[%swap3A_1094, %swap3A_1095] {strides = array<i32>} : memref<25x128xf32, #tpu.memory_space<vmem>>, vector<1x16xf32>,
    %swap3A_1097 = vector.shape_cast %swap3A_1096 : vector<1x16xf32> to vector<16xf32>
    %swap3A_1098 = vector.shape_cast %broadcast_in_dim3A_1 : vector<16xf32> to vector<1x16xf32>
    tpu.vector_store %arg7[%swap3A_1094, %swap3A_1095], %swap3A_1098 {strides = array<i32>} : memref<25x128xf32, #tpu.memory_space<vmem>>, vector<1x16xf32>,
    %swap3A_1099 = arith.constant 22 : i32
    %swap3A_1100 = arith.index_cast %swap3A_1099 : i32 to index
    %swap3A_1101 = arith.constant 112 : index
    %swap3A_1102 = tpu.vector_load %arg7[%swap3A_1100, %swap3A_1101] {strides = array<i32>} : memref<25x128xf32, #tpu.memory_space<vmem>>, vector<1x16xf32>,
    %swap3A_1103 = vector.shape_cast %swap3A_1102 : vector<1x16xf32> to vector<16xf32>
    %swap3A_1104 = vector.shape_cast %broadcast_in_dim3A_1 : vector<16xf32> to vector<1x16xf32>
    tpu.vector_store %arg7[%swap3A_1100, %swap3A_1101], %swap3A_1104 {strides = array<i32>} : memref<25x128xf32, #tpu.memory_space<vmem>>, vector<1x16xf32>,
    %swap3A_1105 = arith.constant 23 : i32
    %swap3A_1106 = arith.index_cast %swap3A_1105 : i32 to index
    %swap3A_1107 = arith.constant 0 : index
    %swap3A_1108 = tpu.vector_load %arg7[%swap3A_1106, %swap3A_1107] {strides = array<i32>} : memref<25x128xf32, #tpu.memory_space<vmem>>, vector<1x16xf32>,
    %swap3A_1109 = vector.shape_cast %swap3A_1108 : vector<1x16xf32> to vector<16xf32>
    %swap3A_1110 = vector.shape_cast %broadcast_in_dim3A_1 : vector<16xf32> to vector<1x16xf32>
    tpu.vector_store %arg7[%swap3A_1106, %swap3A_1107], %swap3A_1110 {strides = array<i32>} : memref<25x128xf32, #tpu.memory_space<vmem>>, vector<1x16xf32>,
    %swap3A_1111 = arith.constant 23 : i32
    %swap3A_1112 = arith.index_cast %swap3A_1111 : i32 to index
    %swap3A_1113 = arith.constant 16 : index
    %swap3A_1114 = tpu.vector_load %arg7[%swap3A_1112, %swap3A_1113] {strides = array<i32>} : memref<25x128xf32, #tpu.memory_space<vmem>>, vector<1x16xf32>,
    %swap3A_1115 = vector.shape_cast %swap3A_1114 : vector<1x16xf32> to vector<16xf32>
    %swap3A_1116 = vector.shape_cast %broadcast_in_dim3A_1 : vector<16xf32> to vector<1x16xf32>
    tpu.vector_store %arg7[%swap3A_1112, %swap3A_1113], %swap3A_1116 {strides = array<i32>} : memref<25x128xf32, #tpu.memory_space<vmem>>, vector<1x16xf32>,
    %swap3A_1117 = arith.constant 23 : i32
    %swap3A_1118 = arith.index_cast %swap3A_1117 : i32 to index
    %swap3A_1119 = arith.constant 32 : index
    %swap3A_1120 = tpu.vector_load %arg7[%swap3A_1118, %swap3A_1119] {strides = array<i32>} : memref<25x128xf32, #tpu.memory_space<vmem>>, vector<1x16xf32>,
    %swap3A_1121 = vector.shape_cast %swap3A_1120 : vector<1x16xf32> to vector<16xf32>
    %swap3A_1122 = vector.shape_cast %broadcast_in_dim3A_1 : vector<16xf32> to vector<1x16xf32>
    tpu.vector_store %arg7[%swap3A_1118, %swap3A_1119], %swap3A_1122 {strides = array<i32>} : memref<25x128xf32, #tpu.memory_space<vmem>>, vector<1x16xf32>,
    %swap3A_1123 = arith.constant 23 : i32
    %swap3A_1124 = arith.index_cast %swap3A_1123 : i32 to index
    %swap3A_1125 = arith.constant 48 : index
    %swap3A_1126 = tpu.vector_load %arg7[%swap3A_1124, %swap3A_1125] {strides = array<i32>} : memref<25x128xf32, #tpu.memory_space<vmem>>, vector<1x16xf32>,
    %swap3A_1127 = vector.shape_cast %swap3A_1126 : vector<1x16xf32> to vector<16xf32>
    %swap3A_1128 = vector.shape_cast %broadcast_in_dim3A_1 : vector<16xf32> to vector<1x16xf32>
    tpu.vector_store %arg7[%swap3A_1124, %swap3A_1125], %swap3A_1128 {strides = array<i32>} : memref<25x128xf32, #tpu.memory_space<vmem>>, vector<1x16xf32>,
    %swap3A_1129 = arith.constant 23 : i32
    %swap3A_1130 = arith.index_cast %swap3A_1129 : i32 to index
    %swap3A_1131 = arith.constant 64 : index
    %swap3A_1132 = tpu.vector_load %arg7[%swap3A_1130, %swap3A_1131] {strides = array<i32>} : memref<25x128xf32, #tpu.memory_space<vmem>>, vector<1x16xf32>,
    %swap3A_1133 = vector.shape_cast %swap3A_1132 : vector<1x16xf32> to vector<16xf32>
    %swap3A_1134 = vector.shape_cast %broadcast_in_dim3A_1 : vector<16xf32> to vector<1x16xf32>
    tpu.vector_store %arg7[%swap3A_1130, %swap3A_1131], %swap3A_1134 {strides = array<i32>} : memref<25x128xf32, #tpu.memory_space<vmem>>, vector<1x16xf32>,
    %swap3A_1135 = arith.constant 23 : i32
    %swap3A_1136 = arith.index_cast %swap3A_1135 : i32 to index
    %swap3A_1137 = arith.constant 80 : index
    %swap3A_1138 = tpu.vector_load %arg7[%swap3A_1136, %swap3A_1137] {strides = array<i32>} : memref<25x128xf32, #tpu.memory_space<vmem>>, vector<1x16xf32>,
    %swap3A_1139 = vector.shape_cast %swap3A_1138 : vector<1x16xf32> to vector<16xf32>
    %swap3A_1140 = vector.shape_cast %broadcast_in_dim3A_1 : vector<16xf32> to vector<1x16xf32>
    tpu.vector_store %arg7[%swap3A_1136, %swap3A_1137], %swap3A_1140 {strides = array<i32>} : memref<25x128xf32, #tpu.memory_space<vmem>>, vector<1x16xf32>,
    %swap3A_1141 = arith.constant 23 : i32
    %swap3A_1142 = arith.index_cast %swap3A_1141 : i32 to index
    %swap3A_1143 = arith.constant 96 : index
    %swap3A_1144 = tpu.vector_load %arg7[%swap3A_1142, %swap3A_1143] {strides = array<i32>} : memref<25x128xf32, #tpu.memory_space<vmem>>, vector<1x16xf32>,
    %swap3A_1145 = vector.shape_cast %swap3A_1144 : vector<1x16xf32> to vector<16xf32>
    %swap3A_1146 = vector.shape_cast %broadcast_in_dim3A_1 : vector<16xf32> to vector<1x16xf32>
    tpu.vector_store %arg7[%swap3A_1142, %swap3A_1143], %swap3A_1146 {strides = array<i32>} : memref<25x128xf32, #tpu.memory_space<vmem>>, vector<1x16xf32>,
    %swap3A_1147 = arith.constant 23 : i32
    %swap3A_1148 = arith.index_cast %swap3A_1147 : i32 to index
    %swap3A_1149 = arith.constant 112 : index
    %swap3A_1150 = tpu.vector_load %arg7[%swap3A_1148, %swap3A_1149] {strides = array<i32>} : memref<25x128xf32, #tpu.memory_space<vmem>>, vector<1x16xf32>,
    %swap3A_1151 = vector.shape_cast %swap3A_1150 : vector<1x16xf32> to vector<16xf32>
    %swap3A_1152 = vector.shape_cast %broadcast_in_dim3A_1 : vector<16xf32> to vector<1x16xf32>
    tpu.vector_store %arg7[%swap3A_1148, %swap3A_1149], %swap3A_1152 {strides = array<i32>} : memref<25x128xf32, #tpu.memory_space<vmem>>, vector<1x16xf32>,
    %swap3A_1153 = arith.constant 24 : i32
    %swap3A_1154 = arith.index_cast %swap3A_1153 : i32 to index
    %swap3A_1155 = arith.constant 0 : index
    %swap3A_1156 = tpu.vector_load %arg7[%swap3A_1154, %swap3A_1155] {strides = array<i32>} : memref<25x128xf32, #tpu.memory_space<vmem>>, vector<1x16xf32>,
    %swap3A_1157 = vector.shape_cast %swap3A_1156 : vector<1x16xf32> to vector<16xf32>
    %swap3A_1158 = vector.shape_cast %broadcast_in_dim3A_1 : vector<16xf32> to vector<1x16xf32>
    tpu.vector_store %arg7[%swap3A_1154, %swap3A_1155], %swap3A_1158 {strides = array<i32>} : memref<25x128xf32, #tpu.memory_space<vmem>>, vector<1x16xf32>,
    %swap3A_1159 = arith.constant 24 : i32
    %swap3A_1160 = arith.index_cast %swap3A_1159 : i32 to index
    %swap3A_1161 = arith.constant 16 : index
    %swap3A_1162 = tpu.vector_load %arg7[%swap3A_1160, %swap3A_1161] {strides = array<i32>} : memref<25x128xf32, #tpu.memory_space<vmem>>, vector<1x16xf32>,
    %swap3A_1163 = vector.shape_cast %swap3A_1162 : vector<1x16xf32> to vector<16xf32>
    %swap3A_1164 = vector.shape_cast %broadcast_in_dim3A_1 : vector<16xf32> to vector<1x16xf32>
    tpu.vector_store %arg7[%swap3A_1160, %swap3A_1161], %swap3A_1164 {strides = array<i32>} : memref<25x128xf32, #tpu.memory_space<vmem>>, vector<1x16xf32>,
    %swap3A_1165 = arith.constant 24 : i32
    %swap3A_1166 = arith.index_cast %swap3A_1165 : i32 to index
    %swap3A_1167 = arith.constant 32 : index
    %swap3A_1168 = tpu.vector_load %arg7[%swap3A_1166, %swap3A_1167] {strides = array<i32>} : memref<25x128xf32, #tpu.memory_space<vmem>>, vector<1x16xf32>,
    %swap3A_1169 = vector.shape_cast %swap3A_1168 : vector<1x16xf32> to vector<16xf32>
    %swap3A_1170 = vector.shape_cast %broadcast_in_dim3A_1 : vector<16xf32> to vector<1x16xf32>
    tpu.vector_store %arg7[%swap3A_1166, %swap3A_1167], %swap3A_1170 {strides = array<i32>} : memref<25x128xf32, #tpu.memory_space<vmem>>, vector<1x16xf32>,
    %swap3A_1171 = arith.constant 24 : i32
    %swap3A_1172 = arith.index_cast %swap3A_1171 : i32 to index
    %swap3A_1173 = arith.constant 48 : index
    %swap3A_1174 = tpu.vector_load %arg7[%swap3A_1172, %swap3A_1173] {strides = array<i32>} : memref<25x128xf32, #tpu.memory_space<vmem>>, vector<1x16xf32>,
    %swap3A_1175 = vector.shape_cast %swap3A_1174 : vector<1x16xf32> to vector<16xf32>
    %swap3A_1176 = vector.shape_cast %broadcast_in_dim3A_1 : vector<16xf32> to vector<1x16xf32>
    tpu.vector_store %arg7[%swap3A_1172, %swap3A_1173], %swap3A_1176 {strides = array<i32>} : memref<25x128xf32, #tpu.memory_space<vmem>>, vector<1x16xf32>,
    %swap3A_1177 = arith.constant 24 : i32
    %swap3A_1178 = arith.index_cast %swap3A_1177 : i32 to index
    %swap3A_1179 = arith.constant 64 : index
    %swap3A_1180 = tpu.vector_load %arg7[%swap3A_1178, %swap3A_1179] {strides = array<i32>} : memref<25x128xf32, #tpu.memory_space<vmem>>, vector<1x16xf32>,
    %swap3A_1181 = vector.shape_cast %swap3A_1180 : vector<1x16xf32> to vector<16xf32>
    %swap3A_1182 = vector.shape_cast %broadcast_in_dim3A_1 : vector<16xf32> to vector<1x16xf32>
    tpu.vector_store %arg7[%swap3A_1178, %swap3A_1179], %swap3A_1182 {strides = array<i32>} : memref<25x128xf32, #tpu.memory_space<vmem>>, vector<1x16xf32>,
    %swap3A_1183 = arith.constant 24 : i32
    %swap3A_1184 = arith.index_cast %swap3A_1183 : i32 to index
    %swap3A_1185 = arith.constant 80 : index
    %swap3A_1186 = tpu.vector_load %arg7[%swap3A_1184, %swap3A_1185] {strides = array<i32>} : memref<25x128xf32, #tpu.memory_space<vmem>>, vector<1x16xf32>,
    %swap3A_1187 = vector.shape_cast %swap3A_1186 : vector<1x16xf32> to vector<16xf32>
    %swap3A_1188 = vector.shape_cast %broadcast_in_dim3A_1 : vector<16xf32> to vector<1x16xf32>
    tpu.vector_store %arg7[%swap3A_1184, %swap3A_1185], %swap3A_1188 {strides = array<i32>} : memref<25x128xf32, #tpu.memory_space<vmem>>, vector<1x16xf32>,
    %swap3A_1189 = arith.constant 24 : i32
    %swap3A_1190 = arith.index_cast %swap3A_1189 : i32 to index
    %swap3A_1191 = arith.constant 96 : index
    %swap3A_1192 = tpu.vector_load %arg7[%swap3A_1190, %swap3A_1191] {strides = array<i32>} : memref<25x128xf32, #tpu.memory_space<vmem>>, vector<1x16xf32>,
    %swap3A_1193 = vector.shape_cast %swap3A_1192 : vector<1x16xf32> to vector<16xf32>
    %swap3A_1194 = vector.shape_cast %broadcast_in_dim3A_1 : vector<16xf32> to vector<1x16xf32>
    tpu.vector_store %arg7[%swap3A_1190, %swap3A_1191], %swap3A_1194 {strides = array<i32>} : memref<25x128xf32, #tpu.memory_space<vmem>>, vector<1x16xf32>,
    %swap3A_1195 = arith.constant 24 : i32
    %swap3A_1196 = arith.index_cast %swap3A_1195 : i32 to index
    %swap3A_1197 = arith.constant 112 : index
    %swap3A_1198 = tpu.vector_load %arg7[%swap3A_1196, %swap3A_1197] {strides = array<i32>} : memref<25x128xf32, #tpu.memory_space<vmem>>, vector<1x16xf32>,
    %swap3A_1199 = vector.shape_cast %swap3A_1198 : vector<1x16xf32> to vector<16xf32>
    %swap3A_1200 = vector.shape_cast %broadcast_in_dim3A_1 : vector<16xf32> to vector<1x16xf32>
    tpu.vector_store %arg7[%swap3A_1196, %swap3A_1197], %swap3A_1200 {strides = array<i32>} : memref<25x128xf32, #tpu.memory_space<vmem>>, vector<1x16xf32>,
    %scan3A = arith.constant 0 : i32
    %scan3A_1201 = arith.constant 0 : i32
    %scan3A_1202 = arith.constant 25 : i32
    %scan3A_1203 = arith.addi %scan3A_1201, %scan3A_1202 : i32
    %scan3A_1204 = arith.constant 1 : i32
    scf.for %scan3A_1268 = %scan3A_1201 to %scan3A_1203 step %scan3A_1204  : i32 {
      %mul3A_1269 = arith.constant 625 : i32
      %mul3A_1270 = arith.muli %arg1, %mul3A_1269 : i32
      %mul3A_1271 = arith.constant 25 : i32
      %mul3A_1272 = arith.muli %scan3A_1268, %mul3A_1271 : i32
      %add3A_1273 = arith.addi %mul3A_1270, %mul3A_1272 : i32
      "tpu.region"() ({
        %run_scoped3A_1274 = tpu.sem_alloc : memref<!tpu.dma_semaphore, #tpu.memory_space<semaphore_mem>>
        %dma_start3A_1275 = arith.constant 0 : i32
        %dma_start3A_1276 = tpu.memref_slice %arg8[%add3A_1273, %dma_start3A_1275] : memref<10000x128xf32, #tpu.memory_space<vmem_shared>> -> memref<25x128xf32, #tpu.memory_space<vmem_shared>>
        %dma_start3A_1277 = arith.constant 0 : i32
        %dma_start3A_1278 = tpu.memref_slice %arg8[%add3A_1273, %dma_start3A_1277] : memref<10000x128xf32, #tpu.memory_space<vmem_shared>> -> memref<25x128xf32, #tpu.memory_space<vmem_shared>>
        tpu.enqueue_dma source(%arg7 : memref<25x128xf32, #tpu.memory_space<vmem>>) target(%dma_start3A_1278 : memref<25x128xf32, #tpu.memory_space<vmem_shared>>) target_semaphore(%run_scoped3A_1274 : memref<!tpu.dma_semaphore, #tpu.memory_space<semaphore_mem>>)
        %dma_wait3A_1279 = arith.constant 0 : i32
        %dma_wait3A_1280 = tpu.memref_slice %arg8[%add3A_1273, %dma_wait3A_1279] : memref<10000x128xf32, #tpu.memory_space<vmem_shared>> -> memref<25x128xf32, #tpu.memory_space<vmem_shared>>
        %dma_wait3A_1281 = arith.constant 0 : i32
        %dma_wait3A_1282 = tpu.memref_slice %arg8[%add3A_1273, %dma_wait3A_1281] : memref<10000x128xf32, #tpu.memory_space<vmem_shared>> -> memref<25x128xf32, #tpu.memory_space<vmem_shared>>
        tpu.wait_dma2 semaphore(%run_scoped3A_1274 : memref<!tpu.dma_semaphore, #tpu.memory_space<semaphore_mem>>) src(%arg7 : memref<25x128xf32, #tpu.memory_space<vmem>>) dst(%dma_wait3A_1282 : memref<25x128xf32, #tpu.memory_space<vmem_shared>>)
        tpu.yield
      }) : () -> ()
    }
    %scan3A_1205 = arith.constant 25 : i32
    %barrier3A = arith.constant 0 : index
    tpu.barrier barrier_id(%barrier3A)
    %mul3A_1206 = arith.constant 10000 : i32
    %mul3A_1207 = arith.muli %add3A, %mul3A_1206 : i32
    %add3A_1208 = arith.constant 0 : i32
    %add3A_1209 = arith.addi %mul3A_1207, %add3A_1208 : i32
    %dma_start3A = arith.constant 0 : i32
    %dma_start3A_1210 = arith.constant 0 : i32
    %dma_start3A_1211 = arith.constant 0 : i32
    %dma_start3A_1212 = tpu.memref_slice %arg6[%dma_start3A, %dma_start3A_1210, %dma_start3A_1211] : memref<2x80x128xf32, #tpu.memory_space<vmem>> -> memref<1x80x128xf32, #tpu.memory_space<vmem>>
    %dma_start3A_1213 = tpu.memref_squeeze %dma_start3A_1212 : memref<1x80x128xf32, #tpu.memory_space<vmem>> -> memref<80x128xf32, #tpu.memory_space<vmem>>
    %dma_start3A_1214 = arith.constant 0 : i32
    %dma_start3A_1215 = tpu.memref_slice %arg2[%add3A_1209, %dma_start3A_1214] : memref<320000x128xf32, #tpu.memory_space<hbm>> -> memref<80x128xf32, #tpu.memory_space<hbm>>
    %dma_start3A_1216 = arith.constant 0 : i32
    %dma_start3A_1217 = arith.constant 0 : i32
    %dma_start3A_1218 = tpu.memref_slice %arg6[%dma_start3A, %dma_start3A_1216, %dma_start3A_1217] : memref<2x80x128xf32, #tpu.memory_space<vmem>> -> memref<1x80x128xf32, #tpu.memory_space<vmem>>
    %dma_start3A_1219 = tpu.memref_squeeze %dma_start3A_1218 : memref<1x80x128xf32, #tpu.memory_space<vmem>> -> memref<80x128xf32, #tpu.memory_space<vmem>>
    %dma_start3A_1220 = arith.constant 0 : i32
    %dma_start3A_1221 = tpu.memref_slice %arg2[%add3A_1209, %dma_start3A_1220] : memref<320000x128xf32, #tpu.memory_space<hbm>> -> memref<80x128xf32, #tpu.memory_space<hbm>>
    tpu.enqueue_dma source(%dma_start3A_1221 : memref<80x128xf32, #tpu.memory_space<hbm>>) target(%dma_start3A_1219 : memref<80x128xf32, #tpu.memory_space<vmem>>) target_semaphore(%arg9 : memref<!tpu.dma_semaphore, #tpu.memory_space<semaphore_mem>>)
    %dma_start3A_1222 = arith.constant 0 : i32
    %dma_start3A_1223 = arith.constant 0 : i32
    %dma_start3A_1224 = tpu.memref_slice %arg5[%dma_start3A_1222, %dma_start3A_1223] : memref<2x80xi32, #tpu.memory_space<vmem>> -> memref<1x80xi32, #tpu.memory_space<vmem>>
    %dma_start3A_1225 = tpu.memref_squeeze %dma_start3A_1224 : memref<1x80xi32, #tpu.memory_space<vmem>> -> memref<80xi32, #tpu.memory_space<vmem>>
    %dma_start3A_1226 = tpu.memref_slice %arg3[%add3A_1209] : memref<320000xi32, #tpu.memory_space<hbm>> -> memref<80xi32, #tpu.memory_space<hbm>>
    %dma_start3A_1227 = arith.constant 0 : i32
    %dma_start3A_1228 = tpu.memref_slice %arg5[%dma_start3A_1222, %dma_start3A_1227] : memref<2x80xi32, #tpu.memory_space<vmem>> -> memref<1x80xi32, #tpu.memory_space<vmem>>
    %dma_start3A_1229 = tpu.memref_squeeze %dma_start3A_1228 : memref<1x80xi32, #tpu.memory_space<vmem>> -> memref<80xi32, #tpu.memory_space<vmem>>
    %dma_start3A_1230 = tpu.memref_slice %arg3[%add3A_1209] : memref<320000xi32, #tpu.memory_space<hbm>> -> memref<80xi32, #tpu.memory_space<hbm>>
    tpu.enqueue_dma source(%dma_start3A_1230 : memref<80xi32, #tpu.memory_space<hbm>>) target(%dma_start3A_1229 : memref<80xi32, #tpu.memory_space<vmem>>) target_semaphore(%arg11 : memref<!tpu.dma_semaphore, #tpu.memory_space<semaphore_mem>>)
    %scan3A_1231 = arith.constant 0 : i32
    %scan3A_1232 = arith.constant 0 : i32
    %scan3A_1233 = arith.constant 62 : i32
    %scan3A_1234 = arith.addi %scan3A_1232, %scan3A_1233 : i32
    %scan3A_1235 = arith.constant 1 : i32
    scf.for %scan3A_1268 = %scan3A_1232 to %scan3A_1234 step %scan3A_1235  : i32 {
      %mul3A_1269 = arith.constant 2 : i32
      %mul3A_1270 = arith.muli %mul3A_1269, %scan3A_1268 : i32
      %add3A_1271 = arith.constant 1 : i32
      %add3A_1272 = arith.addi %mul3A_1270, %add3A_1271 : i32
      %mul3A_1273 = arith.constant 10000 : i32
      %mul3A_1274 = arith.muli %add3A, %mul3A_1273 : i32
      %mul3A_1275 = arith.constant 80 : i32
      %mul3A_1276 = arith.muli %add3A_1272, %mul3A_1275 : i32
      %add3A_1277 = arith.addi %mul3A_1274, %mul3A_1276 : i32
      %dma_start3A_1278 = arith.constant 1 : i32
      %dma_start3A_1279 = arith.constant 0 : i32
      %dma_start3A_1280 = arith.constant 0 : i32
      %dma_start3A_1281 = tpu.memref_slice %arg6[%dma_start3A_1278, %dma_start3A_1279, %dma_start3A_1280] : memref<2x80x128xf32, #tpu.memory_space<vmem>> -> memref<1x80x128xf32, #tpu.memory_space<vmem>>
      %dma_start3A_1282 = tpu.memref_squeeze %dma_start3A_1281 : memref<1x80x128xf32, #tpu.memory_space<vmem>> -> memref<80x128xf32, #tpu.memory_space<vmem>>
      %dma_start3A_1283 = arith.constant 0 : i32
      %dma_start3A_1284 = tpu.memref_slice %arg2[%add3A_1277, %dma_start3A_1283] : memref<320000x128xf32, #tpu.memory_space<hbm>> -> memref<80x128xf32, #tpu.memory_space<hbm>>
      %dma_start3A_1285 = arith.constant 0 : i32
      %dma_start3A_1286 = arith.constant 0 : i32
      %dma_start3A_1287 = tpu.memref_slice %arg6[%dma_start3A_1278, %dma_start3A_1285, %dma_start3A_1286] : memref<2x80x128xf32, #tpu.memory_space<vmem>> -> memref<1x80x128xf32, #tpu.memory_space<vmem>>
      %dma_start3A_1288 = tpu.memref_squeeze %dma_start3A_1287 : memref<1x80x128xf32, #tpu.memory_space<vmem>> -> memref<80x128xf32, #tpu.memory_space<vmem>>
      %dma_start3A_1289 = arith.constant 0 : i32
      %dma_start3A_1290 = tpu.memref_slice %arg2[%add3A_1277, %dma_start3A_1289] : memref<320000x128xf32, #tpu.memory_space<hbm>> -> memref<80x128xf32, #tpu.memory_space<hbm>>
      tpu.enqueue_dma source(%dma_start3A_1290 : memref<80x128xf32, #tpu.memory_space<hbm>>) target(%dma_start3A_1288 : memref<80x128xf32, #tpu.memory_space<vmem>>) target_semaphore(%arg10 : memref<!tpu.dma_semaphore, #tpu.memory_space<semaphore_mem>>)
      %dma_start3A_1291 = arith.constant 1 : i32
      %dma_start3A_1292 = arith.constant 0 : i32
      %dma_start3A_1293 = tpu.memref_slice %arg5[%dma_start3A_1291, %dma_start3A_1292] : memref<2x80xi32, #tpu.memory_space<vmem>> -> memref<1x80xi32, #tpu.memory_space<vmem>>
      %dma_start3A_1294 = tpu.memref_squeeze %dma_start3A_1293 : memref<1x80xi32, #tpu.memory_space<vmem>> -> memref<80xi32, #tpu.memory_space<vmem>>
      %dma_start3A_1295 = tpu.memref_slice %arg3[%add3A_1277] : memref<320000xi32, #tpu.memory_space<hbm>> -> memref<80xi32, #tpu.memory_space<hbm>>
      %dma_start3A_1296 = arith.constant 0 : i32
      %dma_start3A_1297 = tpu.memref_slice %arg5[%dma_start3A_1291, %dma_start3A_1296] : memref<2x80xi32, #tpu.memory_space<vmem>> -> memref<1x80xi32, #tpu.memory_space<vmem>>
      %dma_start3A_1298 = tpu.memref_squeeze %dma_start3A_1297 : memref<1x80xi32, #tpu.memory_space<vmem>> -> memref<80xi32, #tpu.memory_space<vmem>>
      %dma_start3A_1299 = tpu.memref_slice %arg3[%add3A_1277] : memref<320000xi32, #tpu.memory_space<hbm>> -> memref<80xi32, #tpu.memory_space<hbm>>
      tpu.enqueue_dma source(%dma_start3A_1299 : memref<80xi32, #tpu.memory_space<hbm>>) target(%dma_start3A_1298 : memref<80xi32, #tpu.memory_space<vmem>>) target_semaphore(%arg12 : memref<!tpu.dma_semaphore, #tpu.memory_space<semaphore_mem>>)
      %dma_wait3A_1300 = arith.constant 0 : i32
      %dma_wait3A_1301 = arith.constant 0 : i32
      %dma_wait3A_1302 = arith.constant 0 : i32
      %dma_wait3A_1303 = tpu.memref_slice %arg6[%dma_wait3A_1300, %dma_wait3A_1301, %dma_wait3A_1302] : memref<2x80x128xf32, #tpu.memory_space<vmem>> -> memref<1x80x128xf32, #tpu.memory_space<vmem>>
      %dma_wait3A_1304 = tpu.memref_squeeze %dma_wait3A_1303 : memref<1x80x128xf32, #tpu.memory_space<vmem>> -> memref<80x128xf32, #tpu.memory_space<vmem>>
      %dma_wait3A_1305 = arith.constant 0 : i32
      %dma_wait3A_1306 = arith.constant 0 : i32
      %dma_wait3A_1307 = tpu.memref_slice %arg2[%dma_wait3A_1305, %dma_wait3A_1306] : memref<320000x128xf32, #tpu.memory_space<hbm>> -> memref<80x128xf32, #tpu.memory_space<hbm>>
      %dma_wait3A_1308 = arith.constant 0 : i32
      %dma_wait3A_1309 = arith.constant 0 : i32
      %dma_wait3A_1310 = tpu.memref_slice %arg6[%dma_wait3A_1300, %dma_wait3A_1308, %dma_wait3A_1309] : memref<2x80x128xf32, #tpu.memory_space<vmem>> -> memref<1x80x128xf32, #tpu.memory_space<vmem>>
      %dma_wait3A_1311 = tpu.memref_squeeze %dma_wait3A_1310 : memref<1x80x128xf32, #tpu.memory_space<vmem>> -> memref<80x128xf32, #tpu.memory_space<vmem>>
      %dma_wait3A_1312 = arith.constant 0 : i32
      %dma_wait3A_1313 = arith.constant 0 : i32
      %dma_wait3A_1314 = tpu.memref_slice %arg2[%dma_wait3A_1312, %dma_wait3A_1313] : memref<320000x128xf32, #tpu.memory_space<hbm>> -> memref<80x128xf32, #tpu.memory_space<hbm>>
      tpu.wait_dma2 semaphore(%arg9 : memref<!tpu.dma_semaphore, #tpu.memory_space<semaphore_mem>>) src(%dma_wait3A_1314 : memref<80x128xf32, #tpu.memory_space<hbm>>) dst(%dma_wait3A_1311 : memref<80x128xf32, #tpu.memory_space<vmem>>)
      %dma_wait3A_1315 = arith.constant 0 : i32
      %dma_wait3A_1316 = arith.constant 0 : i32
      %dma_wait3A_1317 = tpu.memref_slice %arg5[%dma_wait3A_1315, %dma_wait3A_1316] : memref<2x80xi32, #tpu.memory_space<vmem>> -> memref<1x80xi32, #tpu.memory_space<vmem>>
      %dma_wait3A_1318 = tpu.memref_squeeze %dma_wait3A_1317 : memref<1x80xi32, #tpu.memory_space<vmem>> -> memref<80xi32, #tpu.memory_space<vmem>>
      %dma_wait3A_1319 = arith.constant 0 : i32
      %dma_wait3A_1320 = tpu.memref_slice %arg3[%dma_wait3A_1319] : memref<320000xi32, #tpu.memory_space<hbm>> -> memref<80xi32, #tpu.memory_space<hbm>>
      %dma_wait3A_1321 = arith.constant 0 : i32
      %dma_wait3A_1322 = tpu.memref_slice %arg5[%dma_wait3A_1315, %dma_wait3A_1321] : memref<2x80xi32, #tpu.memory_space<vmem>> -> memref<1x80xi32, #tpu.memory_space<vmem>>
      %dma_wait3A_1323 = tpu.memref_squeeze %dma_wait3A_1322 : memref<1x80xi32, #tpu.memory_space<vmem>> -> memref<80xi32, #tpu.memory_space<vmem>>
      %dma_wait3A_1324 = arith.constant 0 : i32
      %dma_wait3A_1325 = tpu.memref_slice %arg3[%dma_wait3A_1324] : memref<320000xi32, #tpu.memory_space<hbm>> -> memref<80xi32, #tpu.memory_space<hbm>>
      tpu.wait_dma2 semaphore(%arg11 : memref<!tpu.dma_semaphore, #tpu.memory_space<semaphore_mem>>) src(%dma_wait3A_1325 : memref<80xi32, #tpu.memory_space<hbm>>) dst(%dma_wait3A_1323 : memref<80xi32, #tpu.memory_space<vmem>>)
      %run_scoped3A_1326 = arith.constant 0 : i32
      %run_scoped3A_1327 = arith.constant 0 : i32
      "tpu.region"() ({
        %run_scoped3A_1385 = tpu.sem_alloc : memref<!tpu.dma_semaphore, #tpu.memory_space<semaphore_mem>>
        %dma_start3A_1386 = arith.constant 0 : i32
        %dma_start3A_1387 = arith.constant 0 : i32
        %dma_start3A_1388 = tpu.memref_slice %arg6[%run_scoped3A_1326, %dma_start3A_1386, %dma_start3A_1387] : memref<2x80x128xf32, #tpu.memory_space<vmem>> -> memref<1x80x128xf32, #tpu.memory_space<vmem>>
        %dma_start3A_1389 = tpu.memref_squeeze %dma_start3A_1388 : memref<1x80x128xf32, #tpu.memory_space<vmem>> -> memref<80x128xf32, #tpu.memory_space<vmem>>
        %dma_start3A_1390 = arith.constant 0 : i32
        %dma_start3A_1391 = tpu.memref_slice %arg5[%run_scoped3A_1327, %dma_start3A_1390] : memref<2x80xi32, #tpu.memory_space<vmem>> -> memref<1x80xi32, #tpu.memory_space<vmem>>
        %dma_start3A_1392 = tpu.memref_squeeze %dma_start3A_1391 : memref<1x80xi32, #tpu.memory_space<vmem>> -> memref<80xi32, #tpu.memory_space<vmem>>
        %dma_start3A_1393 = arith.constant 0 : i32
        %dma_start3A_1394 = arith.constant 0 : i32
        %dma_start3A_1395 = tpu.memref_slice %arg8[%dma_start3A_1393, %dma_start3A_1394] : memref<10000x128xf32, #tpu.memory_space<vmem_shared>> -> memref<10000x128xf32, #tpu.memory_space<vmem_shared>>
        tpu.enqueue_indirect_dma source(%dma_start3A_1389 : memref<80x128xf32, #tpu.memory_space<vmem>>) target(%dma_start3A_1395 : memref<10000x128xf32, #tpu.memory_space<vmem_shared>>) offsets(%dma_start3A_1392 : memref<80xi32, #tpu.memory_space<vmem>>) semaphore(%run_scoped3A_1385 : memref<!tpu.dma_semaphore, #tpu.memory_space<semaphore_mem>>) {add = true}
        %dma_wait3A_1396 = arith.constant 0 : i32
        %dma_wait3A_1397 = arith.constant 0 : i32
        %dma_wait3A_1398 = tpu.memref_slice %arg6[%run_scoped3A_1326, %dma_wait3A_1396, %dma_wait3A_1397] : memref<2x80x128xf32, #tpu.memory_space<vmem>> -> memref<1x80x128xf32, #tpu.memory_space<vmem>>
        %dma_wait3A_1399 = tpu.memref_squeeze %dma_wait3A_1398 : memref<1x80x128xf32, #tpu.memory_space<vmem>> -> memref<80x128xf32, #tpu.memory_space<vmem>>
        %dma_wait3A_1400 = arith.constant 0 : i32
        %dma_wait3A_1401 = tpu.memref_slice %arg5[%run_scoped3A_1327, %dma_wait3A_1400] : memref<2x80xi32, #tpu.memory_space<vmem>> -> memref<1x80xi32, #tpu.memory_space<vmem>>
        %dma_wait3A_1402 = tpu.memref_squeeze %dma_wait3A_1401 : memref<1x80xi32, #tpu.memory_space<vmem>> -> memref<80xi32, #tpu.memory_space<vmem>>
        %dma_wait3A_1403 = arith.constant 0 : i32
        %dma_wait3A_1404 = arith.constant 0 : i32
        %dma_wait3A_1405 = tpu.memref_slice %arg8[%dma_wait3A_1403, %dma_wait3A_1404] : memref<10000x128xf32, #tpu.memory_space<vmem_shared>> -> memref<10000x128xf32, #tpu.memory_space<vmem_shared>>
        tpu.wait_indirect_dma semaphore(%run_scoped3A_1385 : memref<!tpu.dma_semaphore, #tpu.memory_space<semaphore_mem>>) src(%dma_wait3A_1399 : memref<80x128xf32, #tpu.memory_space<vmem>>) dst(%dma_wait3A_1405 : memref<10000x128xf32, #tpu.memory_space<vmem_shared>>)
        tpu.yield
      }) : () -> ()
      %add3A_1328 = arith.constant 2 : i32
      %add3A_1329 = arith.addi %mul3A_1270, %add3A_1328 : i32
      %mul3A_1330 = arith.constant 10000 : i32
      %mul3A_1331 = arith.muli %add3A, %mul3A_1330 : i32
      %mul3A_1332 = arith.constant 80 : i32
      %mul3A_1333 = arith.muli %add3A_1329, %mul3A_1332 : i32
      %add3A_1334 = arith.addi %mul3A_1331, %mul3A_1333 : i32
      %dma_start3A_1335 = arith.constant 0 : i32
      %dma_start3A_1336 = arith.constant 0 : i32
      %dma_start3A_1337 = arith.constant 0 : i32
      %dma_start3A_1338 = tpu.memref_slice %arg6[%dma_start3A_1335, %dma_start3A_1336, %dma_start3A_1337] : memref<2x80x128xf32, #tpu.memory_space<vmem>> -> memref<1x80x128xf32, #tpu.memory_space<vmem>>
      %dma_start3A_1339 = tpu.memref_squeeze %dma_start3A_1338 : memref<1x80x128xf32, #tpu.memory_space<vmem>> -> memref<80x128xf32, #tpu.memory_space<vmem>>
      %dma_start3A_1340 = arith.constant 0 : i32
      %dma_start3A_1341 = tpu.memref_slice %arg2[%add3A_1334, %dma_start3A_1340] : memref<320000x128xf32, #tpu.memory_space<hbm>> -> memref<80x128xf32, #tpu.memory_space<hbm>>
      %dma_start3A_1342 = arith.constant 0 : i32
      %dma_start3A_1343 = arith.constant 0 : i32
      %dma_start3A_1344 = tpu.memref_slice %arg6[%dma_start3A_1335, %dma_start3A_1342, %dma_start3A_1343] : memref<2x80x128xf32, #tpu.memory_space<vmem>> -> memref<1x80x128xf32, #tpu.memory_space<vmem>>
      %dma_start3A_1345 = tpu.memref_squeeze %dma_start3A_1344 : memref<1x80x128xf32, #tpu.memory_space<vmem>> -> memref<80x128xf32, #tpu.memory_space<vmem>>
      %dma_start3A_1346 = arith.constant 0 : i32
      %dma_start3A_1347 = tpu.memref_slice %arg2[%add3A_1334, %dma_start3A_1346] : memref<320000x128xf32, #tpu.memory_space<hbm>> -> memref<80x128xf32, #tpu.memory_space<hbm>>
      tpu.enqueue_dma source(%dma_start3A_1347 : memref<80x128xf32, #tpu.memory_space<hbm>>) target(%dma_start3A_1345 : memref<80x128xf32, #tpu.memory_space<vmem>>) target_semaphore(%arg9 : memref<!tpu.dma_semaphore, #tpu.memory_space<semaphore_mem>>)
      %dma_start3A_1348 = arith.constant 0 : i32
      %dma_start3A_1349 = arith.constant 0 : i32
      %dma_start3A_1350 = tpu.memref_slice %arg5[%dma_start3A_1348, %dma_start3A_1349] : memref<2x80xi32, #tpu.memory_space<vmem>> -> memref<1x80xi32, #tpu.memory_space<vmem>>
      %dma_start3A_1351 = tpu.memref_squeeze %dma_start3A_1350 : memref<1x80xi32, #tpu.memory_space<vmem>> -> memref<80xi32, #tpu.memory_space<vmem>>
      %dma_start3A_1352 = tpu.memref_slice %arg3[%add3A_1334] : memref<320000xi32, #tpu.memory_space<hbm>> -> memref<80xi32, #tpu.memory_space<hbm>>
      %dma_start3A_1353 = arith.constant 0 : i32
      %dma_start3A_1354 = tpu.memref_slice %arg5[%dma_start3A_1348, %dma_start3A_1353] : memref<2x80xi32, #tpu.memory_space<vmem>> -> memref<1x80xi32, #tpu.memory_space<vmem>>
      %dma_start3A_1355 = tpu.memref_squeeze %dma_start3A_1354 : memref<1x80xi32, #tpu.memory_space<vmem>> -> memref<80xi32, #tpu.memory_space<vmem>>
      %dma_start3A_1356 = tpu.memref_slice %arg3[%add3A_1334] : memref<320000xi32, #tpu.memory_space<hbm>> -> memref<80xi32, #tpu.memory_space<hbm>>
      tpu.enqueue_dma source(%dma_start3A_1356 : memref<80xi32, #tpu.memory_space<hbm>>) target(%dma_start3A_1355 : memref<80xi32, #tpu.memory_space<vmem>>) target_semaphore(%arg11 : memref<!tpu.dma_semaphore, #tpu.memory_space<semaphore_mem>>)
      %dma_wait3A_1357 = arith.constant 1 : i32
      %dma_wait3A_1358 = arith.constant 0 : i32
      %dma_wait3A_1359 = arith.constant 0 : i32
      %dma_wait3A_1360 = tpu.memref_slice %arg6[%dma_wait3A_1357, %dma_wait3A_1358, %dma_wait3A_1359] : memref<2x80x128xf32, #tpu.memory_space<vmem>> -> memref<1x80x128xf32, #tpu.memory_space<vmem>>
      %dma_wait3A_1361 = tpu.memref_squeeze %dma_wait3A_1360 : memref<1x80x128xf32, #tpu.memory_space<vmem>> -> memref<80x128xf32, #tpu.memory_space<vmem>>
      %dma_wait3A_1362 = arith.constant 0 : i32
      %dma_wait3A_1363 = arith.constant 0 : i32
      %dma_wait3A_1364 = tpu.memref_slice %arg2[%dma_wait3A_1362, %dma_wait3A_1363] : memref<320000x128xf32, #tpu.memory_space<hbm>> -> memref<80x128xf32, #tpu.memory_space<hbm>>
      %dma_wait3A_1365 = arith.constant 0 : i32
      %dma_wait3A_1366 = arith.constant 0 : i32
      %dma_wait3A_1367 = tpu.memref_slice %arg6[%dma_wait3A_1357, %dma_wait3A_1365, %dma_wait3A_1366] : memref<2x80x128xf32, #tpu.memory_space<vmem>> -> memref<1x80x128xf32, #tpu.memory_space<vmem>>
      %dma_wait3A_1368 = tpu.memref_squeeze %dma_wait3A_1367 : memref<1x80x128xf32, #tpu.memory_space<vmem>> -> memref<80x128xf32, #tpu.memory_space<vmem>>
      %dma_wait3A_1369 = arith.constant 0 : i32
      %dma_wait3A_1370 = arith.constant 0 : i32
      %dma_wait3A_1371 = tpu.memref_slice %arg2[%dma_wait3A_1369, %dma_wait3A_1370] : memref<320000x128xf32, #tpu.memory_space<hbm>> -> memref<80x128xf32, #tpu.memory_space<hbm>>
      tpu.wait_dma2 semaphore(%arg10 : memref<!tpu.dma_semaphore, #tpu.memory_space<semaphore_mem>>) src(%dma_wait3A_1371 : memref<80x128xf32, #tpu.memory_space<hbm>>) dst(%dma_wait3A_1368 : memref<80x128xf32, #tpu.memory_space<vmem>>)
      %dma_wait3A_1372 = arith.constant 1 : i32
      %dma_wait3A_1373 = arith.constant 0 : i32
      %dma_wait3A_1374 = tpu.memref_slice %arg5[%dma_wait3A_1372, %dma_wait3A_1373] : memref<2x80xi32, #tpu.memory_space<vmem>> -> memref<1x80xi32, #tpu.memory_space<vmem>>
      %dma_wait3A_1375 = tpu.memref_squeeze %dma_wait3A_1374 : memref<1x80xi32, #tpu.memory_space<vmem>> -> memref<80xi32, #tpu.memory_space<vmem>>
      %dma_wait3A_1376 = arith.constant 0 : i32
      %dma_wait3A_1377 = tpu.memref_slice %arg3[%dma_wait3A_1376] : memref<320000xi32, #tpu.memory_space<hbm>> -> memref<80xi32, #tpu.memory_space<hbm>>
      %dma_wait3A_1378 = arith.constant 0 : i32
      %dma_wait3A_1379 = tpu.memref_slice %arg5[%dma_wait3A_1372, %dma_wait3A_1378] : memref<2x80xi32, #tpu.memory_space<vmem>> -> memref<1x80xi32, #tpu.memory_space<vmem>>
      %dma_wait3A_1380 = tpu.memref_squeeze %dma_wait3A_1379 : memref<1x80xi32, #tpu.memory_space<vmem>> -> memref<80xi32, #tpu.memory_space<vmem>>
      %dma_wait3A_1381 = arith.constant 0 : i32
      %dma_wait3A_1382 = tpu.memref_slice %arg3[%dma_wait3A_1381] : memref<320000xi32, #tpu.memory_space<hbm>> -> memref<80xi32, #tpu.memory_space<hbm>>
      tpu.wait_dma2 semaphore(%arg12 : memref<!tpu.dma_semaphore, #tpu.memory_space<semaphore_mem>>) src(%dma_wait3A_1382 : memref<80xi32, #tpu.memory_space<hbm>>) dst(%dma_wait3A_1380 : memref<80xi32, #tpu.memory_space<vmem>>)
      %run_scoped3A_1383 = arith.constant 1 : i32
      %run_scoped3A_1384 = arith.constant 1 : i32
      "tpu.region"() ({
        %run_scoped3A_1385 = tpu.sem_alloc : memref<!tpu.dma_semaphore, #tpu.memory_space<semaphore_mem>>
        %dma_start3A_1386 = arith.constant 0 : i32
        %dma_start3A_1387 = arith.constant 0 : i32
        %dma_start3A_1388 = tpu.memref_slice %arg6[%run_scoped3A_1383, %dma_start3A_1386, %dma_start3A_1387] : memref<2x80x128xf32, #tpu.memory_space<vmem>> -> memref<1x80x128xf32, #tpu.memory_space<vmem>>
        %dma_start3A_1389 = tpu.memref_squeeze %dma_start3A_1388 : memref<1x80x128xf32, #tpu.memory_space<vmem>> -> memref<80x128xf32, #tpu.memory_space<vmem>>
        %dma_start3A_1390 = arith.constant 0 : i32
        %dma_start3A_1391 = tpu.memref_slice %arg5[%run_scoped3A_1384, %dma_start3A_1390] : memref<2x80xi32, #tpu.memory_space<vmem>> -> memref<1x80xi32, #tpu.memory_space<vmem>>
        %dma_start3A_1392 = tpu.memref_squeeze %dma_start3A_1391 : memref<1x80xi32, #tpu.memory_space<vmem>> -> memref<80xi32, #tpu.memory_space<vmem>>
        %dma_start3A_1393 = arith.constant 0 : i32
        %dma_start3A_1394 = arith.constant 0 : i32
        %dma_start3A_1395 = tpu.memref_slice %arg8[%dma_start3A_1393, %dma_start3A_1394] : memref<10000x128xf32, #tpu.memory_space<vmem_shared>> -> memref<10000x128xf32, #tpu.memory_space<vmem_shared>>
        tpu.enqueue_indirect_dma source(%dma_start3A_1389 : memref<80x128xf32, #tpu.memory_space<vmem>>) target(%dma_start3A_1395 : memref<10000x128xf32, #tpu.memory_space<vmem_shared>>) offsets(%dma_start3A_1392 : memref<80xi32, #tpu.memory_space<vmem>>) semaphore(%run_scoped3A_1385 : memref<!tpu.dma_semaphore, #tpu.memory_space<semaphore_mem>>) {add = true}
        %dma_wait3A_1396 = arith.constant 0 : i32
        %dma_wait3A_1397 = arith.constant 0 : i32
        %dma_wait3A_1398 = tpu.memref_slice %arg6[%run_scoped3A_1383, %dma_wait3A_1396, %dma_wait3A_1397] : memref<2x80x128xf32, #tpu.memory_space<vmem>> -> memref<1x80x128xf32, #tpu.memory_space<vmem>>
        %dma_wait3A_1399 = tpu.memref_squeeze %dma_wait3A_1398 : memref<1x80x128xf32, #tpu.memory_space<vmem>> -> memref<80x128xf32, #tpu.memory_space<vmem>>
        %dma_wait3A_1400 = arith.constant 0 : i32
        %dma_wait3A_1401 = tpu.memref_slice %arg5[%run_scoped3A_1384, %dma_wait3A_1400] : memref<2x80xi32, #tpu.memory_space<vmem>> -> memref<1x80xi32, #tpu.memory_space<vmem>>
        %dma_wait3A_1402 = tpu.memref_squeeze %dma_wait3A_1401 : memref<1x80xi32, #tpu.memory_space<vmem>> -> memref<80xi32, #tpu.memory_space<vmem>>
        %dma_wait3A_1403 = arith.constant 0 : i32
        %dma_wait3A_1404 = arith.constant 0 : i32
        %dma_wait3A_1405 = tpu.memref_slice %arg8[%dma_wait3A_1403, %dma_wait3A_1404] : memref<10000x128xf32, #tpu.memory_space<vmem_shared>> -> memref<10000x128xf32, #tpu.memory_space<vmem_shared>>
        tpu.wait_indirect_dma semaphore(%run_scoped3A_1385 : memref<!tpu.dma_semaphore, #tpu.memory_space<semaphore_mem>>) src(%dma_wait3A_1399 : memref<80x128xf32, #tpu.memory_space<vmem>>) dst(%dma_wait3A_1405 : memref<10000x128xf32, #tpu.memory_space<vmem_shared>>)
        tpu.yield
      }) : () -> ()
    }
    %scan3A_1236 = arith.constant 62 : i32
    %dma_wait3A = arith.constant 0 : i32
    %dma_wait3A_1237 = arith.constant 0 : i32
    %dma_wait3A_1238 = arith.constant 0 : i32
    %dma_wait3A_1239 = tpu.memref_slice %arg6[%dma_wait3A, %dma_wait3A_1237, %dma_wait3A_1238] : memref<2x80x128xf32, #tpu.memory_space<vmem>> -> memref<1x80x128xf32, #tpu.memory_space<vmem>>
    %dma_wait3A_1240 = tpu.memref_squeeze %dma_wait3A_1239 : memref<1x80x128xf32, #tpu.memory_space<vmem>> -> memref<80x128xf32, #tpu.memory_space<vmem>>
    %dma_wait3A_1241 = arith.constant 0 : i32
    %dma_wait3A_1242 = arith.constant 0 : i32
    %dma_wait3A_1243 = tpu.memref_slice %arg2[%dma_wait3A_1241, %dma_wait3A_1242] : memref<320000x128xf32, #tpu.memory_space<hbm>> -> memref<80x128xf32, #tpu.memory_space<hbm>>
    %dma_wait3A_1244 = arith.constant 0 : i32
    %dma_wait3A_1245 = arith.constant 0 : i32
    %dma_wait3A_1246 = tpu.memref_slice %arg6[%dma_wait3A, %dma_wait3A_1244, %dma_wait3A_1245] : memref<2x80x128xf32, #tpu.memory_space<vmem>> -> memref<1x80x128xf32, #tpu.memory_space<vmem>>
    %dma_wait3A_1247 = tpu.memref_squeeze %dma_wait3A_1246 : memref<1x80x128xf32, #tpu.memory_space<vmem>> -> memref<80x128xf32, #tpu.memory_space<vmem>>
    %dma_wait3A_1248 = arith.constant 0 : i32
    %dma_wait3A_1249 = arith.constant 0 : i32
    %dma_wait3A_1250 = tpu.memref_slice %arg2[%dma_wait3A_1248, %dma_wait3A_1249] : memref<320000x128xf32, #tpu.memory_space<hbm>> -> memref<80x128xf32, #tpu.memory_space<hbm>>
    tpu.wait_dma2 semaphore(%arg9 : memref<!tpu.dma_semaphore, #tpu.memory_space<semaphore_mem>>) src(%dma_wait3A_1250 : memref<80x128xf32, #tpu.memory_space<hbm>>) dst(%dma_wait3A_1247 : memref<80x128xf32, #tpu.memory_space<vmem>>)
    %dma_wait3A_1251 = arith.constant 0 : i32
    %dma_wait3A_1252 = arith.constant 0 : i32
    %dma_wait3A_1253 = tpu.memref_slice %arg5[%dma_wait3A_1251, %dma_wait3A_1252] : memref<2x80xi32, #tpu.memory_space<vmem>> -> memref<1x80xi32, #tpu.memory_space<vmem>>
    %dma_wait3A_1254 = tpu.memref_squeeze %dma_wait3A_1253 : memref<1x80xi32, #tpu.memory_space<vmem>> -> memref<80xi32, #tpu.memory_space<vmem>>
    %dma_wait3A_1255 = arith.constant 0 : i32
    %dma_wait3A_1256 = tpu.memref_slice %arg3[%dma_wait3A_1255] : memref<320000xi32, #tpu.memory_space<hbm>> -> memref<80xi32, #tpu.memory_space<hbm>>
    %dma_wait3A_1257 = arith.constant 0 : i32
    %dma_wait3A_1258 = tpu.memref_slice %arg5[%dma_wait3A_1251, %dma_wait3A_1257] : memref<2x80xi32, #tpu.memory_space<vmem>> -> memref<1x80xi32, #tpu.memory_space<vmem>>
    %dma_wait3A_1259 = tpu.memref_squeeze %dma_wait3A_1258 : memref<1x80xi32, #tpu.memory_space<vmem>> -> memref<80xi32, #tpu.memory_space<vmem>>
    %dma_wait3A_1260 = arith.constant 0 : i32
    %dma_wait3A_1261 = tpu.memref_slice %arg3[%dma_wait3A_1260] : memref<320000xi32, #tpu.memory_space<hbm>> -> memref<80xi32, #tpu.memory_space<hbm>>
    tpu.wait_dma2 semaphore(%arg11 : memref<!tpu.dma_semaphore, #tpu.memory_space<semaphore_mem>>) src(%dma_wait3A_1261 : memref<80xi32, #tpu.memory_space<hbm>>) dst(%dma_wait3A_1259 : memref<80xi32, #tpu.memory_space<vmem>>)
    %run_scoped3A = arith.constant 0 : i32
    %run_scoped3A_1262 = arith.constant 0 : i32
    "tpu.region"() ({
      %run_scoped3A_1268 = tpu.sem_alloc : memref<!tpu.dma_semaphore, #tpu.memory_space<semaphore_mem>>
      %dma_start3A_1269 = arith.constant 0 : i32
      %dma_start3A_1270 = arith.constant 0 : i32
      %dma_start3A_1271 = tpu.memref_slice %arg6[%run_scoped3A, %dma_start3A_1269, %dma_start3A_1270] : memref<2x80x128xf32, #tpu.memory_space<vmem>> -> memref<1x80x128xf32, #tpu.memory_space<vmem>>
      %dma_start3A_1272 = tpu.memref_squeeze %dma_start3A_1271 : memref<1x80x128xf32, #tpu.memory_space<vmem>> -> memref<80x128xf32, #tpu.memory_space<vmem>>
      %dma_start3A_1273 = arith.constant 0 : i32
      %dma_start3A_1274 = tpu.memref_slice %arg5[%run_scoped3A_1262, %dma_start3A_1273] : memref<2x80xi32, #tpu.memory_space<vmem>> -> memref<1x80xi32, #tpu.memory_space<vmem>>
      %dma_start3A_1275 = tpu.memref_squeeze %dma_start3A_1274 : memref<1x80xi32, #tpu.memory_space<vmem>> -> memref<80xi32, #tpu.memory_space<vmem>>
      %dma_start3A_1276 = arith.constant 0 : i32
      %dma_start3A_1277 = arith.constant 0 : i32
      %dma_start3A_1278 = tpu.memref_slice %arg8[%dma_start3A_1276, %dma_start3A_1277] : memref<10000x128xf32, #tpu.memory_space<vmem_shared>> -> memref<10000x128xf32, #tpu.memory_space<vmem_shared>>
      tpu.enqueue_indirect_dma source(%dma_start3A_1272 : memref<80x128xf32, #tpu.memory_space<vmem>>) target(%dma_start3A_1278 : memref<10000x128xf32, #tpu.memory_space<vmem_shared>>) offsets(%dma_start3A_1275 : memref<80xi32, #tpu.memory_space<vmem>>) semaphore(%run_scoped3A_1268 : memref<!tpu.dma_semaphore, #tpu.memory_space<semaphore_mem>>) {add = true}
      %dma_wait3A_1279 = arith.constant 0 : i32
      %dma_wait3A_1280 = arith.constant 0 : i32
      %dma_wait3A_1281 = tpu.memref_slice %arg6[%run_scoped3A, %dma_wait3A_1279, %dma_wait3A_1280] : memref<2x80x128xf32, #tpu.memory_space<vmem>> -> memref<1x80x128xf32, #tpu.memory_space<vmem>>
      %dma_wait3A_1282 = tpu.memref_squeeze %dma_wait3A_1281 : memref<1x80x128xf32, #tpu.memory_space<vmem>> -> memref<80x128xf32, #tpu.memory_space<vmem>>
      %dma_wait3A_1283 = arith.constant 0 : i32
      %dma_wait3A_1284 = tpu.memref_slice %arg5[%run_scoped3A_1262, %dma_wait3A_1283] : memref<2x80xi32, #tpu.memory_space<vmem>> -> memref<1x80xi32, #tpu.memory_space<vmem>>
      %dma_wait3A_1285 = tpu.memref_squeeze %dma_wait3A_1284 : memref<1x80xi32, #tpu.memory_space<vmem>> -> memref<80xi32, #tpu.memory_space<vmem>>
      %dma_wait3A_1286 = arith.constant 0 : i32
      %dma_wait3A_1287 = arith.constant 0 : i32
      %dma_wait3A_1288 = tpu.memref_slice %arg8[%dma_wait3A_1286, %dma_wait3A_1287] : memref<10000x128xf32, #tpu.memory_space<vmem_shared>> -> memref<10000x128xf32, #tpu.memory_space<vmem_shared>>
      tpu.wait_indirect_dma semaphore(%run_scoped3A_1268 : memref<!tpu.dma_semaphore, #tpu.memory_space<semaphore_mem>>) src(%dma_wait3A_1282 : memref<80x128xf32, #tpu.memory_space<vmem>>) dst(%dma_wait3A_1288 : memref<10000x128xf32, #tpu.memory_space<vmem_shared>>)
      tpu.yield
    }) : () -> ()
    %barrier3A_1263 = arith.constant 0 : index
    tpu.barrier barrier_id(%barrier3A_1263)
    %mul3A_1264 = arith.constant 625 : i32
    %mul3A_1265 = arith.muli %arg1, %mul3A_1264 : i32
    %mul3A_1266 = arith.constant 625 : i32
    %mul3A_1267 = arith.muli %arg1, %mul3A_1266 : i32
    "tpu.region"() ({
      %run_scoped3A_1268 = tpu.sem_alloc : memref<!tpu.dma_semaphore, #tpu.memory_space<semaphore_mem>>
      %dma_start3A_1269 = arith.constant 0 : i32
      %dma_start3A_1270 = tpu.memref_slice %arg4[%arg0, %mul3A_1267, %dma_start3A_1269] : memref<2x10000x128xf32, #tpu.memory_space<hbm>> -> memref<1x625x128xf32, #tpu.memory_space<hbm>>
      %dma_start3A_1271 = tpu.memref_squeeze %dma_start3A_1270 : memref<1x625x128xf32, #tpu.memory_space<hbm>> -> memref<625x128xf32, #tpu.memory_space<hbm>>
      %dma_start3A_1272 = arith.constant 0 : i32
      %dma_start3A_1273 = tpu.memref_slice %arg8[%mul3A_1265, %dma_start3A_1272] : memref<10000x128xf32, #tpu.memory_space<vmem_shared>> -> memref<625x128xf32, #tpu.memory_space<vmem_shared>>
      tpu.enqueue_dma source(%dma_start3A_1273 : memref<625x128xf32, #tpu.memory_space<vmem_shared>>) target(%dma_start3A_1271 : memref<625x128xf32, #tpu.memory_space<hbm>>) target_semaphore(%run_scoped3A_1268 : memref<!tpu.dma_semaphore, #tpu.memory_space<semaphore_mem>>)
      %dma_wait3A_1274 = arith.constant 0 : i32
      %dma_wait3A_1275 = tpu.memref_slice %arg4[%arg0, %mul3A_1267, %dma_wait3A_1274] : memref<2x10000x128xf32, #tpu.memory_space<hbm>> -> memref<1x625x128xf32, #tpu.memory_space<hbm>>
      %dma_wait3A_1276 = tpu.memref_squeeze %dma_wait3A_1275 : memref<1x625x128xf32, #tpu.memory_space<hbm>> -> memref<625x128xf32, #tpu.memory_space<hbm>>
      %dma_wait3A_1277 = arith.constant 0 : i32
      %dma_wait3A_1278 = tpu.memref_slice %arg8[%mul3A_1265, %dma_wait3A_1277] : memref<10000x128xf32, #tpu.memory_space<vmem_shared>> -> memref<625x128xf32, #tpu.memory_space<vmem_shared>>
      tpu.wait_dma2 semaphore(%run_scoped3A_1268 : memref<!tpu.dma_semaphore, #tpu.memory_space<semaphore_mem>>) src(%dma_wait3A_1278 : memref<625x128xf32, #tpu.memory_space<vmem_shared>>) dst(%dma_wait3A_1276 : memref<625x128xf32, #tpu.memory_space<hbm>>)
      tpu.yield
    }) : () -> ()
    return
  }
}

module attributes {stable_mosaic.version = 14 : i64} {
  func.func @_tables_body(%arg0: i32, %arg1: memref<1000x128xf32, #tpu.memory_space<vmem>>, %arg2: memref<1000x6xf32, #tpu.memory_space<vmem>>, %arg3: memref<1000x6xf32, #tpu.memory_space<vmem>>, %arg4: memref<128x64xf32, #tpu.memory_space<vmem>>, %arg5: memref<128x64xf32, #tpu.memory_space<vmem>>, %arg6: memref<1000x128xf32, #tpu.memory_space<vmem>>, %arg7: memref<1000x128xf32, #tpu.memory_space<vmem>>) attributes {dimension_semantics = [#tpu.dimension_semantics<arbitrary>], iteration_bounds = array<i64: 10>, scalar_prefetch = 0 : i64, scratch_operands = 0 : i64, tpu.core_type = #tpu.core_type<tc>, window_params = [{transform_indices = @transform_0, window_bounds = array<i64: 1000, 128>}, {transform_indices = @transform_1, window_bounds = array<i64: 1000, 6>}, {transform_indices = @transform_2, window_bounds = array<i64: 1000, 6>}, {pipeline_mode = #tpu.pipeline_mode<synchronous>, transform_indices = @transform_3, window_bounds = array<i64: 128, 64>}, {pipeline_mode = #tpu.pipeline_mode<synchronous>, transform_indices = @transform_4, window_bounds = array<i64: 128, 64>}, {transform_indices = @transform_5, window_bounds = array<i64: 1000, 128>}, {transform_indices = @transform_6, window_bounds = array<i64: 1000, 128>}]} {
    %get3A = arith.constant 0 : index
    %get3A_0 = arith.constant 0 : index
    %get3A_1 = vector.load %arg1[%get3A, %get3A_0] : memref<1000x128xf32, #tpu.memory_space<vmem>>, vector<1000x128xf32>
    %get3A_2 = arith.constant 0 : index
    %get3A_3 = arith.constant 0 : index
    %get3A_4 = vector.load %arg4[%get3A_2, %get3A_3] : memref<128x64xf32, #tpu.memory_space<vmem>>, vector<128x64xf32>
    %dot_general3A = arith.constant dense<0.000000e+00> : vector<1000x64xf32>
    %dot_general3A_5 = tpu.matmul %get3A_1, %get3A_4, %dot_general3A {dimension_numbers = #tpu.dot_dimension_numbers<[1], [0], [0], [1], [0, 0, 1, 1], [], []>, transpose_lhs_hint = false} : vector<1000x128xf32>, vector<128x64xf32>, vector<1000x64xf32> -> vector<1000x64xf32>
    %get3A_6 = arith.constant 0 : index
    %get3A_7 = arith.constant 0 : index
    %get3A_8 = vector.load %arg5[%get3A_6, %get3A_7] : memref<128x64xf32, #tpu.memory_space<vmem>>, vector<128x64xf32>
    %dot_general3A_9 = arith.constant dense<0.000000e+00> : vector<1000x64xf32>
    %dot_general3A_10 = tpu.matmul %get3A_1, %get3A_8, %dot_general3A_9 {dimension_numbers = #tpu.dot_dimension_numbers<[1], [0], [0], [1], [0, 0, 1, 1], [], []>, transpose_lhs_hint = false} : vector<1000x128xf32>, vector<128x64xf32>, vector<1000x64xf32> -> vector<1000x64xf32>
    %broadcast_in_dim3A = arith.constant 0.000000e+00 : f32
    %broadcast_in_dim3A_11 = vector.broadcast %broadcast_in_dim3A : f32 to vector<1000x2xf32>
    %broadcast_in_dim3A_12 = arith.constant 0.000000e+00 : f32
    %broadcast_in_dim3A_13 = vector.broadcast %broadcast_in_dim3A_12 : f32 to vector<1000x48xf32>
    %get3A_14 = arith.constant 0 : index
    %get3A_15 = arith.constant 0 : index
    %get3A_16 = vector.load %arg2[%get3A_14, %get3A_15] : memref<1000x6xf32, #tpu.memory_space<vmem>>, vector<1000x6xf32>
    %get3A_17 = arith.constant 0 : index
    %get3A_18 = arith.constant 0 : index
    %get3A_19 = vector.load %arg3[%get3A_17, %get3A_18] : memref<1000x6xf32, #tpu.memory_space<vmem>>, vector<1000x6xf32>
    %concatenate3A = tpu.concatenate %get3A_16, %broadcast_in_dim3A_11, %get3A_19, %broadcast_in_dim3A_11, %broadcast_in_dim3A_13 in 1 : vector<1000x6xf32>, vector<1000x2xf32>, vector<1000x6xf32>, vector<1000x2xf32>, vector<1000x48xf32> -> vector<1000x64xf32>
    %concatenate3A_20 = tpu.concatenate %dot_general3A_5, %concatenate3A in 1 : vector<1000x64xf32>, vector<1000x64xf32> -> vector<1000x128xf32>
    %swap3A = arith.constant 0 : index
    %swap3A_21 = arith.constant 0 : index
    %swap3A_22 = vector.load %arg6[%swap3A, %swap3A_21] : memref<1000x128xf32, #tpu.memory_space<vmem>>, vector<1000x128xf32>
    tpu.vector_store %arg6[%swap3A, %swap3A_21], %concatenate3A_20 {strides = array<i32>} : memref<1000x128xf32, #tpu.memory_space<vmem>>, vector<1000x128xf32>,
    %concatenate3A_23 = tpu.concatenate %dot_general3A_10, %concatenate3A in 1 : vector<1000x64xf32>, vector<1000x64xf32> -> vector<1000x128xf32>
    %swap3A_24 = arith.constant 0 : index
    %swap3A_25 = arith.constant 0 : index
    %swap3A_26 = vector.load %arg7[%swap3A_24, %swap3A_25] : memref<1000x128xf32, #tpu.memory_space<vmem>>, vector<1000x128xf32>
    tpu.vector_store %arg7[%swap3A_24, %swap3A_25], %concatenate3A_23 {strides = array<i32>} : memref<1000x128xf32, #tpu.memory_space<vmem>>, vector<1000x128xf32>,
    return
  }
  func.func @transform_0(%arg0: i32) -> (i32, i32) {
    %c0_i32 = arith.constant 0 : i32
    %c0_i32_0 = arith.constant 0 : i32
    return %arg0, %c0_i32 : i32, i32
  }
  func.func @transform_1(%arg0: i32) -> (i32, i32) {
    %c0_i32 = arith.constant 0 : i32
    %c0_i32_0 = arith.constant 0 : i32
    return %arg0, %c0_i32 : i32, i32
  }
  func.func @transform_2(%arg0: i32) -> (i32, i32) {
    %c0_i32 = arith.constant 0 : i32
    %c0_i32_0 = arith.constant 0 : i32
    return %arg0, %c0_i32 : i32, i32
  }
  func.func @transform_3(%arg0: i32) -> (i32, i32) {
    %c0_i32 = arith.constant 0 : i32
    %c0_i32_0 = arith.constant 0 : i32
    %c0_i32_1 = arith.constant 0 : i32
    return %c0_i32, %c0_i32_0 : i32, i32
  }
  func.func @transform_4(%arg0: i32) -> (i32, i32) {
    %c0_i32 = arith.constant 0 : i32
    %c0_i32_0 = arith.constant 0 : i32
    %c0_i32_1 = arith.constant 0 : i32
    return %c0_i32, %c0_i32_0 : i32, i32
  }
  func.func @transform_5(%arg0: i32) -> (i32, i32) {
    %c0_i32 = arith.constant 0 : i32
    %c0_i32_0 = arith.constant 0 : i32
    return %arg0, %c0_i32 : i32, i32
  }
  func.func @transform_6(%arg0: i32) -> (i32, i32) {
    %c0_i32 = arith.constant 0 : i32
    %c0_i32_0 = arith.constant 0 : i32
    return %arg0, %c0_i32 : i32, i32
  }
}

module attributes {stable_mosaic.version = 14 : i64} {
  func.func @_edge_body(%arg0: i32, %arg1: memref<2000x128xf32, #tpu.memory_space<vmem>>, %arg2: memref<16x4xf32, #tpu.memory_space<vmem>>, %arg3: memref<4x64xf32, #tpu.memory_space<vmem>>, %arg4: memref<1x64xf32, #tpu.memory_space<vmem>>, %arg5: memref<64x64xf32, #tpu.memory_space<vmem>>, %arg6: memref<1x64xf32, #tpu.memory_space<vmem>>, %arg7: memref<64x64xf32, #tpu.memory_space<vmem>>, %arg8: memref<1x64xf32, #tpu.memory_space<vmem>>, %arg9: memref<64x64xf32, #tpu.memory_space<vmem>>, %arg10: memref<1x64xf32, #tpu.memory_space<vmem>>, %arg11: memref<64x2xf32, #tpu.memory_space<vmem>>, %arg12: memref<1x2xf32, #tpu.memory_space<vmem>>, %arg13: memref<64x1xf32, #tpu.memory_space<vmem>>, %arg14: memref<1x1xf32, #tpu.memory_space<vmem>>, %arg15: memref<2000x128xf32, #tpu.memory_space<vmem>>) attributes {dimension_semantics = [#tpu.dimension_semantics<arbitrary>], iteration_bounds = array<i64: 160>, scalar_prefetch = 0 : i64, scratch_operands = 0 : i64, tpu.core_type = #tpu.core_type<tc>, window_params = [{transform_indices = @transform_0, window_bounds = array<i64: 2000, 128>}, {pipeline_mode = #tpu.pipeline_mode<synchronous>, transform_indices = @transform_1, window_bounds = array<i64: 16, 4>}, {pipeline_mode = #tpu.pipeline_mode<synchronous>, transform_indices = @transform_2, window_bounds = array<i64: 4, 64>}, {pipeline_mode = #tpu.pipeline_mode<synchronous>, transform_indices = @transform_3, window_bounds = array<i64: 1, 64>}, {pipeline_mode = #tpu.pipeline_mode<synchronous>, transform_indices = @transform_4, window_bounds = array<i64: 64, 64>}, {pipeline_mode = #tpu.pipeline_mode<synchronous>, transform_indices = @transform_5, window_bounds = array<i64: 1, 64>}, {pipeline_mode = #tpu.pipeline_mode<synchronous>, transform_indices = @transform_6, window_bounds = array<i64: 64, 64>}, {pipeline_mode = #tpu.pipeline_mode<synchronous>, transform_indices = @transform_7, window_bounds = array<i64: 1, 64>}, {pipeline_mode = #tpu.pipeline_mode<synchronous>, transform_indices = @transform_8, window_bounds = array<i64: 64, 64>}, {pipeline_mode = #tpu.pipeline_mode<synchronous>, transform_indices = @transform_9, window_bounds = array<i64: 1, 64>}, {pipeline_mode = #tpu.pipeline_mode<synchronous>, transform_indices = @transform_10, window_bounds = array<i64: 64, 2>}, {pipeline_mode = #tpu.pipeline_mode<synchronous>, transform_indices = @transform_11, window_bounds = array<i64: 1, 2>}, {pipeline_mode = #tpu.pipeline_mode<synchronous>, transform_indices = @transform_12, window_bounds = array<i64: 64, 1>}, {pipeline_mode = #tpu.pipeline_mode<synchronous>, transform_indices = @transform_13, window_bounds = array<i64: 1, 1>}, {transform_indices = @transform_14, window_bounds = array<i64: 2000, 128>}]} {
    %get3A = arith.constant 0 : index
    %get3A_0 = arith.constant 0 : index
    %get3A_1 = vector.load %arg1[%get3A, %get3A_0] : memref<2000x128xf32, #tpu.memory_space<vmem>>, vector<2000x128xf32>
    %slice3A = vector.extract_strided_slice %get3A_1 {offsets = [0, 0], sizes = [2000, 64], strides = [1, 1]} : vector<2000x128xf32> to vector<2000x64xf32>
    %slice3A_2 = vector.extract_strided_slice %get3A_1 {offsets = [0, 64], sizes = [2000, 16], strides = [1, 1]} : vector<2000x128xf32> to vector<2000x16xf32>
    %mul3A = arith.mulf %slice3A_2, %slice3A_2 : vector<2000x16xf32>
    %get3A_3 = arith.constant 0 : index
    %get3A_4 = arith.constant 0 : index
    %get3A_5 = vector.load %arg2[%get3A_3, %get3A_4] : memref<16x4xf32, #tpu.memory_space<vmem>>, vector<16x4xf32>
    %dot_general3A = arith.constant dense<0.000000e+00> : vector<2000x4xf32>
    %dot_general3A_6 = tpu.matmul %mul3A, %get3A_5, %dot_general3A {dimension_numbers = #tpu.dot_dimension_numbers<[1], [0], [0], [1], [0, 0, 1, 1], [], []>, transpose_lhs_hint = false} : vector<2000x16xf32>, vector<16x4xf32>, vector<2000x4xf32> -> vector<2000x4xf32>
    %get3A_7 = arith.constant 0 : index
    %get3A_8 = arith.constant 0 : index
    %get3A_9 = vector.load %arg3[%get3A_7, %get3A_8] : memref<4x64xf32, #tpu.memory_space<vmem>>, vector<4x64xf32>
    %dot_general3A_10 = arith.constant dense<0.000000e+00> : vector<2000x64xf32>
    %dot_general3A_11 = tpu.matmul %dot_general3A_6, %get3A_9, %dot_general3A_10 {dimension_numbers = #tpu.dot_dimension_numbers<[1], [0], [0], [1], [0, 0, 1, 1], [], []>, transpose_lhs_hint = false} : vector<2000x4xf32>, vector<4x64xf32>, vector<2000x64xf32> -> vector<2000x64xf32>
    %add3A = arith.addf %slice3A, %dot_general3A_11 : vector<2000x64xf32>
    %get3A_12 = arith.constant 0 : index
    %get3A_13 = arith.constant 0 : index
    %get3A_14 = vector.load %arg4[%get3A_12, %get3A_13] : memref<1x64xf32, #tpu.memory_space<vmem>>, vector<1x64xf32>
    %add3A_15 = vector.broadcast %get3A_14 : vector<1x64xf32> to vector<2000x64xf32>
    %add3A_16 = arith.addf %add3A, %add3A_15 : vector<2000x64xf32>
    %logistic3A = arith.negf %add3A_16 : vector<2000x64xf32>
    %logistic3A_17 = math.exp %logistic3A : vector<2000x64xf32>
    %logistic3A_18 = arith.constant 1.000000e+00 : f32
    %logistic3A_19 = vector.broadcast %logistic3A_18 : f32 to vector<2000x64xf32>
    %logistic3A_20 = arith.addf %logistic3A_19, %logistic3A_17 : vector<2000x64xf32>
    %logistic3A_21 = arith.divf %logistic3A_19, %logistic3A_20 : vector<2000x64xf32>
    %mul3A_22 = arith.mulf %add3A_16, %logistic3A_21 : vector<2000x64xf32>
    %get3A_23 = arith.constant 0 : index
    %get3A_24 = arith.constant 0 : index
    %get3A_25 = vector.load %arg5[%get3A_23, %get3A_24] : memref<64x64xf32, #tpu.memory_space<vmem>>, vector<64x64xf32>
    %dot_general3A_26 = arith.constant dense<0.000000e+00> : vector<2000x64xf32>
    %dot_general3A_27 = tpu.matmul %mul3A_22, %get3A_25, %dot_general3A_26 {dimension_numbers = #tpu.dot_dimension_numbers<[1], [0], [0], [1], [0, 0, 1, 1], [], []>, transpose_lhs_hint = false} : vector<2000x64xf32>, vector<64x64xf32>, vector<2000x64xf32> -> vector<2000x64xf32>
    %get3A_28 = arith.constant 0 : index
    %get3A_29 = arith.constant 0 : index
    %get3A_30 = vector.load %arg6[%get3A_28, %get3A_29] : memref<1x64xf32, #tpu.memory_space<vmem>>, vector<1x64xf32>
    %add3A_31 = vector.broadcast %get3A_30 : vector<1x64xf32> to vector<2000x64xf32>
    %add3A_32 = arith.addf %dot_general3A_27, %add3A_31 : vector<2000x64xf32>
    %logistic3A_33 = arith.negf %add3A_32 : vector<2000x64xf32>
    %logistic3A_34 = math.exp %logistic3A_33 : vector<2000x64xf32>
    %logistic3A_35 = arith.constant 1.000000e+00 : f32
    %logistic3A_36 = vector.broadcast %logistic3A_35 : f32 to vector<2000x64xf32>
    %logistic3A_37 = arith.addf %logistic3A_36, %logistic3A_34 : vector<2000x64xf32>
    %logistic3A_38 = arith.divf %logistic3A_36, %logistic3A_37 : vector<2000x64xf32>
    %mul3A_39 = arith.mulf %add3A_32, %logistic3A_38 : vector<2000x64xf32>
    %get3A_40 = arith.constant 0 : index
    %get3A_41 = arith.constant 0 : index
    %get3A_42 = vector.load %arg7[%get3A_40, %get3A_41] : memref<64x64xf32, #tpu.memory_space<vmem>>, vector<64x64xf32>
    %dot_general3A_43 = arith.constant dense<0.000000e+00> : vector<2000x64xf32>
    %dot_general3A_44 = tpu.matmul %mul3A_39, %get3A_42, %dot_general3A_43 {dimension_numbers = #tpu.dot_dimension_numbers<[1], [0], [0], [1], [0, 0, 1, 1], [], []>, transpose_lhs_hint = false} : vector<2000x64xf32>, vector<64x64xf32>, vector<2000x64xf32> -> vector<2000x64xf32>
    %get3A_45 = arith.constant 0 : index
    %get3A_46 = arith.constant 0 : index
    %get3A_47 = vector.load %arg8[%get3A_45, %get3A_46] : memref<1x64xf32, #tpu.memory_space<vmem>>, vector<1x64xf32>
    %add3A_48 = vector.broadcast %get3A_47 : vector<1x64xf32> to vector<2000x64xf32>
    %add3A_49 = arith.addf %dot_general3A_44, %add3A_48 : vector<2000x64xf32>
    %logistic3A_50 = arith.negf %add3A_49 : vector<2000x64xf32>
    %logistic3A_51 = math.exp %logistic3A_50 : vector<2000x64xf32>
    %logistic3A_52 = arith.constant 1.000000e+00 : f32
    %logistic3A_53 = vector.broadcast %logistic3A_52 : f32 to vector<2000x64xf32>
    %logistic3A_54 = arith.addf %logistic3A_53, %logistic3A_51 : vector<2000x64xf32>
    %logistic3A_55 = arith.divf %logistic3A_53, %logistic3A_54 : vector<2000x64xf32>
    %mul3A_56 = arith.mulf %add3A_49, %logistic3A_55 : vector<2000x64xf32>
    %get3A_57 = arith.constant 0 : index
    %get3A_58 = arith.constant 0 : index
    %get3A_59 = vector.load %arg9[%get3A_57, %get3A_58] : memref<64x64xf32, #tpu.memory_space<vmem>>, vector<64x64xf32>
    %dot_general3A_60 = arith.constant dense<0.000000e+00> : vector<2000x64xf32>
    %dot_general3A_61 = tpu.matmul %mul3A_56, %get3A_59, %dot_general3A_60 {dimension_numbers = #tpu.dot_dimension_numbers<[1], [0], [0], [1], [0, 0, 1, 1], [], []>, transpose_lhs_hint = false} : vector<2000x64xf32>, vector<64x64xf32>, vector<2000x64xf32> -> vector<2000x64xf32>
    %get3A_62 = arith.constant 0 : index
    %get3A_63 = arith.constant 0 : index
    %get3A_64 = vector.load %arg10[%get3A_62, %get3A_63] : memref<1x64xf32, #tpu.memory_space<vmem>>, vector<1x64xf32>
    %add3A_65 = vector.broadcast %get3A_64 : vector<1x64xf32> to vector<2000x64xf32>
    %add3A_66 = arith.addf %dot_general3A_61, %add3A_65 : vector<2000x64xf32>
    %logistic3A_67 = arith.negf %add3A_66 : vector<2000x64xf32>
    %logistic3A_68 = math.exp %logistic3A_67 : vector<2000x64xf32>
    %logistic3A_69 = arith.constant 1.000000e+00 : f32
    %logistic3A_70 = vector.broadcast %logistic3A_69 : f32 to vector<2000x64xf32>
    %logistic3A_71 = arith.addf %logistic3A_70, %logistic3A_68 : vector<2000x64xf32>
    %logistic3A_72 = arith.divf %logistic3A_70, %logistic3A_71 : vector<2000x64xf32>
    %mul3A_73 = arith.mulf %add3A_66, %logistic3A_72 : vector<2000x64xf32>
    %get3A_74 = arith.constant 0 : index
    %get3A_75 = arith.constant 0 : index
    %get3A_76 = vector.load %arg11[%get3A_74, %get3A_75] : memref<64x2xf32, #tpu.memory_space<vmem>>, vector<64x2xf32>
    %dot_general3A_77 = arith.constant dense<0.000000e+00> : vector<2000x2xf32>
    %dot_general3A_78 = tpu.matmul %mul3A_73, %get3A_76, %dot_general3A_77 {dimension_numbers = #tpu.dot_dimension_numbers<[1], [0], [0], [1], [0, 0, 1, 1], [], []>, transpose_lhs_hint = false} : vector<2000x64xf32>, vector<64x2xf32>, vector<2000x2xf32> -> vector<2000x2xf32>
    %get3A_79 = arith.constant 0 : index
    %get3A_80 = arith.constant 0 : index
    %get3A_81 = vector.load %arg12[%get3A_79, %get3A_80] : memref<1x2xf32, #tpu.memory_space<vmem>>, vector<1x2xf32>
    %add3A_82 = vector.broadcast %get3A_81 : vector<1x2xf32> to vector<2000x2xf32>
    %add3A_83 = arith.addf %dot_general3A_78, %add3A_82 : vector<2000x2xf32>
    %get3A_84 = arith.constant 0 : index
    %get3A_85 = arith.constant 0 : index
    %get3A_86 = vector.load %arg13[%get3A_84, %get3A_85] : memref<64x1xf32, #tpu.memory_space<vmem>>, vector<64x1xf32>
    %dot_general3A_87 = arith.constant dense<0.000000e+00> : vector<2000x1xf32>
    %dot_general3A_88 = tpu.matmul %mul3A_39, %get3A_86, %dot_general3A_87 {dimension_numbers = #tpu.dot_dimension_numbers<[1], [0], [0], [1], [0, 0, 1, 1], [], []>, transpose_lhs_hint = false} : vector<2000x64xf32>, vector<64x1xf32>, vector<2000x1xf32> -> vector<2000x1xf32>
    %get3A_89 = arith.constant 0 : index
    %get3A_90 = arith.constant 0 : index
    %get3A_91 = vector.load %arg14[%get3A_89, %get3A_90] : memref<1x1xf32, #tpu.memory_space<vmem>>, vector<1x1xf32>
    %add3A_92 = vector.broadcast %get3A_91 : vector<1x1xf32> to vector<2000x1xf32>
    %add3A_93 = arith.addf %dot_general3A_88, %add3A_92 : vector<2000x1xf32>
    %logistic3A_94 = arith.negf %add3A_93 : vector<2000x1xf32>
    %logistic3A_95 = math.exp %logistic3A_94 : vector<2000x1xf32>
    %logistic3A_96 = arith.constant 1.000000e+00 : f32
    %logistic3A_97 = vector.broadcast %logistic3A_96 : f32 to vector<2000x1xf32>
    %logistic3A_98 = arith.addf %logistic3A_97, %logistic3A_95 : vector<2000x1xf32>
    %logistic3A_99 = arith.divf %logistic3A_97, %logistic3A_98 : vector<2000x1xf32>
    %mul3A_100 = vector.broadcast %logistic3A_99 : vector<2000x1xf32> to vector<2000x64xf32>
    %mul3A_101 = arith.mulf %mul3A_39, %mul3A_100 : vector<2000x64xf32>
    %slice3A_102 = vector.extract_strided_slice %dot_general3A_6 {offsets = [0, 2], sizes = [2000, 1], strides = [1, 1]} : vector<2000x4xf32> to vector<2000x1xf32>
    %slice3A_103 = vector.extract_strided_slice %dot_general3A_6 {offsets = [0, 3], sizes = [2000, 1], strides = [1, 1]} : vector<2000x4xf32> to vector<2000x1xf32>
    %slice3A_104 = vector.extract_strided_slice %add3A_83 {offsets = [0, 0], sizes = [2000, 1], strides = [1, 1]} : vector<2000x2xf32> to vector<2000x1xf32>
    %sqrt3A = math.sqrt %slice3A_102 : vector<2000x1xf32>
    %add3A_105 = arith.constant 1.000000e+00 : f32
    %add3A_106 = vector.broadcast %add3A_105 : f32 to vector<2000x1xf32>
    %add3A_107 = arith.addf %add3A_106, %sqrt3A : vector<2000x1xf32>
    %div3A = arith.divf %slice3A_104, %add3A_107 : vector<2000x1xf32>
    %slice3A_108 = vector.extract_strided_slice %add3A_83 {offsets = [0, 1], sizes = [2000, 1], strides = [1, 1]} : vector<2000x2xf32> to vector<2000x1xf32>
    %sqrt3A_109 = math.sqrt %slice3A_103 : vector<2000x1xf32>
    %add3A_110 = arith.constant 1.000000e+00 : f32
    %add3A_111 = vector.broadcast %add3A_110 : f32 to vector<2000x1xf32>
    %add3A_112 = arith.addf %add3A_111, %sqrt3A_109 : vector<2000x1xf32>
    %div3A_113 = arith.divf %slice3A_108, %add3A_112 : vector<2000x1xf32>
    %slice3A_114 = vector.extract_strided_slice %slice3A_2 {offsets = [0, 8], sizes = [2000, 3], strides = [1, 1]} : vector<2000x16xf32> to vector<2000x3xf32>
    %mul3A_115 = vector.broadcast %div3A : vector<2000x1xf32> to vector<2000x3xf32>
    %mul3A_116 = arith.mulf %slice3A_114, %mul3A_115 : vector<2000x3xf32>
    %slice3A_117 = vector.extract_strided_slice %slice3A_2 {offsets = [0, 11], sizes = [2000, 3], strides = [1, 1]} : vector<2000x16xf32> to vector<2000x3xf32>
    %mul3A_118 = vector.broadcast %div3A_113 : vector<2000x1xf32> to vector<2000x3xf32>
    %mul3A_119 = arith.mulf %slice3A_117, %mul3A_118 : vector<2000x3xf32>
    %broadcast_in_dim3A = arith.constant 0.000000e+00 : f32
    %broadcast_in_dim3A_120 = vector.broadcast %broadcast_in_dim3A : f32 to vector<2000x58xf32>
    %concatenate3A = tpu.concatenate %mul3A_101, %mul3A_116, %mul3A_119, %broadcast_in_dim3A_120 in 1 : vector<2000x64xf32>, vector<2000x3xf32>, vector<2000x3xf32>, vector<2000x58xf32> -> vector<2000x128xf32>
    %swap3A = arith.constant 0 : index
    %swap3A_121 = arith.constant 0 : index
    %swap3A_122 = vector.load %arg15[%swap3A, %swap3A_121] : memref<2000x128xf32, #tpu.memory_space<vmem>>, vector<2000x128xf32>
    tpu.vector_store %arg15[%swap3A, %swap3A_121], %concatenate3A {strides = array<i32>} : memref<2000x128xf32, #tpu.memory_space<vmem>>, vector<2000x128xf32>,
    return
  }
  func.func @transform_0(%arg0: i32) -> (i32, i32) {
    %c0_i32 = arith.constant 0 : i32
    %c0_i32_0 = arith.constant 0 : i32
    return %arg0, %c0_i32 : i32, i32
  }
  func.func @transform_1(%arg0: i32) -> (i32, i32) {
    %c0_i32 = arith.constant 0 : i32
    %c0_i32_0 = arith.constant 0 : i32
    %c0_i32_1 = arith.constant 0 : i32
    return %c0_i32, %c0_i32_0 : i32, i32
  }
  func.func @transform_2(%arg0: i32) -> (i32, i32) {
    %c0_i32 = arith.constant 0 : i32
    %c0_i32_0 = arith.constant 0 : i32
    %c0_i32_1 = arith.constant 0 : i32
    return %c0_i32, %c0_i32_0 : i32, i32
  }
  func.func @transform_3(%arg0: i32) -> (i32, i32) {
    %c0_i32 = arith.constant 0 : i32
    %c0_i32_0 = arith.constant 0 : i32
    %c0_i32_1 = arith.constant 0 : i32
    return %c0_i32, %c0_i32_0 : i32, i32
  }
  func.func @transform_4(%arg0: i32) -> (i32, i32) {
    %c0_i32 = arith.constant 0 : i32
    %c0_i32_0 = arith.constant 0 : i32
    %c0_i32_1 = arith.constant 0 : i32
    return %c0_i32, %c0_i32_0 : i32, i32
  }
  func.func @transform_5(%arg0: i32) -> (i32, i32) {
    %c0_i32 = arith.constant 0 : i32
    %c0_i32_0 = arith.constant 0 : i32
    %c0_i32_1 = arith.constant 0 : i32
    return %c0_i32, %c0_i32_0 : i32, i32
  }
  func.func @transform_6(%arg0: i32) -> (i32, i32) {
    %c0_i32 = arith.constant 0 : i32
    %c0_i32_0 = arith.constant 0 : i32
    %c0_i32_1 = arith.constant 0 : i32
    return %c0_i32, %c0_i32_0 : i32, i32
  }
  func.func @transform_7(%arg0: i32) -> (i32, i32) {
    %c0_i32 = arith.constant 0 : i32
    %c0_i32_0 = arith.constant 0 : i32
    %c0_i32_1 = arith.constant 0 : i32
    return %c0_i32, %c0_i32_0 : i32, i32
  }
  func.func @transform_8(%arg0: i32) -> (i32, i32) {
    %c0_i32 = arith.constant 0 : i32
    %c0_i32_0 = arith.constant 0 : i32
    %c0_i32_1 = arith.constant 0 : i32
    return %c0_i32, %c0_i32_0 : i32, i32
  }
  func.func @transform_9(%arg0: i32) -> (i32, i32) {
    %c0_i32 = arith.constant 0 : i32
    %c0_i32_0 = arith.constant 0 : i32
    %c0_i32_1 = arith.constant 0 : i32
    return %c0_i32, %c0_i32_0 : i32, i32
  }
  func.func @transform_10(%arg0: i32) -> (i32, i32) {
    %c0_i32 = arith.constant 0 : i32
    %c0_i32_0 = arith.constant 0 : i32
    %c0_i32_1 = arith.constant 0 : i32
    return %c0_i32, %c0_i32_0 : i32, i32
  }
  func.func @transform_11(%arg0: i32) -> (i32, i32) {
    %c0_i32 = arith.constant 0 : i32
    %c0_i32_0 = arith.constant 0 : i32
    %c0_i32_1 = arith.constant 0 : i32
    return %c0_i32, %c0_i32_0 : i32, i32
  }
  func.func @transform_12(%arg0: i32) -> (i32, i32) {
    %c0_i32 = arith.constant 0 : i32
    %c0_i32_0 = arith.constant 0 : i32
    %c0_i32_1 = arith.constant 0 : i32
    return %c0_i32, %c0_i32_0 : i32, i32
  }
  func.func @transform_13(%arg0: i32) -> (i32, i32) {
    %c0_i32 = arith.constant 0 : i32
    %c0_i32_0 = arith.constant 0 : i32
    %c0_i32_1 = arith.constant 0 : i32
    return %c0_i32, %c0_i32_0 : i32, i32
  }
  func.func @transform_14(%arg0: i32) -> (i32, i32) {
    %c0_i32 = arith.constant 0 : i32
    %c0_i32_0 = arith.constant 0 : i32
    return %arg0, %c0_i32 : i32, i32
  }
}

module attributes {stable_mosaic.version = 14 : i64} {
  func.func @_node_body(%arg0: i32, %arg1: memref<2x1000x128xf32, #tpu.memory_space<vmem>>, %arg2: memref<1000x128xf32, #tpu.memory_space<vmem>>, %arg3: memref<1000x6xf32, #tpu.memory_space<vmem>>, %arg4: memref<64x64xf32, #tpu.memory_space<vmem>>, %arg5: memref<128x64xf32, #tpu.memory_space<vmem>>, %arg6: memref<1x64xf32, #tpu.memory_space<vmem>>, %arg7: memref<64x64xf32, #tpu.memory_space<vmem>>, %arg8: memref<1x64xf32, #tpu.memory_space<vmem>>, %arg9: memref<64x128xf32, #tpu.memory_space<vmem>>, %arg10: memref<1x128xf32, #tpu.memory_space<vmem>>, %arg11: memref<1000x128xf32, #tpu.memory_space<vmem>>, %arg12: memref<1000x6xf32, #tpu.memory_space<vmem>>, %arg13: memref<1000x6xf32, #tpu.memory_space<vmem>>) attributes {dimension_semantics = [#tpu.dimension_semantics<arbitrary>], iteration_bounds = array<i64: 10>, scalar_prefetch = 0 : i64, scratch_operands = 0 : i64, tpu.core_type = #tpu.core_type<tc>, window_params = [{transform_indices = @transform_0, window_bounds = array<i64: 2, 1000, 128>}, {transform_indices = @transform_1, window_bounds = array<i64: 1000, 128>}, {transform_indices = @transform_2, window_bounds = array<i64: 1000, 6>}, {pipeline_mode = #tpu.pipeline_mode<synchronous>, transform_indices = @transform_3, window_bounds = array<i64: 64, 64>}, {pipeline_mode = #tpu.pipeline_mode<synchronous>, transform_indices = @transform_4, window_bounds = array<i64: 128, 64>}, {pipeline_mode = #tpu.pipeline_mode<synchronous>, transform_indices = @transform_5, window_bounds = array<i64: 1, 64>}, {pipeline_mode = #tpu.pipeline_mode<synchronous>, transform_indices = @transform_6, window_bounds = array<i64: 64, 64>}, {pipeline_mode = #tpu.pipeline_mode<synchronous>, transform_indices = @transform_7, window_bounds = array<i64: 1, 64>}, {pipeline_mode = #tpu.pipeline_mode<synchronous>, transform_indices = @transform_8, window_bounds = array<i64: 64, 128>}, {pipeline_mode = #tpu.pipeline_mode<synchronous>, transform_indices = @transform_9, window_bounds = array<i64: 1, 128>}, {transform_indices = @transform_10, window_bounds = array<i64: 1000, 128>}, {transform_indices = @transform_11, window_bounds = array<i64: 1000, 6>}, {transform_indices = @transform_12, window_bounds = array<i64: 1000, 6>}]} {
    %get3A = arith.constant 0 : index
    %get3A_0 = arith.constant 0 : index
    %get3A_1 = arith.constant 0 : index
    %get3A_2 = vector.load %arg1[%get3A, %get3A_0, %get3A_1] : memref<2x1000x128xf32, #tpu.memory_space<vmem>>, vector<1x1000x128xf32>
    %get3A_3 = vector.shape_cast %get3A_2 : vector<1x1000x128xf32> to vector<1000x128xf32>
    %get3A_4 = arith.constant 1 : index
    %get3A_5 = arith.constant 0 : index
    %get3A_6 = arith.constant 0 : index
    %get3A_7 = vector.load %arg1[%get3A_4, %get3A_5, %get3A_6] : memref<2x1000x128xf32, #tpu.memory_space<vmem>>, vector<1x1000x128xf32>
    %get3A_8 = vector.shape_cast %get3A_7 : vector<1x1000x128xf32> to vector<1000x128xf32>
    %add3A = arith.addf %get3A_3, %get3A_8 : vector<1000x128xf32>
    %mul3A = arith.constant 0.0017699115 : f32
    %mul3A_9 = vector.broadcast %mul3A : f32 to vector<1000x128xf32>
    %mul3A_10 = arith.mulf %add3A, %mul3A_9 : vector<1000x128xf32>
    %slice3A = vector.extract_strided_slice %mul3A_10 {offsets = [0, 0], sizes = [1000, 64], strides = [1, 1]} : vector<1000x128xf32> to vector<1000x64xf32>
    %slice3A_11 = vector.extract_strided_slice %mul3A_10 {offsets = [0, 64], sizes = [1000, 6], strides = [1, 1]} : vector<1000x128xf32> to vector<1000x6xf32>
    %get3A_12 = arith.constant 0 : index
    %get3A_13 = arith.constant 0 : index
    %get3A_14 = vector.load %arg2[%get3A_12, %get3A_13] : memref<1000x128xf32, #tpu.memory_space<vmem>>, vector<1000x128xf32>
    %get3A_15 = arith.constant 0 : index
    %get3A_16 = arith.constant 0 : index
    %get3A_17 = vector.load %arg4[%get3A_15, %get3A_16] : memref<64x64xf32, #tpu.memory_space<vmem>>, vector<64x64xf32>
    %dot_general3A = arith.constant dense<0.000000e+00> : vector<1000x64xf32>
    %dot_general3A_18 = tpu.matmul %slice3A, %get3A_17, %dot_general3A {dimension_numbers = #tpu.dot_dimension_numbers<[1], [0], [0], [1], [0, 0, 1, 1], [], []>, transpose_lhs_hint = false} : vector<1000x64xf32>, vector<64x64xf32>, vector<1000x64xf32> -> vector<1000x64xf32>
    %get3A_19 = arith.constant 0 : index
    %get3A_20 = arith.constant 0 : index
    %get3A_21 = vector.load %arg5[%get3A_19, %get3A_20] : memref<128x64xf32, #tpu.memory_space<vmem>>, vector<128x64xf32>
    %dot_general3A_22 = arith.constant dense<0.000000e+00> : vector<1000x64xf32>
    %dot_general3A_23 = tpu.matmul %get3A_14, %get3A_21, %dot_general3A_22 {dimension_numbers = #tpu.dot_dimension_numbers<[1], [0], [0], [1], [0, 0, 1, 1], [], []>, transpose_lhs_hint = false} : vector<1000x128xf32>, vector<128x64xf32>, vector<1000x64xf32> -> vector<1000x64xf32>
    %add3A_24 = arith.addf %dot_general3A_18, %dot_general3A_23 : vector<1000x64xf32>
    %get3A_25 = arith.constant 0 : index
    %get3A_26 = arith.constant 0 : index
    %get3A_27 = vector.load %arg6[%get3A_25, %get3A_26] : memref<1x64xf32, #tpu.memory_space<vmem>>, vector<1x64xf32>
    %add3A_28 = vector.broadcast %get3A_27 : vector<1x64xf32> to vector<1000x64xf32>
    %add3A_29 = arith.addf %add3A_24, %add3A_28 : vector<1000x64xf32>
    %logistic3A = arith.negf %add3A_29 : vector<1000x64xf32>
    %logistic3A_30 = math.exp %logistic3A : vector<1000x64xf32>
    %logistic3A_31 = arith.constant 1.000000e+00 : f32
    %logistic3A_32 = vector.broadcast %logistic3A_31 : f32 to vector<1000x64xf32>
    %logistic3A_33 = arith.addf %logistic3A_32, %logistic3A_30 : vector<1000x64xf32>
    %logistic3A_34 = arith.divf %logistic3A_32, %logistic3A_33 : vector<1000x64xf32>
    %mul3A_35 = arith.mulf %add3A_29, %logistic3A_34 : vector<1000x64xf32>
    %get3A_36 = arith.constant 0 : index
    %get3A_37 = arith.constant 0 : index
    %get3A_38 = vector.load %arg7[%get3A_36, %get3A_37] : memref<64x64xf32, #tpu.memory_space<vmem>>, vector<64x64xf32>
    %dot_general3A_39 = arith.constant dense<0.000000e+00> : vector<1000x64xf32>
    %dot_general3A_40 = tpu.matmul %mul3A_35, %get3A_38, %dot_general3A_39 {dimension_numbers = #tpu.dot_dimension_numbers<[1], [0], [0], [1], [0, 0, 1, 1], [], []>, transpose_lhs_hint = false} : vector<1000x64xf32>, vector<64x64xf32>, vector<1000x64xf32> -> vector<1000x64xf32>
    %get3A_41 = arith.constant 0 : index
    %get3A_42 = arith.constant 0 : index
    %get3A_43 = vector.load %arg8[%get3A_41, %get3A_42] : memref<1x64xf32, #tpu.memory_space<vmem>>, vector<1x64xf32>
    %add3A_44 = vector.broadcast %get3A_43 : vector<1x64xf32> to vector<1000x64xf32>
    %add3A_45 = arith.addf %dot_general3A_40, %add3A_44 : vector<1000x64xf32>
    %logistic3A_46 = arith.negf %add3A_45 : vector<1000x64xf32>
    %logistic3A_47 = math.exp %logistic3A_46 : vector<1000x64xf32>
    %logistic3A_48 = arith.constant 1.000000e+00 : f32
    %logistic3A_49 = vector.broadcast %logistic3A_48 : f32 to vector<1000x64xf32>
    %logistic3A_50 = arith.addf %logistic3A_49, %logistic3A_47 : vector<1000x64xf32>
    %logistic3A_51 = arith.divf %logistic3A_49, %logistic3A_50 : vector<1000x64xf32>
    %mul3A_52 = arith.mulf %add3A_45, %logistic3A_51 : vector<1000x64xf32>
    %get3A_53 = arith.constant 0 : index
    %get3A_54 = arith.constant 0 : index
    %get3A_55 = vector.load %arg9[%get3A_53, %get3A_54] : memref<64x128xf32, #tpu.memory_space<vmem>>, vector<64x128xf32>
    %dot_general3A_56 = arith.constant dense<0.000000e+00> : vector<1000x128xf32>
    %dot_general3A_57 = tpu.matmul %mul3A_52, %get3A_55, %dot_general3A_56 {dimension_numbers = #tpu.dot_dimension_numbers<[1], [0], [0], [1], [0, 0, 1, 1], [], []>, transpose_lhs_hint = false} : vector<1000x64xf32>, vector<64x128xf32>, vector<1000x128xf32> -> vector<1000x128xf32>
    %get3A_58 = arith.constant 0 : index
    %get3A_59 = arith.constant 0 : index
    %get3A_60 = vector.load %arg10[%get3A_58, %get3A_59] : memref<1x128xf32, #tpu.memory_space<vmem>>, vector<1x128xf32>
    %add3A_61 = vector.broadcast %get3A_60 : vector<1x128xf32> to vector<1000x128xf32>
    %add3A_62 = arith.addf %dot_general3A_57, %add3A_61 : vector<1000x128xf32>
    %add3A_63 = arith.addf %get3A_14, %add3A_62 : vector<1000x128xf32>
    %swap3A = arith.constant 0 : index
    %swap3A_64 = arith.constant 0 : index
    %swap3A_65 = vector.load %arg11[%swap3A, %swap3A_64] : memref<1000x128xf32, #tpu.memory_space<vmem>>, vector<1000x128xf32>
    tpu.vector_store %arg11[%swap3A, %swap3A_64], %add3A_63 {strides = array<i32>} : memref<1000x128xf32, #tpu.memory_space<vmem>>, vector<1000x128xf32>,
    %get3A_66 = arith.constant 0 : index
    %get3A_67 = arith.constant 0 : index
    %get3A_68 = vector.load %arg3[%get3A_66, %get3A_67] : memref<1000x6xf32, #tpu.memory_space<vmem>>, vector<1000x6xf32>
    %add3A_69 = arith.addf %get3A_68, %slice3A_11 : vector<1000x6xf32>
    %swap3A_70 = arith.constant 0 : index
    %swap3A_71 = arith.constant 0 : index
    %swap3A_72 = vector.load %arg12[%swap3A_70, %swap3A_71] : memref<1000x6xf32, #tpu.memory_space<vmem>>, vector<1000x6xf32>
    tpu.vector_store %arg12[%swap3A_70, %swap3A_71], %add3A_69 {strides = array<i32>} : memref<1000x6xf32, #tpu.memory_space<vmem>>, vector<1000x6xf32>,
    %swap3A_73 = arith.constant 0 : index
    %swap3A_74 = arith.constant 0 : index
    %swap3A_75 = vector.load %arg13[%swap3A_73, %swap3A_74] : memref<1000x6xf32, #tpu.memory_space<vmem>>, vector<1000x6xf32>
    tpu.vector_store %arg13[%swap3A_73, %swap3A_74], %slice3A_11 {strides = array<i32>} : memref<1000x6xf32, #tpu.memory_space<vmem>>, vector<1000x6xf32>,
    return
  }
  func.func @transform_0(%arg0: i32) -> (i32, i32, i32) {
    %c0_i32 = arith.constant 0 : i32
    %c0_i32_0 = arith.constant 0 : i32
    %c0_i32_1 = arith.constant 0 : i32
    return %c0_i32, %arg0, %c0_i32_0 : i32, i32, i32
  }
  func.func @transform_1(%arg0: i32) -> (i32, i32) {
    %c0_i32 = arith.constant 0 : i32
    %c0_i32_0 = arith.constant 0 : i32
    return %arg0, %c0_i32 : i32, i32
  }
  func.func @transform_2(%arg0: i32) -> (i32, i32) {
    %c0_i32 = arith.constant 0 : i32
    %c0_i32_0 = arith.constant 0 : i32
    return %arg0, %c0_i32 : i32, i32
  }
  func.func @transform_3(%arg0: i32) -> (i32, i32) {
    %c0_i32 = arith.constant 0 : i32
    %c0_i32_0 = arith.constant 0 : i32
    %c0_i32_1 = arith.constant 0 : i32
    return %c0_i32, %c0_i32_0 : i32, i32
  }
  func.func @transform_4(%arg0: i32) -> (i32, i32) {
    %c0_i32 = arith.constant 0 : i32
    %c0_i32_0 = arith.constant 0 : i32
    %c0_i32_1 = arith.constant 0 : i32
    return %c0_i32, %c0_i32_0 : i32, i32
  }
  func.func @transform_5(%arg0: i32) -> (i32, i32) {
    %c0_i32 = arith.constant 0 : i32
    %c0_i32_0 = arith.constant 0 : i32
    %c0_i32_1 = arith.constant 0 : i32
    return %c0_i32, %c0_i32_0 : i32, i32
  }
  func.func @transform_6(%arg0: i32) -> (i32, i32) {
    %c0_i32 = arith.constant 0 : i32
    %c0_i32_0 = arith.constant 0 : i32
    %c0_i32_1 = arith.constant 0 : i32
    return %c0_i32, %c0_i32_0 : i32, i32
  }
  func.func @transform_7(%arg0: i32) -> (i32, i32) {
    %c0_i32 = arith.constant 0 : i32
    %c0_i32_0 = arith.constant 0 : i32
    %c0_i32_1 = arith.constant 0 : i32
    return %c0_i32, %c0_i32_0 : i32, i32
  }
  func.func @transform_8(%arg0: i32) -> (i32, i32) {
    %c0_i32 = arith.constant 0 : i32
    %c0_i32_0 = arith.constant 0 : i32
    %c0_i32_1 = arith.constant 0 : i32
    return %c0_i32, %c0_i32_0 : i32, i32
  }
  func.func @transform_9(%arg0: i32) -> (i32, i32) {
    %c0_i32 = arith.constant 0 : i32
    %c0_i32_0 = arith.constant 0 : i32
    %c0_i32_1 = arith.constant 0 : i32
    return %c0_i32, %c0_i32_0 : i32, i32
  }
  func.func @transform_10(%arg0: i32) -> (i32, i32) {
    %c0_i32 = arith.constant 0 : i32
    %c0_i32_0 = arith.constant 0 : i32
    return %arg0, %c0_i32 : i32, i32
  }
  func.func @transform_11(%arg0: i32) -> (i32, i32) {
    %c0_i32 = arith.constant 0 : i32
    %c0_i32_0 = arith.constant 0 : i32
    return %arg0, %c0_i32 : i32, i32
  }
  func.func @transform_12(%arg0: i32) -> (i32, i32) {
    %c0_i32 = arith.constant 0 : i32
    %c0_i32_0 = arith.constant 0 : i32
    return %arg0, %c0_i32 : i32, i32
  }
}

</mosaic_0001>

<sc_bundles>
// kernel: kernel.10.cloned.1.call-start
scs
__scs_entry_jumppad:
0x0: {  	(pc) =	sbr.rel $0x88, $3  }
0x1: {  	(tag) =	ssettag $0x0;
	lr =	simm.s32 $0x1  }
0x2: {  	[smem:$0x3F8A] =	sst lr;
	_ =	strace $0xD0000000  }
0x3: {  	_ = 	snop  }
0x4: {  	_ = 	snop  }
0x5: {  	_ = 	snop  }
0x6: {  	_ = 	snop  }
0x7: {  	_ = 	snop  }
__scs_overlays_trampoline_lowered:
0x8: {  	[smem:$0x3F99] =	sst s0  }
0x9: {  	[smem:$0x3F9A] =	sst s1  }
0xa: {  	[smem:$0x3F9B] =	sst s2  }
0xb: {  	[smem:$0x3F9C] =	sst s3  }
0xc: {  	[smem:$0x3F9D] =	sst s4  }
0xd: {  	[smem:$0x3F9E] =	sst s5  }
0xe: {  	[smem:$0x3F9F] =	sst s6  }
0xf: {  	[smem:$0x3FA0] =	sst s7  }
0x10: {  	[smem:$0x3FA1] =	sst s8  }
0x11: {  	[smem:$0x3FA2] =	sst s9;
	s0 =	simm.s32 @!p0 $0x0  }
0x12: {  	s1 =	sld [smem:$0x3F88];
	s0 =	simm.s32 @p0 $0x1  }
0x13: {  	[smem:$0x3FA3] =	sst s0;
	s0 =	simm.s32 @!p1 $0x0  }
0x14: {  	s2 =	sld [smem:$0x3F87];
	s0 =	simm.s32 @p1 $0x1  }
0x15: {  	[smem:$0x3FA4] =	sst s0;
	s0 =	simm.s32 @!p2 $0x0  }
0x16: {  	s3 =	sld [smem:$0x3FDB];
	s0 =	simm.s32 @p2 $0x1  }
0x17: {  	s4 =	simm.s32 $0x1BF5;
	[smem:$0x3FA6] =	sst s0  }
0x18: {  	s0 =	sld [smem:$0x3F89];
	_ =	swait.ge [sflag:s4], $0x0  }
0x19: {  	s7 =	sld [smem:$0x3F8A]  }
0x1a: {  	s8 =	sadd.s32 $0xFFFFE003, lr  }
0x1b: {  	s9 =	sadd.s32 $0xFFFFFEF7, lr;
	s5 =	simm.s32 $0xFFFFFFFF;
	p2 =	slt.u32 s8, $0xFFFFF086  }
0x1c: {  	p1 =	slt.u32 s9, $0xF7A;
	s5 =	simm.s32 @!p2 $0x0  }
0x1d: {  	s5 =	simm.s32 @p1 $0x1;
	p0 =	seq.s32 s7, s2  }
0x1e: {  	s7 =	smul.u32 @!p0 $0xF7A, s2;
	p2 =	seq.s32 @!p0 s5, $0x0  }
0x1f: {  	s9 =	smul.u32 $0xF7A, s1;
	s8 =	simm.s32 @!p0 $0x1BF5;
	p2 =	por !p2, p0  }
0x20: {  	[sflag:s8] =	ssyncset.s32 @!p0 $0xFFFFF086;
	s6 =	sadd.s32 @!p0 s3, s7;
	s7 =	simm.s32 @!p0 $0x108  }
0x21: {  	s3 =	sadd.s32 s3, s9;
	s6 =	sadd.s32 @!p0 $0x88, s6;
	s7 =	simm.s32 @p2 $0x1082  }
0x22: {  	[simem:s7], [sflag:s8] =	dma.local @!p0 [hbm:s6], $0xF7A  }
0x23: {  	s9 =	sor.u32 $0xD0000000, s2;
	s6 =	simm.s32 $0x108;
	_ =	swait.ge @!p0 [sflag:s8], $0x0  }
0x24: {  	s3 =	sadd.s32 $0x88, s3;
	s6 =	simm.s32 @!p1 $0x1082;
	[sflag:s4] =	ssyncset.s32 $0xFFFFF086  }
0x25: {  	[simem:s6], [sflag:s4] =	dma.local [hbm:s3], $0xF7A  }
0x26: {  	[smem:$0x3F8A] =	sst s1;
	(tag) =	ssettag s2;
	_ =	strace s9  }
0x27: {  	s1 =	sld [smem:$0x3F9A]  }
0x28: {  	s2 =	sld [smem:$0x3F9B]  }
0x29: {  	s4 =	sld [smem:$0x3F9D]  }
0x2a: {  	p0 =	seq.s32 s5, $0x0;
	s5 =	sld [smem:$0x3F9E]  }
0x2b: {  	s6 =	sld [smem:$0x3F9F]  }
0x2c: {  	s7 =	sld [smem:$0x3FA0]  }
0x2d: {  	s3 =	simm.s32 $0x108;
	s8 =	sld [smem:$0x3FA1]  }
0x2e: {  	s3 =	simm.s32 @!p0 $0x1082;
	s9 =	sld [smem:$0x3FA2]  }
0x2f: {  	lr =	sadd.s32 s0, s3;
	s0 =	sld [smem:$0x3F99]  }
0x30: {  	s3 =	sld [smem:$0x3F9C]  }
0x31: {  	[smem:$0x3FA5] =	sst s10  }
0x32: {  	s10 =	sld [smem:$0x3FA3];
	_ =	sdelay $0x3  }
0x33: {  	p0 =	seq.s32 s10, $0x1;
	s10 =	sld [smem:$0x3FA5];
	_ =	sdelay $0x3  }
0x34: {  	[smem:$0x3FA5] =	sst s10  }
0x35: {  	s10 =	sld [smem:$0x3FA4];
	_ =	sdelay $0x3  }
0x36: {  	p1 =	seq.s32 s10, $0x1;
	s10 =	sld [smem:$0x3FA5];
	_ =	sdelay $0x3  }
0x37: {  	[smem:$0x3FA5] =	sst s10  }
0x38: {  	s10 =	sld [smem:$0x3FA6]  }
0x39: {  	_ = 	snop;
	(pc) =	sbr.ind lr, $3  }
0x3a: {  	_ = 	snop  }
0x3b: {  	_ = 	snop  }
0x3c: {  	p2 =	seq.s32 s10, $0x1;
	s10 =	sld [smem:$0x3FA5]  }
0x3d: {  	_ =	shalt  }
0x3e: {  	_ =	shalt  }
0x3f: {  	_ =	shalt  }
0x40: {  	_ =	shalt  }
0x41: {  	_ =	shalt  }
0x42: {  	_ =	shalt  }
0x43: {  	_ =	shalt  }
0x44: {  	_ =	shalt  }
0x45: {  	_ =	shalt  }
0x46: {  	_ =	shalt  }
0x47: {  	_ =	shalt  }
0x48: {  	_ =	shalt  }
0x49: {  	_ =	shalt  }
0x4a: {  	_ =	shalt  }
0x4b: {  	_ =	shalt  }
0x4c: {  	_ =	shalt  }
0x4d: {  	_ =	shalt  }
0x4e: {  	_ =	shalt  }
0x4f: {  	_ =	shalt  }
0x50: {  	_ =	shalt  }
0x51: {  	_ =	shalt  }
0x52: {  	_ =	shalt  }
0x53: {  	_ =	shalt  }
0x54: {  	_ =	shalt  }
0x55: {  	_ =	shalt  }
0x56: {  	_ =	shalt  }
0x57: {  	_ =	shalt  }
0x58: {  	_ =	shalt  }
0x59: {  	_ =	shalt  }
0x5a: {  	_ =	shalt  }
0x5b: {  	_ =	shalt  }
0x5c: {  	_ =	shalt  }
0x5d: {  	_ =	shalt  }
0x5e: {  	_ =	shalt  }
0x5f: {  	_ =	shalt  }
0x60: {  	_ =	shalt  }
0x61: {  	_ =	shalt  }
0x62: {  	_ =	shalt  }
0x63: {  	_ =	shalt  }
0x64: {  	_ =	shalt  }
0x65: {  	_ =	shalt  }
0x66: {  	_ =	shalt  }
0x67: {  	_ =	shalt  }
0x68: {  	_ =	shalt  }
0x69: {  	_ =	shalt  }
0x6a: {  	_ =	shalt  }
0x6b: {  	_ =	shalt  }
0x6c: {  	_ =	shalt  }
0x6d: {  	_ =	shalt  }
0x6e: {  	_ =	shalt  }
0x6f: {  	_ =	shalt  }
0x70: {  	_ =	shalt  }
0x71: {  	_ =	shalt  }
0x72: {  	_ =	shalt  }
0x73: {  	_ =	shalt  }
0x74: {  	_ =	shalt  }
0x75: {  	_ =	shalt  }
0x76: {  	_ =	shalt  }
0x77: {  	_ =	shalt  }
0x78: {  	_ =	shalt  }
0x79: {  	_ =	shalt  }
0x7a: {  	_ =	shalt  }
0x7b: {  	_ =	shalt  }
0x7c: {  	_ =	shalt  }
0x7d: {  	_ =	shalt  }
0x7e: {  	_ =	shalt  }
0x7f: {  	_ =	shalt  }
0x80: {  	_ =	shalt  }
0x81: {  	_ =	shalt  }
0x82: {  	_ =	shalt  }
0x83: {  	_ =	shalt  }
0x84: {  	_ =	shalt  }
0x85: {  	_ =	shalt  }
0x86: {  	_ =	shalt  }
0x87: {  	_ =	shalt  }
.Lfunc_end0:
.L_simem_size_0:
called_computation.1_lowered:
.L_overlay_start_0:
0x88: {  	s2 =	sld [smem:$0x3FD9]  }
0x89: {  	s3 =	sld [smem:$0x3FFE];
	_ =	sdelay $0x1  }
0x8a: {  	s1 =	srdreg.scid  }
0x8b: {  	s0 =	sand.u32 $0x1, s1  }
0x8c: {  	s17 =	sshll.u32 s0, $0xA;
	s2 =	sadd.s32 s3, s2  }
0x8d: {  	s2 =	sadd.s32 s2, s17  }
0x8e: {  	[smem:$0x3FB1] =	sst s2  }
0x8f: {  	_ = 	snop  }
0x90: {  	s2 =	sld [smem:$0x3FC5];
	(tm) =	ssettm $0x1  }
0x91: {  	s18 =	sld [smem:$0x3FFB];
	_ =	sdelay $0x3  }
0x92: {  	_ =	strace s18  }
0x93: {  	s3 =	sld [smem:$0x3FFC];
	_ =	sdelay $0x3  }
0x94: {  	_ =	strace s3  }
0x95: {  	s3 =	sld [smem:$0x3FFD];
	_ =	sdelay $0x3  }
0x96: {  	_ =	strace s3  }
0x97: {  	_ =	strace $0x8FFFFFFF  }
0x98: {  	s19 =	sld [smem:$0x3FDB];
	_ =	sdelay $0x1  }
0x99: {  	s4 =	simm.s32 $_scs_section_size  }
0x9a: {  	s5 =	simm.s32 $_size__tile_overlayer_lowered;
	s6 =	simm.s32 $_tile_overlayer_lowered  }
0x9b: {  	s22 =	simm.s32 $0x1BFF;
	s21 =	sshll.u32 s6, $0x1;
	s3 =	sadd.s32 s4, s19  }
0x9c: {  	s7 =	simm.s32 $0x0;
	s20 =	sshll.u32 s5, $0x1;
	s5 =	sadd.s32 s21, s3  }
0x9d: {  	[timem:s7], [sflag:s22] =	dma.local [hbm:s5], s20  }
0x9e: {  	_ =	swait.ge [sflag:s22], s20  }
0x9f: {  	s4 =	ssub.s32 $0x0, s20;
	[sflag:s22] =	ssyncset.done $0x0  }
0xa0: {  	[sflag:s22] =	ssyncadd.s32 s4;
	_ =	sdelay $0x1  }
0xa1: {  	s23 =	simm.s32 $0x1B8B  }
0xa2: {  	_ =	swait.ge [sflag:s23], $0x1  }
0xa3: {  	[sflag:s23] =	ssyncset.done $0x0  }
0xa4: {  	s25 =	simm.s32 $0x1B8E;
	s24 =	sld [smem:$0x3FFE];
	[sflag:s23] =	ssyncadd.s32 $0xFFFFFFFF  }
0xa5: {  	s26 =	simm.s32 $execute0_lowered;
	[smem:$0x3FD2] =	sst s25  }
0xa6: {  	s5 =	sshll.u32 s26, $0x1;
	_ =	strace $0x80000049;
	[dreg:$0x1] =	wrdreg $0xFFFFFFFF  }
0xa7: {  	s28 =	simm.s32 $_size_execute0_lowered;
	s3 =	sadd.s32 s3, s5;
	[dreg:$0x0] =	wrdreg $0x0  }
0xa8: {  	s5 =	sshll.u32 s28, $0x1;
	[dreg:$0x2] =	wrdreg s3  }
0xa9: {  	[dreg:$0x3] =	wrdreg s5  }
0xaa: {  	[dreg:$0x4] =	wrdreg $0xC0  }
0xab: {  	_ =	task [dreg:s7], $0x5FFFF  }
0xac: {  	[dreg:$0x1] =	wrdreg $0xFFFFFFFF  }
0xad: {  	[dreg:$0x0] =	wrdreg $0x60  }
0xae: {  	[dreg:$0x2] =	wrdreg s24  }
0xaf: {  	[dreg:$0x3] =	wrdreg s2  }
0xb0: {  	[dreg:$0x4] =	wrdreg $0x5D200  }
0xb1: {  	[dreg:$0x5] =	wrdreg $0x9  }
0xb2: {  	_ =	task.clear_ibuf [dreg:s7], $0x6FFFF;
	_ =	strace $0x90000049  }
0xb3: {  	s29 =	simm.s32 $0x9;
	_ =	strace $0x8000004B  }
0xb4: {  	_ =	swait.ge [sflag:s29], $0x1  }
0xb5: {  	[sflag:s29] =	ssyncadd.s32 $0xFFFFFFFF  }
0xb6: {  	_ =	strace $0x9000004B  }
0xb7: {  	_ =	sfence  }
0xb8: {  	s30 =	sld [smem:$0x0];
	_ =	sdelay $0x2  }
0xb9: {  	s31 =	sshll.u32 s1, $0xD;
	s1 =	sshrl.u32 s1, $0x2  }
0xba: {  	s3 =	sand.u32 $0x4000, s31;
	s1 =	sadd.s32 s1, s30  }
0xbb: {  	s0 =	sor.u32 s3, s0;
	s1 =	sshll.u32 s1, $0x11  }
0xbc: {  	s0 =	sor.u32 s1, s0  }
0xbd: {  	s0 =	sadd.s32 $0x8F2B, s0  }
0xbe: {  	[sflag:s0] =	ssyncadd.remote.s32 $0x1  }
0xbf: {  	_ =	sfence.sel $0xFFFF  }
0xc0: {  	[dreg:$0x0] =	wrdreg $0xFFFFFFFF;
	(pc) =	sbr.abs _section_cstart, $3  }
0xc1: {  	[dreg:$0x1] =	wrdreg $0xFFFFFFFF  }
0xc2: {  	_ =	task.clear_ibuf [dreg:s7], $0x2FFFF;
	_ =	strace $0x9FFFFFFF  }
0xc3: {  	(tm) =	ssettm $0x7FFFFFFF  }
tec
execute0_lowered:
.L_overlay_start_1:
0x0: {  	(tag) =	ssettag $0x1  }
0x1: {  	s5 =	rddreg [dreg:$0x0]  }
0x2: {  	s1 =	rddreg [dreg:$0x1]  }
0x3: {  	s2 =	rddreg [dreg:$0x2];
	s3 =	srdreg.scid;
	s4 =	simm.s32 $0x0  }
0x4: {  	s15 =	simm.s32 $0x5;
	s16 =	simm.s32 $0xA0;
	s6 =	sand.u32 $0x1, s3  }
0x5: {  	s17 =	simm.s32 $0x28A0;
	s3 =	stileid.u32;
	s7 =	smul.u32 $0x138800, s6  }
0x6: {  	s18 =	simm.s32 $0x50;
	s19 =	simm.s32 $0x1;
	s8 =	smul.u32 $0x13880, s3  }
0x7: {  	s20 =	simm.s32 $0x3;
	s21 =	simm.s32 $0x2;
	s22 =	smul.u32 $0x4E20, s3  }
0x8: {  	[smem:$0x7FF] =	sst s4;
	s9 =	sshll.u32 s3, $0x1;
	s25 =	smul.u32 $0x2710, s6  }
0x9: {  	s13 =	sadd.s32 $0x534C00, s5;
	s26 =	smul.u32 $0x4E200, s3;
	s9 =	sor.u32 s6, s9  }
0xa: {  	_ =	strace $0x8000004A;
	s10 =	ssub.s32 $0x2, s6;
	s11 =	smul.u32 $0x2710, s9  }
0xb: {  	s12 =	sshrl.u32 s10, $0x1;
	s7 =	sadd.s32 s8, s7;
	s9 =	smul.u32 $0x27100, s9  }
0xc: {  	s10 =	ssub.s32 s10, s12;
	s23 =	sadd.s32 s8, s2;
	s28 =	sadd.s32 s25, s22  }
0xd: {  	s29 =	sshrl.u32 s26, $0x2;
	s22 =	simm.s32 $0x4;
	s7 =	sshrl.u32 s7, $0x3  }
0xe: {  	s8 =	smax.u32 s10, $0x1;
	s14 =	sadd.s32 $0x50, s28;
	s10 =	sadd.s32 s29, s2  }
0xf: {  	s23 =	sshrl.u32 s23, $0x3;
	s7 =	sadd.s32 s7, s5;
	s5 =	sadd.s32 s13, s9  }
0x10: {  	s24 =	sshrl.u32 s11, $0x3;
	s9 =	sadd.s32 $0xA0, s28;
	s31 =	sshrl.u32 s14, $0x3  }
0x11: {  	s14 =	sshll.u32 s14, $0x4;
	s6 =	sadd.s32 s1, s24;
	s7 =	sadd.s32 $0x4800, s7  }
0x12: {  	s30 =	sshll.u32 s9, $0x4;
	s12 =	sadd.s32 s31, s1;
	s24 =	simm.s32 $0x0  }
0x13: {  	v0 =	vimm.f32 $0.0e+00;
	s11 =	sadd.s32 s30, s13;
	s13 =	sadd.s32 s14, s13;
	s14 =	simm.s32 $0x50A0  }
.LBB2_1:
0x14: {  	[tilespmem:$0x50A0] =	vst v0  }
0x15: {  	[tilespmem:$0x50B0] =	vst v0  }
0x16: {  	[tilespmem:$0x50C0] =	vst v0  }
0x17: {  	[tilespmem:$0x50D0] =	vst v0  }
0x18: {  	[tilespmem:$0x50E0] =	vst v0  }
0x19: {  	[tilespmem:$0x50F0] =	vst v0  }
0x1a: {  	[tilespmem:$0x5100] =	vst v0  }
0x1b: {  	[tilespmem:$0x5110] =	vst v0  }
0x1c: {  	[tilespmem:$0x5120] =	vst v0  }
0x1d: {  	[tilespmem:$0x5130] =	vst v0  }
0x1e: {  	[tilespmem:$0x5140] =	vst v0  }
0x1f: {  	[tilespmem:$0x5150] =	vst v0  }
0x20: {  	[tilespmem:$0x5160] =	vst v0  }
0x21: {  	[tilespmem:$0x5170] =	vst v0  }
0x22: {  	[tilespmem:$0x5180] =	vst v0  }
0x23: {  	[tilespmem:$0x5190] =	vst v0  }
0x24: {  	[tilespmem:$0x51A0] =	vst v0  }
0x25: {  	[tilespmem:$0x51B0] =	vst v0  }
0x26: {  	[tilespmem:$0x51C0] =	vst v0  }
0x27: {  	[tilespmem:$0x51D0] =	vst v0  }
0x28: {  	[tilespmem:$0x51E0] =	vst v0  }
0x29: {  	[tilespmem:$0x51F0] =	vst v0  }
0x2a: {  	[tilespmem:$0x5200] =	vst v0  }
0x2b: {  	[tilespmem:$0x5210] =	vst v0  }
0x2c: {  	[tilespmem:$0x5220] =	vst v0  }
0x2d: {  	[tilespmem:$0x5230] =	vst v0  }
0x2e: {  	[tilespmem:$0x5240] =	vst v0  }
0x2f: {  	[tilespmem:$0x5250] =	vst v0  }
0x30: {  	[tilespmem:$0x5260] =	vst v0  }
0x31: {  	[tilespmem:$0x5270] =	vst v0  }
0x32: {  	[tilespmem:$0x5280] =	vst v0  }
0x33: {  	[tilespmem:$0x5290] =	vst v0  }
0x34: {  	[tilespmem:$0x52A0] =	vst v0  }
0x35: {  	[tilespmem:$0x52B0] =	vst v0  }
0x36: {  	[tilespmem:$0x52C0] =	vst v0  }
0x37: {  	[tilespmem:$0x52D0] =	vst v0  }
0x38: {  	[tilespmem:$0x52E0] =	vst v0  }
0x39: {  	[tilespmem:$0x52F0] =	vst v0  }
0x3a: {  	[tilespmem:$0x5300] =	vst v0  }
0x3b: {  	[tilespmem:$0x5310] =	vst v0  }
0x3c: {  	[tilespmem:$0x5320] =	vst v0  }
0x3d: {  	[tilespmem:$0x5330] =	vst v0  }
0x3e: {  	[tilespmem:$0x5340] =	vst v0  }
0x3f: {  	[tilespmem:$0x5350] =	vst v0  }
0x40: {  	[tilespmem:$0x5360] =	vst v0  }
0x41: {  	[tilespmem:$0x5370] =	vst v0  }
0x42: {  	[tilespmem:$0x5380] =	vst v0  }
0x43: {  	[tilespmem:$0x5390] =	vst v0  }
0x44: {  	[tilespmem:$0x53A0] =	vst v0  }
0x45: {  	[tilespmem:$0x53B0] =	vst v0  }
0x46: {  	[tilespmem:$0x53C0] =	vst v0  }
0x47: {  	[tilespmem:$0x53D0] =	vst v0  }
0x48: {  	[tilespmem:$0x53E0] =	vst v0  }
0x49: {  	[tilespmem:$0x53F0] =	vst v0  }
0x4a: {  	[tilespmem:$0x5400] =	vst v0  }
0x4b: {  	[tilespmem:$0x5410] =	vst v0  }
0x4c: {  	[tilespmem:$0x5420] =	vst v0  }
0x4d: {  	[tilespmem:$0x5430] =	vst v0  }
0x4e: {  	[tilespmem:$0x5440] =	vst v0  }
0x4f: {  	[tilespmem:$0x5450] =	vst v0  }
0x50: {  	[tilespmem:$0x5460] =	vst v0  }
0x51: {  	[tilespmem:$0x5470] =	vst v0  }
0x52: {  	[tilespmem:$0x5480] =	vst v0  }
0x53: {  	[tilespmem:$0x5490] =	vst v0  }
0x54: {  	[tilespmem:$0x54A0] =	vst v0  }
0x55: {  	[tilespmem:$0x54B0] =	vst v0  }
0x56: {  	[tilespmem:$0x54C0] =	vst v0  }
0x57: {  	[tilespmem:$0x54D0] =	vst v0  }
0x58: {  	[tilespmem:$0x54E0] =	vst v0  }
0x59: {  	[tilespmem:$0x54F0] =	vst v0  }
0x5a: {  	[tilespmem:$0x5500] =	vst v0  }
0x5b: {  	[tilespmem:$0x5510] =	vst v0  }
0x5c: {  	[tilespmem:$0x5520] =	vst v0  }
0x5d: {  	[tilespmem:$0x5530] =	vst v0  }
0x5e: {  	[tilespmem:$0x5540] =	vst v0  }
0x5f: {  	[tilespmem:$0x5550] =	vst v0  }
0x60: {  	[tilespmem:$0x5560] =	vst v0  }
0x61: {  	[tilespmem:$0x5570] =	vst v0  }
0x62: {  	[tilespmem:$0x5580] =	vst v0  }
0x63: {  	[tilespmem:$0x5590] =	vst v0  }
0x64: {  	[tilespmem:$0x55A0] =	vst v0  }
0x65: {  	[tilespmem:$0x55B0] =	vst v0  }
0x66: {  	[tilespmem:$0x55C0] =	vst v0  }
0x67: {  	[tilespmem:$0x55D0] =	vst v0  }
0x68: {  	[tilespmem:$0x55E0] =	vst v0  }
0x69: {  	[tilespmem:$0x55F0] =	vst v0  }
0x6a: {  	[tilespmem:$0x5600] =	vst v0  }
0x6b: {  	[tilespmem:$0x5610] =	vst v0  }
0x6c: {  	[tilespmem:$0x5620] =	vst v0  }
0x6d: {  	[tilespmem:$0x5630] =	vst v0  }
0x6e: {  	[tilespmem:$0x5640] =	vst v0  }
0x6f: {  	[tilespmem:$0x5650] =	vst v0  }
0x70: {  	[tilespmem:$0x5660] =	vst v0  }
0x71: {  	[tilespmem:$0x5670] =	vst v0  }
0x72: {  	[tilespmem:$0x5680] =	vst v0  }
0x73: {  	[tilespmem:$0x5690] =	vst v0  }
0x74: {  	[tilespmem:$0x56A0] =	vst v0  }
0x75: {  	[tilespmem:$0x56B0] =	vst v0  }
0x76: {  	[tilespmem:$0x56C0] =	vst v0  }
0x77: {  	[tilespmem:$0x56D0] =	vst v0  }
0x78: {  	[tilespmem:$0x56E0] =	vst v0  }
0x79: {  	[tilespmem:$0x56F0] =	vst v0  }
0x7a: {  	[tilespmem:$0x5700] =	vst v0  }
0x7b: {  	[tilespmem:$0x5710] =	vst v0  }
0x7c: {  	[tilespmem:$0x5720] =	vst v0  }
0x7d: {  	[tilespmem:$0x5730] =	vst v0  }
0x7e: {  	[tilespmem:$0x5740] =	vst v0  }
0x7f: {  	[tilespmem:$0x5750] =	vst v0  }
0x80: {  	[tilespmem:$0x5760] =	vst v0  }
0x81: {  	[tilespmem:$0x5770] =	vst v0  }
0x82: {  	[tilespmem:$0x5780] =	vst v0  }
0x83: {  	[tilespmem:$0x5790] =	vst v0  }
0x84: {  	[tilespmem:$0x57A0] =	vst v0  }
0x85: {  	[tilespmem:$0x57B0] =	vst v0  }
0x86: {  	[tilespmem:$0x57C0] =	vst v0  }
0x87: {  	[tilespmem:$0x57D0] =	vst v0  }
0x88: {  	[tilespmem:$0x57E0] =	vst v0  }
0x89: {  	[tilespmem:$0x57F0] =	vst v0  }
0x8a: {  	[tilespmem:$0x5800] =	vst v0  }
0x8b: {  	[tilespmem:$0x5810] =	vst v0  }
0x8c: {  	[tilespmem:$0x5820] =	vst v0  }
0x8d: {  	[tilespmem:$0x5830] =	vst v0  }
0x8e: {  	[tilespmem:$0x5840] =	vst v0  }
0x8f: {  	[tilespmem:$0x5850] =	vst v0  }
0x90: {  	[tilespmem:$0x5860] =	vst v0  }
0x91: {  	[tilespmem:$0x5870] =	vst v0  }
0x92: {  	[tilespmem:$0x5880] =	vst v0  }
0x93: {  	[tilespmem:$0x5890] =	vst v0  }
0x94: {  	[tilespmem:$0x58A0] =	vst v0  }
0x95: {  	[tilespmem:$0x58B0] =	vst v0  }
0x96: {  	[tilespmem:$0x58C0] =	vst v0  }
0x97: {  	[tilespmem:$0x58D0] =	vst v0  }
0x98: {  	[tilespmem:$0x58E0] =	vst v0  }
0x99: {  	[tilespmem:$0x58F0] =	vst v0  }
0x9a: {  	[tilespmem:$0x5900] =	vst v0  }
0x9b: {  	[tilespmem:$0x5910] =	vst v0  }
0x9c: {  	[tilespmem:$0x5920] =	vst v0  }
0x9d: {  	[tilespmem:$0x5930] =	vst v0  }
0x9e: {  	[tilespmem:$0x5940] =	vst v0  }
0x9f: {  	[tilespmem:$0x5950] =	vst v0  }
0xa0: {  	[tilespmem:$0x5960] =	vst v0  }
0xa1: {  	[tilespmem:$0x5970] =	vst v0  }
0xa2: {  	[tilespmem:$0x5980] =	vst v0  }
0xa3: {  	[tilespmem:$0x5990] =	vst v0  }
0xa4: {  	[tilespmem:$0x59A0] =	vst v0  }
0xa5: {  	[tilespmem:$0x59B0] =	vst v0  }
0xa6: {  	[tilespmem:$0x59C0] =	vst v0  }
0xa7: {  	[tilespmem:$0x59D0] =	vst v0  }
0xa8: {  	[tilespmem:$0x59E0] =	vst v0  }
0xa9: {  	[tilespmem:$0x59F0] =	vst v0  }
0xaa: {  	[tilespmem:$0x5A00] =	vst v0  }
0xab: {  	[tilespmem:$0x5A10] =	vst v0  }
0xac: {  	[tilespmem:$0x5A20] =	vst v0  }
0xad: {  	[tilespmem:$0x5A30] =	vst v0  }
0xae: {  	[tilespmem:$0x5A40] =	vst v0  }
0xaf: {  	[tilespmem:$0x5A50] =	vst v0  }
0xb0: {  	[tilespmem:$0x5A60] =	vst v0  }
0xb1: {  	[tilespmem:$0x5A70] =	vst v0  }
0xb2: {  	[tilespmem:$0x5A80] =	vst v0  }
0xb3: {  	[tilespmem:$0x5A90] =	vst v0  }
0xb4: {  	[tilespmem:$0x5AA0] =	vst v0  }
0xb5: {  	[tilespmem:$0x5AB0] =	vst v0  }
0xb6: {  	[tilespmem:$0x5AC0] =	vst v0  }
0xb7: {  	[tilespmem:$0x5AD0] =	vst v0  }
0xb8: {  	[tilespmem:$0x5AE0] =	vst v0  }
0xb9: {  	[tilespmem:$0x5AF0] =	vst v0  }
0xba: {  	[tilespmem:$0x5B00] =	vst v0  }
0xbb: {  	[tilespmem:$0x5B10] =	vst v0  }
0xbc: {  	[tilespmem:$0x5B20] =	vst v0  }
0xbd: {  	[tilespmem:$0x5B30] =	vst v0  }
0xbe: {  	[tilespmem:$0x5B40] =	vst v0  }
0xbf: {  	[tilespmem:$0x5B50] =	vst v0  }
0xc0: {  	[tilespmem:$0x5B60] =	vst v0  }
0xc1: {  	[tilespmem:$0x5B70] =	vst v0  }
0xc2: {  	[tilespmem:$0x5B80] =	vst v0  }
0xc3: {  	[tilespmem:$0x5B90] =	vst v0  }
0xc4: {  	[tilespmem:$0x5BA0] =	vst v0  }
0xc5: {  	[tilespmem:$0x5BB0] =	vst v0  }
0xc6: {  	[tilespmem:$0x5BC0] =	vst v0  }
0xc7: {  	[tilespmem:$0x5BD0] =	vst v0  }
0xc8: {  	[tilespmem:$0x5BE0] =	vst v0  }
0xc9: {  	[tilespmem:$0x5BF0] =	vst v0  }
0xca: {  	[tilespmem:$0x5C00] =	vst v0  }
0xcb: {  	[tilespmem:$0x5C10] =	vst v0  }
0xcc: {  	[tilespmem:$0x5C20] =	vst v0  }
0xcd: {  	[tilespmem:$0x5C30] =	vst v0  }
0xce: {  	[tilespmem:$0x5C40] =	vst v0  }
0xcf: {  	[tilespmem:$0x5C50] =	vst v0  }
0xd0: {  	[tilespmem:$0x5C60] =	vst v0  }
0xd1: {  	[tilespmem:$0x5C70] =	vst v0  }
0xd2: {  	[tilespmem:$0x5C80] =	vst v0  }
0xd3: {  	[tilespmem:$0x5C90] =	vst v0  }
0xd4: {  	[tilespmem:$0x5CA0] =	vst v0  }
0xd5: {  	[tilespmem:$0x5CB0] =	vst v0  }
0xd6: {  	[tilespmem:$0x5CC0] =	vst v0  }
0xd7: {  	[tilespmem:$0x5CD0] =	vst v0  }
0xd8: {  	[tilespmem:$0x5CE0] =	vst v0  }
0xd9: {  	[tilespmem:$0x5CF0] =	vst v0  }
0xda: {  	[tilespmem:$0x5D00] =	vst v0  }
0xdb: {  	[tilespmem:$0x5D10] =	vst v0;
	s25 =	sadd.s32 $0x0, s10  }
0xdc: {  	[spmem:s25] =	stream.linear.scatter [tilespmem:s14], [sflag:$0x5], $0xC80, $0x38;
	[tilespmem:$0x195A0] =	vst v63  }
0xdd: {  	s25 =	simm.s32 $0x3200;
	_ =	swait.ge [sflag:s15], $0xC80  }
.LBB2_2:
0xde: {  	s26 =	sshra.s32 s25, $0x2;
	[sflag:s15] =	ssyncset.done $0x0;
	p0 =	sne.s32 s25, $0x4B000  }
.Ltmp0:
0xdf: {  	s26 =	sadd.s32 s26, s10;
	[sflag:s15] =	ssyncadd.s32 $0xFFFFF380;
	(pc) =	sbr.rel @p0 .LBB2_2-.Ltmp0, $3  }
0xe0: {  	[spmem:s26] =	stream.linear.scatter [tilespmem:s14], [sflag:$0x5], $0xC80, $0x38;
	[tilespmem:$0x195A0] =	vst v63  }
0xe1: {  	s25 =	sadd.s32 $0x3200, s25;
	_ =	sdelay $0x1  }
0xe2: {  	_ =	swait.ge [sflag:s15], $0xC80  }
0xe3: {  	[sflag:s15] =	ssyncset.done $0x0  }
0xe4: {  	[sflag:s15] =	ssyncadd.s32 $0xFFFFF380  }
0xe5: {  	s25 =	simm.s32 $0x0;
	[bflag:$0x0] =	sbarrier.arrive $0xFFFF  }
0xe6: {  	[tilespmem:s16], [sflag:$0x1] =	stream.linear.gather [hbm4b:s5+s25], $0x2800, $0x38;
	[tilespmem:$0x195A0] =	vst v63  }
0xe7: {  	_ = 	snop  }
0xe8: {  	[tilespmem:s25], [sflag:$0x3] =	stream.linear.gather [hbm4b:s6+s25], $0x50, $0x38;
	[tilespmem:$0x195A0] =	vst v63  }
0xe9: {  	s26 =	sadd.s32 $0x0, s13  }
0xea: {  	[tilespmem:s17], [sflag:$0x2] =	stream.linear.gather [hbm4b:s26+s4], $0x2800, $0x38;
	[tilespmem:$0x195A0] =	vst v63  }
0xeb: {  	_ = 	snop  }
0xec: {  	[tilespmem:s18], [sflag:$0x4] =	stream.linear.gather [hbm4b:s12+s4], $0x50, $0x38;
	[tilespmem:$0x195A0] =	vst v63  }
0xed: {  	_ =	swait.ge [sflag:s19], $0x2800  }
0xee: {  	[sflag:s19] =	ssyncset.done $0x0  }
0xef: {  	[sflag:s19] =	ssyncadd.s32 $0xFFFFD800  }
0xf0: {  	_ =	swait.ge [sflag:s20], $0x50  }
0xf1: {  	[sflag:s20] =	ssyncset.done $0x0  }
0xf2: {  	[sflag:s20] =	ssyncadd.s32 $0xFFFFFFB0  }
0xf3: {  	[spmem:s2] =	stream.indirect.scatter.add.f32 [tilespmem:s16], [sflag:$0x5], $0x80, s4, s18, $0xb8;
	[tilespmem:$0x195A0] =	vst v63  }
0xf4: {  	_ =	swait.ge [sflag:s15], $0x2800  }
0xf5: {  	[sflag:s15] =	ssyncset.done $0x0  }
0xf6: {  	s30 =	sadd.s32 $0x0, s11;
	s26 =	sshrl.u32 s9, $0x3;
	[sflag:s15] =	ssyncadd.s32 $0xFFFFD800  }
0xf7: {  	[tilespmem:s16], [sflag:$0x1] =	stream.linear.gather [hbm4b:s30+s4], $0x2800, $0x38;
	[tilespmem:$0x195A0] =	vst v63  }
0xf8: {  	s31 =	sadd.s32 s1, s26  }
0xf9: {  	[tilespmem:s4], [sflag:$0x3] =	stream.linear.gather [hbm4b:s31+s4], $0x50, $0x38;
	[tilespmem:$0x195A0] =	vst v63  }
0xfa: {  	_ =	swait.ge [sflag:s21], $0x2800  }
0xfb: {  	[sflag:s21] =	ssyncset.done $0x0  }
0xfc: {  	[sflag:s21] =	ssyncadd.s32 $0xFFFFD800  }
0xfd: {  	_ =	swait.ge [sflag:s22], $0x50  }
0xfe: {  	[sflag:s22] =	ssyncset.done $0x0  }
0xff: {  	[sflag:s22] =	ssyncadd.s32 $0xFFFFFFB0  }
0x100: {  	[spmem:s2] =	stream.indirect.scatter.add.f32 [tilespmem:s17], [sflag:$0x5], $0x80, s18, s18, $0xb8;
	[tilespmem:$0x195A0] =	vst v63  }
0x101: {  	s29 =	simm.s32 $0x1400;
	s28 =	sadd.s32 $0x14, s12;
	_ =	swait.ge [sflag:s15], $0x2800  }
0x102: {  	s25 =	sadd.s32 $0xA0, s9;
	s26 =	simm.s32 $0xA00;
	[sflag:s15] =	ssyncset.done $0x0  }
.LBB2_4:
0x103: {  	s30 =	sadd.s32 s26, s13  }
0x104: {  	[sflag:s15] =	ssyncadd.s32 $0xFFFFD800;
	s31 =	smov.u32 s29;
	s0 =	sadd.s32 $0xA00, s29  }
0x105: {  	[tilespmem:s17], [sflag:$0x2] =	stream.linear.gather [hbm4b:s30+s4], $0x2800, $0x38;
	[tilespmem:$0x195A0] =	vst v63  }
0x106: {  	p0 =	sne.s32 s29, $0x26200  }
0x107: {  	[tilespmem:s18], [sflag:$0x4] =	stream.linear.gather [hbm4b:s28+s4], $0x50, $0x38;
	[tilespmem:$0x195A0] =	vst v63  }
0x108: {  	_ =	swait.ge [sflag:s19], $0x2800  }
0x109: {  	[sflag:s19] =	ssyncset.done $0x0  }
0x10a: {  	[sflag:s19] =	ssyncadd.s32 $0xFFFFD800  }
0x10b: {  	_ =	swait.ge [sflag:s20], $0x50  }
0x10c: {  	[sflag:s20] =	ssyncset.done $0x0  }
0x10d: {  	[sflag:s20] =	ssyncadd.s32 $0xFFFFFFB0  }
0x10e: {  	[spmem:s2] =	stream.indirect.scatter.add.f32 [tilespmem:s16], [sflag:$0x5], $0x80, s4, s18, $0xb8;
	[tilespmem:$0x195A0] =	vst v63  }
0x10f: {  	_ =	swait.ge [sflag:s15], $0x2800  }
0x110: {  	[sflag:s15] =	ssyncset.done $0x0  }
0x111: {  	s26 =	sadd.s32 s26, s11;
	s29 =	sshrl.u32 s25, $0x3;
	[sflag:s15] =	ssyncadd.s32 $0xFFFFD800  }
0x112: {  	[tilespmem:s16], [sflag:$0x1] =	stream.linear.gather [hbm4b:s26+s4], $0x2800, $0x38;
	[tilespmem:$0x195A0] =	vst v63  }
0x113: {  	s29 =	sadd.s32 s1, s29;
	s26 =	smov.u32 s31  }
0x114: {  	[tilespmem:s4], [sflag:$0x3] =	stream.linear.gather [hbm4b:s29+s4], $0x50, $0x38;
	[tilespmem:$0x195A0] =	vst v63  }
0x115: {  	_ =	swait.ge [sflag:s21], $0x2800  }
0x116: {  	[sflag:s21] =	ssyncset.done $0x0  }
0x117: {  	[sflag:s21] =	ssyncadd.s32 $0xFFFFD800  }
0x118: {  	_ =	swait.ge [sflag:s22], $0x50  }
.Ltmp1:
0x119: {  	[sflag:s22] =	ssyncset.done $0x0;
	(pc) =	sbr.rel @p0 .LBB2_4-.Ltmp1, $4  }
0x11a: {  	[sflag:s22] =	ssyncadd.s32 $0xFFFFFFB0  }
0x11b: {  	[spmem:s2] =	stream.indirect.scatter.add.f32 [tilespmem:s17], [sflag:$0x5], $0x80, s18, s18, $0xb8;
	[tilespmem:$0x195A0] =	vst v63  }
0x11c: {  	s25 =	sadd.s32 $0xA0, s25;
	_ =	swait.ge [sflag:s15], $0x2800  }
0x11d: {  	s28 =	sadd.s32 $0x14, s28;
	s29 =	smov.u32 s0;
	[sflag:s15] =	ssyncset.done $0x0  }
0x11e: {  	s0 =	sadd.s32 s26, s13;
	[sflag:s15] =	ssyncadd.s32 $0xFFFFD800  }
0x11f: {  	[tilespmem:s17], [sflag:$0x2] =	stream.linear.gather [hbm4b:s0+s4], $0x2800, $0x38;
	[tilespmem:$0x195A0] =	vst v63  }
0x120: {  	_ = 	snop  }
0x121: {  	[tilespmem:s18], [sflag:$0x4] =	stream.linear.gather [hbm4b:s28+s4], $0x50, $0x38;
	[tilespmem:$0x195A0] =	vst v63  }
0x122: {  	_ =	swait.ge [sflag:s19], $0x2800  }
0x123: {  	[sflag:s19] =	ssyncset.done $0x0  }
0x124: {  	[sflag:s19] =	ssyncadd.s32 $0xFFFFD800  }
0x125: {  	_ =	swait.ge [sflag:s20], $0x50  }
0x126: {  	[sflag:s20] =	ssyncset.done $0x0  }
0x127: {  	[sflag:s20] =	ssyncadd.s32 $0xFFFFFFB0  }
0x128: {  	[spmem:s2] =	stream.indirect.scatter.add.f32 [tilespmem:s16], [sflag:$0x5], $0x80, s4, s18, $0xb8;
	[tilespmem:$0x195A0] =	vst v63  }
0x129: {  	_ =	swait.ge [sflag:s15], $0x2800  }
0x12a: {  	[sflag:s15] =	ssyncset.done $0x0  }
0x12b: {  	s29 =	sadd.s32 s26, s11;
	s25 =	sshrl.u32 s25, $0x3;
	[sflag:s15] =	ssyncadd.s32 $0xFFFFD800  }
0x12c: {  	[tilespmem:s16], [sflag:$0x1] =	stream.linear.gather [hbm4b:s29+s4], $0x2800, $0x38;
	[tilespmem:$0x195A0] =	vst v63  }
0x12d: {  	s30 =	sadd.s32 s1, s25  }
0x12e: {  	[tilespmem:s4], [sflag:$0x3] =	stream.linear.gather [hbm4b:s30+s4], $0x50, $0x38;
	[tilespmem:$0x195A0] =	vst v63  }
0x12f: {  	_ =	swait.ge [sflag:s21], $0x2800  }
0x130: {  	[sflag:s21] =	ssyncset.done $0x0  }
0x131: {  	[sflag:s21] =	ssyncadd.s32 $0xFFFFD800  }
0x132: {  	_ =	swait.ge [sflag:s22], $0x50  }
0x133: {  	[sflag:s22] =	ssyncset.done $0x0  }
0x134: {  	[sflag:s22] =	ssyncadd.s32 $0xFFFFFFB0  }
0x135: {  	[spmem:s2] =	stream.indirect.scatter.add.f32 [tilespmem:s17], [sflag:$0x5], $0x80, s18, s18, $0xb8;
	[tilespmem:$0x195A0] =	vst v63  }
0x136: {  	_ =	swait.ge [sflag:s15], $0x2800  }
0x137: {  	[sflag:s15] =	ssyncset.done $0x0  }
0x138: {  	[sflag:s15] =	ssyncadd.s32 $0xFFFFD800  }
0x139: {  	_ =	swait.ge [sflag:s19], $0x2800  }
0x13a: {  	[sflag:s19] =	ssyncset.done $0x0  }
0x13b: {  	[sflag:s19] =	ssyncadd.s32 $0xFFFFD800  }
0x13c: {  	_ =	swait.ge [sflag:s20], $0x50  }
0x13d: {  	[sflag:s20] =	ssyncset.done $0x0  }
0x13e: {  	[sflag:s20] =	ssyncadd.s32 $0xFFFFFFB0  }
0x13f: {  	[spmem:s2] =	stream.indirect.scatter.add.f32 [tilespmem:s16], [sflag:$0x5], $0x80, s4, s18, $0xb8;
	[tilespmem:$0x195A0] =	vst v63  }
0x140: {  	_ =	swait.ge [sflag:s15], $0x2800  }
0x141: {  	s24 =	sadd.s32 $0x1, s24;
	[sflag:s15] =	ssyncset.done $0x0  }
0x142: {  	s31 =	sshll.u32 s3, $0x6;
	p0 =	sne.s32 s24, s8;
	[sflag:s15] =	ssyncadd.s32 $0xFFFFD800  }
.Ltmp2:
0x143: {  	s0 =	sor.u32 $0x1C05, s31;
	[bflag:$0x0] =	sbarrier.arrive $0xFFFF;
	(pc) =	sbr.rel @p0 .LBB2_1-.Ltmp2, $4  }
0x144: {  	[hbm:s7], [sflag:s0] =	dma.local [spmem:s23], $0x2710  }
0x145: {  	_ =	swait.ge [sflag:s15], $0x2710  }
0x146: {  	[sflag:s15] =	ssyncset.done $0x0  }
0x147: {  	[sflag:s15] =	ssyncadd.s32 $0xFFFFD8F0  }
0x148: {  	_ =	sfence.sel $0x180000  }
0x149: {  	[bflag:$0x0] =	sbarrier.arrive $0xFFFF  }
0x14a: {  	_ =	strace $0x9000004A  }
0x14b: {  	[bflag:$0x2] =	sbarrier.arrive $0xFFFF  }
0x14c: {  	p0 =	sne.s32 s3, $0x0;
	s0 =	rddreg [dreg:$0x3]  }
0x14d: {  	s0 =	sadd.s32 @!p0 $0x100000, s0  }
0x14e: {  	[sflag:s0] =	ssyncadd.tile.s32 @!p0 $0x1;
	_ =	shalt  }
.Lfunc_end2:
_tile_overlayer_lowered:
.L_overlay_start_2:
0x14f: {  	(tag) =	ssettag $0x2  }
0x150: {  	s0 =	rddreg [dreg:$0x0];
	s2 =	stileid.u32  }
0x151: {  	s1 =	rddreg [dreg:$0x1];
	p0 =	sne.s32 s2, $0x0  }
0x152: {  	s3 =	rddreg [dreg:$0x2];
	[bflag:$0x3] =	sbarrier.arrive $0xFFFF;
	s2 =	simm.s32 @!p0 $0x1C05  }
0x153: {  	[timem:s3], [sflag:s2] =	dma.local @!p0 [hbm:s0], s1  }
0x154: {  	s0 =	simm.s32 @!p0 $0x5  }
0x155: {  	_ =	swait.ge @!p0 [sflag:s0], s1  }
0x156: {  	s1 =	ssub.s32 @!p0 $0x0, s1;
	[sflag:s0] =	ssyncset.done @!p0 $0x0  }
0x157: {  	[sflag:s0] =	ssyncadd.s32 @!p0 s1  }
0x158: {  	[bflag:$0x3] =	sbarrier.arrive $0xFFFF  }
0x159: {  	_ =	shalt  }

// kernel: kernel.7.cloned.1.call-start
scs
__scs_entry_jumppad:
0x0: {  	(pc) =	sbr.rel $0x88, $3  }
0x1: {  	(tag) =	ssettag $0x0;
	lr =	simm.s32 $0x1  }
0x2: {  	[smem:$0x3F8A] =	sst lr;
	_ =	strace $0xD0000000  }
0x3: {  	_ = 	snop  }
0x4: {  	_ = 	snop  }
0x5: {  	_ = 	snop  }
0x6: {  	_ = 	snop  }
0x7: {  	_ = 	snop  }
__scs_overlays_trampoline_lowered:
0x8: {  	[smem:$0x3F99] =	sst s0  }
0x9: {  	[smem:$0x3F9A] =	sst s1  }
0xa: {  	[smem:$0x3F9B] =	sst s2  }
0xb: {  	[smem:$0x3F9C] =	sst s3  }
0xc: {  	[smem:$0x3F9D] =	sst s4  }
0xd: {  	[smem:$0x3F9E] =	sst s5  }
0xe: {  	[smem:$0x3F9F] =	sst s6  }
0xf: {  	[smem:$0x3FA0] =	sst s7  }
0x10: {  	[smem:$0x3FA1] =	sst s8  }
0x11: {  	[smem:$0x3FA2] =	sst s9;
	s0 =	simm.s32 @!p0 $0x0  }
0x12: {  	s1 =	sld [smem:$0x3F88];
	s0 =	simm.s32 @p0 $0x1  }
0x13: {  	[smem:$0x3FA3] =	sst s0;
	s0 =	simm.s32 @!p1 $0x0  }
0x14: {  	s2 =	sld [smem:$0x3F87];
	s0 =	simm.s32 @p1 $0x1  }
0x15: {  	[smem:$0x3FA4] =	sst s0;
	s0 =	simm.s32 @!p2 $0x0  }
0x16: {  	s3 =	sld [smem:$0x3FDB];
	s0 =	simm.s32 @p2 $0x1  }
0x17: {  	s4 =	simm.s32 $0x1BF5;
	[smem:$0x3FA6] =	sst s0  }
0x18: {  	s0 =	sld [smem:$0x3F89];
	_ =	swait.ge [sflag:s4], $0x0  }
0x19: {  	s7 =	sld [smem:$0x3F8A]  }
0x1a: {  	s8 =	sadd.s32 $0xFFFFE003, lr  }
0x1b: {  	s9 =	sadd.s32 $0xFFFFFEF7, lr;
	s5 =	simm.s32 $0xFFFFFFFF;
	p2 =	slt.u32 s8, $0xFFFFF086  }
0x1c: {  	p1 =	slt.u32 s9, $0xF7A;
	s5 =	simm.s32 @!p2 $0x0  }
0x1d: {  	s5 =	simm.s32 @p1 $0x1;
	p0 =	seq.s32 s7, s2  }
0x1e: {  	s7 =	smul.u32 @!p0 $0xF7A, s2;
	p2 =	seq.s32 @!p0 s5, $0x0  }
0x1f: {  	s9 =	smul.u32 $0xF7A, s1;
	s8 =	simm.s32 @!p0 $0x1BF5;
	p2 =	por !p2, p0  }
0x20: {  	[sflag:s8] =	ssyncset.s32 @!p0 $0xFFFFF086;
	s6 =	sadd.s32 @!p0 s3, s7;
	s7 =	simm.s32 @!p0 $0x108  }
0x21: {  	s3 =	sadd.s32 s3, s9;
	s6 =	sadd.s32 @!p0 $0x88, s6;
	s7 =	simm.s32 @p2 $0x1082  }
0x22: {  	[simem:s7], [sflag:s8] =	dma.local @!p0 [hbm:s6], $0xF7A  }
0x23: {  	s9 =	sor.u32 $0xD0000000, s2;
	s6 =	simm.s32 $0x108;
	_ =	swait.ge @!p0 [sflag:s8], $0x0  }
0x24: {  	s3 =	sadd.s32 $0x88, s3;
	s6 =	simm.s32 @!p1 $0x1082;
	[sflag:s4] =	ssyncset.s32 $0xFFFFF086  }
0x25: {  	[simem:s6], [sflag:s4] =	dma.local [hbm:s3], $0xF7A  }
0x26: {  	[smem:$0x3F8A] =	sst s1;
	(tag) =	ssettag s2;
	_ =	strace s9  }
0x27: {  	s1 =	sld [smem:$0x3F9A]  }
0x28: {  	s2 =	sld [smem:$0x3F9B]  }
0x29: {  	s4 =	sld [smem:$0x3F9D]  }
0x2a: {  	p0 =	seq.s32 s5, $0x0;
	s5 =	sld [smem:$0x3F9E]  }
0x2b: {  	s6 =	sld [smem:$0x3F9F]  }
0x2c: {  	s7 =	sld [smem:$0x3FA0]  }
0x2d: {  	s3 =	simm.s32 $0x108;
	s8 =	sld [smem:$0x3FA1]  }
0x2e: {  	s3 =	simm.s32 @!p0 $0x1082;
	s9 =	sld [smem:$0x3FA2]  }
0x2f: {  	lr =	sadd.s32 s0, s3;
	s0 =	sld [smem:$0x3F99]  }
0x30: {  	s3 =	sld [smem:$0x3F9C]  }
0x31: {  	[smem:$0x3FA5] =	sst s10  }
0x32: {  	s10 =	sld [smem:$0x3FA3];
	_ =	sdelay $0x3  }
0x33: {  	p0 =	seq.s32 s10, $0x1;
	s10 =	sld [smem:$0x3FA5];
	_ =	sdelay $0x3  }
0x34: {  	[smem:$0x3FA5] =	sst s10  }
0x35: {  	s10 =	sld [smem:$0x3FA4];
	_ =	sdelay $0x3  }
0x36: {  	p1 =	seq.s32 s10, $0x1;
	s10 =	sld [smem:$0x3FA5];
	_ =	sdelay $0x3  }
0x37: {  	[smem:$0x3FA5] =	sst s10  }
0x38: {  	s10 =	sld [smem:$0x3FA6]  }
0x39: {  	_ = 	snop;
	(pc) =	sbr.ind lr, $3  }
0x3a: {  	_ = 	snop  }
0x3b: {  	_ = 	snop  }
0x3c: {  	p2 =	seq.s32 s10, $0x1;
	s10 =	sld [smem:$0x3FA5]  }
0x3d: {  	_ =	shalt  }
0x3e: {  	_ =	shalt  }
0x3f: {  	_ =	shalt  }
0x40: {  	_ =	shalt  }
0x41: {  	_ =	shalt  }
0x42: {  	_ =	shalt  }
0x43: {  	_ =	shalt  }
0x44: {  	_ =	shalt  }
0x45: {  	_ =	shalt  }
0x46: {  	_ =	shalt  }
0x47: {  	_ =	shalt  }
0x48: {  	_ =	shalt  }
0x49: {  	_ =	shalt  }
0x4a: {  	_ =	shalt  }
0x4b: {  	_ =	shalt  }
0x4c: {  	_ =	shalt  }
0x4d: {  	_ =	shalt  }
0x4e: {  	_ =	shalt  }
0x4f: {  	_ =	shalt  }
0x50: {  	_ =	shalt  }
0x51: {  	_ =	shalt  }
0x52: {  	_ =	shalt  }
0x53: {  	_ =	shalt  }
0x54: {  	_ =	shalt  }
0x55: {  	_ =	shalt  }
0x56: {  	_ =	shalt  }
0x57: {  	_ =	shalt  }
0x58: {  	_ =	shalt  }
0x59: {  	_ =	shalt  }
0x5a: {  	_ =	shalt  }
0x5b: {  	_ =	shalt  }
0x5c: {  	_ =	shalt  }
0x5d: {  	_ =	shalt  }
0x5e: {  	_ =	shalt  }
0x5f: {  	_ =	shalt  }
0x60: {  	_ =	shalt  }
0x61: {  	_ =	shalt  }
0x62: {  	_ =	shalt  }
0x63: {  	_ =	shalt  }
0x64: {  	_ =	shalt  }
0x65: {  	_ =	shalt  }
0x66: {  	_ =	shalt  }
0x67: {  	_ =	shalt  }
0x68: {  	_ =	shalt  }
0x69: {  	_ =	shalt  }
0x6a: {  	_ =	shalt  }
0x6b: {  	_ =	shalt  }
0x6c: {  	_ =	shalt  }
0x6d: {  	_ =	shalt  }
0x6e: {  	_ =	shalt  }
0x6f: {  	_ =	shalt  }
0x70: {  	_ =	shalt  }
0x71: {  	_ =	shalt  }
0x72: {  	_ =	shalt  }
0x73: {  	_ =	shalt  }
0x74: {  	_ =	shalt  }
0x75: {  	_ =	shalt  }
0x76: {  	_ =	shalt  }
0x77: {  	_ =	shalt  }
0x78: {  	_ =	shalt  }
0x79: {  	_ =	shalt  }
0x7a: {  	_ =	shalt  }
0x7b: {  	_ =	shalt  }
0x7c: {  	_ =	shalt  }
0x7d: {  	_ =	shalt  }
0x7e: {  	_ =	shalt  }
0x7f: {  	_ =	shalt  }
0x80: {  	_ =	shalt  }
0x81: {  	_ =	shalt  }
0x82: {  	_ =	shalt  }
0x83: {  	_ =	shalt  }
0x84: {  	_ =	shalt  }
0x85: {  	_ =	shalt  }
0x86: {  	_ =	shalt  }
0x87: {  	_ =	shalt  }
.Lfunc_end0:
.L_simem_size_0:
called_computation_lowered:
.L_overlay_start_0:
0x88: {  	s2 =	sld [smem:$0x3FD9]  }
0x89: {  	s3 =	sld [smem:$0x3FFE];
	_ =	sdelay $0x1  }
0x8a: {  	s1 =	srdreg.scid  }
0x8b: {  	s0 =	sand.u32 $0x1, s1  }
0x8c: {  	s17 =	sshll.u32 s0, $0xA;
	s2 =	sadd.s32 s3, s2  }
0x8d: {  	s2 =	sadd.s32 s2, s17  }
0x8e: {  	[smem:$0x3FB1] =	sst s2  }
0x8f: {  	_ = 	snop  }
0x90: {  	s2 =	sld [smem:$0x3FC6]  }
0x91: {  	s18 =	sld [smem:$0x3FC5];
	(tm) =	ssettm $0x1  }
0x92: {  	s4 =	sld [smem:$0x3FFB];
	_ =	sdelay $0x3  }
0x93: {  	_ =	strace s4  }
0x94: {  	s4 =	sld [smem:$0x3FFC];
	_ =	sdelay $0x3  }
0x95: {  	_ =	strace s4  }
0x96: {  	s4 =	sld [smem:$0x3FFD];
	_ =	sdelay $0x3  }
0x97: {  	_ =	strace s4  }
0x98: {  	_ =	strace $0x8FFFFFFF  }
0x99: {  	s19 =	sld [smem:$0x3FDB];
	_ =	sdelay $0x1  }
0x9a: {  	s5 =	simm.s32 $_scs_section_size  }
0x9b: {  	s6 =	simm.s32 $_size__tile_overlayer_lowered;
	s7 =	simm.s32 $_tile_overlayer_lowered  }
0x9c: {  	s22 =	simm.s32 $0x1BFF;
	s21 =	sshll.u32 s7, $0x1;
	s4 =	sadd.s32 s5, s19  }
0x9d: {  	s8 =	simm.s32 $0x0;
	s20 =	sshll.u32 s6, $0x1;
	s6 =	sadd.s32 s21, s4  }
0x9e: {  	[timem:s8], [sflag:s22] =	dma.local [hbm:s6], s20  }
0x9f: {  	_ =	swait.ge [sflag:s22], s20  }
0xa0: {  	s5 =	ssub.s32 $0x0, s20;
	[sflag:s22] =	ssyncset.done $0x0  }
0xa1: {  	[sflag:s22] =	ssyncadd.s32 s5;
	_ =	sdelay $0x1  }
0xa2: {  	s23 =	simm.s32 $0x1B8B  }
0xa3: {  	_ =	swait.ge [sflag:s23], $0x1  }
0xa4: {  	[sflag:s23] =	ssyncset.done $0x0  }
0xa5: {  	s25 =	simm.s32 $0x1B8E;
	s24 =	sld [smem:$0x3FFE];
	[sflag:s23] =	ssyncadd.s32 $0xFFFFFFFF  }
0xa6: {  	s26 =	simm.s32 $execute0_lowered;
	[smem:$0x3FD2] =	sst s25  }
0xa7: {  	s6 =	sshll.u32 s26, $0x1;
	_ =	strace $0x80000046;
	[dreg:$0x1] =	wrdreg $0xFFFFFFFF  }
0xa8: {  	s28 =	simm.s32 $_size_execute0_lowered;
	s4 =	sadd.s32 s4, s6;
	[dreg:$0x0] =	wrdreg $0x0  }
0xa9: {  	s6 =	sshll.u32 s28, $0x1;
	[dreg:$0x2] =	wrdreg s4  }
0xaa: {  	[dreg:$0x3] =	wrdreg s6  }
0xab: {  	[dreg:$0x4] =	wrdreg $0xC0  }
0xac: {  	_ =	task [dreg:s8], $0x5FFFF  }
0xad: {  	[dreg:$0x1] =	wrdreg $0xFFFFFFFF  }
0xae: {  	[dreg:$0x0] =	wrdreg $0x60  }
0xaf: {  	[dreg:$0x2] =	wrdreg s24  }
0xb0: {  	[dreg:$0x3] =	wrdreg s2  }
0xb1: {  	[dreg:$0x4] =	wrdreg s18  }
0xb2: {  	[dreg:$0x5] =	wrdreg $0x9  }
0xb3: {  	_ =	task.clear_ibuf [dreg:s8], $0x6FFFF;
	_ =	strace $0x90000046  }
0xb4: {  	s29 =	simm.s32 $0x9;
	_ =	strace $0x80000048  }
0xb5: {  	_ =	swait.ge [sflag:s29], $0x1  }
0xb6: {  	[sflag:s29] =	ssyncadd.s32 $0xFFFFFFFF  }
0xb7: {  	_ =	strace $0x90000048  }
0xb8: {  	_ =	sfence  }
0xb9: {  	s30 =	sld [smem:$0x0];
	_ =	sdelay $0x2  }
0xba: {  	s31 =	sshll.u32 s1, $0xD;
	s1 =	sshrl.u32 s1, $0x2  }
0xbb: {  	s3 =	sand.u32 $0x4000, s31;
	s1 =	sadd.s32 s1, s30  }
0xbc: {  	s0 =	sor.u32 s3, s0;
	s1 =	sshll.u32 s1, $0x11  }
0xbd: {  	s0 =	sor.u32 s1, s0  }
0xbe: {  	s0 =	sadd.s32 $0x8F2B, s0  }
0xbf: {  	[sflag:s0] =	ssyncadd.remote.s32 $0x1  }
0xc0: {  	_ =	sfence.sel $0xFFFF  }
0xc1: {  	[dreg:$0x0] =	wrdreg $0xFFFFFFFF;
	(pc) =	sbr.abs _section_cstart, $3  }
0xc2: {  	[dreg:$0x1] =	wrdreg $0xFFFFFFFF  }
0xc3: {  	_ =	task.clear_ibuf [dreg:s8], $0x2FFFF;
	_ =	strace $0x9FFFFFFF  }
0xc4: {  	(tm) =	ssettm $0x7FFFFFFF  }
0xc5: {  	_ =	shalt  }
tec
execute0_lowered:
.L_overlay_start_1:
0x0: {  	(tag) =	ssettag $0x1  }
0x1: {  	s0 =	rddreg [dreg:$0x0]  }
0x2: {  	s1 =	rddreg [dreg:$0x1]  }
0x3: {  	s8 =	rddreg [dreg:$0x2]  }
0x4: {  	s3 =	srdreg.scid;
	s4 =	stileid.u32;
	s2 =	simm.s32 $0x0  }
0x5: {  	s11 =	simm.s32 $0x7;
	s12 =	simm.s32 $0x2710;
	s13 =	simm.s32 $0x50  }
0x6: {  	s14 =	simm.s32 $0x4E20;
	s15 =	simm.s32 $0x9E20;
	s16 =	simm.s32 $0x7620  }
0x7: {  	s17 =	simm.s32 $0xC620;
	s18 =	simm.s32 $0x1;
	s19 =	simm.s32 $0x3  }
0x8: {  	s20 =	simm.s32 $0xEE20;
	s21 =	simm.s32 $0x2;
	s22 =	simm.s32 $0x4  }
0x9: {  	s23 =	simm.s32 $0x11620;
	s5 =	sand.u32 $0x1, s3;
	s29 =	sshll.u32 s4, $0x1  }
0xa: {  	s24 =	simm.s32 $0x5;
	s25 =	simm.s32 $0x6;
	s6 =	sor.u32 s5, s29  }
0xb: {  	[smem:$0x7FF] =	sst s2;
	s4 =	sadd.s32 $0x4800, s0;
	s3 =	smul.u32 $0x2710, s6  }
0xc: {  	s26 =	simm.s32 $0x0;
	_ =	strace $0x80000047;
	s9 =	smul.u32 $0x138800, s6  }
0xd: {  	s7 =	ssub.s32 $0x2, s5;
	s5 =	sadd.s32 $0x2BA00, s0;
	s6 =	sadd.s32 $0x52C00, s0  }
0xe: {  	s30 =	sshrl.u32 s7, $0x1;
	s10 =	sshrl.u32 s3, $0x3;
	s9 =	sshrl.u32 s9, $0x3  }
0xf: {  	s0 =	ssub.s32 s7, s30;
	s7 =	sadd.s32 s1, s10;
	s31 =	sadd.s32 s6, s9  }
0x10: {  	s8 =	sadd.s32 s8, s10;
	s10 =	smax.u32 s0, $0x1;
	s9 =	sadd.s32 $0x26C00, s31  }
.LBB2_1:
0x11: {  	[tilespmem:s2], [sflag:$0x7] =	stream.linear.gather [hbm4b:s7+s2], $0x2710, $0x38;
	[tilespmem:$0x13E20] =	vst v63  }
0x12: {  	_ =	swait.ge [sflag:s11], $0x2710  }
0x13: {  	[sflag:s11] =	ssyncset.done $0x0  }
0x14: {  	[sflag:s11] =	ssyncadd.s32 $0xFFFFD8F0  }
0x15: {  	[tilespmem:s12], [sflag:$0x7] =	stream.linear.gather [hbm4b:s8+s2], $0x2710, $0x38;
	[tilespmem:$0x13E20] =	vst v63  }
0x16: {  	_ =	swait.ge [sflag:s11], $0x2710  }
0x17: {  	[sflag:s11] =	ssyncset.done $0x0  }
0x18: {  	[sflag:s11] =	ssyncadd.s32 $0xFFFFD8F0  }
0x19: {  	[tilespmem:s14], [sflag:$0x1] =	stream.indirect.gather [hbm4b:s4+s13], $0x80, s2, s13, $0xb8;
	[tilespmem:$0x13E20] =	vst v63  }
0x1a: {  	s28 =	simm.s32 $0x0  }
0x1b: {  	[tilespmem:s15], [sflag:$0x3] =	stream.indirect.gather [hbm4b:s5+s13], $0x80, s12, s13, $0xb8;
	[tilespmem:$0x13E20] =	vst v63  }
.LBB2_2:
0x1c: {  	p0 =	seq.s32 s28, $0x0  }
0x1d: {  	s0 =	simm.s32 @!p0 $0x6  }
0x1e: {  	s30 =	smul.u32 $0xA0, s28;
	_ =	swait.ge @!p0 [sflag:s0], $0x2800  }
0x1f: {  	[sflag:s0] =	ssyncset.done @!p0 $0x0  }
0x20: {  	s29 =	sadd.s32 $0x50, s30;
	[sflag:s0] =	ssyncadd.s32 @!p0 $0xFFFFD800  }
0x21: {  	[tilespmem:s16], [sflag:$0x2] =	stream.indirect.gather [hbm4b:s4+s13], $0x80, s29, s13, $0xb8;
	[tilespmem:$0x13E20] =	vst v63  }
0x22: {  	s1 =	sadd.s32 $0x2760, s30  }
0x23: {  	[tilespmem:s17], [sflag:$0x4] =	stream.indirect.gather [hbm4b:s5+s13], $0x80, s1, s13, $0xb8;
	[tilespmem:$0x13E20] =	vst v63  }
0x24: {  	_ =	swait.ge [sflag:s18], $0x2800  }
0x25: {  	[sflag:s18] =	ssyncset.done $0x0  }
0x26: {  	[sflag:s18] =	ssyncadd.s32 $0xFFFFD800  }
0x27: {  	_ =	swait.ge [sflag:s19], $0x2800  }
0x28: {  	[sflag:s19] =	ssyncset.done $0x0  }
0x29: {  	s0 =	simm.s32 @!p0 $0x5;
	[sflag:s19] =	ssyncadd.s32 $0xFFFFD800  }
0x2a: {  	_ =	swait.ge @!p0 [sflag:s0], $0x2800  }
0x2b: {  	[sflag:s0] =	ssyncset.done @!p0 $0x0  }
0x2c: {  	s31 =	simm.s32 $0x0;
	[sflag:s0] =	ssyncadd.s32 @!p0 $0xFFFFD800  }
0x2d: {  	v1 =	vld [tilespmem:s31+$0x9E60]  }
0x2e: {  	v2 =	vld [tilespmem:s31+$0x4E60]  }
0x2f: {  	v4 =	vld [tilespmem:s31+$0x4E20]  }
0x30: {  	v5 =	vld [tilespmem:s31+$0x9E20]  }
0x31: {  	v6 =	vld [tilespmem:s31+$0x4E30]  }
0x32: {  	v7 =	vld [tilespmem:s31+$0x9E30]  }
0x33: {  	v0 =	vld [tilespmem:s31+$0x4E40]  }
0x34: {  	v3 =	vld [tilespmem:s31+$0x9E40];
	v2 =	vsub.f32 v1, v2  }
0x35: {  	v1 =	vld [tilespmem:s31+$0x4E50];
	v5 =	vadd.f32 v5, v4  }
0x36: {  	s0 =	simm.s32 $0x80;
	v4 =	vld [tilespmem:s31+$0x9E50];
	[tilespmem:s31+$0xEE60] =	vst v2  }
0x37: {  	s1 =	simm.s32 $0x400;
	v2 =	vld [tilespmem:s0+$0x9E60];
	[tilespmem:s31+$0xEE20] =	vst v5;
	v5 =	vadd.f32 v7, v6  }
.LBB2_3:
0x38: {  	p0 =	sne.s32 s1, $0x9E00;
	v6 =	vld [tilespmem:s0+$0x4E60]  }
0x39: {  	v7 =	vld [tilespmem:s0+$0x4E20];
	[tilespmem:s31+$0xEE30] =	vst v5;
	v0 =	vadd.f32 v3, v0  }
0x3a: {  	v5 =	vld [tilespmem:s0+$0x9E20]  }
0x3b: {  	v8 =	vld [tilespmem:s0+$0x4E30];
	[tilespmem:s31+$0xEE40] =	vst v0;
	v1 =	vadd.f32 v4, v1  }
0x3c: {  	v9 =	vld [tilespmem:s0+$0x9E30]  }
.Ltmp0:
0x3d: {  	v0 =	vld [tilespmem:s0+$0x4E40];
	v2 =	vsub.f32 v2, v6;
	[tilespmem:s31+$0xEE50] =	vst v1;
	s31 =	smov.u32 s0;
	(pc) =	sbr.rel @p0 .LBB2_3-.Ltmp0, $4  }
0x3e: {  	v3 =	vld [tilespmem:s31+$0x9E40]  }
0x3f: {  	v5 =	vadd.f32 v5, v7;
	v1 =	vld [tilespmem:s31+$0x4E50];
	[tilespmem:s31+$0xEE60] =	vst v2  }
0x40: {  	s0 =	sshra.s32 s1, $0x2;
	v4 =	vld [tilespmem:s31+$0x9E50]  }
0x41: {  	s1 =	sadd.s32 $0x200, s1;
	v2 =	vld [tilespmem:s0+$0x9E60];
	[tilespmem:s31+$0xEE20] =	vst v5;
	v5 =	vadd.f32 v9, v8  }
0x42: {  	v6 =	vld [tilespmem:s0+$0x4E60]  }
0x43: {  	v7 =	vld [tilespmem:s0+$0x4E20];
	[tilespmem:s31+$0xEE30] =	vst v5;
	v0 =	vadd.f32 v3, v0  }
0x44: {  	v3 =	vld [tilespmem:s0+$0x9E20]  }
0x45: {  	v5 =	vld [tilespmem:s0+$0x4E30];
	[tilespmem:s31+$0xEE40] =	vst v0;
	v0 =	vadd.f32 v4, v1  }
0x46: {  	v1 =	vld [tilespmem:s0+$0x9E30]  }
0x47: {  	v4 =	vld [tilespmem:s0+$0x4E40];
	[tilespmem:s31+$0xEE50] =	vst v0  }
0x48: {  	v0 =	vsub.f32 v2, v6;
	v2 =	vld [tilespmem:s0+$0x9E40]  }
0x49: {  	v6 =	vld [tilespmem:s0+$0x4E50]  }
0x4a: {  	[tilespmem:s0+$0xEE60] =	vst v0;
	v0 =	vld [tilespmem:s0+$0x9E50];
	_ =	sdelay $0x1  }
0x4b: {  	v3 =	vadd.f32 v3, v7  }
0x4c: {  	v1 =	vadd.f32 v1, v5  }
0x4d: {  	[tilespmem:s0+$0xEE20] =	vst v3;
	v2 =	vadd.f32 v2, v4  }
0x4e: {  	s1 =	sadd.s32 s3, s30;
	[tilespmem:s0+$0xEE30] =	vst v1;
	v0 =	vadd.f32 v0, v6  }
0x4f: {  	s1 =	sshll.u32 s1, $0x4;
	[tilespmem:s0+$0xEE40] =	vst v2  }
0x50: {  	[tilespmem:s0+$0xEE50] =	vst v0;
	s0 =	sadd.s32 s6, s1;
	s1 =	simm.s32 $0x0  }
0x51: {  	[hbm4b:s0+s1] =	stream.linear.scatter [tilespmem:s20], [sflag:$0x5], $0x2800, $0x38;
	[tilespmem:$0x13E20] =	vst v63  }
0x52: {  	s1 =	sadd.s32 $0xA0, s30  }
0x53: {  	[tilespmem:s14], [sflag:$0x1] =	stream.indirect.gather [hbm4b:s4+s13], $0x80, s1, s13, $0xb8;
	[tilespmem:$0x13E20] =	vst v63  }
0x54: {  	s1 =	sadd.s32 $0x27B0, s30  }
0x55: {  	[tilespmem:s15], [sflag:$0x3] =	stream.indirect.gather [hbm4b:s5+s13], $0x80, s1, s13, $0xb8;
	[tilespmem:$0x13E20] =	vst v63  }
0x56: {  	_ =	swait.ge [sflag:s21], $0x2800  }
0x57: {  	[sflag:s21] =	ssyncset.done $0x0  }
0x58: {  	[sflag:s21] =	ssyncadd.s32 $0xFFFFD800  }
0x59: {  	_ =	swait.ge [sflag:s22], $0x2800  }
0x5a: {  	[sflag:s22] =	ssyncset.done $0x0  }
0x5b: {  	s30 =	simm.s32 $0x0;
	[sflag:s22] =	ssyncadd.s32 $0xFFFFD800  }
0x5c: {  	v1 =	vld [tilespmem:s30+$0xC660]  }
0x5d: {  	v2 =	vld [tilespmem:s30+$0x7660]  }
0x5e: {  	v4 =	vld [tilespmem:s30+$0x7620]  }
0x5f: {  	v5 =	vld [tilespmem:s30+$0xC620]  }
0x60: {  	v6 =	vld [tilespmem:s30+$0x7630]  }
0x61: {  	v7 =	vld [tilespmem:s30+$0xC630]  }
0x62: {  	v0 =	vld [tilespmem:s30+$0x7640]  }
0x63: {  	v3 =	vld [tilespmem:s30+$0xC640];
	v2 =	vsub.f32 v1, v2  }
0x64: {  	v1 =	vld [tilespmem:s30+$0x7650];
	v5 =	vadd.f32 v5, v4  }
0x65: {  	s31 =	simm.s32 $0x80;
	v4 =	vld [tilespmem:s30+$0xC650];
	[tilespmem:s30+$0x11660] =	vst v2  }
0x66: {  	s0 =	simm.s32 $0x400;
	v2 =	vld [tilespmem:s31+$0xC660];
	[tilespmem:s30+$0x11620] =	vst v5;
	v5 =	vadd.f32 v7, v6  }
.LBB2_5:
0x67: {  	p0 =	sne.s32 s0, $0x9E00;
	v6 =	vld [tilespmem:s31+$0x7660]  }
0x68: {  	v7 =	vld [tilespmem:s31+$0x7620];
	[tilespmem:s30+$0x11630] =	vst v5;
	v0 =	vadd.f32 v3, v0  }
0x69: {  	v5 =	vld [tilespmem:s31+$0xC620]  }
0x6a: {  	v8 =	vld [tilespmem:s31+$0x7630];
	[tilespmem:s30+$0x11640] =	vst v0;
	v1 =	vadd.f32 v4, v1  }
0x6b: {  	v9 =	vld [tilespmem:s31+$0xC630]  }
.Ltmp1:
0x6c: {  	v0 =	vld [tilespmem:s31+$0x7640];
	v2 =	vsub.f32 v2, v6;
	[tilespmem:s30+$0x11650] =	vst v1;
	s30 =	smov.u32 s31;
	(pc) =	sbr.rel @p0 .LBB2_5-.Ltmp1, $4  }
0x6d: {  	v3 =	vld [tilespmem:s30+$0xC640]  }
0x6e: {  	v5 =	vadd.f32 v5, v7;
	v1 =	vld [tilespmem:s30+$0x7650];
	[tilespmem:s30+$0x11660] =	vst v2  }
0x6f: {  	s31 =	sshra.s32 s0, $0x2;
	v4 =	vld [tilespmem:s30+$0xC650]  }
0x70: {  	s0 =	sadd.s32 $0x200, s0;
	v2 =	vld [tilespmem:s31+$0xC660];
	[tilespmem:s30+$0x11620] =	vst v5;
	v5 =	vadd.f32 v9, v8  }
0x71: {  	v6 =	vld [tilespmem:s31+$0x7660]  }
0x72: {  	v7 =	vld [tilespmem:s31+$0x7620];
	[tilespmem:s30+$0x11630] =	vst v5;
	v0 =	vadd.f32 v3, v0  }
0x73: {  	v56 =	vld [tilespmem:s31+$0xC620]  }
0x74: {  	v5 =	vld [tilespmem:s31+$0x7630];
	[tilespmem:s30+$0x11640] =	vst v0;
	v57 =	vadd.f32 v4, v1  }
0x75: {  	v58 =	vld [tilespmem:s31+$0xC630]  }
0x76: {  	v59 =	vld [tilespmem:s31+$0x7640];
	[tilespmem:s30+$0x11650] =	vst v57  }
0x77: {  	v61 =	vld [tilespmem:s31+$0xC640]  }
0x78: {  	v62 =	vld [tilespmem:s31+$0x7650]  }
0x79: {  	v63 =	vld [tilespmem:s31+$0xC650]  }
0x7a: {  	v60 =	vsub.f32 v2, v6  }
0x7b: {  	s28 =	sadd.s32 $0x1, s28;
	v3 =	vadd.f32 v56, v7  }
0x7c: {  	p0 =	sne.s32 s28, $0x3E;
	[tilespmem:s31+$0x11660] =	vst v60;
	v1 =	vadd.f32 v58, v5  }
.Ltmp2:
0x7d: {  	s0 =	sadd.s32 s3, s29;
	[tilespmem:s31+$0x11620] =	vst v3;
	v2 =	vadd.f32 v61, v59;
	(pc) =	sbr.rel @p0 .LBB2_2-.Ltmp2, $4  }
0x7e: {  	s0 =	sshll.u32 s0, $0x4;
	[tilespmem:s31+$0x11630] =	vst v1;
	v0 =	vadd.f32 v63, v62  }
0x7f: {  	s0 =	sand.u32 $0x1FFFFF00, s0;
	[tilespmem:s31+$0x11640] =	vst v2  }
0x80: {  	s0 =	sadd.s32 s6, s0;
	[tilespmem:s31+$0x11650] =	vst v0  }
0x81: {  	[hbm4b:s0+s2] =	stream.linear.scatter [tilespmem:s23], [sflag:$0x6], $0x2800, $0x38;
	[tilespmem:$0x13E20] =	vst v63  }
0x82: {  	_ =	swait.ge [sflag:s18], $0x2800  }
0x83: {  	[sflag:s18] =	ssyncset.done $0x0  }
0x84: {  	[sflag:s18] =	ssyncadd.s32 $0xFFFFD800  }
0x85: {  	_ =	swait.ge [sflag:s19], $0x2800  }
0x86: {  	[sflag:s19] =	ssyncset.done $0x0  }
0x87: {  	[sflag:s19] =	ssyncadd.s32 $0xFFFFD800  }
0x88: {  	_ =	swait.ge [sflag:s24], $0x2800  }
0x89: {  	[sflag:s24] =	ssyncset.done $0x0  }
0x8a: {  	s28 =	simm.s32 $0x0;
	[sflag:s24] =	ssyncadd.s32 $0xFFFFD800  }
0x8b: {  	v1 =	vld [tilespmem:s28+$0x9E60]  }
0x8c: {  	v2 =	vld [tilespmem:s28+$0x4E60]  }
0x8d: {  	v4 =	vld [tilespmem:s28+$0x4E20]  }
0x8e: {  	v5 =	vld [tilespmem:s28+$0x9E20]  }
0x8f: {  	v6 =	vld [tilespmem:s28+$0x4E30]  }
0x90: {  	v7 =	vld [tilespmem:s28+$0x9E30]  }
0x91: {  	v0 =	vld [tilespmem:s28+$0x4E40]  }
0x92: {  	v3 =	vld [tilespmem:s28+$0x9E40];
	v2 =	vsub.f32 v1, v2  }
0x93: {  	v1 =	vld [tilespmem:s28+$0x4E50];
	v5 =	vadd.f32 v5, v4  }
0x94: {  	s0 =	simm.s32 $0x80;
	v4 =	vld [tilespmem:s28+$0x9E50];
	[tilespmem:s28+$0xEE60] =	vst v2  }
0x95: {  	s1 =	simm.s32 $0x400;
	v2 =	vld [tilespmem:s0+$0x9E60];
	[tilespmem:s28+$0xEE20] =	vst v5;
	v5 =	vadd.f32 v7, v6  }
.LBB2_8:
0x96: {  	p0 =	sne.s32 s1, $0x9E00;
	v6 =	vld [tilespmem:s0+$0x4E60]  }
0x97: {  	v7 =	vld [tilespmem:s0+$0x4E20];
	[tilespmem:s28+$0xEE30] =	vst v5;
	v0 =	vadd.f32 v3, v0  }
0x98: {  	v5 =	vld [tilespmem:s0+$0x9E20]  }
0x99: {  	v8 =	vld [tilespmem:s0+$0x4E30];
	[tilespmem:s28+$0xEE40] =	vst v0;
	v1 =	vadd.f32 v4, v1  }
0x9a: {  	v9 =	vld [tilespmem:s0+$0x9E30]  }
.Ltmp3:
0x9b: {  	v0 =	vld [tilespmem:s0+$0x4E40];
	v2 =	vsub.f32 v2, v6;
	[tilespmem:s28+$0xEE50] =	vst v1;
	s28 =	smov.u32 s0;
	(pc) =	sbr.rel @p0 .LBB2_8-.Ltmp3, $4  }
0x9c: {  	v3 =	vld [tilespmem:s28+$0x9E40]  }
0x9d: {  	v5 =	vadd.f32 v5, v7;
	v1 =	vld [tilespmem:s28+$0x4E50];
	[tilespmem:s28+$0xEE60] =	vst v2  }
0x9e: {  	s0 =	sshra.s32 s1, $0x2;
	v4 =	vld [tilespmem:s28+$0x9E50]  }
0x9f: {  	s1 =	sadd.s32 $0x200, s1;
	v2 =	vld [tilespmem:s0+$0x9E60];
	[tilespmem:s28+$0xEE20] =	vst v5;
	v5 =	vadd.f32 v9, v8  }
0xa0: {  	v6 =	vld [tilespmem:s0+$0x4E60]  }
0xa1: {  	v7 =	vld [tilespmem:s0+$0x4E20];
	[tilespmem:s28+$0xEE30] =	vst v5;
	v0 =	vadd.f32 v3, v0  }
0xa2: {  	v56 =	vld [tilespmem:s0+$0x9E20]  }
0xa3: {  	v5 =	vld [tilespmem:s0+$0x4E30];
	[tilespmem:s28+$0xEE40] =	vst v0;
	v57 =	vadd.f32 v4, v1  }
0xa4: {  	v58 =	vld [tilespmem:s0+$0x9E30]  }
0xa5: {  	v59 =	vld [tilespmem:s0+$0x4E40];
	[tilespmem:s28+$0xEE50] =	vst v57  }
0xa6: {  	v61 =	vld [tilespmem:s0+$0x9E40]  }
0xa7: {  	v62 =	vld [tilespmem:s0+$0x4E50]  }
0xa8: {  	v63 =	vld [tilespmem:s0+$0x9E50]  }
0xa9: {  	v60 =	vsub.f32 v2, v6  }
0xaa: {  	v3 =	vadd.f32 v56, v7  }
0xab: {  	[tilespmem:s0+$0xEE60] =	vst v60;
	v1 =	vadd.f32 v58, v5  }
0xac: {  	[tilespmem:s0+$0xEE20] =	vst v3;
	v2 =	vadd.f32 v61, v59  }
0xad: {  	[tilespmem:s0+$0xEE30] =	vst v1;
	v0 =	vadd.f32 v63, v62  }
0xae: {  	[tilespmem:s0+$0xEE40] =	vst v2  }
0xaf: {  	s26 =	sadd.s32 $0x1, s26;
	[tilespmem:s0+$0xEE50] =	vst v0  }
0xb0: {  	[hbm4b:s9+s2] =	stream.linear.scatter [tilespmem:s20], [sflag:$0x5], $0x2800, $0x38;
	[tilespmem:$0x13E20] =	vst v63  }
0xb1: {  	p0 =	sne.s32 s26, s10;
	_ =	swait.ge [sflag:s25], $0x2800  }
.Ltmp4:
0xb2: {  	[sflag:s25] =	ssyncset.done $0x0;
	(pc) =	sbr.rel @p0 .LBB2_1-.Ltmp4, $4  }
0xb3: {  	[sflag:s25] =	ssyncadd.s32 $0xFFFFD800  }
0xb4: {  	_ =	swait.ge [sflag:s24], $0x2800  }
0xb5: {  	[sflag:s24] =	ssyncset.done $0x0  }
0xb6: {  	[sflag:s24] =	ssyncadd.s32 $0xFFFFD800  }
0xb7: {  	_ =	sfence.sel $0x180000  }
0xb8: {  	[bflag:$0x0] =	sbarrier.arrive $0xFFFF  }
0xb9: {  	_ =	strace $0x90000047  }
0xba: {  	s0 =	stileid.u32;
	[bflag:$0x2] =	sbarrier.arrive $0xFFFF  }
0xbb: {  	p0 =	sne.s32 s0, $0x0;
	s0 =	rddreg [dreg:$0x3]  }
0xbc: {  	s0 =	sadd.s32 @!p0 $0x100000, s0  }
0xbd: {  	[sflag:s0] =	ssyncadd.tile.s32 @!p0 $0x1;
	_ =	shalt  }
.Lfunc_end2:
_tile_overlayer_lowered:
.L_overlay_start_2:
0xbe: {  	(tag) =	ssettag $0x2  }
0xbf: {  	s0 =	rddreg [dreg:$0x0];
	s2 =	stileid.u32  }
0xc0: {  	s1 =	rddreg [dreg:$0x1];
	p0 =	sne.s32 s2, $0x0  }
0xc1: {  	s3 =	rddreg [dreg:$0x2];
	[bflag:$0x3] =	sbarrier.arrive $0xFFFF;
	s2 =	simm.s32 @!p0 $0x1C07  }
0xc2: {  	[timem:s3], [sflag:s2] =	dma.local @!p0 [hbm:s0], s1  }
0xc3: {  	s0 =	simm.s32 @!p0 $0x7  }
0xc4: {  	_ =	swait.ge @!p0 [sflag:s0], s1  }
0xc5: {  	s1 =	ssub.s32 @!p0 $0x0, s1;
	[sflag:s0] =	ssyncset.done @!p0 $0x0  }
0xc6: {  	[sflag:s0] =	ssyncadd.s32 @!p0 s1  }
0xc7: {  	[bflag:$0x3] =	sbarrier.arrive $0xFFFF  }
0xc8: {  	_ =	shalt  }

</sc_bundles>
